<compile_context>
chip_gen: v7x
topology: tpu7x:2x2x1
jax: 0.10.2.dev20260603
libtpu: 0.0.44.dev20260713+nightly
codegen_flags: <defaults>
</compile_context>

<pallas_src>
import functools

import jax
import jax.numpy as jnp
from jax import lax
from jax.experimental import pallas as pl
from jax.experimental.pallas import tpu as pltpu
from jax.experimental.pallas import tpu_sc as plsc

NUM_FEATURES = 4
PER_DIM = 32
PACK = 128 // PER_DIM
NC = 2
NS = 16
NW = NC * NS
L = 16
NBUF = 8
BIG_VOCAB = 200000


@functools.cache
def _make_block_gather(batch: int, vocab: int) -> object:
    bpw = batch // NW
    vtail = (vocab // 128) * 128
    ntail = vocab - vtail
    qmax = vocab // 128 - 1
    mesh = plsc.VectorSubcoreMesh(core_axis_name="c", subcore_axis_name="s")
    out_type = jax.ShapeDtypeStruct((PER_DIM, batch), jnp.float32)
    scratch = (
        [pltpu.VMEM((bpw + L,), jnp.int32)]
        + [pltpu.VMEM((PER_DIM, 128), jnp.float32) for _ in range(NBUF)]
        + [pltpu.VMEM((ntail * PER_DIM,), jnp.float32)]
        + [pltpu.VMEM((PER_DIM, bpw), jnp.float32)]
        + [pltpu.SemaphoreType.DMA for _ in range(NBUF)]
        + [pltpu.SemaphoreType.DMA]
    )

    @functools.partial(
        pl.kernel, mesh=mesh, out_type=out_type, scratch_types=scratch,
        compiler_params=pltpu.CompilerParams(
            use_tc_tiling_on_sc=True, needs_layout_passes=False),
    )
    def block_gather(idx_hbm, tt, tail_hbm, et, *scr):
        sidx = scr[0]
        rings = scr[1:1 + NBUF]
        tailb = scr[1 + NBUF]
        cols = scr[2 + NBUF]
        sems = scr[3 + NBUF:3 + 2 * NBUF]
        tsem = scr[-1]
        wid = lax.axis_index("s") * NC + lax.axis_index("c")
        base = wid * bpw
        pltpu.sync_copy(idx_hbm.at[pl.ds(base, bpw)], sidx.at[pl.ds(0, bpw)])
        pltpu.async_copy(tail_hbm, tailb, tsem).wait()

        def sload(i):
            return sidx[pl.ds(i, L)][0]

        def fire(i, slot):
            q = jnp.minimum(
                lax.shift_right_logical(sload(i), 7), jnp.int32(qmax)
            )
            off = pl.multiple_of(q * 128, 128)
            return pltpu.async_copy(
                tt.at[:, pl.ds(off, 128)], rings[slot], sems[slot]
            )

        for i in range(NBUF):
            fire(i, i)

        def body(i):
            idx = sload(i)
            l = lax.bitwise_and(idx, jnp.int32(127))
            for s in range(NBUF):
                @pl.when(jnp.int32(i % NBUF) == s)
                def _(s=s):
                    pltpu.make_async_copy(
                        tt.at[:, pl.ds(0, 128)], rings[s], sems[s]
                    ).wait()
                    blk = rings[s]
                    tidx = jnp.clip(idx - vtail, 0, ntail - 1) * PER_DIM
                    for h in range(2):
                        cvec = lax.iota(jnp.int32, L) + h * L
                        vals = plsc.load_gather(
                            blk, [cvec, jnp.zeros((L,), jnp.int32) + l]
                        )
                        tvals = plsc.load_gather(tailb, [cvec + tidx])
                        pick = jnp.where(idx >= vtail, tvals, vals)
                        plsc.store_scatter(
                            cols, [cvec, jnp.zeros((L,), jnp.int32) + i], pick
                        )
                    @pl.when(i + NBUF < bpw)
                    def _():
                        fire(i + NBUF, s)

        pl.loop(0, bpw)(body)
        pltpu.sync_copy(cols, et.at[:, pl.ds(base, bpw)])

    return block_gather


@functools.cache
def _make_packed_gather(batch: int, vrows: int) -> object:
    bpw = batch // NW
    half = bpw // 2
    mesh = plsc.VectorSubcoreMesh(core_axis_name="c", subcore_axis_name="s")
    out_type = jax.ShapeDtypeStruct((PER_DIM, batch), jnp.float32)
    scratch = (
        [pltpu.VMEM((bpw,), jnp.int32), pltpu.VMEM((bpw,), jnp.int32)]
        + [pltpu.VMEM((half, 128), jnp.float32) for _ in range(2)]
        + [pltpu.VMEM((PER_DIM, bpw), jnp.float32)]
        + [pltpu.SemaphoreType.DMA, pltpu.SemaphoreType.DMA]
    )

    @functools.partial(
        pl.kernel, mesh=mesh, out_type=out_type, scratch_types=scratch,
        compiler_params=pltpu.CompilerParams(
            use_tc_tiling_on_sc=True, needs_layout_passes=False),
    )
    def packed_gather(idx_hbm, tq, et, idx_v, idxq_v, r0, r1, cols,
                      sem0, sem1):
        wid = lax.axis_index("s") * NC + lax.axis_index("c")
        base = wid * bpw
        pltpu.sync_copy(idx_hbm.at[pl.ds(base, bpw)], idx_v)

        def qbody(g):
            idxq_v[pl.ds(g * L, L)] = lax.shift_right_logical(
                idx_v[pl.ds(g * L, L)], 2
            )

        pl.loop(0, bpw // L)(qbody)
        rows = (r0, r1)
        sems = (sem0, sem1)
        cps = [
            pltpu.async_copy(
                tq.at[idxq_v.at[pl.ds(h * half, half)]], rows[h], sems[h]
            )
            for h in range(2)
        ]
        for h in range(2):
            cps[h].wait()
            rbuf = rows[h]

            def col_body(c, *, _r=rbuf, _h=h):
                for g in range(half // L):
                    ridx = lax.iota(jnp.int32, L) + g * L
                    idv = idx_v[pl.ds(_h * half + g * L, L)]
                    cidx = lax.shift_left(
                        lax.bitwise_and(idv, jnp.int32(PACK - 1)),
                        jnp.int32(5),
                    ) + c
                    cols[c, pl.ds(_h * half + g * L, L)] = plsc.load_gather(
                        _r, [ridx, cidx]
                    )

            pl.loop(0, PER_DIM)(col_body)
        pltpu.sync_copy(cols, et.at[:, pl.ds(base, bpw)])

    return packed_gather


def _proj_body(e0, e1, e2, e3, w, b, o):
    acc = b[...]
    for f, e in enumerate((e0, e1, e2, e3)):
        acc += lax.dot_general(
            e[...], w[:, f * PER_DIM:(f + 1) * PER_DIM],
            dimension_numbers=(((0,), (1,)), ((), ())),
            preferred_element_type=jnp.float32,
        )
    o[...] = acc


def _project(ets, w, b2d):
    total_dim = w.shape[1]
    out_dim = w.shape[0]
    batch = ets[0].shape[1]
    blk = min(batch, 2048)
    grid = (batch // blk,)
    e_spec = pl.BlockSpec((PER_DIM, blk), lambda i: (0, i))
    return pl.pallas_call(
        _proj_body,
        grid=grid,
        in_specs=[e_spec, e_spec, e_spec, e_spec,
                  pl.BlockSpec((out_dim, total_dim), lambda i: (0, 0)),
                  pl.BlockSpec((1, out_dim), lambda i: (0, 0))],
        out_specs=pl.BlockSpec((blk, out_dim), lambda i: (i, 0)),
        out_shape=jax.ShapeDtypeStruct((batch, out_dim), jnp.float32),
    )(*ets, w, b2d)


def kernel(ids0, ids1, ids2, ids3, T0, T1, T2, T3, W, b):
    batch = ids0.shape[0]
    ids = (ids0, ids1, ids2, ids3)
    tabs = (T0, T1, T2, T3)
    ets = []
    for f in range(NUM_FEATURES):
        tab = tabs[f]
        vocab = tab.shape[0]
        if vocab > BIG_VOCAB:
            vtail = (vocab // 128) * 128
            gather = _make_block_gather(batch, vocab)
            ets.append(gather(ids[f], tab.T, tab[vtail:].reshape(-1)))
        else:
            tq = tab.reshape(-1, 128)
            gather = _make_packed_gather(batch, tq.shape[0])
            ets.append(gather(ids[f], tq))
    b2d = b.reshape(1, -1)
    return _project(ets, W, b2d)

# --- scband reference (transcript-rebuilt; emitter-appended) ---
"""Pipeline reference for scband-cross-feature-categorical-embedding-57140244906297 (READ-ONLY COPY).

The authoritative reference and input builder live on the scoring server;
editing this copy changes nothing except your own understanding.
"""

import jax, jax.numpy as jnp
import numpy as np

VOCABS = [1000000, 100000, 1000, 1000000]
PER_DIM = 32
OUT_DIM = 64
BATCH = 16384


def setup_inputs(seed: int = 0) -> dict:
    key = jax.random.key(seed)
    ks = jax.random.split(key, 10)
    inp = {}
    for i, v in enumerate(VOCABS):
        inp[f"ids{i}"] = jax.random.randint(ks[i], (BATCH,), 0, v, dtype=jnp.int32)
    for i, v in enumerate(VOCABS):
        inp[f"T{i}"] = jax.random.normal(ks[4 + i], (v, PER_DIM), dtype=jnp.float32) * 0.02
    total_dim = PER_DIM * len(VOCABS)
    inp["W"] = jax.random.normal(ks[8], (OUT_DIM, total_dim), dtype=jnp.float32) * (1.0 / np.sqrt(total_dim))
    inp["b"] = jnp.zeros((OUT_DIM,), dtype=jnp.float32)
    return inp


def reference(ids0, ids1, ids2, ids3, T0, T1, T2, T3, W, b):
    # per-feature embedding lookups (gather rows)
    e0 = jnp.take(T0, ids0, axis=0)
    e1 = jnp.take(T1, ids1, axis=0)
    e2 = jnp.take(T2, ids2, axis=0)
    e3 = jnp.take(T3, ids3, axis=0)
    # interaction_method == 'concat'
    combined = jnp.concatenate([e0, e1, e2, e3], axis=-1)
    # output_projection: Linear(total_dim -> embedding_dim), y = x @ W.T + b
    out = combined @ W.T + b
    return out

if __name__ == "__main__":
    import jax
    _d = setup_inputs()
    print(jax.jit(kernel)(*tuple(_d.values())))

</pallas_src>

<mosaic_0001>
#map = affine_map<(d0, d1) -> (0)>
#map1 = affine_map<(d0, d1) -> (0, 0)>
module attributes {stable_mosaic.version = 14 : i64} {
  func.func @packed_gather(%arg0: i32, %arg1: i32, %arg2: memref<16384xi32, #tpu.memory_space<hbm>>, %arg3: memref<25000x128xf32, #tpu.memory_space<hbm>>, %arg4: memref<32x16384xf32, #tpu.memory_space<hbm>>, %arg5: memref<512xi32, #tpu.memory_space<vmem>>, %arg6: memref<512xi32, #tpu.memory_space<vmem>>, %arg7: memref<256x128xf32, #tpu.memory_space<vmem>>, %arg8: memref<256x128xf32, #tpu.memory_space<vmem>>, %arg9: memref<32x512xf32, #tpu.memory_space<vmem>>, %arg10: memref<!tpu.dma_semaphore, #tpu.memory_space<semaphore_mem>>, %arg11: memref<!tpu.dma_semaphore, #tpu.memory_space<semaphore_mem>>) attributes {dimension_semantics = [#tpu.dimension_semantics<core_parallel>, #tpu.dimension_semantics<subcore_parallel>], iteration_bounds = array<i64: 2, 16>, scalar_prefetch = 0 : i64, scratch_operands = 7 : i64, tpu.core_type = #tpu.core_type<sc_vector_subcore>, window_params = [{transform_indices = #map}, {transform_indices = #map1}, {transform_indices = #map1}]} {
    %mul3A = arith.constant 2 : i32
    %mul3A_0 = arith.muli %arg1, %mul3A : i32
    %add3A = arith.addi %mul3A_0, %arg0 : i32
    %mul3A_1 = arith.constant 512 : i32
    %mul3A_2 = arith.muli %add3A, %mul3A_1 : i32
    "tpu.region"() ({
      %run_scoped3A = tpu.sem_alloc : memref<!tpu.dma_semaphore, #tpu.memory_space<semaphore_mem>>
      %dma_start3A_35 = tpu.memref_slice %arg2[%mul3A_2] : memref<16384xi32, #tpu.memory_space<hbm>> -> memref<512xi32, #tpu.memory_space<hbm>>
      %dma_start3A_36 = tpu.memref_slice %arg2[%mul3A_2] : memref<16384xi32, #tpu.memory_space<hbm>> -> memref<512xi32, #tpu.memory_space<hbm>>
      tpu.enqueue_dma source(%dma_start3A_36 : memref<512xi32, #tpu.memory_space<hbm>>) target(%arg5 : memref<512xi32, #tpu.memory_space<vmem>>) target_semaphore(%run_scoped3A : memref<!tpu.dma_semaphore, #tpu.memory_space<semaphore_mem>>)
      %dma_wait3A_37 = tpu.memref_slice %arg2[%mul3A_2] : memref<16384xi32, #tpu.memory_space<hbm>> -> memref<512xi32, #tpu.memory_space<hbm>>
      %dma_wait3A_38 = tpu.memref_slice %arg2[%mul3A_2] : memref<16384xi32, #tpu.memory_space<hbm>> -> memref<512xi32, #tpu.memory_space<hbm>>
      tpu.wait_dma2 semaphore(%run_scoped3A : memref<!tpu.dma_semaphore, #tpu.memory_space<semaphore_mem>>) src(%dma_wait3A_38 : memref<512xi32, #tpu.memory_space<hbm>>) dst(%arg5 : memref<512xi32, #tpu.memory_space<vmem>>)
      tpu.yield
    }) : () -> ()
    %scan3A = arith.constant 0 : i32
    %scan3A_3 = arith.constant 32 : i32
    %scan3A_4 = arith.addi %scan3A, %scan3A_3 : i32
    %scan3A_5 = arith.constant 1 : i32
    scf.for %scan3A_35 = %scan3A to %scan3A_4 step %scan3A_5  : i32 {
      %mul3A_36 = arith.constant 1 : i32
      %mul3A_37 = arith.muli %scan3A_35, %mul3A_36 : i32
      %add3A_38 = arith.constant 0 : i32
      %add3A_39 = arith.addi %add3A_38, %mul3A_37 : i32
      %mul3A_40 = arith.constant 16 : i32
      %mul3A_41 = arith.muli %add3A_39, %mul3A_40 : i32
      %get3A = arith.index_cast %mul3A_41 : i32 to index
      %get3A_42 = tpu.vector_load %arg5[%get3A] {strides = array<i32>} : memref<512xi32, #tpu.memory_space<vmem>>, vector<16xi32>,
      %shift_right_logical3A = arith.constant 2 : i32
      %shift_right_logical3A_43 = vector.broadcast %shift_right_logical3A : i32 to vector<16xi32>
      %shift_right_logical3A_44 = arith.shrui %get3A_42, %shift_right_logical3A_43 : vector<16xi32>
      %mul3A_45 = arith.constant 16 : i32
      %mul3A_46 = arith.muli %add3A_39, %mul3A_45 : i32
      %swap3A = arith.index_cast %mul3A_46 : i32 to index
      %swap3A_47 = tpu.vector_load %arg6[%swap3A] {strides = array<i32>} : memref<512xi32, #tpu.memory_space<vmem>>, vector<16xi32>,
      tpu.vector_store %arg6[%swap3A], %shift_right_logical3A_44 {strides = array<i32>} : memref<512xi32, #tpu.memory_space<vmem>>, vector<16xi32>,
    }
    %scan3A_6 = arith.constant 32 : i32
    %dma_start3A = arith.constant 0 : i32
    %dma_start3A_7 = tpu.memref_slice %arg6[%dma_start3A] : memref<512xi32, #tpu.memory_space<vmem>> -> memref<256xi32, #tpu.memory_space<vmem>>
    %dma_start3A_8 = arith.constant 0 : i32
    %dma_start3A_9 = arith.constant 0 : i32
    %dma_start3A_10 = tpu.memref_slice %arg3[%dma_start3A_8, %dma_start3A_9] : memref<25000x128xf32, #tpu.memory_space<hbm>> -> memref<25000x128xf32, #tpu.memory_space<hbm>>
    tpu.enqueue_indirect_dma source(%dma_start3A_10 : memref<25000x128xf32, #tpu.memory_space<hbm>>) target(%arg7 : memref<256x128xf32, #tpu.memory_space<vmem>>) offsets(%dma_start3A_7 : memref<256xi32, #tpu.memory_space<vmem>>) semaphore(%arg10 : memref<!tpu.dma_semaphore, #tpu.memory_space<semaphore_mem>>)
    %dma_start3A_11 = arith.constant 256 : i32
    %dma_start3A_12 = tpu.memref_slice %arg6[%dma_start3A_11] : memref<512xi32, #tpu.memory_space<vmem>> -> memref<256xi32, #tpu.memory_space<vmem>>
    %dma_start3A_13 = arith.constant 0 : i32
    %dma_start3A_14 = arith.constant 0 : i32
    %dma_start3A_15 = tpu.memref_slice %arg3[%dma_start3A_13, %dma_start3A_14] : memref<25000x128xf32, #tpu.memory_space<hbm>> -> memref<25000x128xf32, #tpu.memory_space<hbm>>
    tpu.enqueue_indirect_dma source(%dma_start3A_15 : memref<25000x128xf32, #tpu.memory_space<hbm>>) target(%arg8 : memref<256x128xf32, #tpu.memory_space<vmem>>) offsets(%dma_start3A_12 : memref<256xi32, #tpu.memory_space<vmem>>) semaphore(%arg11 : memref<!tpu.dma_semaphore, #tpu.memory_space<semaphore_mem>>)
    %dma_wait3A = arith.constant 0 : i32
    %dma_wait3A_16 = tpu.memref_slice %arg6[%dma_wait3A] : memref<512xi32, #tpu.memory_space<vmem>> -> memref<256xi32, #tpu.memory_space<vmem>>
    %dma_wait3A_17 = arith.constant 0 : i32
    %dma_wait3A_18 = arith.constant 0 : i32
    %dma_wait3A_19 = tpu.memref_slice %arg3[%dma_wait3A_17, %dma_wait3A_18] : memref<25000x128xf32, #tpu.memory_space<hbm>> -> memref<25000x128xf32, #tpu.memory_space<hbm>>
    tpu.wait_indirect_dma semaphore(%arg10 : memref<!tpu.dma_semaphore, #tpu.memory_space<semaphore_mem>>) src(%dma_wait3A_19 : memref<25000x128xf32, #tpu.memory_space<hbm>>) dst(%arg7 : memref<256x128xf32, #tpu.memory_space<vmem>>)
    %scan3A_20 = arith.constant 0 : i32
    %scan3A_21 = arith.constant 32 : i32
    %scan3A_22 = arith.addi %scan3A_20, %scan3A_21 : i32
    %scan3A_23 = arith.constant 1 : i32
    scf.for %scan3A_35 = %scan3A_20 to %scan3A_22 step %scan3A_23  : i32 {
      %mul3A_36 = arith.constant 1 : i32
      %mul3A_37 = arith.muli %scan3A_35, %mul3A_36 : i32
      %add3A_38 = arith.constant 0 : i32
      %add3A_39 = arith.addi %add3A_38, %mul3A_37 : i32
      %iota3A = tpu.iota {dimensions = array<i32: 0>} : vector<16xi32>
      %add3A_40 = arith.constant 0 : i32
      %add3A_41 = vector.broadcast %add3A_40 : i32 to vector<16xi32>
      %add3A_42 = arith.addi %iota3A, %add3A_41 : vector<16xi32>
      %get3A = arith.constant 0 : index
      %get3A_43 = tpu.vector_load %arg5[%get3A] {strides = array<i32>} : memref<512xi32, #tpu.memory_space<vmem>>, vector<16xi32>,
      %and3A = arith.constant 3 : i32
      %and3A_44 = vector.broadcast %and3A : i32 to vector<16xi32>
      %and3A_45 = arith.andi %get3A_43, %and3A_44 : vector<16xi32>
      %shift_left3A = arith.constant 5 : i32
      %shift_left3A_46 = vector.broadcast %shift_left3A : i32 to vector<16xi32>
      %shift_left3A_47 = arith.shli %and3A_45, %shift_left3A_46 : vector<16xi32>
      %add3A_48 = vector.broadcast %add3A_39 : i32 to vector<16xi32>
      %add3A_49 = arith.addi %shift_left3A_47, %add3A_48 : vector<16xi32>
      %gather3A = tpu.vector_load_idx %arg7[%add3A_42, %add3A_49] : memref<256x128xf32, #tpu.memory_space<vmem>>[vector<16xi32>, vector<16xi32>], vector<16xf32>,
      %swap3A = arith.index_cast %add3A_39 : i32 to index
      %swap3A_50 = arith.constant 0 : index
      %swap3A_51 = tpu.vector_load %arg9[%swap3A, %swap3A_50] {strides = array<i32>} : memref<32x512xf32, #tpu.memory_space<vmem>>, vector<16xf32>,
      tpu.vector_store %arg9[%swap3A, %swap3A_50], %gather3A {strides = array<i32>} : memref<32x512xf32, #tpu.memory_space<vmem>>, vector<16xf32>,
      %iota3A_52 = tpu.iota {dimensions = array<i32: 0>} : vector<16xi32>
      %add3A_53 = arith.constant 16 : i32
      %add3A_54 = vector.broadcast %add3A_53 : i32 to vector<16xi32>
      %add3A_55 = arith.addi %iota3A_52, %add3A_54 : vector<16xi32>
      %get3A_56 = arith.constant 16 : index
      %get3A_57 = tpu.vector_load %arg5[%get3A_56] {strides = array<i32>} : memref<512xi32, #tpu.memory_space<vmem>>, vector<16xi32>,
      %and3A_58 = arith.constant 3 : i32
      %and3A_59 = vector.broadcast %and3A_58 : i32 to vector<16xi32>
      %and3A_60 = arith.andi %get3A_57, %and3A_59 : vector<16xi32>
      %shift_left3A_61 = arith.constant 5 : i32
      %shift_left3A_62 = vector.broadcast %shift_left3A_61 : i32 to vector<16xi32>
      %shift_left3A_63 = arith.shli %and3A_60, %shift_left3A_62 : vector<16xi32>
      %add3A_64 = vector.broadcast %add3A_39 : i32 to vector<16xi32>
      %add3A_65 = arith.addi %shift_left3A_63, %add3A_64 : vector<16xi32>
      %gather3A_66 = tpu.vector_load_idx %arg7[%add3A_55, %add3A_65] : memref<256x128xf32, #tpu.memory_space<vmem>>[vector<16xi32>, vector<16xi32>], vector<16xf32>,
      %swap3A_67 = arith.index_cast %add3A_39 : i32 to index
      %swap3A_68 = arith.constant 16 : index
      %swap3A_69 = tpu.vector_load %arg9[%swap3A_67, %swap3A_68] {strides = array<i32>} : memref<32x512xf32, #tpu.memory_space<vmem>>, vector<16xf32>,
      tpu.vector_store %arg9[%swap3A_67, %swap3A_68], %gather3A_66 {strides = array<i32>} : memref<32x512xf32, #tpu.memory_space<vmem>>, vector<16xf32>,
      %iota3A_70 = tpu.iota {dimensions = array<i32: 0>} : vector<16xi32>
      %add3A_71 = arith.constant 32 : i32
      %add3A_72 = vector.broadcast %add3A_71 : i32 to vector<16xi32>
      %add3A_73 = arith.addi %iota3A_70, %add3A_72 : vector<16xi32>
      %get3A_74 = arith.constant 32 : index
      %get3A_75 = tpu.vector_load %arg5[%get3A_74] {strides = array<i32>} : memref<512xi32, #tpu.memory_space<vmem>>, vector<16xi32>,
      %and3A_76 = arith.constant 3 : i32
      %and3A_77 = vector.broadcast %and3A_76 : i32 to vector<16xi32>
      %and3A_78 = arith.andi %get3A_75, %and3A_77 : vector<16xi32>
      %shift_left3A_79 = arith.constant 5 : i32
      %shift_left3A_80 = vector.broadcast %shift_left3A_79 : i32 to vector<16xi32>
      %shift_left3A_81 = arith.shli %and3A_78, %shift_left3A_80 : vector<16xi32>
      %add3A_82 = vector.broadcast %add3A_39 : i32 to vector<16xi32>
      %add3A_83 = arith.addi %shift_left3A_81, %add3A_82 : vector<16xi32>
      %gather3A_84 = tpu.vector_load_idx %arg7[%add3A_73, %add3A_83] : memref<256x128xf32, #tpu.memory_space<vmem>>[vector<16xi32>, vector<16xi32>], vector<16xf32>,
      %swap3A_85 = arith.index_cast %add3A_39 : i32 to index
      %swap3A_86 = arith.constant 32 : index
      %swap3A_87 = tpu.vector_load %arg9[%swap3A_85, %swap3A_86] {strides = array<i32>} : memref<32x512xf32, #tpu.memory_space<vmem>>, vector<16xf32>,
      tpu.vector_store %arg9[%swap3A_85, %swap3A_86], %gather3A_84 {strides = array<i32>} : memref<32x512xf32, #tpu.memory_space<vmem>>, vector<16xf32>,
      %iota3A_88 = tpu.iota {dimensions = array<i32: 0>} : vector<16xi32>
      %add3A_89 = arith.constant 48 : i32
      %add3A_90 = vector.broadcast %add3A_89 : i32 to vector<16xi32>
      %add3A_91 = arith.addi %iota3A_88, %add3A_90 : vector<16xi32>
      %get3A_92 = arith.constant 48 : index
      %get3A_93 = tpu.vector_load %arg5[%get3A_92] {strides = array<i32>} : memref<512xi32, #tpu.memory_space<vmem>>, vector<16xi32>,
      %and3A_94 = arith.constant 3 : i32
      %and3A_95 = vector.broadcast %and3A_94 : i32 to vector<16xi32>
      %and3A_96 = arith.andi %get3A_93, %and3A_95 : vector<16xi32>
      %shift_left3A_97 = arith.constant 5 : i32
      %shift_left3A_98 = vector.broadcast %shift_left3A_97 : i32 to vector<16xi32>
      %shift_left3A_99 = arith.shli %and3A_96, %shift_left3A_98 : vector<16xi32>
      %add3A_100 = vector.broadcast %add3A_39 : i32 to vector<16xi32>
      %add3A_101 = arith.addi %shift_left3A_99, %add3A_100 : vector<16xi32>
      %gather3A_102 = tpu.vector_load_idx %arg7[%add3A_91, %add3A_101] : memref<256x128xf32, #tpu.memory_space<vmem>>[vector<16xi32>, vector<16xi32>], vector<16xf32>,
      %swap3A_103 = arith.index_cast %add3A_39 : i32 to index
      %swap3A_104 = arith.constant 48 : index
      %swap3A_105 = tpu.vector_load %arg9[%swap3A_103, %swap3A_104] {strides = array<i32>} : memref<32x512xf32, #tpu.memory_space<vmem>>, vector<16xf32>,
      tpu.vector_store %arg9[%swap3A_103, %swap3A_104], %gather3A_102 {strides = array<i32>} : memref<32x512xf32, #tpu.memory_space<vmem>>, vector<16xf32>,
      %iota3A_106 = tpu.iota {dimensions = array<i32: 0>} : vector<16xi32>
      %add3A_107 = arith.constant 64 : i32
      %add3A_108 = vector.broadcast %add3A_107 : i32 to vector<16xi32>
      %add3A_109 = arith.addi %iota3A_106, %add3A_108 : vector<16xi32>
      %get3A_110 = arith.constant 64 : index
      %get3A_111 = tpu.vector_load %arg5[%get3A_110] {strides = array<i32>} : memref<512xi32, #tpu.memory_space<vmem>>, vector<16xi32>,
      %and3A_112 = arith.constant 3 : i32
      %and3A_113 = vector.broadcast %and3A_112 : i32 to vector<16xi32>
      %and3A_114 = arith.andi %get3A_111, %and3A_113 : vector<16xi32>
      %shift_left3A_115 = arith.constant 5 : i32
      %shift_left3A_116 = vector.broadcast %shift_left3A_115 : i32 to vector<16xi32>
      %shift_left3A_117 = arith.shli %and3A_114, %shift_left3A_116 : vector<16xi32>
      %add3A_118 = vector.broadcast %add3A_39 : i32 to vector<16xi32>
      %add3A_119 = arith.addi %shift_left3A_117, %add3A_118 : vector<16xi32>
      %gather3A_120 = tpu.vector_load_idx %arg7[%add3A_109, %add3A_119] : memref<256x128xf32, #tpu.memory_space<vmem>>[vector<16xi32>, vector<16xi32>], vector<16xf32>,
      %swap3A_121 = arith.index_cast %add3A_39 : i32 to index
      %swap3A_122 = arith.constant 64 : index
      %swap3A_123 = tpu.vector_load %arg9[%swap3A_121, %swap3A_122] {strides = array<i32>} : memref<32x512xf32, #tpu.memory_space<vmem>>, vector<16xf32>,
      tpu.vector_store %arg9[%swap3A_121, %swap3A_122], %gather3A_120 {strides = array<i32>} : memref<32x512xf32, #tpu.memory_space<vmem>>, vector<16xf32>,
      %iota3A_124 = tpu.iota {dimensions = array<i32: 0>} : vector<16xi32>
      %add3A_125 = arith.constant 80 : i32
      %add3A_126 = vector.broadcast %add3A_125 : i32 to vector<16xi32>
      %add3A_127 = arith.addi %iota3A_124, %add3A_126 : vector<16xi32>
      %get3A_128 = arith.constant 80 : index
      %get3A_129 = tpu.vector_load %arg5[%get3A_128] {strides = array<i32>} : memref<512xi32, #tpu.memory_space<vmem>>, vector<16xi32>,
      %and3A_130 = arith.constant 3 : i32
      %and3A_131 = vector.broadcast %and3A_130 : i32 to vector<16xi32>
      %and3A_132 = arith.andi %get3A_129, %and3A_131 : vector<16xi32>
      %shift_left3A_133 = arith.constant 5 : i32
      %shift_left3A_134 = vector.broadcast %shift_left3A_133 : i32 to vector<16xi32>
      %shift_left3A_135 = arith.shli %and3A_132, %shift_left3A_134 : vector<16xi32>
      %add3A_136 = vector.broadcast %add3A_39 : i32 to vector<16xi32>
      %add3A_137 = arith.addi %shift_left3A_135, %add3A_136 : vector<16xi32>
      %gather3A_138 = tpu.vector_load_idx %arg7[%add3A_127, %add3A_137] : memref<256x128xf32, #tpu.memory_space<vmem>>[vector<16xi32>, vector<16xi32>], vector<16xf32>,
      %swap3A_139 = arith.index_cast %add3A_39 : i32 to index
      %swap3A_140 = arith.constant 80 : index
      %swap3A_141 = tpu.vector_load %arg9[%swap3A_139, %swap3A_140] {strides = array<i32>} : memref<32x512xf32, #tpu.memory_space<vmem>>, vector<16xf32>,
      tpu.vector_store %arg9[%swap3A_139, %swap3A_140], %gather3A_138 {strides = array<i32>} : memref<32x512xf32, #tpu.memory_space<vmem>>, vector<16xf32>,
      %iota3A_142 = tpu.iota {dimensions = array<i32: 0>} : vector<16xi32>
      %add3A_143 = arith.constant 96 : i32
      %add3A_144 = vector.broadcast %add3A_143 : i32 to vector<16xi32>
      %add3A_145 = arith.addi %iota3A_142, %add3A_144 : vector<16xi32>
      %get3A_146 = arith.constant 96 : index
      %get3A_147 = tpu.vector_load %arg5[%get3A_146] {strides = array<i32>} : memref<512xi32, #tpu.memory_space<vmem>>, vector<16xi32>,
      %and3A_148 = arith.constant 3 : i32
      %and3A_149 = vector.broadcast %and3A_148 : i32 to vector<16xi32>
      %and3A_150 = arith.andi %get3A_147, %and3A_149 : vector<16xi32>
      %shift_left3A_151 = arith.constant 5 : i32
      %shift_left3A_152 = vector.broadcast %shift_left3A_151 : i32 to vector<16xi32>
      %shift_left3A_153 = arith.shli %and3A_150, %shift_left3A_152 : vector<16xi32>
      %add3A_154 = vector.broadcast %add3A_39 : i32 to vector<16xi32>
      %add3A_155 = arith.addi %shift_left3A_153, %add3A_154 : vector<16xi32>
      %gather3A_156 = tpu.vector_load_idx %arg7[%add3A_145, %add3A_155] : memref<256x128xf32, #tpu.memory_space<vmem>>[vector<16xi32>, vector<16xi32>], vector<16xf32>,
      %swap3A_157 = arith.index_cast %add3A_39 : i32 to index
      %swap3A_158 = arith.constant 96 : index
      %swap3A_159 = tpu.vector_load %arg9[%swap3A_157, %swap3A_158] {strides = array<i32>} : memref<32x512xf32, #tpu.memory_space<vmem>>, vector<16xf32>,
      tpu.vector_store %arg9[%swap3A_157, %swap3A_158], %gather3A_156 {strides = array<i32>} : memref<32x512xf32, #tpu.memory_space<vmem>>, vector<16xf32>,
      %iota3A_160 = tpu.iota {dimensions = array<i32: 0>} : vector<16xi32>
      %add3A_161 = arith.constant 112 : i32
      %add3A_162 = vector.broadcast %add3A_161 : i32 to vector<16xi32>
      %add3A_163 = arith.addi %iota3A_160, %add3A_162 : vector<16xi32>
      %get3A_164 = arith.constant 112 : index
      %get3A_165 = tpu.vector_load %arg5[%get3A_164] {strides = array<i32>} : memref<512xi32, #tpu.memory_space<vmem>>, vector<16xi32>,
      %and3A_166 = arith.constant 3 : i32
      %and3A_167 = vector.broadcast %and3A_166 : i32 to vector<16xi32>
      %and3A_168 = arith.andi %get3A_165, %and3A_167 : vector<16xi32>
      %shift_left3A_169 = arith.constant 5 : i32
      %shift_left3A_170 = vector.broadcast %shift_left3A_169 : i32 to vector<16xi32>
      %shift_left3A_171 = arith.shli %and3A_168, %shift_left3A_170 : vector<16xi32>
      %add3A_172 = vector.broadcast %add3A_39 : i32 to vector<16xi32>
      %add3A_173 = arith.addi %shift_left3A_171, %add3A_172 : vector<16xi32>
      %gather3A_174 = tpu.vector_load_idx %arg7[%add3A_163, %add3A_173] : memref<256x128xf32, #tpu.memory_space<vmem>>[vector<16xi32>, vector<16xi32>], vector<16xf32>,
      %swap3A_175 = arith.index_cast %add3A_39 : i32 to index
      %swap3A_176 = arith.constant 112 : index
      %swap3A_177 = tpu.vector_load %arg9[%swap3A_175, %swap3A_176] {strides = array<i32>} : memref<32x512xf32, #tpu.memory_space<vmem>>, vector<16xf32>,
      tpu.vector_store %arg9[%swap3A_175, %swap3A_176], %gather3A_174 {strides = array<i32>} : memref<32x512xf32, #tpu.memory_space<vmem>>, vector<16xf32>,
      %iota3A_178 = tpu.iota {dimensions = array<i32: 0>} : vector<16xi32>
      %add3A_179 = arith.constant 128 : i32
      %add3A_180 = vector.broadcast %add3A_179 : i32 to vector<16xi32>
      %add3A_181 = arith.addi %iota3A_178, %add3A_180 : vector<16xi32>
      %get3A_182 = arith.constant 128 : index
      %get3A_183 = tpu.vector_load %arg5[%get3A_182] {strides = array<i32>} : memref<512xi32, #tpu.memory_space<vmem>>, vector<16xi32>,
      %and3A_184 = arith.constant 3 : i32
      %and3A_185 = vector.broadcast %and3A_184 : i32 to vector<16xi32>
      %and3A_186 = arith.andi %get3A_183, %and3A_185 : vector<16xi32>
      %shift_left3A_187 = arith.constant 5 : i32
      %shift_left3A_188 = vector.broadcast %shift_left3A_187 : i32 to vector<16xi32>
      %shift_left3A_189 = arith.shli %and3A_186, %shift_left3A_188 : vector<16xi32>
      %add3A_190 = vector.broadcast %add3A_39 : i32 to vector<16xi32>
      %add3A_191 = arith.addi %shift_left3A_189, %add3A_190 : vector<16xi32>
      %gather3A_192 = tpu.vector_load_idx %arg7[%add3A_181, %add3A_191] : memref<256x128xf32, #tpu.memory_space<vmem>>[vector<16xi32>, vector<16xi32>], vector<16xf32>,
      %swap3A_193 = arith.index_cast %add3A_39 : i32 to index
      %swap3A_194 = arith.constant 128 : index
      %swap3A_195 = tpu.vector_load %arg9[%swap3A_193, %swap3A_194] {strides = array<i32>} : memref<32x512xf32, #tpu.memory_space<vmem>>, vector<16xf32>,
      tpu.vector_store %arg9[%swap3A_193, %swap3A_194], %gather3A_192 {strides = array<i32>} : memref<32x512xf32, #tpu.memory_space<vmem>>, vector<16xf32>,
      %iota3A_196 = tpu.iota {dimensions = array<i32: 0>} : vector<16xi32>
      %add3A_197 = arith.constant 144 : i32
      %add3A_198 = vector.broadcast %add3A_197 : i32 to vector<16xi32>
      %add3A_199 = arith.addi %iota3A_196, %add3A_198 : vector<16xi32>
      %get3A_200 = arith.constant 144 : index
      %get3A_201 = tpu.vector_load %arg5[%get3A_200] {strides = array<i32>} : memref<512xi32, #tpu.memory_space<vmem>>, vector<16xi32>,
      %and3A_202 = arith.constant 3 : i32
      %and3A_203 = vector.broadcast %and3A_202 : i32 to vector<16xi32>
      %and3A_204 = arith.andi %get3A_201, %and3A_203 : vector<16xi32>
      %shift_left3A_205 = arith.constant 5 : i32
      %shift_left3A_206 = vector.broadcast %shift_left3A_205 : i32 to vector<16xi32>
      %shift_left3A_207 = arith.shli %and3A_204, %shift_left3A_206 : vector<16xi32>
      %add3A_208 = vector.broadcast %add3A_39 : i32 to vector<16xi32>
      %add3A_209 = arith.addi %shift_left3A_207, %add3A_208 : vector<16xi32>
      %gather3A_210 = tpu.vector_load_idx %arg7[%add3A_199, %add3A_209] : memref<256x128xf32, #tpu.memory_space<vmem>>[vector<16xi32>, vector<16xi32>], vector<16xf32>,
      %swap3A_211 = arith.index_cast %add3A_39 : i32 to index
      %swap3A_212 = arith.constant 144 : index
      %swap3A_213 = tpu.vector_load %arg9[%swap3A_211, %swap3A_212] {strides = array<i32>} : memref<32x512xf32, #tpu.memory_space<vmem>>, vector<16xf32>,
      tpu.vector_store %arg9[%swap3A_211, %swap3A_212], %gather3A_210 {strides = array<i32>} : memref<32x512xf32, #tpu.memory_space<vmem>>, vector<16xf32>,
      %iota3A_214 = tpu.iota {dimensions = array<i32: 0>} : vector<16xi32>
      %add3A_215 = arith.constant 160 : i32
      %add3A_216 = vector.broadcast %add3A_215 : i32 to vector<16xi32>
      %add3A_217 = arith.addi %iota3A_214, %add3A_216 : vector<16xi32>
      %get3A_218 = arith.constant 160 : index
      %get3A_219 = tpu.vector_load %arg5[%get3A_218] {strides = array<i32>} : memref<512xi32, #tpu.memory_space<vmem>>, vector<16xi32>,
      %and3A_220 = arith.constant 3 : i32
      %and3A_221 = vector.broadcast %and3A_220 : i32 to vector<16xi32>
      %and3A_222 = arith.andi %get3A_219, %and3A_221 : vector<16xi32>
      %shift_left3A_223 = arith.constant 5 : i32
      %shift_left3A_224 = vector.broadcast %shift_left3A_223 : i32 to vector<16xi32>
      %shift_left3A_225 = arith.shli %and3A_222, %shift_left3A_224 : vector<16xi32>
      %add3A_226 = vector.broadcast %add3A_39 : i32 to vector<16xi32>
      %add3A_227 = arith.addi %shift_left3A_225, %add3A_226 : vector<16xi32>
      %gather3A_228 = tpu.vector_load_idx %arg7[%add3A_217, %add3A_227] : memref<256x128xf32, #tpu.memory_space<vmem>>[vector<16xi32>, vector<16xi32>], vector<16xf32>,
      %swap3A_229 = arith.index_cast %add3A_39 : i32 to index
      %swap3A_230 = arith.constant 160 : index
      %swap3A_231 = tpu.vector_load %arg9[%swap3A_229, %swap3A_230] {strides = array<i32>} : memref<32x512xf32, #tpu.memory_space<vmem>>, vector<16xf32>,
      tpu.vector_store %arg9[%swap3A_229, %swap3A_230], %gather3A_228 {strides = array<i32>} : memref<32x512xf32, #tpu.memory_space<vmem>>, vector<16xf32>,
      %iota3A_232 = tpu.iota {dimensions = array<i32: 0>} : vector<16xi32>
      %add3A_233 = arith.constant 176 : i32
      %add3A_234 = vector.broadcast %add3A_233 : i32 to vector<16xi32>
      %add3A_235 = arith.addi %iota3A_232, %add3A_234 : vector<16xi32>
      %get3A_236 = arith.constant 176 : index
      %get3A_237 = tpu.vector_load %arg5[%get3A_236] {strides = array<i32>} : memref<512xi32, #tpu.memory_space<vmem>>, vector<16xi32>,
      %and3A_238 = arith.constant 3 : i32
      %and3A_239 = vector.broadcast %and3A_238 : i32 to vector<16xi32>
      %and3A_240 = arith.andi %get3A_237, %and3A_239 : vector<16xi32>
      %shift_left3A_241 = arith.constant 5 : i32
      %shift_left3A_242 = vector.broadcast %shift_left3A_241 : i32 to vector<16xi32>
      %shift_left3A_243 = arith.shli %and3A_240, %shift_left3A_242 : vector<16xi32>
      %add3A_244 = vector.broadcast %add3A_39 : i32 to vector<16xi32>
      %add3A_245 = arith.addi %shift_left3A_243, %add3A_244 : vector<16xi32>
      %gather3A_246 = tpu.vector_load_idx %arg7[%add3A_235, %add3A_245] : memref<256x128xf32, #tpu.memory_space<vmem>>[vector<16xi32>, vector<16xi32>], vector<16xf32>,
      %swap3A_247 = arith.index_cast %add3A_39 : i32 to index
      %swap3A_248 = arith.constant 176 : index
      %swap3A_249 = tpu.vector_load %arg9[%swap3A_247, %swap3A_248] {strides = array<i32>} : memref<32x512xf32, #tpu.memory_space<vmem>>, vector<16xf32>,
      tpu.vector_store %arg9[%swap3A_247, %swap3A_248], %gather3A_246 {strides = array<i32>} : memref<32x512xf32, #tpu.memory_space<vmem>>, vector<16xf32>,
      %iota3A_250 = tpu.iota {dimensions = array<i32: 0>} : vector<16xi32>
      %add3A_251 = arith.constant 192 : i32
      %add3A_252 = vector.broadcast %add3A_251 : i32 to vector<16xi32>
      %add3A_253 = arith.addi %iota3A_250, %add3A_252 : vector<16xi32>
      %get3A_254 = arith.constant 192 : index
      %get3A_255 = tpu.vector_load %arg5[%get3A_254] {strides = array<i32>} : memref<512xi32, #tpu.memory_space<vmem>>, vector<16xi32>,
      %and3A_256 = arith.constant 3 : i32
      %and3A_257 = vector.broadcast %and3A_256 : i32 to vector<16xi32>
      %and3A_258 = arith.andi %get3A_255, %and3A_257 : vector<16xi32>
      %shift_left3A_259 = arith.constant 5 : i32
      %shift_left3A_260 = vector.broadcast %shift_left3A_259 : i32 to vector<16xi32>
      %shift_left3A_261 = arith.shli %and3A_258, %shift_left3A_260 : vector<16xi32>
      %add3A_262 = vector.broadcast %add3A_39 : i32 to vector<16xi32>
      %add3A_263 = arith.addi %shift_left3A_261, %add3A_262 : vector<16xi32>
      %gather3A_264 = tpu.vector_load_idx %arg7[%add3A_253, %add3A_263] : memref<256x128xf32, #tpu.memory_space<vmem>>[vector<16xi32>, vector<16xi32>], vector<16xf32>,
      %swap3A_265 = arith.index_cast %add3A_39 : i32 to index
      %swap3A_266 = arith.constant 192 : index
      %swap3A_267 = tpu.vector_load %arg9[%swap3A_265, %swap3A_266] {strides = array<i32>} : memref<32x512xf32, #tpu.memory_space<vmem>>, vector<16xf32>,
      tpu.vector_store %arg9[%swap3A_265, %swap3A_266], %gather3A_264 {strides = array<i32>} : memref<32x512xf32, #tpu.memory_space<vmem>>, vector<16xf32>,
      %iota3A_268 = tpu.iota {dimensions = array<i32: 0>} : vector<16xi32>
      %add3A_269 = arith.constant 208 : i32
      %add3A_270 = vector.broadcast %add3A_269 : i32 to vector<16xi32>
      %add3A_271 = arith.addi %iota3A_268, %add3A_270 : vector<16xi32>
      %get3A_272 = arith.constant 208 : index
      %get3A_273 = tpu.vector_load %arg5[%get3A_272] {strides = array<i32>} : memref<512xi32, #tpu.memory_space<vmem>>, vector<16xi32>,
      %and3A_274 = arith.constant 3 : i32
      %and3A_275 = vector.broadcast %and3A_274 : i32 to vector<16xi32>
      %and3A_276 = arith.andi %get3A_273, %and3A_275 : vector<16xi32>
      %shift_left3A_277 = arith.constant 5 : i32
      %shift_left3A_278 = vector.broadcast %shift_left3A_277 : i32 to vector<16xi32>
      %shift_left3A_279 = arith.shli %and3A_276, %shift_left3A_278 : vector<16xi32>
      %add3A_280 = vector.broadcast %add3A_39 : i32 to vector<16xi32>
      %add3A_281 = arith.addi %shift_left3A_279, %add3A_280 : vector<16xi32>
      %gather3A_282 = tpu.vector_load_idx %arg7[%add3A_271, %add3A_281] : memref<256x128xf32, #tpu.memory_space<vmem>>[vector<16xi32>, vector<16xi32>], vector<16xf32>,
      %swap3A_283 = arith.index_cast %add3A_39 : i32 to index
      %swap3A_284 = arith.constant 208 : index
      %swap3A_285 = tpu.vector_load %arg9[%swap3A_283, %swap3A_284] {strides = array<i32>} : memref<32x512xf32, #tpu.memory_space<vmem>>, vector<16xf32>,
      tpu.vector_store %arg9[%swap3A_283, %swap3A_284], %gather3A_282 {strides = array<i32>} : memref<32x512xf32, #tpu.memory_space<vmem>>, vector<16xf32>,
      %iota3A_286 = tpu.iota {dimensions = array<i32: 0>} : vector<16xi32>
      %add3A_287 = arith.constant 224 : i32
      %add3A_288 = vector.broadcast %add3A_287 : i32 to vector<16xi32>
      %add3A_289 = arith.addi %iota3A_286, %add3A_288 : vector<16xi32>
      %get3A_290 = arith.constant 224 : index
      %get3A_291 = tpu.vector_load %arg5[%get3A_290] {strides = array<i32>} : memref<512xi32, #tpu.memory_space<vmem>>, vector<16xi32>,
      %and3A_292 = arith.constant 3 : i32
      %and3A_293 = vector.broadcast %and3A_292 : i32 to vector<16xi32>
      %and3A_294 = arith.andi %get3A_291, %and3A_293 : vector<16xi32>
      %shift_left3A_295 = arith.constant 5 : i32
      %shift_left3A_296 = vector.broadcast %shift_left3A_295 : i32 to vector<16xi32>
      %shift_left3A_297 = arith.shli %and3A_294, %shift_left3A_296 : vector<16xi32>
      %add3A_298 = vector.broadcast %add3A_39 : i32 to vector<16xi32>
      %add3A_299 = arith.addi %shift_left3A_297, %add3A_298 : vector<16xi32>
      %gather3A_300 = tpu.vector_load_idx %arg7[%add3A_289, %add3A_299] : memref<256x128xf32, #tpu.memory_space<vmem>>[vector<16xi32>, vector<16xi32>], vector<16xf32>,
      %swap3A_301 = arith.index_cast %add3A_39 : i32 to index
      %swap3A_302 = arith.constant 224 : index
      %swap3A_303 = tpu.vector_load %arg9[%swap3A_301, %swap3A_302] {strides = array<i32>} : memref<32x512xf32, #tpu.memory_space<vmem>>, vector<16xf32>,
      tpu.vector_store %arg9[%swap3A_301, %swap3A_302], %gather3A_300 {strides = array<i32>} : memref<32x512xf32, #tpu.memory_space<vmem>>, vector<16xf32>,
      %iota3A_304 = tpu.iota {dimensions = array<i32: 0>} : vector<16xi32>
      %add3A_305 = arith.constant 240 : i32
      %add3A_306 = vector.broadcast %add3A_305 : i32 to vector<16xi32>
      %add3A_307 = arith.addi %iota3A_304, %add3A_306 : vector<16xi32>
      %get3A_308 = arith.constant 240 : index
      %get3A_309 = tpu.vector_load %arg5[%get3A_308] {strides = array<i32>} : memref<512xi32, #tpu.memory_space<vmem>>, vector<16xi32>,
      %and3A_310 = arith.constant 3 : i32
      %and3A_311 = vector.broadcast %and3A_310 : i32 to vector<16xi32>
      %and3A_312 = arith.andi %get3A_309, %and3A_311 : vector<16xi32>
      %shift_left3A_313 = arith.constant 5 : i32
      %shift_left3A_314 = vector.broadcast %shift_left3A_313 : i32 to vector<16xi32>
      %shift_left3A_315 = arith.shli %and3A_312, %shift_left3A_314 : vector<16xi32>
      %add3A_316 = vector.broadcast %add3A_39 : i32 to vector<16xi32>
      %add3A_317 = arith.addi %shift_left3A_315, %add3A_316 : vector<16xi32>
      %gather3A_318 = tpu.vector_load_idx %arg7[%add3A_307, %add3A_317] : memref<256x128xf32, #tpu.memory_space<vmem>>[vector<16xi32>, vector<16xi32>], vector<16xf32>,
      %swap3A_319 = arith.index_cast %add3A_39 : i32 to index
      %swap3A_320 = arith.constant 240 : index
      %swap3A_321 = tpu.vector_load %arg9[%swap3A_319, %swap3A_320] {strides = array<i32>} : memref<32x512xf32, #tpu.memory_space<vmem>>, vector<16xf32>,
      tpu.vector_store %arg9[%swap3A_319, %swap3A_320], %gather3A_318 {strides = array<i32>} : memref<32x512xf32, #tpu.memory_space<vmem>>, vector<16xf32>,
    }
    %scan3A_24 = arith.constant 32 : i32
    %dma_wait3A_25 = arith.constant 256 : i32
    %dma_wait3A_26 = tpu.memref_slice %arg6[%dma_wait3A_25] : memref<512xi32, #tpu.memory_space<vmem>> -> memref<256xi32, #tpu.memory_space<vmem>>
    %dma_wait3A_27 = arith.constant 0 : i32
    %dma_wait3A_28 = arith.constant 0 : i32
    %dma_wait3A_29 = tpu.memref_slice %arg3[%dma_wait3A_27, %dma_wait3A_28] : memref<25000x128xf32, #tpu.memory_space<hbm>> -> memref<25000x128xf32, #tpu.memory_space<hbm>>
    tpu.wait_indirect_dma semaphore(%arg11 : memref<!tpu.dma_semaphore, #tpu.memory_space<semaphore_mem>>) src(%dma_wait3A_29 : memref<25000x128xf32, #tpu.memory_space<hbm>>) dst(%arg8 : memref<256x128xf32, #tpu.memory_space<vmem>>)
    %scan3A_30 = arith.constant 0 : i32
    %scan3A_31 = arith.constant 32 : i32
    %scan3A_32 = arith.addi %scan3A_30, %scan3A_31 : i32
    %scan3A_33 = arith.constant 1 : i32
    scf.for %scan3A_35 = %scan3A_30 to %scan3A_32 step %scan3A_33  : i32 {
      %mul3A_36 = arith.constant 1 : i32
      %mul3A_37 = arith.muli %scan3A_35, %mul3A_36 : i32
      %add3A_38 = arith.constant 0 : i32
      %add3A_39 = arith.addi %add3A_38, %mul3A_37 : i32
      %iota3A = tpu.iota {dimensions = array<i32: 0>} : vector<16xi32>
      %add3A_40 = arith.constant 0 : i32
      %add3A_41 = vector.broadcast %add3A_40 : i32 to vector<16xi32>
      %add3A_42 = arith.addi %iota3A, %add3A_41 : vector<16xi32>
      %get3A = arith.constant 256 : index
      %get3A_43 = tpu.vector_load %arg5[%get3A] {strides = array<i32>} : memref<512xi32, #tpu.memory_space<vmem>>, vector<16xi32>,
      %and3A = arith.constant 3 : i32
      %and3A_44 = vector.broadcast %and3A : i32 to vector<16xi32>
      %and3A_45 = arith.andi %get3A_43, %and3A_44 : vector<16xi32>
      %shift_left3A = arith.constant 5 : i32
      %shift_left3A_46 = vector.broadcast %shift_left3A : i32 to vector<16xi32>
      %shift_left3A_47 = arith.shli %and3A_45, %shift_left3A_46 : vector<16xi32>
      %add3A_48 = vector.broadcast %add3A_39 : i32 to vector<16xi32>
      %add3A_49 = arith.addi %shift_left3A_47, %add3A_48 : vector<16xi32>
      %gather3A = tpu.vector_load_idx %arg8[%add3A_42, %add3A_49] : memref<256x128xf32, #tpu.memory_space<vmem>>[vector<16xi32>, vector<16xi32>], vector<16xf32>,
      %swap3A = arith.index_cast %add3A_39 : i32 to index
      %swap3A_50 = arith.constant 256 : index
      %swap3A_51 = tpu.vector_load %arg9[%swap3A, %swap3A_50] {strides = array<i32>} : memref<32x512xf32, #tpu.memory_space<vmem>>, vector<16xf32>,
      tpu.vector_store %arg9[%swap3A, %swap3A_50], %gather3A {strides = array<i32>} : memref<32x512xf32, #tpu.memory_space<vmem>>, vector<16xf32>,
      %iota3A_52 = tpu.iota {dimensions = array<i32: 0>} : vector<16xi32>
      %add3A_53 = arith.constant 16 : i32
      %add3A_54 = vector.broadcast %add3A_53 : i32 to vector<16xi32>
      %add3A_55 = arith.addi %iota3A_52, %add3A_54 : vector<16xi32>
      %get3A_56 = arith.constant 272 : index
      %get3A_57 = tpu.vector_load %arg5[%get3A_56] {strides = array<i32>} : memref<512xi32, #tpu.memory_space<vmem>>, vector<16xi32>,
      %and3A_58 = arith.constant 3 : i32
      %and3A_59 = vector.broadcast %and3A_58 : i32 to vector<16xi32>
      %and3A_60 = arith.andi %get3A_57, %and3A_59 : vector<16xi32>
      %shift_left3A_61 = arith.constant 5 : i32
      %shift_left3A_62 = vector.broadcast %shift_left3A_61 : i32 to vector<16xi32>
      %shift_left3A_63 = arith.shli %and3A_60, %shift_left3A_62 : vector<16xi32>
      %add3A_64 = vector.broadcast %add3A_39 : i32 to vector<16xi32>
      %add3A_65 = arith.addi %shift_left3A_63, %add3A_64 : vector<16xi32>
      %gather3A_66 = tpu.vector_load_idx %arg8[%add3A_55, %add3A_65] : memref<256x128xf32, #tpu.memory_space<vmem>>[vector<16xi32>, vector<16xi32>], vector<16xf32>,
      %swap3A_67 = arith.index_cast %add3A_39 : i32 to index
      %swap3A_68 = arith.constant 272 : index
      %swap3A_69 = tpu.vector_load %arg9[%swap3A_67, %swap3A_68] {strides = array<i32>} : memref<32x512xf32, #tpu.memory_space<vmem>>, vector<16xf32>,
      tpu.vector_store %arg9[%swap3A_67, %swap3A_68], %gather3A_66 {strides = array<i32>} : memref<32x512xf32, #tpu.memory_space<vmem>>, vector<16xf32>,
      %iota3A_70 = tpu.iota {dimensions = array<i32: 0>} : vector<16xi32>
      %add3A_71 = arith.constant 32 : i32
      %add3A_72 = vector.broadcast %add3A_71 : i32 to vector<16xi32>
      %add3A_73 = arith.addi %iota3A_70, %add3A_72 : vector<16xi32>
      %get3A_74 = arith.constant 288 : index
      %get3A_75 = tpu.vector_load %arg5[%get3A_74] {strides = array<i32>} : memref<512xi32, #tpu.memory_space<vmem>>, vector<16xi32>,
      %and3A_76 = arith.constant 3 : i32
      %and3A_77 = vector.broadcast %and3A_76 : i32 to vector<16xi32>
      %and3A_78 = arith.andi %get3A_75, %and3A_77 : vector<16xi32>
      %shift_left3A_79 = arith.constant 5 : i32
      %shift_left3A_80 = vector.broadcast %shift_left3A_79 : i32 to vector<16xi32>
      %shift_left3A_81 = arith.shli %and3A_78, %shift_left3A_80 : vector<16xi32>
      %add3A_82 = vector.broadcast %add3A_39 : i32 to vector<16xi32>
      %add3A_83 = arith.addi %shift_left3A_81, %add3A_82 : vector<16xi32>
      %gather3A_84 = tpu.vector_load_idx %arg8[%add3A_73, %add3A_83] : memref<256x128xf32, #tpu.memory_space<vmem>>[vector<16xi32>, vector<16xi32>], vector<16xf32>,
      %swap3A_85 = arith.index_cast %add3A_39 : i32 to index
      %swap3A_86 = arith.constant 288 : index
      %swap3A_87 = tpu.vector_load %arg9[%swap3A_85, %swap3A_86] {strides = array<i32>} : memref<32x512xf32, #tpu.memory_space<vmem>>, vector<16xf32>,
      tpu.vector_store %arg9[%swap3A_85, %swap3A_86], %gather3A_84 {strides = array<i32>} : memref<32x512xf32, #tpu.memory_space<vmem>>, vector<16xf32>,
      %iota3A_88 = tpu.iota {dimensions = array<i32: 0>} : vector<16xi32>
      %add3A_89 = arith.constant 48 : i32
      %add3A_90 = vector.broadcast %add3A_89 : i32 to vector<16xi32>
      %add3A_91 = arith.addi %iota3A_88, %add3A_90 : vector<16xi32>
      %get3A_92 = arith.constant 304 : index
      %get3A_93 = tpu.vector_load %arg5[%get3A_92] {strides = array<i32>} : memref<512xi32, #tpu.memory_space<vmem>>, vector<16xi32>,
      %and3A_94 = arith.constant 3 : i32
      %and3A_95 = vector.broadcast %and3A_94 : i32 to vector<16xi32>
      %and3A_96 = arith.andi %get3A_93, %and3A_95 : vector<16xi32>
      %shift_left3A_97 = arith.constant 5 : i32
      %shift_left3A_98 = vector.broadcast %shift_left3A_97 : i32 to vector<16xi32>
      %shift_left3A_99 = arith.shli %and3A_96, %shift_left3A_98 : vector<16xi32>
      %add3A_100 = vector.broadcast %add3A_39 : i32 to vector<16xi32>
      %add3A_101 = arith.addi %shift_left3A_99, %add3A_100 : vector<16xi32>
      %gather3A_102 = tpu.vector_load_idx %arg8[%add3A_91, %add3A_101] : memref<256x128xf32, #tpu.memory_space<vmem>>[vector<16xi32>, vector<16xi32>], vector<16xf32>,
      %swap3A_103 = arith.index_cast %add3A_39 : i32 to index
      %swap3A_104 = arith.constant 304 : index
      %swap3A_105 = tpu.vector_load %arg9[%swap3A_103, %swap3A_104] {strides = array<i32>} : memref<32x512xf32, #tpu.memory_space<vmem>>, vector<16xf32>,
      tpu.vector_store %arg9[%swap3A_103, %swap3A_104], %gather3A_102 {strides = array<i32>} : memref<32x512xf32, #tpu.memory_space<vmem>>, vector<16xf32>,
      %iota3A_106 = tpu.iota {dimensions = array<i32: 0>} : vector<16xi32>
      %add3A_107 = arith.constant 64 : i32
      %add3A_108 = vector.broadcast %add3A_107 : i32 to vector<16xi32>
      %add3A_109 = arith.addi %iota3A_106, %add3A_108 : vector<16xi32>
      %get3A_110 = arith.constant 320 : index
      %get3A_111 = tpu.vector_load %arg5[%get3A_110] {strides = array<i32>} : memref<512xi32, #tpu.memory_space<vmem>>, vector<16xi32>,
      %and3A_112 = arith.constant 3 : i32
      %and3A_113 = vector.broadcast %and3A_112 : i32 to vector<16xi32>
      %and3A_114 = arith.andi %get3A_111, %and3A_113 : vector<16xi32>
      %shift_left3A_115 = arith.constant 5 : i32
      %shift_left3A_116 = vector.broadcast %shift_left3A_115 : i32 to vector<16xi32>
      %shift_left3A_117 = arith.shli %and3A_114, %shift_left3A_116 : vector<16xi32>
      %add3A_118 = vector.broadcast %add3A_39 : i32 to vector<16xi32>
      %add3A_119 = arith.addi %shift_left3A_117, %add3A_118 : vector<16xi32>
      %gather3A_120 = tpu.vector_load_idx %arg8[%add3A_109, %add3A_119] : memref<256x128xf32, #tpu.memory_space<vmem>>[vector<16xi32>, vector<16xi32>], vector<16xf32>,
      %swap3A_121 = arith.index_cast %add3A_39 : i32 to index
      %swap3A_122 = arith.constant 320 : index
      %swap3A_123 = tpu.vector_load %arg9[%swap3A_121, %swap3A_122] {strides = array<i32>} : memref<32x512xf32, #tpu.memory_space<vmem>>, vector<16xf32>,
      tpu.vector_store %arg9[%swap3A_121, %swap3A_122], %gather3A_120 {strides = array<i32>} : memref<32x512xf32, #tpu.memory_space<vmem>>, vector<16xf32>,
      %iota3A_124 = tpu.iota {dimensions = array<i32: 0>} : vector<16xi32>
      %add3A_125 = arith.constant 80 : i32
      %add3A_126 = vector.broadcast %add3A_125 : i32 to vector<16xi32>
      %add3A_127 = arith.addi %iota3A_124, %add3A_126 : vector<16xi32>
      %get3A_128 = arith.constant 336 : index
      %get3A_129 = tpu.vector_load %arg5[%get3A_128] {strides = array<i32>} : memref<512xi32, #tpu.memory_space<vmem>>, vector<16xi32>,
      %and3A_130 = arith.constant 3 : i32
      %and3A_131 = vector.broadcast %and3A_130 : i32 to vector<16xi32>
      %and3A_132 = arith.andi %get3A_129, %and3A_131 : vector<16xi32>
      %shift_left3A_133 = arith.constant 5 : i32
      %shift_left3A_134 = vector.broadcast %shift_left3A_133 : i32 to vector<16xi32>
      %shift_left3A_135 = arith.shli %and3A_132, %shift_left3A_134 : vector<16xi32>
      %add3A_136 = vector.broadcast %add3A_39 : i32 to vector<16xi32>
      %add3A_137 = arith.addi %shift_left3A_135, %add3A_136 : vector<16xi32>
      %gather3A_138 = tpu.vector_load_idx %arg8[%add3A_127, %add3A_137] : memref<256x128xf32, #tpu.memory_space<vmem>>[vector<16xi32>, vector<16xi32>], vector<16xf32>,
      %swap3A_139 = arith.index_cast %add3A_39 : i32 to index
      %swap3A_140 = arith.constant 336 : index
      %swap3A_141 = tpu.vector_load %arg9[%swap3A_139, %swap3A_140] {strides = array<i32>} : memref<32x512xf32, #tpu.memory_space<vmem>>, vector<16xf32>,
      tpu.vector_store %arg9[%swap3A_139, %swap3A_140], %gather3A_138 {strides = array<i32>} : memref<32x512xf32, #tpu.memory_space<vmem>>, vector<16xf32>,
      %iota3A_142 = tpu.iota {dimensions = array<i32: 0>} : vector<16xi32>
      %add3A_143 = arith.constant 96 : i32
      %add3A_144 = vector.broadcast %add3A_143 : i32 to vector<16xi32>
      %add3A_145 = arith.addi %iota3A_142, %add3A_144 : vector<16xi32>
      %get3A_146 = arith.constant 352 : index
      %get3A_147 = tpu.vector_load %arg5[%get3A_146] {strides = array<i32>} : memref<512xi32, #tpu.memory_space<vmem>>, vector<16xi32>,
      %and3A_148 = arith.constant 3 : i32
      %and3A_149 = vector.broadcast %and3A_148 : i32 to vector<16xi32>
      %and3A_150 = arith.andi %get3A_147, %and3A_149 : vector<16xi32>
      %shift_left3A_151 = arith.constant 5 : i32
      %shift_left3A_152 = vector.broadcast %shift_left3A_151 : i32 to vector<16xi32>
      %shift_left3A_153 = arith.shli %and3A_150, %shift_left3A_152 : vector<16xi32>
      %add3A_154 = vector.broadcast %add3A_39 : i32 to vector<16xi32>
      %add3A_155 = arith.addi %shift_left3A_153, %add3A_154 : vector<16xi32>
      %gather3A_156 = tpu.vector_load_idx %arg8[%add3A_145, %add3A_155] : memref<256x128xf32, #tpu.memory_space<vmem>>[vector<16xi32>, vector<16xi32>], vector<16xf32>,
      %swap3A_157 = arith.index_cast %add3A_39 : i32 to index
      %swap3A_158 = arith.constant 352 : index
      %swap3A_159 = tpu.vector_load %arg9[%swap3A_157, %swap3A_158] {strides = array<i32>} : memref<32x512xf32, #tpu.memory_space<vmem>>, vector<16xf32>,
      tpu.vector_store %arg9[%swap3A_157, %swap3A_158], %gather3A_156 {strides = array<i32>} : memref<32x512xf32, #tpu.memory_space<vmem>>, vector<16xf32>,
      %iota3A_160 = tpu.iota {dimensions = array<i32: 0>} : vector<16xi32>
      %add3A_161 = arith.constant 112 : i32
      %add3A_162 = vector.broadcast %add3A_161 : i32 to vector<16xi32>
      %add3A_163 = arith.addi %iota3A_160, %add3A_162 : vector<16xi32>
      %get3A_164 = arith.constant 368 : index
      %get3A_165 = tpu.vector_load %arg5[%get3A_164] {strides = array<i32>} : memref<512xi32, #tpu.memory_space<vmem>>, vector<16xi32>,
      %and3A_166 = arith.constant 3 : i32
      %and3A_167 = vector.broadcast %and3A_166 : i32 to vector<16xi32>
      %and3A_168 = arith.andi %get3A_165, %and3A_167 : vector<16xi32>
      %shift_left3A_169 = arith.constant 5 : i32
      %shift_left3A_170 = vector.broadcast %shift_left3A_169 : i32 to vector<16xi32>
      %shift_left3A_171 = arith.shli %and3A_168, %shift_left3A_170 : vector<16xi32>
      %add3A_172 = vector.broadcast %add3A_39 : i32 to vector<16xi32>
      %add3A_173 = arith.addi %shift_left3A_171, %add3A_172 : vector<16xi32>
      %gather3A_174 = tpu.vector_load_idx %arg8[%add3A_163, %add3A_173] : memref<256x128xf32, #tpu.memory_space<vmem>>[vector<16xi32>, vector<16xi32>], vector<16xf32>,
      %swap3A_175 = arith.index_cast %add3A_39 : i32 to index
      %swap3A_176 = arith.constant 368 : index
      %swap3A_177 = tpu.vector_load %arg9[%swap3A_175, %swap3A_176] {strides = array<i32>} : memref<32x512xf32, #tpu.memory_space<vmem>>, vector<16xf32>,
      tpu.vector_store %arg9[%swap3A_175, %swap3A_176], %gather3A_174 {strides = array<i32>} : memref<32x512xf32, #tpu.memory_space<vmem>>, vector<16xf32>,
      %iota3A_178 = tpu.iota {dimensions = array<i32: 0>} : vector<16xi32>
      %add3A_179 = arith.constant 128 : i32
      %add3A_180 = vector.broadcast %add3A_179 : i32 to vector<16xi32>
      %add3A_181 = arith.addi %iota3A_178, %add3A_180 : vector<16xi32>
      %get3A_182 = arith.constant 384 : index
      %get3A_183 = tpu.vector_load %arg5[%get3A_182] {strides = array<i32>} : memref<512xi32, #tpu.memory_space<vmem>>, vector<16xi32>,
      %and3A_184 = arith.constant 3 : i32
      %and3A_185 = vector.broadcast %and3A_184 : i32 to vector<16xi32>
      %and3A_186 = arith.andi %get3A_183, %and3A_185 : vector<16xi32>
      %shift_left3A_187 = arith.constant 5 : i32
      %shift_left3A_188 = vector.broadcast %shift_left3A_187 : i32 to vector<16xi32>
      %shift_left3A_189 = arith.shli %and3A_186, %shift_left3A_188 : vector<16xi32>
      %add3A_190 = vector.broadcast %add3A_39 : i32 to vector<16xi32>
      %add3A_191 = arith.addi %shift_left3A_189, %add3A_190 : vector<16xi32>
      %gather3A_192 = tpu.vector_load_idx %arg8[%add3A_181, %add3A_191] : memref<256x128xf32, #tpu.memory_space<vmem>>[vector<16xi32>, vector<16xi32>], vector<16xf32>,
      %swap3A_193 = arith.index_cast %add3A_39 : i32 to index
      %swap3A_194 = arith.constant 384 : index
      %swap3A_195 = tpu.vector_load %arg9[%swap3A_193, %swap3A_194] {strides = array<i32>} : memref<32x512xf32, #tpu.memory_space<vmem>>, vector<16xf32>,
      tpu.vector_store %arg9[%swap3A_193, %swap3A_194], %gather3A_192 {strides = array<i32>} : memref<32x512xf32, #tpu.memory_space<vmem>>, vector<16xf32>,
      %iota3A_196 = tpu.iota {dimensions = array<i32: 0>} : vector<16xi32>
      %add3A_197 = arith.constant 144 : i32
      %add3A_198 = vector.broadcast %add3A_197 : i32 to vector<16xi32>
      %add3A_199 = arith.addi %iota3A_196, %add3A_198 : vector<16xi32>
      %get3A_200 = arith.constant 400 : index
      %get3A_201 = tpu.vector_load %arg5[%get3A_200] {strides = array<i32>} : memref<512xi32, #tpu.memory_space<vmem>>, vector<16xi32>,
      %and3A_202 = arith.constant 3 : i32
      %and3A_203 = vector.broadcast %and3A_202 : i32 to vector<16xi32>
      %and3A_204 = arith.andi %get3A_201, %and3A_203 : vector<16xi32>
      %shift_left3A_205 = arith.constant 5 : i32
      %shift_left3A_206 = vector.broadcast %shift_left3A_205 : i32 to vector<16xi32>
      %shift_left3A_207 = arith.shli %and3A_204, %shift_left3A_206 : vector<16xi32>
      %add3A_208 = vector.broadcast %add3A_39 : i32 to vector<16xi32>
      %add3A_209 = arith.addi %shift_left3A_207, %add3A_208 : vector<16xi32>
      %gather3A_210 = tpu.vector_load_idx %arg8[%add3A_199, %add3A_209] : memref<256x128xf32, #tpu.memory_space<vmem>>[vector<16xi32>, vector<16xi32>], vector<16xf32>,
      %swap3A_211 = arith.index_cast %add3A_39 : i32 to index
      %swap3A_212 = arith.constant 400 : index
      %swap3A_213 = tpu.vector_load %arg9[%swap3A_211, %swap3A_212] {strides = array<i32>} : memref<32x512xf32, #tpu.memory_space<vmem>>, vector<16xf32>,
      tpu.vector_store %arg9[%swap3A_211, %swap3A_212], %gather3A_210 {strides = array<i32>} : memref<32x512xf32, #tpu.memory_space<vmem>>, vector<16xf32>,
      %iota3A_214 = tpu.iota {dimensions = array<i32: 0>} : vector<16xi32>
      %add3A_215 = arith.constant 160 : i32
      %add3A_216 = vector.broadcast %add3A_215 : i32 to vector<16xi32>
      %add3A_217 = arith.addi %iota3A_214, %add3A_216 : vector<16xi32>
      %get3A_218 = arith.constant 416 : index
      %get3A_219 = tpu.vector_load %arg5[%get3A_218] {strides = array<i32>} : memref<512xi32, #tpu.memory_space<vmem>>, vector<16xi32>,
      %and3A_220 = arith.constant 3 : i32
      %and3A_221 = vector.broadcast %and3A_220 : i32 to vector<16xi32>
      %and3A_222 = arith.andi %get3A_219, %and3A_221 : vector<16xi32>
      %shift_left3A_223 = arith.constant 5 : i32
      %shift_left3A_224 = vector.broadcast %shift_left3A_223 : i32 to vector<16xi32>
      %shift_left3A_225 = arith.shli %and3A_222, %shift_left3A_224 : vector<16xi32>
      %add3A_226 = vector.broadcast %add3A_39 : i32 to vector<16xi32>
      %add3A_227 = arith.addi %shift_left3A_225, %add3A_226 : vector<16xi32>
      %gather3A_228 = tpu.vector_load_idx %arg8[%add3A_217, %add3A_227] : memref<256x128xf32, #tpu.memory_space<vmem>>[vector<16xi32>, vector<16xi32>], vector<16xf32>,
      %swap3A_229 = arith.index_cast %add3A_39 : i32 to index
      %swap3A_230 = arith.constant 416 : index
      %swap3A_231 = tpu.vector_load %arg9[%swap3A_229, %swap3A_230] {strides = array<i32>} : memref<32x512xf32, #tpu.memory_space<vmem>>, vector<16xf32>,
      tpu.vector_store %arg9[%swap3A_229, %swap3A_230], %gather3A_228 {strides = array<i32>} : memref<32x512xf32, #tpu.memory_space<vmem>>, vector<16xf32>,
      %iota3A_232 = tpu.iota {dimensions = array<i32: 0>} : vector<16xi32>
      %add3A_233 = arith.constant 176 : i32
      %add3A_234 = vector.broadcast %add3A_233 : i32 to vector<16xi32>
      %add3A_235 = arith.addi %iota3A_232, %add3A_234 : vector<16xi32>
      %get3A_236 = arith.constant 432 : index
      %get3A_237 = tpu.vector_load %arg5[%get3A_236] {strides = array<i32>} : memref<512xi32, #tpu.memory_space<vmem>>, vector<16xi32>,
      %and3A_238 = arith.constant 3 : i32
      %and3A_239 = vector.broadcast %and3A_238 : i32 to vector<16xi32>
      %and3A_240 = arith.andi %get3A_237, %and3A_239 : vector<16xi32>
      %shift_left3A_241 = arith.constant 5 : i32
      %shift_left3A_242 = vector.broadcast %shift_left3A_241 : i32 to vector<16xi32>
      %shift_left3A_243 = arith.shli %and3A_240, %shift_left3A_242 : vector<16xi32>
      %add3A_244 = vector.broadcast %add3A_39 : i32 to vector<16xi32>
      %add3A_245 = arith.addi %shift_left3A_243, %add3A_244 : vector<16xi32>
      %gather3A_246 = tpu.vector_load_idx %arg8[%add3A_235, %add3A_245] : memref<256x128xf32, #tpu.memory_space<vmem>>[vector<16xi32>, vector<16xi32>], vector<16xf32>,
      %swap3A_247 = arith.index_cast %add3A_39 : i32 to index
      %swap3A_248 = arith.constant 432 : index
      %swap3A_249 = tpu.vector_load %arg9[%swap3A_247, %swap3A_248] {strides = array<i32>} : memref<32x512xf32, #tpu.memory_space<vmem>>, vector<16xf32>,
      tpu.vector_store %arg9[%swap3A_247, %swap3A_248], %gather3A_246 {strides = array<i32>} : memref<32x512xf32, #tpu.memory_space<vmem>>, vector<16xf32>,
      %iota3A_250 = tpu.iota {dimensions = array<i32: 0>} : vector<16xi32>
      %add3A_251 = arith.constant 192 : i32
      %add3A_252 = vector.broadcast %add3A_251 : i32 to vector<16xi32>
      %add3A_253 = arith.addi %iota3A_250, %add3A_252 : vector<16xi32>
      %get3A_254 = arith.constant 448 : index
      %get3A_255 = tpu.vector_load %arg5[%get3A_254] {strides = array<i32>} : memref<512xi32, #tpu.memory_space<vmem>>, vector<16xi32>,
      %and3A_256 = arith.constant 3 : i32
      %and3A_257 = vector.broadcast %and3A_256 : i32 to vector<16xi32>
      %and3A_258 = arith.andi %get3A_255, %and3A_257 : vector<16xi32>
      %shift_left3A_259 = arith.constant 5 : i32
      %shift_left3A_260 = vector.broadcast %shift_left3A_259 : i32 to vector<16xi32>
      %shift_left3A_261 = arith.shli %and3A_258, %shift_left3A_260 : vector<16xi32>
      %add3A_262 = vector.broadcast %add3A_39 : i32 to vector<16xi32>
      %add3A_263 = arith.addi %shift_left3A_261, %add3A_262 : vector<16xi32>
      %gather3A_264 = tpu.vector_load_idx %arg8[%add3A_253, %add3A_263] : memref<256x128xf32, #tpu.memory_space<vmem>>[vector<16xi32>, vector<16xi32>], vector<16xf32>,
      %swap3A_265 = arith.index_cast %add3A_39 : i32 to index
      %swap3A_266 = arith.constant 448 : index
      %swap3A_267 = tpu.vector_load %arg9[%swap3A_265, %swap3A_266] {strides = array<i32>} : memref<32x512xf32, #tpu.memory_space<vmem>>, vector<16xf32>,
      tpu.vector_store %arg9[%swap3A_265, %swap3A_266], %gather3A_264 {strides = array<i32>} : memref<32x512xf32, #tpu.memory_space<vmem>>, vector<16xf32>,
      %iota3A_268 = tpu.iota {dimensions = array<i32: 0>} : vector<16xi32>
      %add3A_269 = arith.constant 208 : i32
      %add3A_270 = vector.broadcast %add3A_269 : i32 to vector<16xi32>
      %add3A_271 = arith.addi %iota3A_268, %add3A_270 : vector<16xi32>
      %get3A_272 = arith.constant 464 : index
      %get3A_273 = tpu.vector_load %arg5[%get3A_272] {strides = array<i32>} : memref<512xi32, #tpu.memory_space<vmem>>, vector<16xi32>,
      %and3A_274 = arith.constant 3 : i32
      %and3A_275 = vector.broadcast %and3A_274 : i32 to vector<16xi32>
      %and3A_276 = arith.andi %get3A_273, %and3A_275 : vector<16xi32>
      %shift_left3A_277 = arith.constant 5 : i32
      %shift_left3A_278 = vector.broadcast %shift_left3A_277 : i32 to vector<16xi32>
      %shift_left3A_279 = arith.shli %and3A_276, %shift_left3A_278 : vector<16xi32>
      %add3A_280 = vector.broadcast %add3A_39 : i32 to vector<16xi32>
      %add3A_281 = arith.addi %shift_left3A_279, %add3A_280 : vector<16xi32>
      %gather3A_282 = tpu.vector_load_idx %arg8[%add3A_271, %add3A_281] : memref<256x128xf32, #tpu.memory_space<vmem>>[vector<16xi32>, vector<16xi32>], vector<16xf32>,
      %swap3A_283 = arith.index_cast %add3A_39 : i32 to index
      %swap3A_284 = arith.constant 464 : index
      %swap3A_285 = tpu.vector_load %arg9[%swap3A_283, %swap3A_284] {strides = array<i32>} : memref<32x512xf32, #tpu.memory_space<vmem>>, vector<16xf32>,
      tpu.vector_store %arg9[%swap3A_283, %swap3A_284], %gather3A_282 {strides = array<i32>} : memref<32x512xf32, #tpu.memory_space<vmem>>, vector<16xf32>,
      %iota3A_286 = tpu.iota {dimensions = array<i32: 0>} : vector<16xi32>
      %add3A_287 = arith.constant 224 : i32
      %add3A_288 = vector.broadcast %add3A_287 : i32 to vector<16xi32>
      %add3A_289 = arith.addi %iota3A_286, %add3A_288 : vector<16xi32>
      %get3A_290 = arith.constant 480 : index
      %get3A_291 = tpu.vector_load %arg5[%get3A_290] {strides = array<i32>} : memref<512xi32, #tpu.memory_space<vmem>>, vector<16xi32>,
      %and3A_292 = arith.constant 3 : i32
      %and3A_293 = vector.broadcast %and3A_292 : i32 to vector<16xi32>
      %and3A_294 = arith.andi %get3A_291, %and3A_293 : vector<16xi32>
      %shift_left3A_295 = arith.constant 5 : i32
      %shift_left3A_296 = vector.broadcast %shift_left3A_295 : i32 to vector<16xi32>
      %shift_left3A_297 = arith.shli %and3A_294, %shift_left3A_296 : vector<16xi32>
      %add3A_298 = vector.broadcast %add3A_39 : i32 to vector<16xi32>
      %add3A_299 = arith.addi %shift_left3A_297, %add3A_298 : vector<16xi32>
      %gather3A_300 = tpu.vector_load_idx %arg8[%add3A_289, %add3A_299] : memref<256x128xf32, #tpu.memory_space<vmem>>[vector<16xi32>, vector<16xi32>], vector<16xf32>,
      %swap3A_301 = arith.index_cast %add3A_39 : i32 to index
      %swap3A_302 = arith.constant 480 : index
      %swap3A_303 = tpu.vector_load %arg9[%swap3A_301, %swap3A_302] {strides = array<i32>} : memref<32x512xf32, #tpu.memory_space<vmem>>, vector<16xf32>,
      tpu.vector_store %arg9[%swap3A_301, %swap3A_302], %gather3A_300 {strides = array<i32>} : memref<32x512xf32, #tpu.memory_space<vmem>>, vector<16xf32>,
      %iota3A_304 = tpu.iota {dimensions = array<i32: 0>} : vector<16xi32>
      %add3A_305 = arith.constant 240 : i32
      %add3A_306 = vector.broadcast %add3A_305 : i32 to vector<16xi32>
      %add3A_307 = arith.addi %iota3A_304, %add3A_306 : vector<16xi32>
      %get3A_308 = arith.constant 496 : index
      %get3A_309 = tpu.vector_load %arg5[%get3A_308] {strides = array<i32>} : memref<512xi32, #tpu.memory_space<vmem>>, vector<16xi32>,
      %and3A_310 = arith.constant 3 : i32
      %and3A_311 = vector.broadcast %and3A_310 : i32 to vector<16xi32>
      %and3A_312 = arith.andi %get3A_309, %and3A_311 : vector<16xi32>
      %shift_left3A_313 = arith.constant 5 : i32
      %shift_left3A_314 = vector.broadcast %shift_left3A_313 : i32 to vector<16xi32>
      %shift_left3A_315 = arith.shli %and3A_312, %shift_left3A_314 : vector<16xi32>
      %add3A_316 = vector.broadcast %add3A_39 : i32 to vector<16xi32>
      %add3A_317 = arith.addi %shift_left3A_315, %add3A_316 : vector<16xi32>
      %gather3A_318 = tpu.vector_load_idx %arg8[%add3A_307, %add3A_317] : memref<256x128xf32, #tpu.memory_space<vmem>>[vector<16xi32>, vector<16xi32>], vector<16xf32>,
      %swap3A_319 = arith.index_cast %add3A_39 : i32 to index
      %swap3A_320 = arith.constant 496 : index
      %swap3A_321 = tpu.vector_load %arg9[%swap3A_319, %swap3A_320] {strides = array<i32>} : memref<32x512xf32, #tpu.memory_space<vmem>>, vector<16xf32>,
      tpu.vector_store %arg9[%swap3A_319, %swap3A_320], %gather3A_318 {strides = array<i32>} : memref<32x512xf32, #tpu.memory_space<vmem>>, vector<16xf32>,
    }
    %scan3A_34 = arith.constant 32 : i32
    "tpu.region"() ({
      %run_scoped3A = tpu.sem_alloc : memref<!tpu.dma_semaphore, #tpu.memory_space<semaphore_mem>>
      %dma_start3A_35 = arith.constant 0 : i32
      %dma_start3A_36 = tpu.memref_slice %arg4[%dma_start3A_35, %mul3A_2] : memref<32x16384xf32, #tpu.memory_space<hbm>> -> memref<32x512xf32, #tpu.memory_space<hbm>>
      %dma_start3A_37 = arith.constant 0 : i32
      %dma_start3A_38 = tpu.memref_slice %arg4[%dma_start3A_37, %mul3A_2] : memref<32x16384xf32, #tpu.memory_space<hbm>> -> memref<32x512xf32, #tpu.memory_space<hbm>>
      tpu.enqueue_dma source(%arg9 : memref<32x512xf32, #tpu.memory_space<vmem>>) target(%dma_start3A_38 : memref<32x512xf32, #tpu.memory_space<hbm>>) target_semaphore(%run_scoped3A : memref<!tpu.dma_semaphore, #tpu.memory_space<semaphore_mem>>)
      %dma_wait3A_39 = arith.constant 0 : i32
      %dma_wait3A_40 = tpu.memref_slice %arg4[%dma_wait3A_39, %mul3A_2] : memref<32x16384xf32, #tpu.memory_space<hbm>> -> memref<32x512xf32, #tpu.memory_space<hbm>>
      %dma_wait3A_41 = arith.constant 0 : i32
      %dma_wait3A_42 = tpu.memref_slice %arg4[%dma_wait3A_41, %mul3A_2] : memref<32x16384xf32, #tpu.memory_space<hbm>> -> memref<32x512xf32, #tpu.memory_space<hbm>>
      tpu.wait_dma2 semaphore(%run_scoped3A : memref<!tpu.dma_semaphore, #tpu.memory_space<semaphore_mem>>) src(%arg9 : memref<32x512xf32, #tpu.memory_space<vmem>>) dst(%dma_wait3A_42 : memref<32x512xf32, #tpu.memory_space<hbm>>)
      tpu.yield
    }) : () -> ()
    return
  }
}

#map = affine_map<(d0, d1) -> (0)>
#map1 = affine_map<(d0, d1) -> (0, 0)>
module attributes {stable_mosaic.version = 14 : i64} {
  func.func @packed_gather(%arg0: i32, %arg1: i32, %arg2: memref<16384xi32, #tpu.memory_space<hbm>>, %arg3: memref<250x128xf32, #tpu.memory_space<hbm>>, %arg4: memref<32x16384xf32, #tpu.memory_space<hbm>>, %arg5: memref<512xi32, #tpu.memory_space<vmem>>, %arg6: memref<512xi32, #tpu.memory_space<vmem>>, %arg7: memref<256x128xf32, #tpu.memory_space<vmem>>, %arg8: memref<256x128xf32, #tpu.memory_space<vmem>>, %arg9: memref<32x512xf32, #tpu.memory_space<vmem>>, %arg10: memref<!tpu.dma_semaphore, #tpu.memory_space<semaphore_mem>>, %arg11: memref<!tpu.dma_semaphore, #tpu.memory_space<semaphore_mem>>) attributes {dimension_semantics = [#tpu.dimension_semantics<core_parallel>, #tpu.dimension_semantics<subcore_parallel>], iteration_bounds = array<i64: 2, 16>, scalar_prefetch = 0 : i64, scratch_operands = 7 : i64, tpu.core_type = #tpu.core_type<sc_vector_subcore>, window_params = [{transform_indices = #map}, {transform_indices = #map1}, {transform_indices = #map1}]} {
    %mul3A = arith.constant 2 : i32
    %mul3A_0 = arith.muli %arg1, %mul3A : i32
    %add3A = arith.addi %mul3A_0, %arg0 : i32
    %mul3A_1 = arith.constant 512 : i32
    %mul3A_2 = arith.muli %add3A, %mul3A_1 : i32
    "tpu.region"() ({
      %run_scoped3A = tpu.sem_alloc : memref<!tpu.dma_semaphore, #tpu.memory_space<semaphore_mem>>
      %dma_start3A_35 = tpu.memref_slice %arg2[%mul3A_2] : memref<16384xi32, #tpu.memory_space<hbm>> -> memref<512xi32, #tpu.memory_space<hbm>>
      %dma_start3A_36 = tpu.memref_slice %arg2[%mul3A_2] : memref<16384xi32, #tpu.memory_space<hbm>> -> memref<512xi32, #tpu.memory_space<hbm>>
      tpu.enqueue_dma source(%dma_start3A_36 : memref<512xi32, #tpu.memory_space<hbm>>) target(%arg5 : memref<512xi32, #tpu.memory_space<vmem>>) target_semaphore(%run_scoped3A : memref<!tpu.dma_semaphore, #tpu.memory_space<semaphore_mem>>)
      %dma_wait3A_37 = tpu.memref_slice %arg2[%mul3A_2] : memref<16384xi32, #tpu.memory_space<hbm>> -> memref<512xi32, #tpu.memory_space<hbm>>
      %dma_wait3A_38 = tpu.memref_slice %arg2[%mul3A_2] : memref<16384xi32, #tpu.memory_space<hbm>> -> memref<512xi32, #tpu.memory_space<hbm>>
      tpu.wait_dma2 semaphore(%run_scoped3A : memref<!tpu.dma_semaphore, #tpu.memory_space<semaphore_mem>>) src(%dma_wait3A_38 : memref<512xi32, #tpu.memory_space<hbm>>) dst(%arg5 : memref<512xi32, #tpu.memory_space<vmem>>)
      tpu.yield
    }) : () -> ()
    %scan3A = arith.constant 0 : i32
    %scan3A_3 = arith.constant 32 : i32
    %scan3A_4 = arith.addi %scan3A, %scan3A_3 : i32
    %scan3A_5 = arith.constant 1 : i32
    scf.for %scan3A_35 = %scan3A to %scan3A_4 step %scan3A_5  : i32 {
      %mul3A_36 = arith.constant 1 : i32
      %mul3A_37 = arith.muli %scan3A_35, %mul3A_36 : i32
      %add3A_38 = arith.constant 0 : i32
      %add3A_39 = arith.addi %add3A_38, %mul3A_37 : i32
      %mul3A_40 = arith.constant 16 : i32
      %mul3A_41 = arith.muli %add3A_39, %mul3A_40 : i32
      %get3A = arith.index_cast %mul3A_41 : i32 to index
      %get3A_42 = tpu.vector_load %arg5[%get3A] {strides = array<i32>} : memref<512xi32, #tpu.memory_space<vmem>>, vector<16xi32>,
      %shift_right_logical3A = arith.constant 2 : i32
      %shift_right_logical3A_43 = vector.broadcast %shift_right_logical3A : i32 to vector<16xi32>
      %shift_right_logical3A_44 = arith.shrui %get3A_42, %shift_right_logical3A_43 : vector<16xi32>
      %mul3A_45 = arith.constant 16 : i32
      %mul3A_46 = arith.muli %add3A_39, %mul3A_45 : i32
      %swap3A = arith.index_cast %mul3A_46 : i32 to index
      %swap3A_47 = tpu.vector_load %arg6[%swap3A] {strides = array<i32>} : memref<512xi32, #tpu.memory_space<vmem>>, vector<16xi32>,
      tpu.vector_store %arg6[%swap3A], %shift_right_logical3A_44 {strides = array<i32>} : memref<512xi32, #tpu.memory_space<vmem>>, vector<16xi32>,
    }
    %scan3A_6 = arith.constant 32 : i32
    %dma_start3A = arith.constant 0 : i32
    %dma_start3A_7 = tpu.memref_slice %arg6[%dma_start3A] : memref<512xi32, #tpu.memory_space<vmem>> -> memref<256xi32, #tpu.memory_space<vmem>>
    %dma_start3A_8 = arith.constant 0 : i32
    %dma_start3A_9 = arith.constant 0 : i32
    %dma_start3A_10 = tpu.memref_slice %arg3[%dma_start3A_8, %dma_start3A_9] : memref<250x128xf32, #tpu.memory_space<hbm>> -> memref<250x128xf32, #tpu.memory_space<hbm>>
    tpu.enqueue_indirect_dma source(%dma_start3A_10 : memref<250x128xf32, #tpu.memory_space<hbm>>) target(%arg7 : memref<256x128xf32, #tpu.memory_space<vmem>>) offsets(%dma_start3A_7 : memref<256xi32, #tpu.memory_space<vmem>>) semaphore(%arg10 : memref<!tpu.dma_semaphore, #tpu.memory_space<semaphore_mem>>)
    %dma_start3A_11 = arith.constant 256 : i32
    %dma_start3A_12 = tpu.memref_slice %arg6[%dma_start3A_11] : memref<512xi32, #tpu.memory_space<vmem>> -> memref<256xi32, #tpu.memory_space<vmem>>
    %dma_start3A_13 = arith.constant 0 : i32
    %dma_start3A_14 = arith.constant 0 : i32
    %dma_start3A_15 = tpu.memref_slice %arg3[%dma_start3A_13, %dma_start3A_14] : memref<250x128xf32, #tpu.memory_space<hbm>> -> memref<250x128xf32, #tpu.memory_space<hbm>>
    tpu.enqueue_indirect_dma source(%dma_start3A_15 : memref<250x128xf32, #tpu.memory_space<hbm>>) target(%arg8 : memref<256x128xf32, #tpu.memory_space<vmem>>) offsets(%dma_start3A_12 : memref<256xi32, #tpu.memory_space<vmem>>) semaphore(%arg11 : memref<!tpu.dma_semaphore, #tpu.memory_space<semaphore_mem>>)
    %dma_wait3A = arith.constant 0 : i32
    %dma_wait3A_16 = tpu.memref_slice %arg6[%dma_wait3A] : memref<512xi32, #tpu.memory_space<vmem>> -> memref<256xi32, #tpu.memory_space<vmem>>
    %dma_wait3A_17 = arith.constant 0 : i32
    %dma_wait3A_18 = arith.constant 0 : i32
    %dma_wait3A_19 = tpu.memref_slice %arg3[%dma_wait3A_17, %dma_wait3A_18] : memref<250x128xf32, #tpu.memory_space<hbm>> -> memref<250x128xf32, #tpu.memory_space<hbm>>
    tpu.wait_indirect_dma semaphore(%arg10 : memref<!tpu.dma_semaphore, #tpu.memory_space<semaphore_mem>>) src(%dma_wait3A_19 : memref<250x128xf32, #tpu.memory_space<hbm>>) dst(%arg7 : memref<256x128xf32, #tpu.memory_space<vmem>>)
    %scan3A_20 = arith.constant 0 : i32
    %scan3A_21 = arith.constant 32 : i32
    %scan3A_22 = arith.addi %scan3A_20, %scan3A_21 : i32
    %scan3A_23 = arith.constant 1 : i32
    scf.for %scan3A_35 = %scan3A_20 to %scan3A_22 step %scan3A_23  : i32 {
      %mul3A_36 = arith.constant 1 : i32
      %mul3A_37 = arith.muli %scan3A_35, %mul3A_36 : i32
      %add3A_38 = arith.constant 0 : i32
      %add3A_39 = arith.addi %add3A_38, %mul3A_37 : i32
      %iota3A = tpu.iota {dimensions = array<i32: 0>} : vector<16xi32>
      %add3A_40 = arith.constant 0 : i32
      %add3A_41 = vector.broadcast %add3A_40 : i32 to vector<16xi32>
      %add3A_42 = arith.addi %iota3A, %add3A_41 : vector<16xi32>
      %get3A = arith.constant 0 : index
      %get3A_43 = tpu.vector_load %arg5[%get3A] {strides = array<i32>} : memref<512xi32, #tpu.memory_space<vmem>>, vector<16xi32>,
      %and3A = arith.constant 3 : i32
      %and3A_44 = vector.broadcast %and3A : i32 to vector<16xi32>
      %and3A_45 = arith.andi %get3A_43, %and3A_44 : vector<16xi32>
      %shift_left3A = arith.constant 5 : i32
      %shift_left3A_46 = vector.broadcast %shift_left3A : i32 to vector<16xi32>
      %shift_left3A_47 = arith.shli %and3A_45, %shift_left3A_46 : vector<16xi32>
      %add3A_48 = vector.broadcast %add3A_39 : i32 to vector<16xi32>
      %add3A_49 = arith.addi %shift_left3A_47, %add3A_48 : vector<16xi32>
      %gather3A = tpu.vector_load_idx %arg7[%add3A_42, %add3A_49] : memref<256x128xf32, #tpu.memory_space<vmem>>[vector<16xi32>, vector<16xi32>], vector<16xf32>,
      %swap3A = arith.index_cast %add3A_39 : i32 to index
      %swap3A_50 = arith.constant 0 : index
      %swap3A_51 = tpu.vector_load %arg9[%swap3A, %swap3A_50] {strides = array<i32>} : memref<32x512xf32, #tpu.memory_space<vmem>>, vector<16xf32>,
      tpu.vector_store %arg9[%swap3A, %swap3A_50], %gather3A {strides = array<i32>} : memref<32x512xf32, #tpu.memory_space<vmem>>, vector<16xf32>,
      %iota3A_52 = tpu.iota {dimensions = array<i32: 0>} : vector<16xi32>
      %add3A_53 = arith.constant 16 : i32
      %add3A_54 = vector.broadcast %add3A_53 : i32 to vector<16xi32>
      %add3A_55 = arith.addi %iota3A_52, %add3A_54 : vector<16xi32>
      %get3A_56 = arith.constant 16 : index
      %get3A_57 = tpu.vector_load %arg5[%get3A_56] {strides = array<i32>} : memref<512xi32, #tpu.memory_space<vmem>>, vector<16xi32>,
      %and3A_58 = arith.constant 3 : i32
      %and3A_59 = vector.broadcast %and3A_58 : i32 to vector<16xi32>
      %and3A_60 = arith.andi %get3A_57, %and3A_59 : vector<16xi32>
      %shift_left3A_61 = arith.constant 5 : i32
      %shift_left3A_62 = vector.broadcast %shift_left3A_61 : i32 to vector<16xi32>
      %shift_left3A_63 = arith.shli %and3A_60, %shift_left3A_62 : vector<16xi32>
      %add3A_64 = vector.broadcast %add3A_39 : i32 to vector<16xi32>
      %add3A_65 = arith.addi %shift_left3A_63, %add3A_64 : vector<16xi32>
      %gather3A_66 = tpu.vector_load_idx %arg7[%add3A_55, %add3A_65] : memref<256x128xf32, #tpu.memory_space<vmem>>[vector<16xi32>, vector<16xi32>], vector<16xf32>,
      %swap3A_67 = arith.index_cast %add3A_39 : i32 to index
      %swap3A_68 = arith.constant 16 : index
      %swap3A_69 = tpu.vector_load %arg9[%swap3A_67, %swap3A_68] {strides = array<i32>} : memref<32x512xf32, #tpu.memory_space<vmem>>, vector<16xf32>,
      tpu.vector_store %arg9[%swap3A_67, %swap3A_68], %gather3A_66 {strides = array<i32>} : memref<32x512xf32, #tpu.memory_space<vmem>>, vector<16xf32>,
      %iota3A_70 = tpu.iota {dimensions = array<i32: 0>} : vector<16xi32>
      %add3A_71 = arith.constant 32 : i32
      %add3A_72 = vector.broadcast %add3A_71 : i32 to vector<16xi32>
      %add3A_73 = arith.addi %iota3A_70, %add3A_72 : vector<16xi32>
      %get3A_74 = arith.constant 32 : index
      %get3A_75 = tpu.vector_load %arg5[%get3A_74] {strides = array<i32>} : memref<512xi32, #tpu.memory_space<vmem>>, vector<16xi32>,
      %and3A_76 = arith.constant 3 : i32
      %and3A_77 = vector.broadcast %and3A_76 : i32 to vector<16xi32>
      %and3A_78 = arith.andi %get3A_75, %and3A_77 : vector<16xi32>
      %shift_left3A_79 = arith.constant 5 : i32
      %shift_left3A_80 = vector.broadcast %shift_left3A_79 : i32 to vector<16xi32>
      %shift_left3A_81 = arith.shli %and3A_78, %shift_left3A_80 : vector<16xi32>
      %add3A_82 = vector.broadcast %add3A_39 : i32 to vector<16xi32>
      %add3A_83 = arith.addi %shift_left3A_81, %add3A_82 : vector<16xi32>
      %gather3A_84 = tpu.vector_load_idx %arg7[%add3A_73, %add3A_83] : memref<256x128xf32, #tpu.memory_space<vmem>>[vector<16xi32>, vector<16xi32>], vector<16xf32>,
      %swap3A_85 = arith.index_cast %add3A_39 : i32 to index
      %swap3A_86 = arith.constant 32 : index
      %swap3A_87 = tpu.vector_load %arg9[%swap3A_85, %swap3A_86] {strides = array<i32>} : memref<32x512xf32, #tpu.memory_space<vmem>>, vector<16xf32>,
      tpu.vector_store %arg9[%swap3A_85, %swap3A_86], %gather3A_84 {strides = array<i32>} : memref<32x512xf32, #tpu.memory_space<vmem>>, vector<16xf32>,
      %iota3A_88 = tpu.iota {dimensions = array<i32: 0>} : vector<16xi32>
      %add3A_89 = arith.constant 48 : i32
      %add3A_90 = vector.broadcast %add3A_89 : i32 to vector<16xi32>
      %add3A_91 = arith.addi %iota3A_88, %add3A_90 : vector<16xi32>
      %get3A_92 = arith.constant 48 : index
      %get3A_93 = tpu.vector_load %arg5[%get3A_92] {strides = array<i32>} : memref<512xi32, #tpu.memory_space<vmem>>, vector<16xi32>,
      %and3A_94 = arith.constant 3 : i32
      %and3A_95 = vector.broadcast %and3A_94 : i32 to vector<16xi32>
      %and3A_96 = arith.andi %get3A_93, %and3A_95 : vector<16xi32>
      %shift_left3A_97 = arith.constant 5 : i32
      %shift_left3A_98 = vector.broadcast %shift_left3A_97 : i32 to vector<16xi32>
      %shift_left3A_99 = arith.shli %and3A_96, %shift_left3A_98 : vector<16xi32>
      %add3A_100 = vector.broadcast %add3A_39 : i32 to vector<16xi32>
      %add3A_101 = arith.addi %shift_left3A_99, %add3A_100 : vector<16xi32>
      %gather3A_102 = tpu.vector_load_idx %arg7[%add3A_91, %add3A_101] : memref<256x128xf32, #tpu.memory_space<vmem>>[vector<16xi32>, vector<16xi32>], vector<16xf32>,
      %swap3A_103 = arith.index_cast %add3A_39 : i32 to index
      %swap3A_104 = arith.constant 48 : index
      %swap3A_105 = tpu.vector_load %arg9[%swap3A_103, %swap3A_104] {strides = array<i32>} : memref<32x512xf32, #tpu.memory_space<vmem>>, vector<16xf32>,
      tpu.vector_store %arg9[%swap3A_103, %swap3A_104], %gather3A_102 {strides = array<i32>} : memref<32x512xf32, #tpu.memory_space<vmem>>, vector<16xf32>,
      %iota3A_106 = tpu.iota {dimensions = array<i32: 0>} : vector<16xi32>
      %add3A_107 = arith.constant 64 : i32
      %add3A_108 = vector.broadcast %add3A_107 : i32 to vector<16xi32>
      %add3A_109 = arith.addi %iota3A_106, %add3A_108 : vector<16xi32>
      %get3A_110 = arith.constant 64 : index
      %get3A_111 = tpu.vector_load %arg5[%get3A_110] {strides = array<i32>} : memref<512xi32, #tpu.memory_space<vmem>>, vector<16xi32>,
      %and3A_112 = arith.constant 3 : i32
      %and3A_113 = vector.broadcast %and3A_112 : i32 to vector<16xi32>
      %and3A_114 = arith.andi %get3A_111, %and3A_113 : vector<16xi32>
      %shift_left3A_115 = arith.constant 5 : i32
      %shift_left3A_116 = vector.broadcast %shift_left3A_115 : i32 to vector<16xi32>
      %shift_left3A_117 = arith.shli %and3A_114, %shift_left3A_116 : vector<16xi32>
      %add3A_118 = vector.broadcast %add3A_39 : i32 to vector<16xi32>
      %add3A_119 = arith.addi %shift_left3A_117, %add3A_118 : vector<16xi32>
      %gather3A_120 = tpu.vector_load_idx %arg7[%add3A_109, %add3A_119] : memref<256x128xf32, #tpu.memory_space<vmem>>[vector<16xi32>, vector<16xi32>], vector<16xf32>,
      %swap3A_121 = arith.index_cast %add3A_39 : i32 to index
      %swap3A_122 = arith.constant 64 : index
      %swap3A_123 = tpu.vector_load %arg9[%swap3A_121, %swap3A_122] {strides = array<i32>} : memref<32x512xf32, #tpu.memory_space<vmem>>, vector<16xf32>,
      tpu.vector_store %arg9[%swap3A_121, %swap3A_122], %gather3A_120 {strides = array<i32>} : memref<32x512xf32, #tpu.memory_space<vmem>>, vector<16xf32>,
      %iota3A_124 = tpu.iota {dimensions = array<i32: 0>} : vector<16xi32>
      %add3A_125 = arith.constant 80 : i32
      %add3A_126 = vector.broadcast %add3A_125 : i32 to vector<16xi32>
      %add3A_127 = arith.addi %iota3A_124, %add3A_126 : vector<16xi32>
      %get3A_128 = arith.constant 80 : index
      %get3A_129 = tpu.vector_load %arg5[%get3A_128] {strides = array<i32>} : memref<512xi32, #tpu.memory_space<vmem>>, vector<16xi32>,
      %and3A_130 = arith.constant 3 : i32
      %and3A_131 = vector.broadcast %and3A_130 : i32 to vector<16xi32>
      %and3A_132 = arith.andi %get3A_129, %and3A_131 : vector<16xi32>
      %shift_left3A_133 = arith.constant 5 : i32
      %shift_left3A_134 = vector.broadcast %shift_left3A_133 : i32 to vector<16xi32>
      %shift_left3A_135 = arith.shli %and3A_132, %shift_left3A_134 : vector<16xi32>
      %add3A_136 = vector.broadcast %add3A_39 : i32 to vector<16xi32>
      %add3A_137 = arith.addi %shift_left3A_135, %add3A_136 : vector<16xi32>
      %gather3A_138 = tpu.vector_load_idx %arg7[%add3A_127, %add3A_137] : memref<256x128xf32, #tpu.memory_space<vmem>>[vector<16xi32>, vector<16xi32>], vector<16xf32>,
      %swap3A_139 = arith.index_cast %add3A_39 : i32 to index
      %swap3A_140 = arith.constant 80 : index
      %swap3A_141 = tpu.vector_load %arg9[%swap3A_139, %swap3A_140] {strides = array<i32>} : memref<32x512xf32, #tpu.memory_space<vmem>>, vector<16xf32>,
      tpu.vector_store %arg9[%swap3A_139, %swap3A_140], %gather3A_138 {strides = array<i32>} : memref<32x512xf32, #tpu.memory_space<vmem>>, vector<16xf32>,
      %iota3A_142 = tpu.iota {dimensions = array<i32: 0>} : vector<16xi32>
      %add3A_143 = arith.constant 96 : i32
      %add3A_144 = vector.broadcast %add3A_143 : i32 to vector<16xi32>
      %add3A_145 = arith.addi %iota3A_142, %add3A_144 : vector<16xi32>
      %get3A_146 = arith.constant 96 : index
      %get3A_147 = tpu.vector_load %arg5[%get3A_146] {strides = array<i32>} : memref<512xi32, #tpu.memory_space<vmem>>, vector<16xi32>,
      %and3A_148 = arith.constant 3 : i32
      %and3A_149 = vector.broadcast %and3A_148 : i32 to vector<16xi32>
      %and3A_150 = arith.andi %get3A_147, %and3A_149 : vector<16xi32>
      %shift_left3A_151 = arith.constant 5 : i32
      %shift_left3A_152 = vector.broadcast %shift_left3A_151 : i32 to vector<16xi32>
      %shift_left3A_153 = arith.shli %and3A_150, %shift_left3A_152 : vector<16xi32>
      %add3A_154 = vector.broadcast %add3A_39 : i32 to vector<16xi32>
      %add3A_155 = arith.addi %shift_left3A_153, %add3A_154 : vector<16xi32>
      %gather3A_156 = tpu.vector_load_idx %arg7[%add3A_145, %add3A_155] : memref<256x128xf32, #tpu.memory_space<vmem>>[vector<16xi32>, vector<16xi32>], vector<16xf32>,
      %swap3A_157 = arith.index_cast %add3A_39 : i32 to index
      %swap3A_158 = arith.constant 96 : index
      %swap3A_159 = tpu.vector_load %arg9[%swap3A_157, %swap3A_158] {strides = array<i32>} : memref<32x512xf32, #tpu.memory_space<vmem>>, vector<16xf32>,
      tpu.vector_store %arg9[%swap3A_157, %swap3A_158], %gather3A_156 {strides = array<i32>} : memref<32x512xf32, #tpu.memory_space<vmem>>, vector<16xf32>,
      %iota3A_160 = tpu.iota {dimensions = array<i32: 0>} : vector<16xi32>
      %add3A_161 = arith.constant 112 : i32
      %add3A_162 = vector.broadcast %add3A_161 : i32 to vector<16xi32>
      %add3A_163 = arith.addi %iota3A_160, %add3A_162 : vector<16xi32>
      %get3A_164 = arith.constant 112 : index
      %get3A_165 = tpu.vector_load %arg5[%get3A_164] {strides = array<i32>} : memref<512xi32, #tpu.memory_space<vmem>>, vector<16xi32>,
      %and3A_166 = arith.constant 3 : i32
      %and3A_167 = vector.broadcast %and3A_166 : i32 to vector<16xi32>
      %and3A_168 = arith.andi %get3A_165, %and3A_167 : vector<16xi32>
      %shift_left3A_169 = arith.constant 5 : i32
      %shift_left3A_170 = vector.broadcast %shift_left3A_169 : i32 to vector<16xi32>
      %shift_left3A_171 = arith.shli %and3A_168, %shift_left3A_170 : vector<16xi32>
      %add3A_172 = vector.broadcast %add3A_39 : i32 to vector<16xi32>
      %add3A_173 = arith.addi %shift_left3A_171, %add3A_172 : vector<16xi32>
      %gather3A_174 = tpu.vector_load_idx %arg7[%add3A_163, %add3A_173] : memref<256x128xf32, #tpu.memory_space<vmem>>[vector<16xi32>, vector<16xi32>], vector<16xf32>,
      %swap3A_175 = arith.index_cast %add3A_39 : i32 to index
      %swap3A_176 = arith.constant 112 : index
      %swap3A_177 = tpu.vector_load %arg9[%swap3A_175, %swap3A_176] {strides = array<i32>} : memref<32x512xf32, #tpu.memory_space<vmem>>, vector<16xf32>,
      tpu.vector_store %arg9[%swap3A_175, %swap3A_176], %gather3A_174 {strides = array<i32>} : memref<32x512xf32, #tpu.memory_space<vmem>>, vector<16xf32>,
      %iota3A_178 = tpu.iota {dimensions = array<i32: 0>} : vector<16xi32>
      %add3A_179 = arith.constant 128 : i32
      %add3A_180 = vector.broadcast %add3A_179 : i32 to vector<16xi32>
      %add3A_181 = arith.addi %iota3A_178, %add3A_180 : vector<16xi32>
      %get3A_182 = arith.constant 128 : index
      %get3A_183 = tpu.vector_load %arg5[%get3A_182] {strides = array<i32>} : memref<512xi32, #tpu.memory_space<vmem>>, vector<16xi32>,
      %and3A_184 = arith.constant 3 : i32
      %and3A_185 = vector.broadcast %and3A_184 : i32 to vector<16xi32>
      %and3A_186 = arith.andi %get3A_183, %and3A_185 : vector<16xi32>
      %shift_left3A_187 = arith.constant 5 : i32
      %shift_left3A_188 = vector.broadcast %shift_left3A_187 : i32 to vector<16xi32>
      %shift_left3A_189 = arith.shli %and3A_186, %shift_left3A_188 : vector<16xi32>
      %add3A_190 = vector.broadcast %add3A_39 : i32 to vector<16xi32>
      %add3A_191 = arith.addi %shift_left3A_189, %add3A_190 : vector<16xi32>
      %gather3A_192 = tpu.vector_load_idx %arg7[%add3A_181, %add3A_191] : memref<256x128xf32, #tpu.memory_space<vmem>>[vector<16xi32>, vector<16xi32>], vector<16xf32>,
      %swap3A_193 = arith.index_cast %add3A_39 : i32 to index
      %swap3A_194 = arith.constant 128 : index
      %swap3A_195 = tpu.vector_load %arg9[%swap3A_193, %swap3A_194] {strides = array<i32>} : memref<32x512xf32, #tpu.memory_space<vmem>>, vector<16xf32>,
      tpu.vector_store %arg9[%swap3A_193, %swap3A_194], %gather3A_192 {strides = array<i32>} : memref<32x512xf32, #tpu.memory_space<vmem>>, vector<16xf32>,
      %iota3A_196 = tpu.iota {dimensions = array<i32: 0>} : vector<16xi32>
      %add3A_197 = arith.constant 144 : i32
      %add3A_198 = vector.broadcast %add3A_197 : i32 to vector<16xi32>
      %add3A_199 = arith.addi %iota3A_196, %add3A_198 : vector<16xi32>
      %get3A_200 = arith.constant 144 : index
      %get3A_201 = tpu.vector_load %arg5[%get3A_200] {strides = array<i32>} : memref<512xi32, #tpu.memory_space<vmem>>, vector<16xi32>,
      %and3A_202 = arith.constant 3 : i32
      %and3A_203 = vector.broadcast %and3A_202 : i32 to vector<16xi32>
      %and3A_204 = arith.andi %get3A_201, %and3A_203 : vector<16xi32>
      %shift_left3A_205 = arith.constant 5 : i32
      %shift_left3A_206 = vector.broadcast %shift_left3A_205 : i32 to vector<16xi32>
      %shift_left3A_207 = arith.shli %and3A_204, %shift_left3A_206 : vector<16xi32>
      %add3A_208 = vector.broadcast %add3A_39 : i32 to vector<16xi32>
      %add3A_209 = arith.addi %shift_left3A_207, %add3A_208 : vector<16xi32>
      %gather3A_210 = tpu.vector_load_idx %arg7[%add3A_199, %add3A_209] : memref<256x128xf32, #tpu.memory_space<vmem>>[vector<16xi32>, vector<16xi32>], vector<16xf32>,
      %swap3A_211 = arith.index_cast %add3A_39 : i32 to index
      %swap3A_212 = arith.constant 144 : index
      %swap3A_213 = tpu.vector_load %arg9[%swap3A_211, %swap3A_212] {strides = array<i32>} : memref<32x512xf32, #tpu.memory_space<vmem>>, vector<16xf32>,
      tpu.vector_store %arg9[%swap3A_211, %swap3A_212], %gather3A_210 {strides = array<i32>} : memref<32x512xf32, #tpu.memory_space<vmem>>, vector<16xf32>,
      %iota3A_214 = tpu.iota {dimensions = array<i32: 0>} : vector<16xi32>
      %add3A_215 = arith.constant 160 : i32
      %add3A_216 = vector.broadcast %add3A_215 : i32 to vector<16xi32>
      %add3A_217 = arith.addi %iota3A_214, %add3A_216 : vector<16xi32>
      %get3A_218 = arith.constant 160 : index
      %get3A_219 = tpu.vector_load %arg5[%get3A_218] {strides = array<i32>} : memref<512xi32, #tpu.memory_space<vmem>>, vector<16xi32>,
      %and3A_220 = arith.constant 3 : i32
      %and3A_221 = vector.broadcast %and3A_220 : i32 to vector<16xi32>
      %and3A_222 = arith.andi %get3A_219, %and3A_221 : vector<16xi32>
      %shift_left3A_223 = arith.constant 5 : i32
      %shift_left3A_224 = vector.broadcast %shift_left3A_223 : i32 to vector<16xi32>
      %shift_left3A_225 = arith.shli %and3A_222, %shift_left3A_224 : vector<16xi32>
      %add3A_226 = vector.broadcast %add3A_39 : i32 to vector<16xi32>
      %add3A_227 = arith.addi %shift_left3A_225, %add3A_226 : vector<16xi32>
      %gather3A_228 = tpu.vector_load_idx %arg7[%add3A_217, %add3A_227] : memref<256x128xf32, #tpu.memory_space<vmem>>[vector<16xi32>, vector<16xi32>], vector<16xf32>,
      %swap3A_229 = arith.index_cast %add3A_39 : i32 to index
      %swap3A_230 = arith.constant 160 : index
      %swap3A_231 = tpu.vector_load %arg9[%swap3A_229, %swap3A_230] {strides = array<i32>} : memref<32x512xf32, #tpu.memory_space<vmem>>, vector<16xf32>,
      tpu.vector_store %arg9[%swap3A_229, %swap3A_230], %gather3A_228 {strides = array<i32>} : memref<32x512xf32, #tpu.memory_space<vmem>>, vector<16xf32>,
      %iota3A_232 = tpu.iota {dimensions = array<i32: 0>} : vector<16xi32>
      %add3A_233 = arith.constant 176 : i32
      %add3A_234 = vector.broadcast %add3A_233 : i32 to vector<16xi32>
      %add3A_235 = arith.addi %iota3A_232, %add3A_234 : vector<16xi32>
      %get3A_236 = arith.constant 176 : index
      %get3A_237 = tpu.vector_load %arg5[%get3A_236] {strides = array<i32>} : memref<512xi32, #tpu.memory_space<vmem>>, vector<16xi32>,
      %and3A_238 = arith.constant 3 : i32
      %and3A_239 = vector.broadcast %and3A_238 : i32 to vector<16xi32>
      %and3A_240 = arith.andi %get3A_237, %and3A_239 : vector<16xi32>
      %shift_left3A_241 = arith.constant 5 : i32
      %shift_left3A_242 = vector.broadcast %shift_left3A_241 : i32 to vector<16xi32>
      %shift_left3A_243 = arith.shli %and3A_240, %shift_left3A_242 : vector<16xi32>
      %add3A_244 = vector.broadcast %add3A_39 : i32 to vector<16xi32>
      %add3A_245 = arith.addi %shift_left3A_243, %add3A_244 : vector<16xi32>
      %gather3A_246 = tpu.vector_load_idx %arg7[%add3A_235, %add3A_245] : memref<256x128xf32, #tpu.memory_space<vmem>>[vector<16xi32>, vector<16xi32>], vector<16xf32>,
      %swap3A_247 = arith.index_cast %add3A_39 : i32 to index
      %swap3A_248 = arith.constant 176 : index
      %swap3A_249 = tpu.vector_load %arg9[%swap3A_247, %swap3A_248] {strides = array<i32>} : memref<32x512xf32, #tpu.memory_space<vmem>>, vector<16xf32>,
      tpu.vector_store %arg9[%swap3A_247, %swap3A_248], %gather3A_246 {strides = array<i32>} : memref<32x512xf32, #tpu.memory_space<vmem>>, vector<16xf32>,
      %iota3A_250 = tpu.iota {dimensions = array<i32: 0>} : vector<16xi32>
      %add3A_251 = arith.constant 192 : i32
      %add3A_252 = vector.broadcast %add3A_251 : i32 to vector<16xi32>
      %add3A_253 = arith.addi %iota3A_250, %add3A_252 : vector<16xi32>
      %get3A_254 = arith.constant 192 : index
      %get3A_255 = tpu.vector_load %arg5[%get3A_254] {strides = array<i32>} : memref<512xi32, #tpu.memory_space<vmem>>, vector<16xi32>,
      %and3A_256 = arith.constant 3 : i32
      %and3A_257 = vector.broadcast %and3A_256 : i32 to vector<16xi32>
      %and3A_258 = arith.andi %get3A_255, %and3A_257 : vector<16xi32>
      %shift_left3A_259 = arith.constant 5 : i32
      %shift_left3A_260 = vector.broadcast %shift_left3A_259 : i32 to vector<16xi32>
      %shift_left3A_261 = arith.shli %and3A_258, %shift_left3A_260 : vector<16xi32>
      %add3A_262 = vector.broadcast %add3A_39 : i32 to vector<16xi32>
      %add3A_263 = arith.addi %shift_left3A_261, %add3A_262 : vector<16xi32>
      %gather3A_264 = tpu.vector_load_idx %arg7[%add3A_253, %add3A_263] : memref<256x128xf32, #tpu.memory_space<vmem>>[vector<16xi32>, vector<16xi32>], vector<16xf32>,
      %swap3A_265 = arith.index_cast %add3A_39 : i32 to index
      %swap3A_266 = arith.constant 192 : index
      %swap3A_267 = tpu.vector_load %arg9[%swap3A_265, %swap3A_266] {strides = array<i32>} : memref<32x512xf32, #tpu.memory_space<vmem>>, vector<16xf32>,
      tpu.vector_store %arg9[%swap3A_265, %swap3A_266], %gather3A_264 {strides = array<i32>} : memref<32x512xf32, #tpu.memory_space<vmem>>, vector<16xf32>,
      %iota3A_268 = tpu.iota {dimensions = array<i32: 0>} : vector<16xi32>
      %add3A_269 = arith.constant 208 : i32
      %add3A_270 = vector.broadcast %add3A_269 : i32 to vector<16xi32>
      %add3A_271 = arith.addi %iota3A_268, %add3A_270 : vector<16xi32>
      %get3A_272 = arith.constant 208 : index
      %get3A_273 = tpu.vector_load %arg5[%get3A_272] {strides = array<i32>} : memref<512xi32, #tpu.memory_space<vmem>>, vector<16xi32>,
      %and3A_274 = arith.constant 3 : i32
      %and3A_275 = vector.broadcast %and3A_274 : i32 to vector<16xi32>
      %and3A_276 = arith.andi %get3A_273, %and3A_275 : vector<16xi32>
      %shift_left3A_277 = arith.constant 5 : i32
      %shift_left3A_278 = vector.broadcast %shift_left3A_277 : i32 to vector<16xi32>
      %shift_left3A_279 = arith.shli %and3A_276, %shift_left3A_278 : vector<16xi32>
      %add3A_280 = vector.broadcast %add3A_39 : i32 to vector<16xi32>
      %add3A_281 = arith.addi %shift_left3A_279, %add3A_280 : vector<16xi32>
      %gather3A_282 = tpu.vector_load_idx %arg7[%add3A_271, %add3A_281] : memref<256x128xf32, #tpu.memory_space<vmem>>[vector<16xi32>, vector<16xi32>], vector<16xf32>,
      %swap3A_283 = arith.index_cast %add3A_39 : i32 to index
      %swap3A_284 = arith.constant 208 : index
      %swap3A_285 = tpu.vector_load %arg9[%swap3A_283, %swap3A_284] {strides = array<i32>} : memref<32x512xf32, #tpu.memory_space<vmem>>, vector<16xf32>,
      tpu.vector_store %arg9[%swap3A_283, %swap3A_284], %gather3A_282 {strides = array<i32>} : memref<32x512xf32, #tpu.memory_space<vmem>>, vector<16xf32>,
      %iota3A_286 = tpu.iota {dimensions = array<i32: 0>} : vector<16xi32>
      %add3A_287 = arith.constant 224 : i32
      %add3A_288 = vector.broadcast %add3A_287 : i32 to vector<16xi32>
      %add3A_289 = arith.addi %iota3A_286, %add3A_288 : vector<16xi32>
      %get3A_290 = arith.constant 224 : index
      %get3A_291 = tpu.vector_load %arg5[%get3A_290] {strides = array<i32>} : memref<512xi32, #tpu.memory_space<vmem>>, vector<16xi32>,
      %and3A_292 = arith.constant 3 : i32
      %and3A_293 = vector.broadcast %and3A_292 : i32 to vector<16xi32>
      %and3A_294 = arith.andi %get3A_291, %and3A_293 : vector<16xi32>
      %shift_left3A_295 = arith.constant 5 : i32
      %shift_left3A_296 = vector.broadcast %shift_left3A_295 : i32 to vector<16xi32>
      %shift_left3A_297 = arith.shli %and3A_294, %shift_left3A_296 : vector<16xi32>
      %add3A_298 = vector.broadcast %add3A_39 : i32 to vector<16xi32>
      %add3A_299 = arith.addi %shift_left3A_297, %add3A_298 : vector<16xi32>
      %gather3A_300 = tpu.vector_load_idx %arg7[%add3A_289, %add3A_299] : memref<256x128xf32, #tpu.memory_space<vmem>>[vector<16xi32>, vector<16xi32>], vector<16xf32>,
      %swap3A_301 = arith.index_cast %add3A_39 : i32 to index
      %swap3A_302 = arith.constant 224 : index
      %swap3A_303 = tpu.vector_load %arg9[%swap3A_301, %swap3A_302] {strides = array<i32>} : memref<32x512xf32, #tpu.memory_space<vmem>>, vector<16xf32>,
      tpu.vector_store %arg9[%swap3A_301, %swap3A_302], %gather3A_300 {strides = array<i32>} : memref<32x512xf32, #tpu.memory_space<vmem>>, vector<16xf32>,
      %iota3A_304 = tpu.iota {dimensions = array<i32: 0>} : vector<16xi32>
      %add3A_305 = arith.constant 240 : i32
      %add3A_306 = vector.broadcast %add3A_305 : i32 to vector<16xi32>
      %add3A_307 = arith.addi %iota3A_304, %add3A_306 : vector<16xi32>
      %get3A_308 = arith.constant 240 : index
      %get3A_309 = tpu.vector_load %arg5[%get3A_308] {strides = array<i32>} : memref<512xi32, #tpu.memory_space<vmem>>, vector<16xi32>,
      %and3A_310 = arith.constant 3 : i32
      %and3A_311 = vector.broadcast %and3A_310 : i32 to vector<16xi32>
      %and3A_312 = arith.andi %get3A_309, %and3A_311 : vector<16xi32>
      %shift_left3A_313 = arith.constant 5 : i32
      %shift_left3A_314 = vector.broadcast %shift_left3A_313 : i32 to vector<16xi32>
      %shift_left3A_315 = arith.shli %and3A_312, %shift_left3A_314 : vector<16xi32>
      %add3A_316 = vector.broadcast %add3A_39 : i32 to vector<16xi32>
      %add3A_317 = arith.addi %shift_left3A_315, %add3A_316 : vector<16xi32>
      %gather3A_318 = tpu.vector_load_idx %arg7[%add3A_307, %add3A_317] : memref<256x128xf32, #tpu.memory_space<vmem>>[vector<16xi32>, vector<16xi32>], vector<16xf32>,
      %swap3A_319 = arith.index_cast %add3A_39 : i32 to index
      %swap3A_320 = arith.constant 240 : index
      %swap3A_321 = tpu.vector_load %arg9[%swap3A_319, %swap3A_320] {strides = array<i32>} : memref<32x512xf32, #tpu.memory_space<vmem>>, vector<16xf32>,
      tpu.vector_store %arg9[%swap3A_319, %swap3A_320], %gather3A_318 {strides = array<i32>} : memref<32x512xf32, #tpu.memory_space<vmem>>, vector<16xf32>,
    }
    %scan3A_24 = arith.constant 32 : i32
    %dma_wait3A_25 = arith.constant 256 : i32
    %dma_wait3A_26 = tpu.memref_slice %arg6[%dma_wait3A_25] : memref<512xi32, #tpu.memory_space<vmem>> -> memref<256xi32, #tpu.memory_space<vmem>>
    %dma_wait3A_27 = arith.constant 0 : i32
    %dma_wait3A_28 = arith.constant 0 : i32
    %dma_wait3A_29 = tpu.memref_slice %arg3[%dma_wait3A_27, %dma_wait3A_28] : memref<250x128xf32, #tpu.memory_space<hbm>> -> memref<250x128xf32, #tpu.memory_space<hbm>>
    tpu.wait_indirect_dma semaphore(%arg11 : memref<!tpu.dma_semaphore, #tpu.memory_space<semaphore_mem>>) src(%dma_wait3A_29 : memref<250x128xf32, #tpu.memory_space<hbm>>) dst(%arg8 : memref<256x128xf32, #tpu.memory_space<vmem>>)
    %scan3A_30 = arith.constant 0 : i32
    %scan3A_31 = arith.constant 32 : i32
    %scan3A_32 = arith.addi %scan3A_30, %scan3A_31 : i32
    %scan3A_33 = arith.constant 1 : i32
    scf.for %scan3A_35 = %scan3A_30 to %scan3A_32 step %scan3A_33  : i32 {
      %mul3A_36 = arith.constant 1 : i32
      %mul3A_37 = arith.muli %scan3A_35, %mul3A_36 : i32
      %add3A_38 = arith.constant 0 : i32
      %add3A_39 = arith.addi %add3A_38, %mul3A_37 : i32
      %iota3A = tpu.iota {dimensions = array<i32: 0>} : vector<16xi32>
      %add3A_40 = arith.constant 0 : i32
      %add3A_41 = vector.broadcast %add3A_40 : i32 to vector<16xi32>
      %add3A_42 = arith.addi %iota3A, %add3A_41 : vector<16xi32>
      %get3A = arith.constant 256 : index
      %get3A_43 = tpu.vector_load %arg5[%get3A] {strides = array<i32>} : memref<512xi32, #tpu.memory_space<vmem>>, vector<16xi32>,
      %and3A = arith.constant 3 : i32
      %and3A_44 = vector.broadcast %and3A : i32 to vector<16xi32>
      %and3A_45 = arith.andi %get3A_43, %and3A_44 : vector<16xi32>
      %shift_left3A = arith.constant 5 : i32
      %shift_left3A_46 = vector.broadcast %shift_left3A : i32 to vector<16xi32>
      %shift_left3A_47 = arith.shli %and3A_45, %shift_left3A_46 : vector<16xi32>
      %add3A_48 = vector.broadcast %add3A_39 : i32 to vector<16xi32>
      %add3A_49 = arith.addi %shift_left3A_47, %add3A_48 : vector<16xi32>
      %gather3A = tpu.vector_load_idx %arg8[%add3A_42, %add3A_49] : memref<256x128xf32, #tpu.memory_space<vmem>>[vector<16xi32>, vector<16xi32>], vector<16xf32>,
      %swap3A = arith.index_cast %add3A_39 : i32 to index
      %swap3A_50 = arith.constant 256 : index
      %swap3A_51 = tpu.vector_load %arg9[%swap3A, %swap3A_50] {strides = array<i32>} : memref<32x512xf32, #tpu.memory_space<vmem>>, vector<16xf32>,
      tpu.vector_store %arg9[%swap3A, %swap3A_50], %gather3A {strides = array<i32>} : memref<32x512xf32, #tpu.memory_space<vmem>>, vector<16xf32>,
      %iota3A_52 = tpu.iota {dimensions = array<i32: 0>} : vector<16xi32>
      %add3A_53 = arith.constant 16 : i32
      %add3A_54 = vector.broadcast %add3A_53 : i32 to vector<16xi32>
      %add3A_55 = arith.addi %iota3A_52, %add3A_54 : vector<16xi32>
      %get3A_56 = arith.constant 272 : index
      %get3A_57 = tpu.vector_load %arg5[%get3A_56] {strides = array<i32>} : memref<512xi32, #tpu.memory_space<vmem>>, vector<16xi32>,
      %and3A_58 = arith.constant 3 : i32
      %and3A_59 = vector.broadcast %and3A_58 : i32 to vector<16xi32>
      %and3A_60 = arith.andi %get3A_57, %and3A_59 : vector<16xi32>
      %shift_left3A_61 = arith.constant 5 : i32
      %shift_left3A_62 = vector.broadcast %shift_left3A_61 : i32 to vector<16xi32>
      %shift_left3A_63 = arith.shli %and3A_60, %shift_left3A_62 : vector<16xi32>
      %add3A_64 = vector.broadcast %add3A_39 : i32 to vector<16xi32>
      %add3A_65 = arith.addi %shift_left3A_63, %add3A_64 : vector<16xi32>
      %gather3A_66 = tpu.vector_load_idx %arg8[%add3A_55, %add3A_65] : memref<256x128xf32, #tpu.memory_space<vmem>>[vector<16xi32>, vector<16xi32>], vector<16xf32>,
      %swap3A_67 = arith.index_cast %add3A_39 : i32 to index
      %swap3A_68 = arith.constant 272 : index
      %swap3A_69 = tpu.vector_load %arg9[%swap3A_67, %swap3A_68] {strides = array<i32>} : memref<32x512xf32, #tpu.memory_space<vmem>>, vector<16xf32>,
      tpu.vector_store %arg9[%swap3A_67, %swap3A_68], %gather3A_66 {strides = array<i32>} : memref<32x512xf32, #tpu.memory_space<vmem>>, vector<16xf32>,
      %iota3A_70 = tpu.iota {dimensions = array<i32: 0>} : vector<16xi32>
      %add3A_71 = arith.constant 32 : i32
      %add3A_72 = vector.broadcast %add3A_71 : i32 to vector<16xi32>
      %add3A_73 = arith.addi %iota3A_70, %add3A_72 : vector<16xi32>
      %get3A_74 = arith.constant 288 : index
      %get3A_75 = tpu.vector_load %arg5[%get3A_74] {strides = array<i32>} : memref<512xi32, #tpu.memory_space<vmem>>, vector<16xi32>,
      %and3A_76 = arith.constant 3 : i32
      %and3A_77 = vector.broadcast %and3A_76 : i32 to vector<16xi32>
      %and3A_78 = arith.andi %get3A_75, %and3A_77 : vector<16xi32>
      %shift_left3A_79 = arith.constant 5 : i32
      %shift_left3A_80 = vector.broadcast %shift_left3A_79 : i32 to vector<16xi32>
      %shift_left3A_81 = arith.shli %and3A_78, %shift_left3A_80 : vector<16xi32>
      %add3A_82 = vector.broadcast %add3A_39 : i32 to vector<16xi32>
      %add3A_83 = arith.addi %shift_left3A_81, %add3A_82 : vector<16xi32>
      %gather3A_84 = tpu.vector_load_idx %arg8[%add3A_73, %add3A_83] : memref<256x128xf32, #tpu.memory_space<vmem>>[vector<16xi32>, vector<16xi32>], vector<16xf32>,
      %swap3A_85 = arith.index_cast %add3A_39 : i32 to index
      %swap3A_86 = arith.constant 288 : index
      %swap3A_87 = tpu.vector_load %arg9[%swap3A_85, %swap3A_86] {strides = array<i32>} : memref<32x512xf32, #tpu.memory_space<vmem>>, vector<16xf32>,
      tpu.vector_store %arg9[%swap3A_85, %swap3A_86], %gather3A_84 {strides = array<i32>} : memref<32x512xf32, #tpu.memory_space<vmem>>, vector<16xf32>,
      %iota3A_88 = tpu.iota {dimensions = array<i32: 0>} : vector<16xi32>
      %add3A_89 = arith.constant 48 : i32
      %add3A_90 = vector.broadcast %add3A_89 : i32 to vector<16xi32>
      %add3A_91 = arith.addi %iota3A_88, %add3A_90 : vector<16xi32>
      %get3A_92 = arith.constant 304 : index
      %get3A_93 = tpu.vector_load %arg5[%get3A_92] {strides = array<i32>} : memref<512xi32, #tpu.memory_space<vmem>>, vector<16xi32>,
      %and3A_94 = arith.constant 3 : i32
      %and3A_95 = vector.broadcast %and3A_94 : i32 to vector<16xi32>
      %and3A_96 = arith.andi %get3A_93, %and3A_95 : vector<16xi32>
      %shift_left3A_97 = arith.constant 5 : i32
      %shift_left3A_98 = vector.broadcast %shift_left3A_97 : i32 to vector<16xi32>
      %shift_left3A_99 = arith.shli %and3A_96, %shift_left3A_98 : vector<16xi32>
      %add3A_100 = vector.broadcast %add3A_39 : i32 to vector<16xi32>
      %add3A_101 = arith.addi %shift_left3A_99, %add3A_100 : vector<16xi32>
      %gather3A_102 = tpu.vector_load_idx %arg8[%add3A_91, %add3A_101] : memref<256x128xf32, #tpu.memory_space<vmem>>[vector<16xi32>, vector<16xi32>], vector<16xf32>,
      %swap3A_103 = arith.index_cast %add3A_39 : i32 to index
      %swap3A_104 = arith.constant 304 : index
      %swap3A_105 = tpu.vector_load %arg9[%swap3A_103, %swap3A_104] {strides = array<i32>} : memref<32x512xf32, #tpu.memory_space<vmem>>, vector<16xf32>,
      tpu.vector_store %arg9[%swap3A_103, %swap3A_104], %gather3A_102 {strides = array<i32>} : memref<32x512xf32, #tpu.memory_space<vmem>>, vector<16xf32>,
      %iota3A_106 = tpu.iota {dimensions = array<i32: 0>} : vector<16xi32>
      %add3A_107 = arith.constant 64 : i32
      %add3A_108 = vector.broadcast %add3A_107 : i32 to vector<16xi32>
      %add3A_109 = arith.addi %iota3A_106, %add3A_108 : vector<16xi32>
      %get3A_110 = arith.constant 320 : index
      %get3A_111 = tpu.vector_load %arg5[%get3A_110] {strides = array<i32>} : memref<512xi32, #tpu.memory_space<vmem>>, vector<16xi32>,
      %and3A_112 = arith.constant 3 : i32
      %and3A_113 = vector.broadcast %and3A_112 : i32 to vector<16xi32>
      %and3A_114 = arith.andi %get3A_111, %and3A_113 : vector<16xi32>
      %shift_left3A_115 = arith.constant 5 : i32
      %shift_left3A_116 = vector.broadcast %shift_left3A_115 : i32 to vector<16xi32>
      %shift_left3A_117 = arith.shli %and3A_114, %shift_left3A_116 : vector<16xi32>
      %add3A_118 = vector.broadcast %add3A_39 : i32 to vector<16xi32>
      %add3A_119 = arith.addi %shift_left3A_117, %add3A_118 : vector<16xi32>
      %gather3A_120 = tpu.vector_load_idx %arg8[%add3A_109, %add3A_119] : memref<256x128xf32, #tpu.memory_space<vmem>>[vector<16xi32>, vector<16xi32>], vector<16xf32>,
      %swap3A_121 = arith.index_cast %add3A_39 : i32 to index
      %swap3A_122 = arith.constant 320 : index
      %swap3A_123 = tpu.vector_load %arg9[%swap3A_121, %swap3A_122] {strides = array<i32>} : memref<32x512xf32, #tpu.memory_space<vmem>>, vector<16xf32>,
      tpu.vector_store %arg9[%swap3A_121, %swap3A_122], %gather3A_120 {strides = array<i32>} : memref<32x512xf32, #tpu.memory_space<vmem>>, vector<16xf32>,
      %iota3A_124 = tpu.iota {dimensions = array<i32: 0>} : vector<16xi32>
      %add3A_125 = arith.constant 80 : i32
      %add3A_126 = vector.broadcast %add3A_125 : i32 to vector<16xi32>
      %add3A_127 = arith.addi %iota3A_124, %add3A_126 : vector<16xi32>
      %get3A_128 = arith.constant 336 : index
      %get3A_129 = tpu.vector_load %arg5[%get3A_128] {strides = array<i32>} : memref<512xi32, #tpu.memory_space<vmem>>, vector<16xi32>,
      %and3A_130 = arith.constant 3 : i32
      %and3A_131 = vector.broadcast %and3A_130 : i32 to vector<16xi32>
      %and3A_132 = arith.andi %get3A_129, %and3A_131 : vector<16xi32>
      %shift_left3A_133 = arith.constant 5 : i32
      %shift_left3A_134 = vector.broadcast %shift_left3A_133 : i32 to vector<16xi32>
      %shift_left3A_135 = arith.shli %and3A_132, %shift_left3A_134 : vector<16xi32>
      %add3A_136 = vector.broadcast %add3A_39 : i32 to vector<16xi32>
      %add3A_137 = arith.addi %shift_left3A_135, %add3A_136 : vector<16xi32>
      %gather3A_138 = tpu.vector_load_idx %arg8[%add3A_127, %add3A_137] : memref<256x128xf32, #tpu.memory_space<vmem>>[vector<16xi32>, vector<16xi32>], vector<16xf32>,
      %swap3A_139 = arith.index_cast %add3A_39 : i32 to index
      %swap3A_140 = arith.constant 336 : index
      %swap3A_141 = tpu.vector_load %arg9[%swap3A_139, %swap3A_140] {strides = array<i32>} : memref<32x512xf32, #tpu.memory_space<vmem>>, vector<16xf32>,
      tpu.vector_store %arg9[%swap3A_139, %swap3A_140], %gather3A_138 {strides = array<i32>} : memref<32x512xf32, #tpu.memory_space<vmem>>, vector<16xf32>,
      %iota3A_142 = tpu.iota {dimensions = array<i32: 0>} : vector<16xi32>
      %add3A_143 = arith.constant 96 : i32
      %add3A_144 = vector.broadcast %add3A_143 : i32 to vector<16xi32>
      %add3A_145 = arith.addi %iota3A_142, %add3A_144 : vector<16xi32>
      %get3A_146 = arith.constant 352 : index
      %get3A_147 = tpu.vector_load %arg5[%get3A_146] {strides = array<i32>} : memref<512xi32, #tpu.memory_space<vmem>>, vector<16xi32>,
      %and3A_148 = arith.constant 3 : i32
      %and3A_149 = vector.broadcast %and3A_148 : i32 to vector<16xi32>
      %and3A_150 = arith.andi %get3A_147, %and3A_149 : vector<16xi32>
      %shift_left3A_151 = arith.constant 5 : i32
      %shift_left3A_152 = vector.broadcast %shift_left3A_151 : i32 to vector<16xi32>
      %shift_left3A_153 = arith.shli %and3A_150, %shift_left3A_152 : vector<16xi32>
      %add3A_154 = vector.broadcast %add3A_39 : i32 to vector<16xi32>
      %add3A_155 = arith.addi %shift_left3A_153, %add3A_154 : vector<16xi32>
      %gather3A_156 = tpu.vector_load_idx %arg8[%add3A_145, %add3A_155] : memref<256x128xf32, #tpu.memory_space<vmem>>[vector<16xi32>, vector<16xi32>], vector<16xf32>,
      %swap3A_157 = arith.index_cast %add3A_39 : i32 to index
      %swap3A_158 = arith.constant 352 : index
      %swap3A_159 = tpu.vector_load %arg9[%swap3A_157, %swap3A_158] {strides = array<i32>} : memref<32x512xf32, #tpu.memory_space<vmem>>, vector<16xf32>,
      tpu.vector_store %arg9[%swap3A_157, %swap3A_158], %gather3A_156 {strides = array<i32>} : memref<32x512xf32, #tpu.memory_space<vmem>>, vector<16xf32>,
      %iota3A_160 = tpu.iota {dimensions = array<i32: 0>} : vector<16xi32>
      %add3A_161 = arith.constant 112 : i32
      %add3A_162 = vector.broadcast %add3A_161 : i32 to vector<16xi32>
      %add3A_163 = arith.addi %iota3A_160, %add3A_162 : vector<16xi32>
      %get3A_164 = arith.constant 368 : index
      %get3A_165 = tpu.vector_load %arg5[%get3A_164] {strides = array<i32>} : memref<512xi32, #tpu.memory_space<vmem>>, vector<16xi32>,
      %and3A_166 = arith.constant 3 : i32
      %and3A_167 = vector.broadcast %and3A_166 : i32 to vector<16xi32>
      %and3A_168 = arith.andi %get3A_165, %and3A_167 : vector<16xi32>
      %shift_left3A_169 = arith.constant 5 : i32
      %shift_left3A_170 = vector.broadcast %shift_left3A_169 : i32 to vector<16xi32>
      %shift_left3A_171 = arith.shli %and3A_168, %shift_left3A_170 : vector<16xi32>
      %add3A_172 = vector.broadcast %add3A_39 : i32 to vector<16xi32>
      %add3A_173 = arith.addi %shift_left3A_171, %add3A_172 : vector<16xi32>
      %gather3A_174 = tpu.vector_load_idx %arg8[%add3A_163, %add3A_173] : memref<256x128xf32, #tpu.memory_space<vmem>>[vector<16xi32>, vector<16xi32>], vector<16xf32>,
      %swap3A_175 = arith.index_cast %add3A_39 : i32 to index
      %swap3A_176 = arith.constant 368 : index
      %swap3A_177 = tpu.vector_load %arg9[%swap3A_175, %swap3A_176] {strides = array<i32>} : memref<32x512xf32, #tpu.memory_space<vmem>>, vector<16xf32>,
      tpu.vector_store %arg9[%swap3A_175, %swap3A_176], %gather3A_174 {strides = array<i32>} : memref<32x512xf32, #tpu.memory_space<vmem>>, vector<16xf32>,
      %iota3A_178 = tpu.iota {dimensions = array<i32: 0>} : vector<16xi32>
      %add3A_179 = arith.constant 128 : i32
      %add3A_180 = vector.broadcast %add3A_179 : i32 to vector<16xi32>
      %add3A_181 = arith.addi %iota3A_178, %add3A_180 : vector<16xi32>
      %get3A_182 = arith.constant 384 : index
      %get3A_183 = tpu.vector_load %arg5[%get3A_182] {strides = array<i32>} : memref<512xi32, #tpu.memory_space<vmem>>, vector<16xi32>,
      %and3A_184 = arith.constant 3 : i32
      %and3A_185 = vector.broadcast %and3A_184 : i32 to vector<16xi32>
      %and3A_186 = arith.andi %get3A_183, %and3A_185 : vector<16xi32>
      %shift_left3A_187 = arith.constant 5 : i32
      %shift_left3A_188 = vector.broadcast %shift_left3A_187 : i32 to vector<16xi32>
      %shift_left3A_189 = arith.shli %and3A_186, %shift_left3A_188 : vector<16xi32>
      %add3A_190 = vector.broadcast %add3A_39 : i32 to vector<16xi32>
      %add3A_191 = arith.addi %shift_left3A_189, %add3A_190 : vector<16xi32>
      %gather3A_192 = tpu.vector_load_idx %arg8[%add3A_181, %add3A_191] : memref<256x128xf32, #tpu.memory_space<vmem>>[vector<16xi32>, vector<16xi32>], vector<16xf32>,
      %swap3A_193 = arith.index_cast %add3A_39 : i32 to index
      %swap3A_194 = arith.constant 384 : index
      %swap3A_195 = tpu.vector_load %arg9[%swap3A_193, %swap3A_194] {strides = array<i32>} : memref<32x512xf32, #tpu.memory_space<vmem>>, vector<16xf32>,
      tpu.vector_store %arg9[%swap3A_193, %swap3A_194], %gather3A_192 {strides = array<i32>} : memref<32x512xf32, #tpu.memory_space<vmem>>, vector<16xf32>,
      %iota3A_196 = tpu.iota {dimensions = array<i32: 0>} : vector<16xi32>
      %add3A_197 = arith.constant 144 : i32
      %add3A_198 = vector.broadcast %add3A_197 : i32 to vector<16xi32>
      %add3A_199 = arith.addi %iota3A_196, %add3A_198 : vector<16xi32>
      %get3A_200 = arith.constant 400 : index
      %get3A_201 = tpu.vector_load %arg5[%get3A_200] {strides = array<i32>} : memref<512xi32, #tpu.memory_space<vmem>>, vector<16xi32>,
      %and3A_202 = arith.constant 3 : i32
      %and3A_203 = vector.broadcast %and3A_202 : i32 to vector<16xi32>
      %and3A_204 = arith.andi %get3A_201, %and3A_203 : vector<16xi32>
      %shift_left3A_205 = arith.constant 5 : i32
      %shift_left3A_206 = vector.broadcast %shift_left3A_205 : i32 to vector<16xi32>
      %shift_left3A_207 = arith.shli %and3A_204, %shift_left3A_206 : vector<16xi32>
      %add3A_208 = vector.broadcast %add3A_39 : i32 to vector<16xi32>
      %add3A_209 = arith.addi %shift_left3A_207, %add3A_208 : vector<16xi32>
      %gather3A_210 = tpu.vector_load_idx %arg8[%add3A_199, %add3A_209] : memref<256x128xf32, #tpu.memory_space<vmem>>[vector<16xi32>, vector<16xi32>], vector<16xf32>,
      %swap3A_211 = arith.index_cast %add3A_39 : i32 to index
      %swap3A_212 = arith.constant 400 : index
      %swap3A_213 = tpu.vector_load %arg9[%swap3A_211, %swap3A_212] {strides = array<i32>} : memref<32x512xf32, #tpu.memory_space<vmem>>, vector<16xf32>,
      tpu.vector_store %arg9[%swap3A_211, %swap3A_212], %gather3A_210 {strides = array<i32>} : memref<32x512xf32, #tpu.memory_space<vmem>>, vector<16xf32>,
      %iota3A_214 = tpu.iota {dimensions = array<i32: 0>} : vector<16xi32>
      %add3A_215 = arith.constant 160 : i32
      %add3A_216 = vector.broadcast %add3A_215 : i32 to vector<16xi32>
      %add3A_217 = arith.addi %iota3A_214, %add3A_216 : vector<16xi32>
      %get3A_218 = arith.constant 416 : index
      %get3A_219 = tpu.vector_load %arg5[%get3A_218] {strides = array<i32>} : memref<512xi32, #tpu.memory_space<vmem>>, vector<16xi32>,
      %and3A_220 = arith.constant 3 : i32
      %and3A_221 = vector.broadcast %and3A_220 : i32 to vector<16xi32>
      %and3A_222 = arith.andi %get3A_219, %and3A_221 : vector<16xi32>
      %shift_left3A_223 = arith.constant 5 : i32
      %shift_left3A_224 = vector.broadcast %shift_left3A_223 : i32 to vector<16xi32>
      %shift_left3A_225 = arith.shli %and3A_222, %shift_left3A_224 : vector<16xi32>
      %add3A_226 = vector.broadcast %add3A_39 : i32 to vector<16xi32>
      %add3A_227 = arith.addi %shift_left3A_225, %add3A_226 : vector<16xi32>
      %gather3A_228 = tpu.vector_load_idx %arg8[%add3A_217, %add3A_227] : memref<256x128xf32, #tpu.memory_space<vmem>>[vector<16xi32>, vector<16xi32>], vector<16xf32>,
      %swap3A_229 = arith.index_cast %add3A_39 : i32 to index
      %swap3A_230 = arith.constant 416 : index
      %swap3A_231 = tpu.vector_load %arg9[%swap3A_229, %swap3A_230] {strides = array<i32>} : memref<32x512xf32, #tpu.memory_space<vmem>>, vector<16xf32>,
      tpu.vector_store %arg9[%swap3A_229, %swap3A_230], %gather3A_228 {strides = array<i32>} : memref<32x512xf32, #tpu.memory_space<vmem>>, vector<16xf32>,
      %iota3A_232 = tpu.iota {dimensions = array<i32: 0>} : vector<16xi32>
      %add3A_233 = arith.constant 176 : i32
      %add3A_234 = vector.broadcast %add3A_233 : i32 to vector<16xi32>
      %add3A_235 = arith.addi %iota3A_232, %add3A_234 : vector<16xi32>
      %get3A_236 = arith.constant 432 : index
      %get3A_237 = tpu.vector_load %arg5[%get3A_236] {strides = array<i32>} : memref<512xi32, #tpu.memory_space<vmem>>, vector<16xi32>,
      %and3A_238 = arith.constant 3 : i32
      %and3A_239 = vector.broadcast %and3A_238 : i32 to vector<16xi32>
      %and3A_240 = arith.andi %get3A_237, %and3A_239 : vector<16xi32>
      %shift_left3A_241 = arith.constant 5 : i32
      %shift_left3A_242 = vector.broadcast %shift_left3A_241 : i32 to vector<16xi32>
      %shift_left3A_243 = arith.shli %and3A_240, %shift_left3A_242 : vector<16xi32>
      %add3A_244 = vector.broadcast %add3A_39 : i32 to vector<16xi32>
      %add3A_245 = arith.addi %shift_left3A_243, %add3A_244 : vector<16xi32>
      %gather3A_246 = tpu.vector_load_idx %arg8[%add3A_235, %add3A_245] : memref<256x128xf32, #tpu.memory_space<vmem>>[vector<16xi32>, vector<16xi32>], vector<16xf32>,
      %swap3A_247 = arith.index_cast %add3A_39 : i32 to index
      %swap3A_248 = arith.constant 432 : index
      %swap3A_249 = tpu.vector_load %arg9[%swap3A_247, %swap3A_248] {strides = array<i32>} : memref<32x512xf32, #tpu.memory_space<vmem>>, vector<16xf32>,
      tpu.vector_store %arg9[%swap3A_247, %swap3A_248], %gather3A_246 {strides = array<i32>} : memref<32x512xf32, #tpu.memory_space<vmem>>, vector<16xf32>,
      %iota3A_250 = tpu.iota {dimensions = array<i32: 0>} : vector<16xi32>
      %add3A_251 = arith.constant 192 : i32
      %add3A_252 = vector.broadcast %add3A_251 : i32 to vector<16xi32>
      %add3A_253 = arith.addi %iota3A_250, %add3A_252 : vector<16xi32>
      %get3A_254 = arith.constant 448 : index
      %get3A_255 = tpu.vector_load %arg5[%get3A_254] {strides = array<i32>} : memref<512xi32, #tpu.memory_space<vmem>>, vector<16xi32>,
      %and3A_256 = arith.constant 3 : i32
      %and3A_257 = vector.broadcast %and3A_256 : i32 to vector<16xi32>
      %and3A_258 = arith.andi %get3A_255, %and3A_257 : vector<16xi32>
      %shift_left3A_259 = arith.constant 5 : i32
      %shift_left3A_260 = vector.broadcast %shift_left3A_259 : i32 to vector<16xi32>
      %shift_left3A_261 = arith.shli %and3A_258, %shift_left3A_260 : vector<16xi32>
      %add3A_262 = vector.broadcast %add3A_39 : i32 to vector<16xi32>
      %add3A_263 = arith.addi %shift_left3A_261, %add3A_262 : vector<16xi32>
      %gather3A_264 = tpu.vector_load_idx %arg8[%add3A_253, %add3A_263] : memref<256x128xf32, #tpu.memory_space<vmem>>[vector<16xi32>, vector<16xi32>], vector<16xf32>,
      %swap3A_265 = arith.index_cast %add3A_39 : i32 to index
      %swap3A_266 = arith.constant 448 : index
      %swap3A_267 = tpu.vector_load %arg9[%swap3A_265, %swap3A_266] {strides = array<i32>} : memref<32x512xf32, #tpu.memory_space<vmem>>, vector<16xf32>,
      tpu.vector_store %arg9[%swap3A_265, %swap3A_266], %gather3A_264 {strides = array<i32>} : memref<32x512xf32, #tpu.memory_space<vmem>>, vector<16xf32>,
      %iota3A_268 = tpu.iota {dimensions = array<i32: 0>} : vector<16xi32>
      %add3A_269 = arith.constant 208 : i32
      %add3A_270 = vector.broadcast %add3A_269 : i32 to vector<16xi32>
      %add3A_271 = arith.addi %iota3A_268, %add3A_270 : vector<16xi32>
      %get3A_272 = arith.constant 464 : index
      %get3A_273 = tpu.vector_load %arg5[%get3A_272] {strides = array<i32>} : memref<512xi32, #tpu.memory_space<vmem>>, vector<16xi32>,
      %and3A_274 = arith.constant 3 : i32
      %and3A_275 = vector.broadcast %and3A_274 : i32 to vector<16xi32>
      %and3A_276 = arith.andi %get3A_273, %and3A_275 : vector<16xi32>
      %shift_left3A_277 = arith.constant 5 : i32
      %shift_left3A_278 = vector.broadcast %shift_left3A_277 : i32 to vector<16xi32>
      %shift_left3A_279 = arith.shli %and3A_276, %shift_left3A_278 : vector<16xi32>
      %add3A_280 = vector.broadcast %add3A_39 : i32 to vector<16xi32>
      %add3A_281 = arith.addi %shift_left3A_279, %add3A_280 : vector<16xi32>
      %gather3A_282 = tpu.vector_load_idx %arg8[%add3A_271, %add3A_281] : memref<256x128xf32, #tpu.memory_space<vmem>>[vector<16xi32>, vector<16xi32>], vector<16xf32>,
      %swap3A_283 = arith.index_cast %add3A_39 : i32 to index
      %swap3A_284 = arith.constant 464 : index
      %swap3A_285 = tpu.vector_load %arg9[%swap3A_283, %swap3A_284] {strides = array<i32>} : memref<32x512xf32, #tpu.memory_space<vmem>>, vector<16xf32>,
      tpu.vector_store %arg9[%swap3A_283, %swap3A_284], %gather3A_282 {strides = array<i32>} : memref<32x512xf32, #tpu.memory_space<vmem>>, vector<16xf32>,
      %iota3A_286 = tpu.iota {dimensions = array<i32: 0>} : vector<16xi32>
      %add3A_287 = arith.constant 224 : i32
      %add3A_288 = vector.broadcast %add3A_287 : i32 to vector<16xi32>
      %add3A_289 = arith.addi %iota3A_286, %add3A_288 : vector<16xi32>
      %get3A_290 = arith.constant 480 : index
      %get3A_291 = tpu.vector_load %arg5[%get3A_290] {strides = array<i32>} : memref<512xi32, #tpu.memory_space<vmem>>, vector<16xi32>,
      %and3A_292 = arith.constant 3 : i32
      %and3A_293 = vector.broadcast %and3A_292 : i32 to vector<16xi32>
      %and3A_294 = arith.andi %get3A_291, %and3A_293 : vector<16xi32>
      %shift_left3A_295 = arith.constant 5 : i32
      %shift_left3A_296 = vector.broadcast %shift_left3A_295 : i32 to vector<16xi32>
      %shift_left3A_297 = arith.shli %and3A_294, %shift_left3A_296 : vector<16xi32>
      %add3A_298 = vector.broadcast %add3A_39 : i32 to vector<16xi32>
      %add3A_299 = arith.addi %shift_left3A_297, %add3A_298 : vector<16xi32>
      %gather3A_300 = tpu.vector_load_idx %arg8[%add3A_289, %add3A_299] : memref<256x128xf32, #tpu.memory_space<vmem>>[vector<16xi32>, vector<16xi32>], vector<16xf32>,
      %swap3A_301 = arith.index_cast %add3A_39 : i32 to index
      %swap3A_302 = arith.constant 480 : index
      %swap3A_303 = tpu.vector_load %arg9[%swap3A_301, %swap3A_302] {strides = array<i32>} : memref<32x512xf32, #tpu.memory_space<vmem>>, vector<16xf32>,
      tpu.vector_store %arg9[%swap3A_301, %swap3A_302], %gather3A_300 {strides = array<i32>} : memref<32x512xf32, #tpu.memory_space<vmem>>, vector<16xf32>,
      %iota3A_304 = tpu.iota {dimensions = array<i32: 0>} : vector<16xi32>
      %add3A_305 = arith.constant 240 : i32
      %add3A_306 = vector.broadcast %add3A_305 : i32 to vector<16xi32>
      %add3A_307 = arith.addi %iota3A_304, %add3A_306 : vector<16xi32>
      %get3A_308 = arith.constant 496 : index
      %get3A_309 = tpu.vector_load %arg5[%get3A_308] {strides = array<i32>} : memref<512xi32, #tpu.memory_space<vmem>>, vector<16xi32>,
      %and3A_310 = arith.constant 3 : i32
      %and3A_311 = vector.broadcast %and3A_310 : i32 to vector<16xi32>
      %and3A_312 = arith.andi %get3A_309, %and3A_311 : vector<16xi32>
      %shift_left3A_313 = arith.constant 5 : i32
      %shift_left3A_314 = vector.broadcast %shift_left3A_313 : i32 to vector<16xi32>
      %shift_left3A_315 = arith.shli %and3A_312, %shift_left3A_314 : vector<16xi32>
      %add3A_316 = vector.broadcast %add3A_39 : i32 to vector<16xi32>
      %add3A_317 = arith.addi %shift_left3A_315, %add3A_316 : vector<16xi32>
      %gather3A_318 = tpu.vector_load_idx %arg8[%add3A_307, %add3A_317] : memref<256x128xf32, #tpu.memory_space<vmem>>[vector<16xi32>, vector<16xi32>], vector<16xf32>,
      %swap3A_319 = arith.index_cast %add3A_39 : i32 to index
      %swap3A_320 = arith.constant 496 : index
      %swap3A_321 = tpu.vector_load %arg9[%swap3A_319, %swap3A_320] {strides = array<i32>} : memref<32x512xf32, #tpu.memory_space<vmem>>, vector<16xf32>,
      tpu.vector_store %arg9[%swap3A_319, %swap3A_320], %gather3A_318 {strides = array<i32>} : memref<32x512xf32, #tpu.memory_space<vmem>>, vector<16xf32>,
    }
    %scan3A_34 = arith.constant 32 : i32
    "tpu.region"() ({
      %run_scoped3A = tpu.sem_alloc : memref<!tpu.dma_semaphore, #tpu.memory_space<semaphore_mem>>
      %dma_start3A_35 = arith.constant 0 : i32
      %dma_start3A_36 = tpu.memref_slice %arg4[%dma_start3A_35, %mul3A_2] : memref<32x16384xf32, #tpu.memory_space<hbm>> -> memref<32x512xf32, #tpu.memory_space<hbm>>
      %dma_start3A_37 = arith.constant 0 : i32
      %dma_start3A_38 = tpu.memref_slice %arg4[%dma_start3A_37, %mul3A_2] : memref<32x16384xf32, #tpu.memory_space<hbm>> -> memref<32x512xf32, #tpu.memory_space<hbm>>
      tpu.enqueue_dma source(%arg9 : memref<32x512xf32, #tpu.memory_space<vmem>>) target(%dma_start3A_38 : memref<32x512xf32, #tpu.memory_space<hbm>>) target_semaphore(%run_scoped3A : memref<!tpu.dma_semaphore, #tpu.memory_space<semaphore_mem>>)
      %dma_wait3A_39 = arith.constant 0 : i32
      %dma_wait3A_40 = tpu.memref_slice %arg4[%dma_wait3A_39, %mul3A_2] : memref<32x16384xf32, #tpu.memory_space<hbm>> -> memref<32x512xf32, #tpu.memory_space<hbm>>
      %dma_wait3A_41 = arith.constant 0 : i32
      %dma_wait3A_42 = tpu.memref_slice %arg4[%dma_wait3A_41, %mul3A_2] : memref<32x16384xf32, #tpu.memory_space<hbm>> -> memref<32x512xf32, #tpu.memory_space<hbm>>
      tpu.wait_dma2 semaphore(%run_scoped3A : memref<!tpu.dma_semaphore, #tpu.memory_space<semaphore_mem>>) src(%arg9 : memref<32x512xf32, #tpu.memory_space<vmem>>) dst(%dma_wait3A_42 : memref<32x512xf32, #tpu.memory_space<hbm>>)
      tpu.yield
    }) : () -> ()
    return
  }
}

#map = affine_map<(d0, d1) -> (0)>
#map1 = affine_map<(d0, d1) -> (0, 0)>
module attributes {stable_mosaic.version = 14 : i64} {
  func.func @block_gather(%arg0: i32, %arg1: i32, %arg2: memref<16384xi32, #tpu.memory_space<hbm>>, %arg3: memref<32x1000000xf32, #tpu.memory_space<hbm>>, %arg4: memref<2048xf32, #tpu.memory_space<hbm>>, %arg5: memref<32x16384xf32, #tpu.memory_space<hbm>>, %arg6: memref<528xi32, #tpu.memory_space<vmem>>, %arg7: memref<32x128xf32, #tpu.memory_space<vmem>>, %arg8: memref<32x128xf32, #tpu.memory_space<vmem>>, %arg9: memref<32x128xf32, #tpu.memory_space<vmem>>, %arg10: memref<32x128xf32, #tpu.memory_space<vmem>>, %arg11: memref<32x128xf32, #tpu.memory_space<vmem>>, %arg12: memref<32x128xf32, #tpu.memory_space<vmem>>, %arg13: memref<32x128xf32, #tpu.memory_space<vmem>>, %arg14: memref<32x128xf32, #tpu.memory_space<vmem>>, %arg15: memref<2048xf32, #tpu.memory_space<vmem>>, %arg16: memref<32x512xf32, #tpu.memory_space<vmem>>, %arg17: memref<!tpu.dma_semaphore, #tpu.memory_space<semaphore_mem>>, %arg18: memref<!tpu.dma_semaphore, #tpu.memory_space<semaphore_mem>>, %arg19: memref<!tpu.dma_semaphore, #tpu.memory_space<semaphore_mem>>, %arg20: memref<!tpu.dma_semaphore, #tpu.memory_space<semaphore_mem>>, %arg21: memref<!tpu.dma_semaphore, #tpu.memory_space<semaphore_mem>>, %arg22: memref<!tpu.dma_semaphore, #tpu.memory_space<semaphore_mem>>, %arg23: memref<!tpu.dma_semaphore, #tpu.memory_space<semaphore_mem>>, %arg24: memref<!tpu.dma_semaphore, #tpu.memory_space<semaphore_mem>>, %arg25: memref<!tpu.dma_semaphore, #tpu.memory_space<semaphore_mem>>) attributes {dimension_semantics = [#tpu.dimension_semantics<core_parallel>, #tpu.dimension_semantics<subcore_parallel>], iteration_bounds = array<i64: 2, 16>, scalar_prefetch = 0 : i64, scratch_operands = 20 : i64, tpu.core_type = #tpu.core_type<sc_vector_subcore>, window_params = [{transform_indices = #map}, {transform_indices = #map1}, {transform_indices = #map}, {transform_indices = #map1}]} {
    %mul3A = arith.constant 2 : i32
    %mul3A_0 = arith.muli %arg1, %mul3A : i32
    %add3A = arith.addi %mul3A_0, %arg0 : i32
    %mul3A_1 = arith.constant 512 : i32
    %mul3A_2 = arith.muli %add3A, %mul3A_1 : i32
    "tpu.region"() ({
      %run_scoped3A = tpu.sem_alloc : memref<!tpu.dma_semaphore, #tpu.memory_space<semaphore_mem>>
      %dma_start3A_120 = arith.constant 0 : i32
      %dma_start3A_121 = tpu.memref_slice %arg6[%dma_start3A_120] : memref<528xi32, #tpu.memory_space<vmem>> -> memref<512xi32, #tpu.memory_space<vmem>>
      %dma_start3A_122 = tpu.memref_slice %arg2[%mul3A_2] : memref<16384xi32, #tpu.memory_space<hbm>> -> memref<512xi32, #tpu.memory_space<hbm>>
      %dma_start3A_123 = arith.constant 0 : i32
      %dma_start3A_124 = tpu.memref_slice %arg6[%dma_start3A_123] : memref<528xi32, #tpu.memory_space<vmem>> -> memref<512xi32, #tpu.memory_space<vmem>>
      %dma_start3A_125 = tpu.memref_slice %arg2[%mul3A_2] : memref<16384xi32, #tpu.memory_space<hbm>> -> memref<512xi32, #tpu.memory_space<hbm>>
      tpu.enqueue_dma source(%dma_start3A_125 : memref<512xi32, #tpu.memory_space<hbm>>) target(%dma_start3A_124 : memref<512xi32, #tpu.memory_space<vmem>>) target_semaphore(%run_scoped3A : memref<!tpu.dma_semaphore, #tpu.memory_space<semaphore_mem>>)
      %dma_wait3A = arith.constant 0 : i32
      %dma_wait3A_126 = tpu.memref_slice %arg6[%dma_wait3A] : memref<528xi32, #tpu.memory_space<vmem>> -> memref<512xi32, #tpu.memory_space<vmem>>
      %dma_wait3A_127 = tpu.memref_slice %arg2[%mul3A_2] : memref<16384xi32, #tpu.memory_space<hbm>> -> memref<512xi32, #tpu.memory_space<hbm>>
      %dma_wait3A_128 = arith.constant 0 : i32
      %dma_wait3A_129 = tpu.memref_slice %arg6[%dma_wait3A_128] : memref<528xi32, #tpu.memory_space<vmem>> -> memref<512xi32, #tpu.memory_space<vmem>>
      %dma_wait3A_130 = tpu.memref_slice %arg2[%mul3A_2] : memref<16384xi32, #tpu.memory_space<hbm>> -> memref<512xi32, #tpu.memory_space<hbm>>
      tpu.wait_dma2 semaphore(%run_scoped3A : memref<!tpu.dma_semaphore, #tpu.memory_space<semaphore_mem>>) src(%dma_wait3A_130 : memref<512xi32, #tpu.memory_space<hbm>>) dst(%dma_wait3A_129 : memref<512xi32, #tpu.memory_space<vmem>>)
      tpu.yield
    }) : () -> ()
    tpu.enqueue_dma source(%arg4 : memref<2048xf32, #tpu.memory_space<hbm>>) target(%arg15 : memref<2048xf32, #tpu.memory_space<vmem>>) target_semaphore(%arg25 : memref<!tpu.dma_semaphore, #tpu.memory_space<semaphore_mem>>)
    tpu.wait_dma2 semaphore(%arg25 : memref<!tpu.dma_semaphore, #tpu.memory_space<semaphore_mem>>) src(%arg4 : memref<2048xf32, #tpu.memory_space<hbm>>) dst(%arg15 : memref<2048xf32, #tpu.memory_space<vmem>>)
    %get3A = arith.constant 0 : index
    %get3A_3 = tpu.vector_load %arg6[%get3A] {strides = array<i32>} : memref<528xi32, #tpu.memory_space<vmem>>, vector<16xi32>,
    %slice3A = vector.extract_strided_slice %get3A_3 {offsets = [0], sizes = [1], strides = [1]} : vector<16xi32> to vector<1xi32>
    %squeeze3A = vector.extract %slice3A[0] : i32 from vector<1xi32>
    %shift_right_logical3A = arith.constant 7 : i32
    %shift_right_logical3A_4 = arith.shrui %squeeze3A, %shift_right_logical3A : i32
    %min3A = arith.constant 7811 : i32
    %min3A_5 = arith.minsi %shift_right_logical3A_4, %min3A : i32
    %mul3A_6 = arith.constant 128 : i32
    %mul3A_7 = arith.muli %min3A_5, %mul3A_6 : i32
    %multiple_of3A = tpu.assume_multiple %mul3A_7, 128 : i32
    %dma_start3A = arith.constant 0 : i32
    %dma_start3A_8 = tpu.memref_slice %arg3[%dma_start3A, %multiple_of3A] : memref<32x1000000xf32, #tpu.memory_space<hbm>> -> memref<32x128xf32, #tpu.memory_space<hbm>>
    %dma_start3A_9 = arith.constant 0 : i32
    %dma_start3A_10 = tpu.memref_slice %arg3[%dma_start3A_9, %multiple_of3A] : memref<32x1000000xf32, #tpu.memory_space<hbm>> -> memref<32x128xf32, #tpu.memory_space<hbm>>
    tpu.enqueue_dma source(%dma_start3A_10 : memref<32x128xf32, #tpu.memory_space<hbm>>) target(%arg7 : memref<32x128xf32, #tpu.memory_space<vmem>>) target_semaphore(%arg17 : memref<!tpu.dma_semaphore, #tpu.memory_space<semaphore_mem>>)
    %get3A_11 = arith.constant 1 : index
    %get3A_12 = tpu.vector_load %arg6[%get3A_11] {strides = array<i32>} : memref<528xi32, #tpu.memory_space<vmem>>, vector<16xi32>,
    %slice3A_13 = vector.extract_strided_slice %get3A_12 {offsets = [0], sizes = [1], strides = [1]} : vector<16xi32> to vector<1xi32>
    %squeeze3A_14 = vector.extract %slice3A_13[0] : i32 from vector<1xi32>
    %shift_right_logical3A_15 = arith.constant 7 : i32
    %shift_right_logical3A_16 = arith.shrui %squeeze3A_14, %shift_right_logical3A_15 : i32
    %min3A_17 = arith.constant 7811 : i32
    %min3A_18 = arith.minsi %shift_right_logical3A_16, %min3A_17 : i32
    %mul3A_19 = arith.constant 128 : i32
    %mul3A_20 = arith.muli %min3A_18, %mul3A_19 : i32
    %multiple_of3A_21 = tpu.assume_multiple %mul3A_20, 128 : i32
    %dma_start3A_22 = arith.constant 0 : i32
    %dma_start3A_23 = tpu.memref_slice %arg3[%dma_start3A_22, %multiple_of3A_21] : memref<32x1000000xf32, #tpu.memory_space<hbm>> -> memref<32x128xf32, #tpu.memory_space<hbm>>
    %dma_start3A_24 = arith.constant 0 : i32
    %dma_start3A_25 = tpu.memref_slice %arg3[%dma_start3A_24, %multiple_of3A_21] : memref<32x1000000xf32, #tpu.memory_space<hbm>> -> memref<32x128xf32, #tpu.memory_space<hbm>>
    tpu.enqueue_dma source(%dma_start3A_25 : memref<32x128xf32, #tpu.memory_space<hbm>>) target(%arg8 : memref<32x128xf32, #tpu.memory_space<vmem>>) target_semaphore(%arg18 : memref<!tpu.dma_semaphore, #tpu.memory_space<semaphore_mem>>)
    %get3A_26 = arith.constant 2 : index
    %get3A_27 = tpu.vector_load %arg6[%get3A_26] {strides = array<i32>} : memref<528xi32, #tpu.memory_space<vmem>>, vector<16xi32>,
    %slice3A_28 = vector.extract_strided_slice %get3A_27 {offsets = [0], sizes = [1], strides = [1]} : vector<16xi32> to vector<1xi32>
    %squeeze3A_29 = vector.extract %slice3A_28[0] : i32 from vector<1xi32>
    %shift_right_logical3A_30 = arith.constant 7 : i32
    %shift_right_logical3A_31 = arith.shrui %squeeze3A_29, %shift_right_logical3A_30 : i32
    %min3A_32 = arith.constant 7811 : i32
    %min3A_33 = arith.minsi %shift_right_logical3A_31, %min3A_32 : i32
    %mul3A_34 = arith.constant 128 : i32
    %mul3A_35 = arith.muli %min3A_33, %mul3A_34 : i32
    %multiple_of3A_36 = tpu.assume_multiple %mul3A_35, 128 : i32
    %dma_start3A_37 = arith.constant 0 : i32
    %dma_start3A_38 = tpu.memref_slice %arg3[%dma_start3A_37, %multiple_of3A_36] : memref<32x1000000xf32, #tpu.memory_space<hbm>> -> memref<32x128xf32, #tpu.memory_space<hbm>>
    %dma_start3A_39 = arith.constant 0 : i32
    %dma_start3A_40 = tpu.memref_slice %arg3[%dma_start3A_39, %multiple_of3A_36] : memref<32x1000000xf32, #tpu.memory_space<hbm>> -> memref<32x128xf32, #tpu.memory_space<hbm>>
    tpu.enqueue_dma source(%dma_start3A_40 : memref<32x128xf32, #tpu.memory_space<hbm>>) target(%arg9 : memref<32x128xf32, #tpu.memory_space<vmem>>) target_semaphore(%arg19 : memref<!tpu.dma_semaphore, #tpu.memory_space<semaphore_mem>>)
    %get3A_41 = arith.constant 3 : index
    %get3A_42 = tpu.vector_load %arg6[%get3A_41] {strides = array<i32>} : memref<528xi32, #tpu.memory_space<vmem>>, vector<16xi32>,
    %slice3A_43 = vector.extract_strided_slice %get3A_42 {offsets = [0], sizes = [1], strides = [1]} : vector<16xi32> to vector<1xi32>
    %squeeze3A_44 = vector.extract %slice3A_43[0] : i32 from vector<1xi32>
    %shift_right_logical3A_45 = arith.constant 7 : i32
    %shift_right_logical3A_46 = arith.shrui %squeeze3A_44, %shift_right_logical3A_45 : i32
    %min3A_47 = arith.constant 7811 : i32
    %min3A_48 = arith.minsi %shift_right_logical3A_46, %min3A_47 : i32
    %mul3A_49 = arith.constant 128 : i32
    %mul3A_50 = arith.muli %min3A_48, %mul3A_49 : i32
    %multiple_of3A_51 = tpu.assume_multiple %mul3A_50, 128 : i32
    %dma_start3A_52 = arith.constant 0 : i32
    %dma_start3A_53 = tpu.memref_slice %arg3[%dma_start3A_52, %multiple_of3A_51] : memref<32x1000000xf32, #tpu.memory_space<hbm>> -> memref<32x128xf32, #tpu.memory_space<hbm>>
    %dma_start3A_54 = arith.constant 0 : i32
    %dma_start3A_55 = tpu.memref_slice %arg3[%dma_start3A_54, %multiple_of3A_51] : memref<32x1000000xf32, #tpu.memory_space<hbm>> -> memref<32x128xf32, #tpu.memory_space<hbm>>
    tpu.enqueue_dma source(%dma_start3A_55 : memref<32x128xf32, #tpu.memory_space<hbm>>) target(%arg10 : memref<32x128xf32, #tpu.memory_space<vmem>>) target_semaphore(%arg20 : memref<!tpu.dma_semaphore, #tpu.memory_space<semaphore_mem>>)
    %get3A_56 = arith.constant 4 : index
    %get3A_57 = tpu.vector_load %arg6[%get3A_56] {strides = array<i32>} : memref<528xi32, #tpu.memory_space<vmem>>, vector<16xi32>,
    %slice3A_58 = vector.extract_strided_slice %get3A_57 {offsets = [0], sizes = [1], strides = [1]} : vector<16xi32> to vector<1xi32>
    %squeeze3A_59 = vector.extract %slice3A_58[0] : i32 from vector<1xi32>
    %shift_right_logical3A_60 = arith.constant 7 : i32
    %shift_right_logical3A_61 = arith.shrui %squeeze3A_59, %shift_right_logical3A_60 : i32
    %min3A_62 = arith.constant 7811 : i32
    %min3A_63 = arith.minsi %shift_right_logical3A_61, %min3A_62 : i32
    %mul3A_64 = arith.constant 128 : i32
    %mul3A_65 = arith.muli %min3A_63, %mul3A_64 : i32
    %multiple_of3A_66 = tpu.assume_multiple %mul3A_65, 128 : i32
    %dma_start3A_67 = arith.constant 0 : i32
    %dma_start3A_68 = tpu.memref_slice %arg3[%dma_start3A_67, %multiple_of3A_66] : memref<32x1000000xf32, #tpu.memory_space<hbm>> -> memref<32x128xf32, #tpu.memory_space<hbm>>
    %dma_start3A_69 = arith.constant 0 : i32
    %dma_start3A_70 = tpu.memref_slice %arg3[%dma_start3A_69, %multiple_of3A_66] : memref<32x1000000xf32, #tpu.memory_space<hbm>> -> memref<32x128xf32, #tpu.memory_space<hbm>>
    tpu.enqueue_dma source(%dma_start3A_70 : memref<32x128xf32, #tpu.memory_space<hbm>>) target(%arg11 : memref<32x128xf32, #tpu.memory_space<vmem>>) target_semaphore(%arg21 : memref<!tpu.dma_semaphore, #tpu.memory_space<semaphore_mem>>)
    %get3A_71 = arith.constant 5 : index
    %get3A_72 = tpu.vector_load %arg6[%get3A_71] {strides = array<i32>} : memref<528xi32, #tpu.memory_space<vmem>>, vector<16xi32>,
    %slice3A_73 = vector.extract_strided_slice %get3A_72 {offsets = [0], sizes = [1], strides = [1]} : vector<16xi32> to vector<1xi32>
    %squeeze3A_74 = vector.extract %slice3A_73[0] : i32 from vector<1xi32>
    %shift_right_logical3A_75 = arith.constant 7 : i32
    %shift_right_logical3A_76 = arith.shrui %squeeze3A_74, %shift_right_logical3A_75 : i32
    %min3A_77 = arith.constant 7811 : i32
    %min3A_78 = arith.minsi %shift_right_logical3A_76, %min3A_77 : i32
    %mul3A_79 = arith.constant 128 : i32
    %mul3A_80 = arith.muli %min3A_78, %mul3A_79 : i32
    %multiple_of3A_81 = tpu.assume_multiple %mul3A_80, 128 : i32
    %dma_start3A_82 = arith.constant 0 : i32
    %dma_start3A_83 = tpu.memref_slice %arg3[%dma_start3A_82, %multiple_of3A_81] : memref<32x1000000xf32, #tpu.memory_space<hbm>> -> memref<32x128xf32, #tpu.memory_space<hbm>>
    %dma_start3A_84 = arith.constant 0 : i32
    %dma_start3A_85 = tpu.memref_slice %arg3[%dma_start3A_84, %multiple_of3A_81] : memref<32x1000000xf32, #tpu.memory_space<hbm>> -> memref<32x128xf32, #tpu.memory_space<hbm>>
    tpu.enqueue_dma source(%dma_start3A_85 : memref<32x128xf32, #tpu.memory_space<hbm>>) target(%arg12 : memref<32x128xf32, #tpu.memory_space<vmem>>) target_semaphore(%arg22 : memref<!tpu.dma_semaphore, #tpu.memory_space<semaphore_mem>>)
    %get3A_86 = arith.constant 6 : index
    %get3A_87 = tpu.vector_load %arg6[%get3A_86] {strides = array<i32>} : memref<528xi32, #tpu.memory_space<vmem>>, vector<16xi32>,
    %slice3A_88 = vector.extract_strided_slice %get3A_87 {offsets = [0], sizes = [1], strides = [1]} : vector<16xi32> to vector<1xi32>
    %squeeze3A_89 = vector.extract %slice3A_88[0] : i32 from vector<1xi32>
    %shift_right_logical3A_90 = arith.constant 7 : i32
    %shift_right_logical3A_91 = arith.shrui %squeeze3A_89, %shift_right_logical3A_90 : i32
    %min3A_92 = arith.constant 7811 : i32
    %min3A_93 = arith.minsi %shift_right_logical3A_91, %min3A_92 : i32
    %mul3A_94 = arith.constant 128 : i32
    %mul3A_95 = arith.muli %min3A_93, %mul3A_94 : i32
    %multiple_of3A_96 = tpu.assume_multiple %mul3A_95, 128 : i32
    %dma_start3A_97 = arith.constant 0 : i32
    %dma_start3A_98 = tpu.memref_slice %arg3[%dma_start3A_97, %multiple_of3A_96] : memref<32x1000000xf32, #tpu.memory_space<hbm>> -> memref<32x128xf32, #tpu.memory_space<hbm>>
    %dma_start3A_99 = arith.constant 0 : i32
    %dma_start3A_100 = tpu.memref_slice %arg3[%dma_start3A_99, %multiple_of3A_96] : memref<32x1000000xf32, #tpu.memory_space<hbm>> -> memref<32x128xf32, #tpu.memory_space<hbm>>
    tpu.enqueue_dma source(%dma_start3A_100 : memref<32x128xf32, #tpu.memory_space<hbm>>) target(%arg13 : memref<32x128xf32, #tpu.memory_space<vmem>>) target_semaphore(%arg23 : memref<!tpu.dma_semaphore, #tpu.memory_space<semaphore_mem>>)
    %get3A_101 = arith.constant 7 : index
    %get3A_102 = tpu.vector_load %arg6[%get3A_101] {strides = array<i32>} : memref<528xi32, #tpu.memory_space<vmem>>, vector<16xi32>,
    %slice3A_103 = vector.extract_strided_slice %get3A_102 {offsets = [0], sizes = [1], strides = [1]} : vector<16xi32> to vector<1xi32>
    %squeeze3A_104 = vector.extract %slice3A_103[0] : i32 from vector<1xi32>
    %shift_right_logical3A_105 = arith.constant 7 : i32
    %shift_right_logical3A_106 = arith.shrui %squeeze3A_104, %shift_right_logical3A_105 : i32
    %min3A_107 = arith.constant 7811 : i32
    %min3A_108 = arith.minsi %shift_right_logical3A_106, %min3A_107 : i32
    %mul3A_109 = arith.constant 128 : i32
    %mul3A_110 = arith.muli %min3A_108, %mul3A_109 : i32
    %multiple_of3A_111 = tpu.assume_multiple %mul3A_110, 128 : i32
    %dma_start3A_112 = arith.constant 0 : i32
    %dma_start3A_113 = tpu.memref_slice %arg3[%dma_start3A_112, %multiple_of3A_111] : memref<32x1000000xf32, #tpu.memory_space<hbm>> -> memref<32x128xf32, #tpu.memory_space<hbm>>
    %dma_start3A_114 = arith.constant 0 : i32
    %dma_start3A_115 = tpu.memref_slice %arg3[%dma_start3A_114, %multiple_of3A_111] : memref<32x1000000xf32, #tpu.memory_space<hbm>> -> memref<32x128xf32, #tpu.memory_space<hbm>>
    tpu.enqueue_dma source(%dma_start3A_115 : memref<32x128xf32, #tpu.memory_space<hbm>>) target(%arg14 : memref<32x128xf32, #tpu.memory_space<vmem>>) target_semaphore(%arg24 : memref<!tpu.dma_semaphore, #tpu.memory_space<semaphore_mem>>)
    %scan3A = arith.constant 0 : i32
    %scan3A_116 = arith.constant 512 : i32
    %scan3A_117 = arith.addi %scan3A, %scan3A_116 : i32
    %scan3A_118 = arith.constant 1 : i32
    scf.for %scan3A_120 = %scan3A to %scan3A_117 step %scan3A_118  : i32 {
      %mul3A_121 = arith.constant 1 : i32
      %mul3A_122 = arith.muli %scan3A_120, %mul3A_121 : i32
      %add3A_123 = arith.constant 0 : i32
      %add3A_124 = arith.addi %add3A_123, %mul3A_122 : i32
      %get3A_125 = arith.index_cast %add3A_124 : i32 to index
      %get3A_126 = tpu.vector_load %arg6[%get3A_125] {strides = array<i32>} : memref<528xi32, #tpu.memory_space<vmem>>, vector<16xi32>,
      %slice3A_127 = vector.extract_strided_slice %get3A_126 {offsets = [0], sizes = [1], strides = [1]} : vector<16xi32> to vector<1xi32>
      %squeeze3A_128 = vector.extract %slice3A_127[0] : i32 from vector<1xi32>
      %and3A = arith.constant 127 : i32
      %and3A_129 = arith.andi %squeeze3A_128, %and3A : i32
      %jit3A = arith.constant 8 : i32
      %eq3A = arith.constant 0 : i32
      %eq3A_130 = arith.cmpi eq, %jit3A, %eq3A : i32
      %jit3A_131 = arith.constant 1 : i32
      %select_n3A = arith.select %eq3A_130, %jit3A_131, %jit3A : i32
      %rem3A = arith.remsi %add3A_124, %select_n3A : i32
      %ne3A = arith.constant 0 : i32
      %ne3A_132 = arith.cmpi ne, %rem3A, %ne3A : i32
      %lt3A = arith.constant 0 : i32
      %lt3A_133 = arith.cmpi slt, %rem3A, %lt3A : i32
      %lt3A_134 = arith.constant 0 : i32
      %lt3A_135 = arith.cmpi slt, %select_n3A, %lt3A_134 : i32
      %ne3A_136 = arith.xori %lt3A_133, %lt3A_135 : i1
      %and3A_137 = arith.andi %ne3A_136, %ne3A_132 : i1
      %add3A_138 = arith.addi %rem3A, %select_n3A : i32
      %select_n3A_139 = arith.select %and3A_137, %add3A_138, %rem3A : i32
      %eq3A_140 = arith.constant 0 : i32
      %eq3A_141 = arith.cmpi eq, %select_n3A_139, %eq3A_140 : i32
      %convert_element_type3A = arith.extui %eq3A_141 : i1 to i32
      %cond3A = arith.constant 0 : i32
      %cond3A_142 = arith.cmpi ne, %convert_element_type3A, %cond3A : i32
      scf.if %cond3A_142 {
        %dma_wait3A = arith.constant 0 : i32
        %dma_wait3A_290 = arith.constant 0 : i32
        %dma_wait3A_291 = tpu.memref_slice %arg3[%dma_wait3A, %dma_wait3A_290] : memref<32x1000000xf32, #tpu.memory_space<hbm>> -> memref<32x128xf32, #tpu.memory_space<hbm>>
        %dma_wait3A_292 = arith.constant 0 : i32
        %dma_wait3A_293 = arith.constant 0 : i32
        %dma_wait3A_294 = tpu.memref_slice %arg3[%dma_wait3A_292, %dma_wait3A_293] : memref<32x1000000xf32, #tpu.memory_space<hbm>> -> memref<32x128xf32, #tpu.memory_space<hbm>>
        tpu.wait_dma2 semaphore(%arg17 : memref<!tpu.dma_semaphore, #tpu.memory_space<semaphore_mem>>) src(%dma_wait3A_294 : memref<32x128xf32, #tpu.memory_space<hbm>>) dst(%arg7 : memref<32x128xf32, #tpu.memory_space<vmem>>)
        %sub3A = arith.constant 999936 : i32
        %sub3A_295 = arith.subi %squeeze3A_128, %sub3A : i32
        %jit3A_296 = arith.constant 0 : i32
        %jit3A_297 = arith.constant 63 : i32
        %max3A = arith.maxsi %jit3A_296, %sub3A_295 : i32
        %min3A_298 = arith.minsi %jit3A_297, %max3A : i32
        %mul3A_299 = arith.constant 32 : i32
        %mul3A_300 = arith.muli %min3A_298, %mul3A_299 : i32
        %iota3A = tpu.iota {dimensions = array<i32: 0>} : vector<16xi32>
        %add3A_301 = arith.constant 0 : i32
        %add3A_302 = vector.broadcast %add3A_301 : i32 to vector<16xi32>
        %add3A_303 = arith.addi %iota3A, %add3A_302 : vector<16xi32>
        %broadcast_in_dim3A = arith.constant 0 : i32
        %broadcast_in_dim3A_304 = vector.broadcast %broadcast_in_dim3A : i32 to vector<16xi32>
        %add3A_305 = vector.broadcast %and3A_129 : i32 to vector<16xi32>
        %add3A_306 = arith.addi %broadcast_in_dim3A_304, %add3A_305 : vector<16xi32>
        %gather3A = tpu.vector_load_idx %arg7[%add3A_303, %add3A_306] : memref<32x128xf32, #tpu.memory_space<vmem>>[vector<16xi32>, vector<16xi32>], vector<16xf32>,
        %add3A_307 = vector.broadcast %mul3A_300 : i32 to vector<16xi32>
        %add3A_308 = arith.addi %add3A_303, %add3A_307 : vector<16xi32>
        %gather3A_309 = tpu.vector_load_idx %arg15[%add3A_308] : memref<2048xf32, #tpu.memory_space<vmem>>[vector<16xi32>], vector<16xf32>,
        %ge3A = arith.constant 999936 : i32
        %ge3A_310 = arith.cmpi sge, %squeeze3A_128, %ge3A : i32
        %select_n3A_311 = arith.select %ge3A_310, %gather3A_309, %gather3A : vector<16xf32>
        %broadcast_in_dim3A_312 = arith.constant 0 : i32
        %broadcast_in_dim3A_313 = vector.broadcast %broadcast_in_dim3A_312 : i32 to vector<16xi32>
        %add3A_314 = vector.broadcast %add3A_124 : i32 to vector<16xi32>
        %add3A_315 = arith.addi %broadcast_in_dim3A_313, %add3A_314 : vector<16xi32>
        tpu.vector_store_idx %arg16[%add3A_303, %add3A_315], %select_n3A_311 : memref<32x512xf32, #tpu.memory_space<vmem>>[vector<16xi32>, vector<16xi32>], vector<16xf32>,
        %iota3A_316 = tpu.iota {dimensions = array<i32: 0>} : vector<16xi32>
        %add3A_317 = arith.constant 16 : i32
        %add3A_318 = vector.broadcast %add3A_317 : i32 to vector<16xi32>
        %add3A_319 = arith.addi %iota3A_316, %add3A_318 : vector<16xi32>
        %broadcast_in_dim3A_320 = arith.constant 0 : i32
        %broadcast_in_dim3A_321 = vector.broadcast %broadcast_in_dim3A_320 : i32 to vector<16xi32>
        %add3A_322 = vector.broadcast %and3A_129 : i32 to vector<16xi32>
        %add3A_323 = arith.addi %broadcast_in_dim3A_321, %add3A_322 : vector<16xi32>
        %gather3A_324 = tpu.vector_load_idx %arg7[%add3A_319, %add3A_323] : memref<32x128xf32, #tpu.memory_space<vmem>>[vector<16xi32>, vector<16xi32>], vector<16xf32>,
        %add3A_325 = vector.broadcast %mul3A_300 : i32 to vector<16xi32>
        %add3A_326 = arith.addi %add3A_319, %add3A_325 : vector<16xi32>
        %gather3A_327 = tpu.vector_load_idx %arg15[%add3A_326] : memref<2048xf32, #tpu.memory_space<vmem>>[vector<16xi32>], vector<16xf32>,
        %ge3A_328 = arith.constant 999936 : i32
        %ge3A_329 = arith.cmpi sge, %squeeze3A_128, %ge3A_328 : i32
        %select_n3A_330 = arith.select %ge3A_329, %gather3A_327, %gather3A_324 : vector<16xf32>
        %broadcast_in_dim3A_331 = arith.constant 0 : i32
        %broadcast_in_dim3A_332 = vector.broadcast %broadcast_in_dim3A_331 : i32 to vector<16xi32>
        %add3A_333 = vector.broadcast %add3A_124 : i32 to vector<16xi32>
        %add3A_334 = arith.addi %broadcast_in_dim3A_332, %add3A_333 : vector<16xi32>
        tpu.vector_store_idx %arg16[%add3A_319, %add3A_334], %select_n3A_330 : memref<32x512xf32, #tpu.memory_space<vmem>>[vector<16xi32>, vector<16xi32>], vector<16xf32>,
        %add3A_335 = arith.constant 8 : i32
        %add3A_336 = arith.addi %add3A_124, %add3A_335 : i32
        %lt3A_337 = arith.constant 512 : i32
        %lt3A_338 = arith.cmpi slt, %add3A_336, %lt3A_337 : i32
        %convert_element_type3A_339 = arith.extui %lt3A_338 : i1 to i32
        %cond3A_340 = arith.constant 0 : i32
        %cond3A_341 = arith.cmpi ne, %convert_element_type3A_339, %cond3A_340 : i32
        scf.if %cond3A_341 {
          %add3A_342 = arith.constant 8 : i32
          %add3A_343 = arith.addi %add3A_124, %add3A_342 : i32
          %get3A_344 = arith.index_cast %add3A_343 : i32 to index
          %get3A_345 = tpu.vector_load %arg6[%get3A_344] {strides = array<i32>} : memref<528xi32, #tpu.memory_space<vmem>>, vector<16xi32>,
          %slice3A_346 = vector.extract_strided_slice %get3A_345 {offsets = [0], sizes = [1], strides = [1]} : vector<16xi32> to vector<1xi32>
          %squeeze3A_347 = vector.extract %slice3A_346[0] : i32 from vector<1xi32>
          %shift_right_logical3A_348 = arith.constant 7 : i32
          %shift_right_logical3A_349 = arith.shrui %squeeze3A_347, %shift_right_logical3A_348 : i32
          %min3A_350 = arith.constant 7811 : i32
          %min3A_351 = arith.minsi %shift_right_logical3A_349, %min3A_350 : i32
          %mul3A_352 = arith.constant 128 : i32
          %mul3A_353 = arith.muli %min3A_351, %mul3A_352 : i32
          %multiple_of3A_354 = tpu.assume_multiple %mul3A_353, 128 : i32
          %dma_start3A_355 = arith.constant 0 : i32
          %dma_start3A_356 = tpu.memref_slice %arg3[%dma_start3A_355, %multiple_of3A_354] : memref<32x1000000xf32, #tpu.memory_space<hbm>> -> memref<32x128xf32, #tpu.memory_space<hbm>>
          %dma_start3A_357 = arith.constant 0 : i32
          %dma_start3A_358 = tpu.memref_slice %arg3[%dma_start3A_357, %multiple_of3A_354] : memref<32x1000000xf32, #tpu.memory_space<hbm>> -> memref<32x128xf32, #tpu.memory_space<hbm>>
          tpu.enqueue_dma source(%dma_start3A_358 : memref<32x128xf32, #tpu.memory_space<hbm>>) target(%arg7 : memref<32x128xf32, #tpu.memory_space<vmem>>) target_semaphore(%arg17 : memref<!tpu.dma_semaphore, #tpu.memory_space<semaphore_mem>>)
        } else {
        }
      } else {
      }
      %jit3A_143 = arith.constant 8 : i32
      %eq3A_144 = arith.constant 0 : i32
      %eq3A_145 = arith.cmpi eq, %jit3A_143, %eq3A_144 : i32
      %jit3A_146 = arith.constant 1 : i32
      %select_n3A_147 = arith.select %eq3A_145, %jit3A_146, %jit3A_143 : i32
      %rem3A_148 = arith.remsi %add3A_124, %select_n3A_147 : i32
      %ne3A_149 = arith.constant 0 : i32
      %ne3A_150 = arith.cmpi ne, %rem3A_148, %ne3A_149 : i32
      %lt3A_151 = arith.constant 0 : i32
      %lt3A_152 = arith.cmpi slt, %rem3A_148, %lt3A_151 : i32
      %lt3A_153 = arith.constant 0 : i32
      %lt3A_154 = arith.cmpi slt, %select_n3A_147, %lt3A_153 : i32
      %ne3A_155 = arith.xori %lt3A_152, %lt3A_154 : i1
      %and3A_156 = arith.andi %ne3A_155, %ne3A_150 : i1
      %add3A_157 = arith.addi %rem3A_148, %select_n3A_147 : i32
      %select_n3A_158 = arith.select %and3A_156, %add3A_157, %rem3A_148 : i32
      %eq3A_159 = arith.constant 1 : i32
      %eq3A_160 = arith.cmpi eq, %select_n3A_158, %eq3A_159 : i32
      %convert_element_type3A_161 = arith.extui %eq3A_160 : i1 to i32
      %cond3A_162 = arith.constant 0 : i32
      %cond3A_163 = arith.cmpi ne, %convert_element_type3A_161, %cond3A_162 : i32
      scf.if %cond3A_163 {
        %dma_wait3A = arith.constant 0 : i32
        %dma_wait3A_290 = arith.constant 0 : i32
        %dma_wait3A_291 = tpu.memref_slice %arg3[%dma_wait3A, %dma_wait3A_290] : memref<32x1000000xf32, #tpu.memory_space<hbm>> -> memref<32x128xf32, #tpu.memory_space<hbm>>
        %dma_wait3A_292 = arith.constant 0 : i32
        %dma_wait3A_293 = arith.constant 0 : i32
        %dma_wait3A_294 = tpu.memref_slice %arg3[%dma_wait3A_292, %dma_wait3A_293] : memref<32x1000000xf32, #tpu.memory_space<hbm>> -> memref<32x128xf32, #tpu.memory_space<hbm>>
        tpu.wait_dma2 semaphore(%arg18 : memref<!tpu.dma_semaphore, #tpu.memory_space<semaphore_mem>>) src(%dma_wait3A_294 : memref<32x128xf32, #tpu.memory_space<hbm>>) dst(%arg8 : memref<32x128xf32, #tpu.memory_space<vmem>>)
        %sub3A = arith.constant 999936 : i32
        %sub3A_295 = arith.subi %squeeze3A_128, %sub3A : i32
        %jit3A_296 = arith.constant 0 : i32
        %jit3A_297 = arith.constant 63 : i32
        %max3A = arith.maxsi %jit3A_296, %sub3A_295 : i32
        %min3A_298 = arith.minsi %jit3A_297, %max3A : i32
        %mul3A_299 = arith.constant 32 : i32
        %mul3A_300 = arith.muli %min3A_298, %mul3A_299 : i32
        %iota3A = tpu.iota {dimensions = array<i32: 0>} : vector<16xi32>
        %add3A_301 = arith.constant 0 : i32
        %add3A_302 = vector.broadcast %add3A_301 : i32 to vector<16xi32>
        %add3A_303 = arith.addi %iota3A, %add3A_302 : vector<16xi32>
        %broadcast_in_dim3A = arith.constant 0 : i32
        %broadcast_in_dim3A_304 = vector.broadcast %broadcast_in_dim3A : i32 to vector<16xi32>
        %add3A_305 = vector.broadcast %and3A_129 : i32 to vector<16xi32>
        %add3A_306 = arith.addi %broadcast_in_dim3A_304, %add3A_305 : vector<16xi32>
        %gather3A = tpu.vector_load_idx %arg8[%add3A_303, %add3A_306] : memref<32x128xf32, #tpu.memory_space<vmem>>[vector<16xi32>, vector<16xi32>], vector<16xf32>,
        %add3A_307 = vector.broadcast %mul3A_300 : i32 to vector<16xi32>
        %add3A_308 = arith.addi %add3A_303, %add3A_307 : vector<16xi32>
        %gather3A_309 = tpu.vector_load_idx %arg15[%add3A_308] : memref<2048xf32, #tpu.memory_space<vmem>>[vector<16xi32>], vector<16xf32>,
        %ge3A = arith.constant 999936 : i32
        %ge3A_310 = arith.cmpi sge, %squeeze3A_128, %ge3A : i32
        %select_n3A_311 = arith.select %ge3A_310, %gather3A_309, %gather3A : vector<16xf32>
        %broadcast_in_dim3A_312 = arith.constant 0 : i32
        %broadcast_in_dim3A_313 = vector.broadcast %broadcast_in_dim3A_312 : i32 to vector<16xi32>
        %add3A_314 = vector.broadcast %add3A_124 : i32 to vector<16xi32>
        %add3A_315 = arith.addi %broadcast_in_dim3A_313, %add3A_314 : vector<16xi32>
        tpu.vector_store_idx %arg16[%add3A_303, %add3A_315], %select_n3A_311 : memref<32x512xf32, #tpu.memory_space<vmem>>[vector<16xi32>, vector<16xi32>], vector<16xf32>,
        %iota3A_316 = tpu.iota {dimensions = array<i32: 0>} : vector<16xi32>
        %add3A_317 = arith.constant 16 : i32
        %add3A_318 = vector.broadcast %add3A_317 : i32 to vector<16xi32>
        %add3A_319 = arith.addi %iota3A_316, %add3A_318 : vector<16xi32>
        %broadcast_in_dim3A_320 = arith.constant 0 : i32
        %broadcast_in_dim3A_321 = vector.broadcast %broadcast_in_dim3A_320 : i32 to vector<16xi32>
        %add3A_322 = vector.broadcast %and3A_129 : i32 to vector<16xi32>
        %add3A_323 = arith.addi %broadcast_in_dim3A_321, %add3A_322 : vector<16xi32>
        %gather3A_324 = tpu.vector_load_idx %arg8[%add3A_319, %add3A_323] : memref<32x128xf32, #tpu.memory_space<vmem>>[vector<16xi32>, vector<16xi32>], vector<16xf32>,
        %add3A_325 = vector.broadcast %mul3A_300 : i32 to vector<16xi32>
        %add3A_326 = arith.addi %add3A_319, %add3A_325 : vector<16xi32>
        %gather3A_327 = tpu.vector_load_idx %arg15[%add3A_326] : memref<2048xf32, #tpu.memory_space<vmem>>[vector<16xi32>], vector<16xf32>,
        %ge3A_328 = arith.constant 999936 : i32
        %ge3A_329 = arith.cmpi sge, %squeeze3A_128, %ge3A_328 : i32
        %select_n3A_330 = arith.select %ge3A_329, %gather3A_327, %gather3A_324 : vector<16xf32>
        %broadcast_in_dim3A_331 = arith.constant 0 : i32
        %broadcast_in_dim3A_332 = vector.broadcast %broadcast_in_dim3A_331 : i32 to vector<16xi32>
        %add3A_333 = vector.broadcast %add3A_124 : i32 to vector<16xi32>
        %add3A_334 = arith.addi %broadcast_in_dim3A_332, %add3A_333 : vector<16xi32>
        tpu.vector_store_idx %arg16[%add3A_319, %add3A_334], %select_n3A_330 : memref<32x512xf32, #tpu.memory_space<vmem>>[vector<16xi32>, vector<16xi32>], vector<16xf32>,
        %add3A_335 = arith.constant 8 : i32
        %add3A_336 = arith.addi %add3A_124, %add3A_335 : i32
        %lt3A_337 = arith.constant 512 : i32
        %lt3A_338 = arith.cmpi slt, %add3A_336, %lt3A_337 : i32
        %convert_element_type3A_339 = arith.extui %lt3A_338 : i1 to i32
        %cond3A_340 = arith.constant 0 : i32
        %cond3A_341 = arith.cmpi ne, %convert_element_type3A_339, %cond3A_340 : i32
        scf.if %cond3A_341 {
          %add3A_342 = arith.constant 8 : i32
          %add3A_343 = arith.addi %add3A_124, %add3A_342 : i32
          %get3A_344 = arith.index_cast %add3A_343 : i32 to index
          %get3A_345 = tpu.vector_load %arg6[%get3A_344] {strides = array<i32>} : memref<528xi32, #tpu.memory_space<vmem>>, vector<16xi32>,
          %slice3A_346 = vector.extract_strided_slice %get3A_345 {offsets = [0], sizes = [1], strides = [1]} : vector<16xi32> to vector<1xi32>
          %squeeze3A_347 = vector.extract %slice3A_346[0] : i32 from vector<1xi32>
          %shift_right_logical3A_348 = arith.constant 7 : i32
          %shift_right_logical3A_349 = arith.shrui %squeeze3A_347, %shift_right_logical3A_348 : i32
          %min3A_350 = arith.constant 7811 : i32
          %min3A_351 = arith.minsi %shift_right_logical3A_349, %min3A_350 : i32
          %mul3A_352 = arith.constant 128 : i32
          %mul3A_353 = arith.muli %min3A_351, %mul3A_352 : i32
          %multiple_of3A_354 = tpu.assume_multiple %mul3A_353, 128 : i32
          %dma_start3A_355 = arith.constant 0 : i32
          %dma_start3A_356 = tpu.memref_slice %arg3[%dma_start3A_355, %multiple_of3A_354] : memref<32x1000000xf32, #tpu.memory_space<hbm>> -> memref<32x128xf32, #tpu.memory_space<hbm>>
          %dma_start3A_357 = arith.constant 0 : i32
          %dma_start3A_358 = tpu.memref_slice %arg3[%dma_start3A_357, %multiple_of3A_354] : memref<32x1000000xf32, #tpu.memory_space<hbm>> -> memref<32x128xf32, #tpu.memory_space<hbm>>
          tpu.enqueue_dma source(%dma_start3A_358 : memref<32x128xf32, #tpu.memory_space<hbm>>) target(%arg8 : memref<32x128xf32, #tpu.memory_space<vmem>>) target_semaphore(%arg18 : memref<!tpu.dma_semaphore, #tpu.memory_space<semaphore_mem>>)
        } else {
        }
      } else {
      }
      %jit3A_164 = arith.constant 8 : i32
      %eq3A_165 = arith.constant 0 : i32
      %eq3A_166 = arith.cmpi eq, %jit3A_164, %eq3A_165 : i32
      %jit3A_167 = arith.constant 1 : i32
      %select_n3A_168 = arith.select %eq3A_166, %jit3A_167, %jit3A_164 : i32
      %rem3A_169 = arith.remsi %add3A_124, %select_n3A_168 : i32
      %ne3A_170 = arith.constant 0 : i32
      %ne3A_171 = arith.cmpi ne, %rem3A_169, %ne3A_170 : i32
      %lt3A_172 = arith.constant 0 : i32
      %lt3A_173 = arith.cmpi slt, %rem3A_169, %lt3A_172 : i32
      %lt3A_174 = arith.constant 0 : i32
      %lt3A_175 = arith.cmpi slt, %select_n3A_168, %lt3A_174 : i32
      %ne3A_176 = arith.xori %lt3A_173, %lt3A_175 : i1
      %and3A_177 = arith.andi %ne3A_176, %ne3A_171 : i1
      %add3A_178 = arith.addi %rem3A_169, %select_n3A_168 : i32
      %select_n3A_179 = arith.select %and3A_177, %add3A_178, %rem3A_169 : i32
      %eq3A_180 = arith.constant 2 : i32
      %eq3A_181 = arith.cmpi eq, %select_n3A_179, %eq3A_180 : i32
      %convert_element_type3A_182 = arith.extui %eq3A_181 : i1 to i32
      %cond3A_183 = arith.constant 0 : i32
      %cond3A_184 = arith.cmpi ne, %convert_element_type3A_182, %cond3A_183 : i32
      scf.if %cond3A_184 {
        %dma_wait3A = arith.constant 0 : i32
        %dma_wait3A_290 = arith.constant 0 : i32
        %dma_wait3A_291 = tpu.memref_slice %arg3[%dma_wait3A, %dma_wait3A_290] : memref<32x1000000xf32, #tpu.memory_space<hbm>> -> memref<32x128xf32, #tpu.memory_space<hbm>>
        %dma_wait3A_292 = arith.constant 0 : i32
        %dma_wait3A_293 = arith.constant 0 : i32
        %dma_wait3A_294 = tpu.memref_slice %arg3[%dma_wait3A_292, %dma_wait3A_293] : memref<32x1000000xf32, #tpu.memory_space<hbm>> -> memref<32x128xf32, #tpu.memory_space<hbm>>
        tpu.wait_dma2 semaphore(%arg19 : memref<!tpu.dma_semaphore, #tpu.memory_space<semaphore_mem>>) src(%dma_wait3A_294 : memref<32x128xf32, #tpu.memory_space<hbm>>) dst(%arg9 : memref<32x128xf32, #tpu.memory_space<vmem>>)
        %sub3A = arith.constant 999936 : i32
        %sub3A_295 = arith.subi %squeeze3A_128, %sub3A : i32
        %jit3A_296 = arith.constant 0 : i32
        %jit3A_297 = arith.constant 63 : i32
        %max3A = arith.maxsi %jit3A_296, %sub3A_295 : i32
        %min3A_298 = arith.minsi %jit3A_297, %max3A : i32
        %mul3A_299 = arith.constant 32 : i32
        %mul3A_300 = arith.muli %min3A_298, %mul3A_299 : i32
        %iota3A = tpu.iota {dimensions = array<i32: 0>} : vector<16xi32>
        %add3A_301 = arith.constant 0 : i32
        %add3A_302 = vector.broadcast %add3A_301 : i32 to vector<16xi32>
        %add3A_303 = arith.addi %iota3A, %add3A_302 : vector<16xi32>
        %broadcast_in_dim3A = arith.constant 0 : i32
        %broadcast_in_dim3A_304 = vector.broadcast %broadcast_in_dim3A : i32 to vector<16xi32>
        %add3A_305 = vector.broadcast %and3A_129 : i32 to vector<16xi32>
        %add3A_306 = arith.addi %broadcast_in_dim3A_304, %add3A_305 : vector<16xi32>
        %gather3A = tpu.vector_load_idx %arg9[%add3A_303, %add3A_306] : memref<32x128xf32, #tpu.memory_space<vmem>>[vector<16xi32>, vector<16xi32>], vector<16xf32>,
        %add3A_307 = vector.broadcast %mul3A_300 : i32 to vector<16xi32>
        %add3A_308 = arith.addi %add3A_303, %add3A_307 : vector<16xi32>
        %gather3A_309 = tpu.vector_load_idx %arg15[%add3A_308] : memref<2048xf32, #tpu.memory_space<vmem>>[vector<16xi32>], vector<16xf32>,
        %ge3A = arith.constant 999936 : i32
        %ge3A_310 = arith.cmpi sge, %squeeze3A_128, %ge3A : i32
        %select_n3A_311 = arith.select %ge3A_310, %gather3A_309, %gather3A : vector<16xf32>
        %broadcast_in_dim3A_312 = arith.constant 0 : i32
        %broadcast_in_dim3A_313 = vector.broadcast %broadcast_in_dim3A_312 : i32 to vector<16xi32>
        %add3A_314 = vector.broadcast %add3A_124 : i32 to vector<16xi32>
        %add3A_315 = arith.addi %broadcast_in_dim3A_313, %add3A_314 : vector<16xi32>
        tpu.vector_store_idx %arg16[%add3A_303, %add3A_315], %select_n3A_311 : memref<32x512xf32, #tpu.memory_space<vmem>>[vector<16xi32>, vector<16xi32>], vector<16xf32>,
        %iota3A_316 = tpu.iota {dimensions = array<i32: 0>} : vector<16xi32>
        %add3A_317 = arith.constant 16 : i32
        %add3A_318 = vector.broadcast %add3A_317 : i32 to vector<16xi32>
        %add3A_319 = arith.addi %iota3A_316, %add3A_318 : vector<16xi32>
        %broadcast_in_dim3A_320 = arith.constant 0 : i32
        %broadcast_in_dim3A_321 = vector.broadcast %broadcast_in_dim3A_320 : i32 to vector<16xi32>
        %add3A_322 = vector.broadcast %and3A_129 : i32 to vector<16xi32>
        %add3A_323 = arith.addi %broadcast_in_dim3A_321, %add3A_322 : vector<16xi32>
        %gather3A_324 = tpu.vector_load_idx %arg9[%add3A_319, %add3A_323] : memref<32x128xf32, #tpu.memory_space<vmem>>[vector<16xi32>, vector<16xi32>], vector<16xf32>,
        %add3A_325 = vector.broadcast %mul3A_300 : i32 to vector<16xi32>
        %add3A_326 = arith.addi %add3A_319, %add3A_325 : vector<16xi32>
        %gather3A_327 = tpu.vector_load_idx %arg15[%add3A_326] : memref<2048xf32, #tpu.memory_space<vmem>>[vector<16xi32>], vector<16xf32>,
        %ge3A_328 = arith.constant 999936 : i32
        %ge3A_329 = arith.cmpi sge, %squeeze3A_128, %ge3A_328 : i32
        %select_n3A_330 = arith.select %ge3A_329, %gather3A_327, %gather3A_324 : vector<16xf32>
        %broadcast_in_dim3A_331 = arith.constant 0 : i32
        %broadcast_in_dim3A_332 = vector.broadcast %broadcast_in_dim3A_331 : i32 to vector<16xi32>
        %add3A_333 = vector.broadcast %add3A_124 : i32 to vector<16xi32>
        %add3A_334 = arith.addi %broadcast_in_dim3A_332, %add3A_333 : vector<16xi32>
        tpu.vector_store_idx %arg16[%add3A_319, %add3A_334], %select_n3A_330 : memref<32x512xf32, #tpu.memory_space<vmem>>[vector<16xi32>, vector<16xi32>], vector<16xf32>,
        %add3A_335 = arith.constant 8 : i32
        %add3A_336 = arith.addi %add3A_124, %add3A_335 : i32
        %lt3A_337 = arith.constant 512 : i32
        %lt3A_338 = arith.cmpi slt, %add3A_336, %lt3A_337 : i32
        %convert_element_type3A_339 = arith.extui %lt3A_338 : i1 to i32
        %cond3A_340 = arith.constant 0 : i32
        %cond3A_341 = arith.cmpi ne, %convert_element_type3A_339, %cond3A_340 : i32
        scf.if %cond3A_341 {
          %add3A_342 = arith.constant 8 : i32
          %add3A_343 = arith.addi %add3A_124, %add3A_342 : i32
          %get3A_344 = arith.index_cast %add3A_343 : i32 to index
          %get3A_345 = tpu.vector_load %arg6[%get3A_344] {strides = array<i32>} : memref<528xi32, #tpu.memory_space<vmem>>, vector<16xi32>,
          %slice3A_346 = vector.extract_strided_slice %get3A_345 {offsets = [0], sizes = [1], strides = [1]} : vector<16xi32> to vector<1xi32>
          %squeeze3A_347 = vector.extract %slice3A_346[0] : i32 from vector<1xi32>
          %shift_right_logical3A_348 = arith.constant 7 : i32
          %shift_right_logical3A_349 = arith.shrui %squeeze3A_347, %shift_right_logical3A_348 : i32
          %min3A_350 = arith.constant 7811 : i32
          %min3A_351 = arith.minsi %shift_right_logical3A_349, %min3A_350 : i32
          %mul3A_352 = arith.constant 128 : i32
          %mul3A_353 = arith.muli %min3A_351, %mul3A_352 : i32
          %multiple_of3A_354 = tpu.assume_multiple %mul3A_353, 128 : i32
          %dma_start3A_355 = arith.constant 0 : i32
          %dma_start3A_356 = tpu.memref_slice %arg3[%dma_start3A_355, %multiple_of3A_354] : memref<32x1000000xf32, #tpu.memory_space<hbm>> -> memref<32x128xf32, #tpu.memory_space<hbm>>
          %dma_start3A_357 = arith.constant 0 : i32
          %dma_start3A_358 = tpu.memref_slice %arg3[%dma_start3A_357, %multiple_of3A_354] : memref<32x1000000xf32, #tpu.memory_space<hbm>> -> memref<32x128xf32, #tpu.memory_space<hbm>>
          tpu.enqueue_dma source(%dma_start3A_358 : memref<32x128xf32, #tpu.memory_space<hbm>>) target(%arg9 : memref<32x128xf32, #tpu.memory_space<vmem>>) target_semaphore(%arg19 : memref<!tpu.dma_semaphore, #tpu.memory_space<semaphore_mem>>)
        } else {
        }
      } else {
      }
      %jit3A_185 = arith.constant 8 : i32
      %eq3A_186 = arith.constant 0 : i32
      %eq3A_187 = arith.cmpi eq, %jit3A_185, %eq3A_186 : i32
      %jit3A_188 = arith.constant 1 : i32
      %select_n3A_189 = arith.select %eq3A_187, %jit3A_188, %jit3A_185 : i32
      %rem3A_190 = arith.remsi %add3A_124, %select_n3A_189 : i32
      %ne3A_191 = arith.constant 0 : i32
      %ne3A_192 = arith.cmpi ne, %rem3A_190, %ne3A_191 : i32
      %lt3A_193 = arith.constant 0 : i32
      %lt3A_194 = arith.cmpi slt, %rem3A_190, %lt3A_193 : i32
      %lt3A_195 = arith.constant 0 : i32
      %lt3A_196 = arith.cmpi slt, %select_n3A_189, %lt3A_195 : i32
      %ne3A_197 = arith.xori %lt3A_194, %lt3A_196 : i1
      %and3A_198 = arith.andi %ne3A_197, %ne3A_192 : i1
      %add3A_199 = arith.addi %rem3A_190, %select_n3A_189 : i32
      %select_n3A_200 = arith.select %and3A_198, %add3A_199, %rem3A_190 : i32
      %eq3A_201 = arith.constant 3 : i32
      %eq3A_202 = arith.cmpi eq, %select_n3A_200, %eq3A_201 : i32
      %convert_element_type3A_203 = arith.extui %eq3A_202 : i1 to i32
      %cond3A_204 = arith.constant 0 : i32
      %cond3A_205 = arith.cmpi ne, %convert_element_type3A_203, %cond3A_204 : i32
      scf.if %cond3A_205 {
        %dma_wait3A = arith.constant 0 : i32
        %dma_wait3A_290 = arith.constant 0 : i32
        %dma_wait3A_291 = tpu.memref_slice %arg3[%dma_wait3A, %dma_wait3A_290] : memref<32x1000000xf32, #tpu.memory_space<hbm>> -> memref<32x128xf32, #tpu.memory_space<hbm>>
        %dma_wait3A_292 = arith.constant 0 : i32
        %dma_wait3A_293 = arith.constant 0 : i32
        %dma_wait3A_294 = tpu.memref_slice %arg3[%dma_wait3A_292, %dma_wait3A_293] : memref<32x1000000xf32, #tpu.memory_space<hbm>> -> memref<32x128xf32, #tpu.memory_space<hbm>>
        tpu.wait_dma2 semaphore(%arg20 : memref<!tpu.dma_semaphore, #tpu.memory_space<semaphore_mem>>) src(%dma_wait3A_294 : memref<32x128xf32, #tpu.memory_space<hbm>>) dst(%arg10 : memref<32x128xf32, #tpu.memory_space<vmem>>)
        %sub3A = arith.constant 999936 : i32
        %sub3A_295 = arith.subi %squeeze3A_128, %sub3A : i32
        %jit3A_296 = arith.constant 0 : i32
        %jit3A_297 = arith.constant 63 : i32
        %max3A = arith.maxsi %jit3A_296, %sub3A_295 : i32
        %min3A_298 = arith.minsi %jit3A_297, %max3A : i32
        %mul3A_299 = arith.constant 32 : i32
        %mul3A_300 = arith.muli %min3A_298, %mul3A_299 : i32
        %iota3A = tpu.iota {dimensions = array<i32: 0>} : vector<16xi32>
        %add3A_301 = arith.constant 0 : i32
        %add3A_302 = vector.broadcast %add3A_301 : i32 to vector<16xi32>
        %add3A_303 = arith.addi %iota3A, %add3A_302 : vector<16xi32>
        %broadcast_in_dim3A = arith.constant 0 : i32
        %broadcast_in_dim3A_304 = vector.broadcast %broadcast_in_dim3A : i32 to vector<16xi32>
        %add3A_305 = vector.broadcast %and3A_129 : i32 to vector<16xi32>
        %add3A_306 = arith.addi %broadcast_in_dim3A_304, %add3A_305 : vector<16xi32>
        %gather3A = tpu.vector_load_idx %arg10[%add3A_303, %add3A_306] : memref<32x128xf32, #tpu.memory_space<vmem>>[vector<16xi32>, vector<16xi32>], vector<16xf32>,
        %add3A_307 = vector.broadcast %mul3A_300 : i32 to vector<16xi32>
        %add3A_308 = arith.addi %add3A_303, %add3A_307 : vector<16xi32>
        %gather3A_309 = tpu.vector_load_idx %arg15[%add3A_308] : memref<2048xf32, #tpu.memory_space<vmem>>[vector<16xi32>], vector<16xf32>,
        %ge3A = arith.constant 999936 : i32
        %ge3A_310 = arith.cmpi sge, %squeeze3A_128, %ge3A : i32
        %select_n3A_311 = arith.select %ge3A_310, %gather3A_309, %gather3A : vector<16xf32>
        %broadcast_in_dim3A_312 = arith.constant 0 : i32
        %broadcast_in_dim3A_313 = vector.broadcast %broadcast_in_dim3A_312 : i32 to vector<16xi32>
        %add3A_314 = vector.broadcast %add3A_124 : i32 to vector<16xi32>
        %add3A_315 = arith.addi %broadcast_in_dim3A_313, %add3A_314 : vector<16xi32>
        tpu.vector_store_idx %arg16[%add3A_303, %add3A_315], %select_n3A_311 : memref<32x512xf32, #tpu.memory_space<vmem>>[vector<16xi32>, vector<16xi32>], vector<16xf32>,
        %iota3A_316 = tpu.iota {dimensions = array<i32: 0>} : vector<16xi32>
        %add3A_317 = arith.constant 16 : i32
        %add3A_318 = vector.broadcast %add3A_317 : i32 to vector<16xi32>
        %add3A_319 = arith.addi %iota3A_316, %add3A_318 : vector<16xi32>
        %broadcast_in_dim3A_320 = arith.constant 0 : i32
        %broadcast_in_dim3A_321 = vector.broadcast %broadcast_in_dim3A_320 : i32 to vector<16xi32>
        %add3A_322 = vector.broadcast %and3A_129 : i32 to vector<16xi32>
        %add3A_323 = arith.addi %broadcast_in_dim3A_321, %add3A_322 : vector<16xi32>
        %gather3A_324 = tpu.vector_load_idx %arg10[%add3A_319, %add3A_323] : memref<32x128xf32, #tpu.memory_space<vmem>>[vector<16xi32>, vector<16xi32>], vector<16xf32>,
        %add3A_325 = vector.broadcast %mul3A_300 : i32 to vector<16xi32>
        %add3A_326 = arith.addi %add3A_319, %add3A_325 : vector<16xi32>
        %gather3A_327 = tpu.vector_load_idx %arg15[%add3A_326] : memref<2048xf32, #tpu.memory_space<vmem>>[vector<16xi32>], vector<16xf32>,
        %ge3A_328 = arith.constant 999936 : i32
        %ge3A_329 = arith.cmpi sge, %squeeze3A_128, %ge3A_328 : i32
        %select_n3A_330 = arith.select %ge3A_329, %gather3A_327, %gather3A_324 : vector<16xf32>
        %broadcast_in_dim3A_331 = arith.constant 0 : i32
        %broadcast_in_dim3A_332 = vector.broadcast %broadcast_in_dim3A_331 : i32 to vector<16xi32>
        %add3A_333 = vector.broadcast %add3A_124 : i32 to vector<16xi32>
        %add3A_334 = arith.addi %broadcast_in_dim3A_332, %add3A_333 : vector<16xi32>
        tpu.vector_store_idx %arg16[%add3A_319, %add3A_334], %select_n3A_330 : memref<32x512xf32, #tpu.memory_space<vmem>>[vector<16xi32>, vector<16xi32>], vector<16xf32>,
        %add3A_335 = arith.constant 8 : i32
        %add3A_336 = arith.addi %add3A_124, %add3A_335 : i32
        %lt3A_337 = arith.constant 512 : i32
        %lt3A_338 = arith.cmpi slt, %add3A_336, %lt3A_337 : i32
        %convert_element_type3A_339 = arith.extui %lt3A_338 : i1 to i32
        %cond3A_340 = arith.constant 0 : i32
        %cond3A_341 = arith.cmpi ne, %convert_element_type3A_339, %cond3A_340 : i32
        scf.if %cond3A_341 {
          %add3A_342 = arith.constant 8 : i32
          %add3A_343 = arith.addi %add3A_124, %add3A_342 : i32
          %get3A_344 = arith.index_cast %add3A_343 : i32 to index
          %get3A_345 = tpu.vector_load %arg6[%get3A_344] {strides = array<i32>} : memref<528xi32, #tpu.memory_space<vmem>>, vector<16xi32>,
          %slice3A_346 = vector.extract_strided_slice %get3A_345 {offsets = [0], sizes = [1], strides = [1]} : vector<16xi32> to vector<1xi32>
          %squeeze3A_347 = vector.extract %slice3A_346[0] : i32 from vector<1xi32>
          %shift_right_logical3A_348 = arith.constant 7 : i32
          %shift_right_logical3A_349 = arith.shrui %squeeze3A_347, %shift_right_logical3A_348 : i32
          %min3A_350 = arith.constant 7811 : i32
          %min3A_351 = arith.minsi %shift_right_logical3A_349, %min3A_350 : i32
          %mul3A_352 = arith.constant 128 : i32
          %mul3A_353 = arith.muli %min3A_351, %mul3A_352 : i32
          %multiple_of3A_354 = tpu.assume_multiple %mul3A_353, 128 : i32
          %dma_start3A_355 = arith.constant 0 : i32
          %dma_start3A_356 = tpu.memref_slice %arg3[%dma_start3A_355, %multiple_of3A_354] : memref<32x1000000xf32, #tpu.memory_space<hbm>> -> memref<32x128xf32, #tpu.memory_space<hbm>>
          %dma_start3A_357 = arith.constant 0 : i32
          %dma_start3A_358 = tpu.memref_slice %arg3[%dma_start3A_357, %multiple_of3A_354] : memref<32x1000000xf32, #tpu.memory_space<hbm>> -> memref<32x128xf32, #tpu.memory_space<hbm>>
          tpu.enqueue_dma source(%dma_start3A_358 : memref<32x128xf32, #tpu.memory_space<hbm>>) target(%arg10 : memref<32x128xf32, #tpu.memory_space<vmem>>) target_semaphore(%arg20 : memref<!tpu.dma_semaphore, #tpu.memory_space<semaphore_mem>>)
        } else {
        }
      } else {
      }
      %jit3A_206 = arith.constant 8 : i32
      %eq3A_207 = arith.constant 0 : i32
      %eq3A_208 = arith.cmpi eq, %jit3A_206, %eq3A_207 : i32
      %jit3A_209 = arith.constant 1 : i32
      %select_n3A_210 = arith.select %eq3A_208, %jit3A_209, %jit3A_206 : i32
      %rem3A_211 = arith.remsi %add3A_124, %select_n3A_210 : i32
      %ne3A_212 = arith.constant 0 : i32
      %ne3A_213 = arith.cmpi ne, %rem3A_211, %ne3A_212 : i32
      %lt3A_214 = arith.constant 0 : i32
      %lt3A_215 = arith.cmpi slt, %rem3A_211, %lt3A_214 : i32
      %lt3A_216 = arith.constant 0 : i32
      %lt3A_217 = arith.cmpi slt, %select_n3A_210, %lt3A_216 : i32
      %ne3A_218 = arith.xori %lt3A_215, %lt3A_217 : i1
      %and3A_219 = arith.andi %ne3A_218, %ne3A_213 : i1
      %add3A_220 = arith.addi %rem3A_211, %select_n3A_210 : i32
      %select_n3A_221 = arith.select %and3A_219, %add3A_220, %rem3A_211 : i32
      %eq3A_222 = arith.constant 4 : i32
      %eq3A_223 = arith.cmpi eq, %select_n3A_221, %eq3A_222 : i32
      %convert_element_type3A_224 = arith.extui %eq3A_223 : i1 to i32
      %cond3A_225 = arith.constant 0 : i32
      %cond3A_226 = arith.cmpi ne, %convert_element_type3A_224, %cond3A_225 : i32
      scf.if %cond3A_226 {
        %dma_wait3A = arith.constant 0 : i32
        %dma_wait3A_290 = arith.constant 0 : i32
        %dma_wait3A_291 = tpu.memref_slice %arg3[%dma_wait3A, %dma_wait3A_290] : memref<32x1000000xf32, #tpu.memory_space<hbm>> -> memref<32x128xf32, #tpu.memory_space<hbm>>
        %dma_wait3A_292 = arith.constant 0 : i32
        %dma_wait3A_293 = arith.constant 0 : i32
        %dma_wait3A_294 = tpu.memref_slice %arg3[%dma_wait3A_292, %dma_wait3A_293] : memref<32x1000000xf32, #tpu.memory_space<hbm>> -> memref<32x128xf32, #tpu.memory_space<hbm>>
        tpu.wait_dma2 semaphore(%arg21 : memref<!tpu.dma_semaphore, #tpu.memory_space<semaphore_mem>>) src(%dma_wait3A_294 : memref<32x128xf32, #tpu.memory_space<hbm>>) dst(%arg11 : memref<32x128xf32, #tpu.memory_space<vmem>>)
        %sub3A = arith.constant 999936 : i32
        %sub3A_295 = arith.subi %squeeze3A_128, %sub3A : i32
        %jit3A_296 = arith.constant 0 : i32
        %jit3A_297 = arith.constant 63 : i32
        %max3A = arith.maxsi %jit3A_296, %sub3A_295 : i32
        %min3A_298 = arith.minsi %jit3A_297, %max3A : i32
        %mul3A_299 = arith.constant 32 : i32
        %mul3A_300 = arith.muli %min3A_298, %mul3A_299 : i32
        %iota3A = tpu.iota {dimensions = array<i32: 0>} : vector<16xi32>
        %add3A_301 = arith.constant 0 : i32
        %add3A_302 = vector.broadcast %add3A_301 : i32 to vector<16xi32>
        %add3A_303 = arith.addi %iota3A, %add3A_302 : vector<16xi32>
        %broadcast_in_dim3A = arith.constant 0 : i32
        %broadcast_in_dim3A_304 = vector.broadcast %broadcast_in_dim3A : i32 to vector<16xi32>
        %add3A_305 = vector.broadcast %and3A_129 : i32 to vector<16xi32>
        %add3A_306 = arith.addi %broadcast_in_dim3A_304, %add3A_305 : vector<16xi32>
        %gather3A = tpu.vector_load_idx %arg11[%add3A_303, %add3A_306] : memref<32x128xf32, #tpu.memory_space<vmem>>[vector<16xi32>, vector<16xi32>], vector<16xf32>,
        %add3A_307 = vector.broadcast %mul3A_300 : i32 to vector<16xi32>
        %add3A_308 = arith.addi %add3A_303, %add3A_307 : vector<16xi32>
        %gather3A_309 = tpu.vector_load_idx %arg15[%add3A_308] : memref<2048xf32, #tpu.memory_space<vmem>>[vector<16xi32>], vector<16xf32>,
        %ge3A = arith.constant 999936 : i32
        %ge3A_310 = arith.cmpi sge, %squeeze3A_128, %ge3A : i32
        %select_n3A_311 = arith.select %ge3A_310, %gather3A_309, %gather3A : vector<16xf32>
        %broadcast_in_dim3A_312 = arith.constant 0 : i32
        %broadcast_in_dim3A_313 = vector.broadcast %broadcast_in_dim3A_312 : i32 to vector<16xi32>
        %add3A_314 = vector.broadcast %add3A_124 : i32 to vector<16xi32>
        %add3A_315 = arith.addi %broadcast_in_dim3A_313, %add3A_314 : vector<16xi32>
        tpu.vector_store_idx %arg16[%add3A_303, %add3A_315], %select_n3A_311 : memref<32x512xf32, #tpu.memory_space<vmem>>[vector<16xi32>, vector<16xi32>], vector<16xf32>,
        %iota3A_316 = tpu.iota {dimensions = array<i32: 0>} : vector<16xi32>
        %add3A_317 = arith.constant 16 : i32
        %add3A_318 = vector.broadcast %add3A_317 : i32 to vector<16xi32>
        %add3A_319 = arith.addi %iota3A_316, %add3A_318 : vector<16xi32>
        %broadcast_in_dim3A_320 = arith.constant 0 : i32
        %broadcast_in_dim3A_321 = vector.broadcast %broadcast_in_dim3A_320 : i32 to vector<16xi32>
        %add3A_322 = vector.broadcast %and3A_129 : i32 to vector<16xi32>
        %add3A_323 = arith.addi %broadcast_in_dim3A_321, %add3A_322 : vector<16xi32>
        %gather3A_324 = tpu.vector_load_idx %arg11[%add3A_319, %add3A_323] : memref<32x128xf32, #tpu.memory_space<vmem>>[vector<16xi32>, vector<16xi32>], vector<16xf32>,
        %add3A_325 = vector.broadcast %mul3A_300 : i32 to vector<16xi32>
        %add3A_326 = arith.addi %add3A_319, %add3A_325 : vector<16xi32>
        %gather3A_327 = tpu.vector_load_idx %arg15[%add3A_326] : memref<2048xf32, #tpu.memory_space<vmem>>[vector<16xi32>], vector<16xf32>,
        %ge3A_328 = arith.constant 999936 : i32
        %ge3A_329 = arith.cmpi sge, %squeeze3A_128, %ge3A_328 : i32
        %select_n3A_330 = arith.select %ge3A_329, %gather3A_327, %gather3A_324 : vector<16xf32>
        %broadcast_in_dim3A_331 = arith.constant 0 : i32
        %broadcast_in_dim3A_332 = vector.broadcast %broadcast_in_dim3A_331 : i32 to vector<16xi32>
        %add3A_333 = vector.broadcast %add3A_124 : i32 to vector<16xi32>
        %add3A_334 = arith.addi %broadcast_in_dim3A_332, %add3A_333 : vector<16xi32>
        tpu.vector_store_idx %arg16[%add3A_319, %add3A_334], %select_n3A_330 : memref<32x512xf32, #tpu.memory_space<vmem>>[vector<16xi32>, vector<16xi32>], vector<16xf32>,
        %add3A_335 = arith.constant 8 : i32
        %add3A_336 = arith.addi %add3A_124, %add3A_335 : i32
        %lt3A_337 = arith.constant 512 : i32
        %lt3A_338 = arith.cmpi slt, %add3A_336, %lt3A_337 : i32
        %convert_element_type3A_339 = arith.extui %lt3A_338 : i1 to i32
        %cond3A_340 = arith.constant 0 : i32
        %cond3A_341 = arith.cmpi ne, %convert_element_type3A_339, %cond3A_340 : i32
        scf.if %cond3A_341 {
          %add3A_342 = arith.constant 8 : i32
          %add3A_343 = arith.addi %add3A_124, %add3A_342 : i32
          %get3A_344 = arith.index_cast %add3A_343 : i32 to index
          %get3A_345 = tpu.vector_load %arg6[%get3A_344] {strides = array<i32>} : memref<528xi32, #tpu.memory_space<vmem>>, vector<16xi32>,
          %slice3A_346 = vector.extract_strided_slice %get3A_345 {offsets = [0], sizes = [1], strides = [1]} : vector<16xi32> to vector<1xi32>
          %squeeze3A_347 = vector.extract %slice3A_346[0] : i32 from vector<1xi32>
          %shift_right_logical3A_348 = arith.constant 7 : i32
          %shift_right_logical3A_349 = arith.shrui %squeeze3A_347, %shift_right_logical3A_348 : i32
          %min3A_350 = arith.constant 7811 : i32
          %min3A_351 = arith.minsi %shift_right_logical3A_349, %min3A_350 : i32
          %mul3A_352 = arith.constant 128 : i32
          %mul3A_353 = arith.muli %min3A_351, %mul3A_352 : i32
          %multiple_of3A_354 = tpu.assume_multiple %mul3A_353, 128 : i32
          %dma_start3A_355 = arith.constant 0 : i32
          %dma_start3A_356 = tpu.memref_slice %arg3[%dma_start3A_355, %multiple_of3A_354] : memref<32x1000000xf32, #tpu.memory_space<hbm>> -> memref<32x128xf32, #tpu.memory_space<hbm>>
          %dma_start3A_357 = arith.constant 0 : i32
          %dma_start3A_358 = tpu.memref_slice %arg3[%dma_start3A_357, %multiple_of3A_354] : memref<32x1000000xf32, #tpu.memory_space<hbm>> -> memref<32x128xf32, #tpu.memory_space<hbm>>
          tpu.enqueue_dma source(%dma_start3A_358 : memref<32x128xf32, #tpu.memory_space<hbm>>) target(%arg11 : memref<32x128xf32, #tpu.memory_space<vmem>>) target_semaphore(%arg21 : memref<!tpu.dma_semaphore, #tpu.memory_space<semaphore_mem>>)
        } else {
        }
      } else {
      }
      %jit3A_227 = arith.constant 8 : i32
      %eq3A_228 = arith.constant 0 : i32
      %eq3A_229 = arith.cmpi eq, %jit3A_227, %eq3A_228 : i32
      %jit3A_230 = arith.constant 1 : i32
      %select_n3A_231 = arith.select %eq3A_229, %jit3A_230, %jit3A_227 : i32
      %rem3A_232 = arith.remsi %add3A_124, %select_n3A_231 : i32
      %ne3A_233 = arith.constant 0 : i32
      %ne3A_234 = arith.cmpi ne, %rem3A_232, %ne3A_233 : i32
      %lt3A_235 = arith.constant 0 : i32
      %lt3A_236 = arith.cmpi slt, %rem3A_232, %lt3A_235 : i32
      %lt3A_237 = arith.constant 0 : i32
      %lt3A_238 = arith.cmpi slt, %select_n3A_231, %lt3A_237 : i32
      %ne3A_239 = arith.xori %lt3A_236, %lt3A_238 : i1
      %and3A_240 = arith.andi %ne3A_239, %ne3A_234 : i1
      %add3A_241 = arith.addi %rem3A_232, %select_n3A_231 : i32
      %select_n3A_242 = arith.select %and3A_240, %add3A_241, %rem3A_232 : i32
      %eq3A_243 = arith.constant 5 : i32
      %eq3A_244 = arith.cmpi eq, %select_n3A_242, %eq3A_243 : i32
      %convert_element_type3A_245 = arith.extui %eq3A_244 : i1 to i32
      %cond3A_246 = arith.constant 0 : i32
      %cond3A_247 = arith.cmpi ne, %convert_element_type3A_245, %cond3A_246 : i32
      scf.if %cond3A_247 {
        %dma_wait3A = arith.constant 0 : i32
        %dma_wait3A_290 = arith.constant 0 : i32
        %dma_wait3A_291 = tpu.memref_slice %arg3[%dma_wait3A, %dma_wait3A_290] : memref<32x1000000xf32, #tpu.memory_space<hbm>> -> memref<32x128xf32, #tpu.memory_space<hbm>>
        %dma_wait3A_292 = arith.constant 0 : i32
        %dma_wait3A_293 = arith.constant 0 : i32
        %dma_wait3A_294 = tpu.memref_slice %arg3[%dma_wait3A_292, %dma_wait3A_293] : memref<32x1000000xf32, #tpu.memory_space<hbm>> -> memref<32x128xf32, #tpu.memory_space<hbm>>
        tpu.wait_dma2 semaphore(%arg22 : memref<!tpu.dma_semaphore, #tpu.memory_space<semaphore_mem>>) src(%dma_wait3A_294 : memref<32x128xf32, #tpu.memory_space<hbm>>) dst(%arg12 : memref<32x128xf32, #tpu.memory_space<vmem>>)
        %sub3A = arith.constant 999936 : i32
        %sub3A_295 = arith.subi %squeeze3A_128, %sub3A : i32
        %jit3A_296 = arith.constant 0 : i32
        %jit3A_297 = arith.constant 63 : i32
        %max3A = arith.maxsi %jit3A_296, %sub3A_295 : i32
        %min3A_298 = arith.minsi %jit3A_297, %max3A : i32
        %mul3A_299 = arith.constant 32 : i32
        %mul3A_300 = arith.muli %min3A_298, %mul3A_299 : i32
        %iota3A = tpu.iota {dimensions = array<i32: 0>} : vector<16xi32>
        %add3A_301 = arith.constant 0 : i32
        %add3A_302 = vector.broadcast %add3A_301 : i32 to vector<16xi32>
        %add3A_303 = arith.addi %iota3A, %add3A_302 : vector<16xi32>
        %broadcast_in_dim3A = arith.constant 0 : i32
        %broadcast_in_dim3A_304 = vector.broadcast %broadcast_in_dim3A : i32 to vector<16xi32>
        %add3A_305 = vector.broadcast %and3A_129 : i32 to vector<16xi32>
        %add3A_306 = arith.addi %broadcast_in_dim3A_304, %add3A_305 : vector<16xi32>
        %gather3A = tpu.vector_load_idx %arg12[%add3A_303, %add3A_306] : memref<32x128xf32, #tpu.memory_space<vmem>>[vector<16xi32>, vector<16xi32>], vector<16xf32>,
        %add3A_307 = vector.broadcast %mul3A_300 : i32 to vector<16xi32>
        %add3A_308 = arith.addi %add3A_303, %add3A_307 : vector<16xi32>
        %gather3A_309 = tpu.vector_load_idx %arg15[%add3A_308] : memref<2048xf32, #tpu.memory_space<vmem>>[vector<16xi32>], vector<16xf32>,
        %ge3A = arith.constant 999936 : i32
        %ge3A_310 = arith.cmpi sge, %squeeze3A_128, %ge3A : i32
        %select_n3A_311 = arith.select %ge3A_310, %gather3A_309, %gather3A : vector<16xf32>
        %broadcast_in_dim3A_312 = arith.constant 0 : i32
        %broadcast_in_dim3A_313 = vector.broadcast %broadcast_in_dim3A_312 : i32 to vector<16xi32>
        %add3A_314 = vector.broadcast %add3A_124 : i32 to vector<16xi32>
        %add3A_315 = arith.addi %broadcast_in_dim3A_313, %add3A_314 : vector<16xi32>
        tpu.vector_store_idx %arg16[%add3A_303, %add3A_315], %select_n3A_311 : memref<32x512xf32, #tpu.memory_space<vmem>>[vector<16xi32>, vector<16xi32>], vector<16xf32>,
        %iota3A_316 = tpu.iota {dimensions = array<i32: 0>} : vector<16xi32>
        %add3A_317 = arith.constant 16 : i32
        %add3A_318 = vector.broadcast %add3A_317 : i32 to vector<16xi32>
        %add3A_319 = arith.addi %iota3A_316, %add3A_318 : vector<16xi32>
        %broadcast_in_dim3A_320 = arith.constant 0 : i32
        %broadcast_in_dim3A_321 = vector.broadcast %broadcast_in_dim3A_320 : i32 to vector<16xi32>
        %add3A_322 = vector.broadcast %and3A_129 : i32 to vector<16xi32>
        %add3A_323 = arith.addi %broadcast_in_dim3A_321, %add3A_322 : vector<16xi32>
        %gather3A_324 = tpu.vector_load_idx %arg12[%add3A_319, %add3A_323] : memref<32x128xf32, #tpu.memory_space<vmem>>[vector<16xi32>, vector<16xi32>], vector<16xf32>,
        %add3A_325 = vector.broadcast %mul3A_300 : i32 to vector<16xi32>
        %add3A_326 = arith.addi %add3A_319, %add3A_325 : vector<16xi32>
        %gather3A_327 = tpu.vector_load_idx %arg15[%add3A_326] : memref<2048xf32, #tpu.memory_space<vmem>>[vector<16xi32>], vector<16xf32>,
        %ge3A_328 = arith.constant 999936 : i32
        %ge3A_329 = arith.cmpi sge, %squeeze3A_128, %ge3A_328 : i32
        %select_n3A_330 = arith.select %ge3A_329, %gather3A_327, %gather3A_324 : vector<16xf32>
        %broadcast_in_dim3A_331 = arith.constant 0 : i32
        %broadcast_in_dim3A_332 = vector.broadcast %broadcast_in_dim3A_331 : i32 to vector<16xi32>
        %add3A_333 = vector.broadcast %add3A_124 : i32 to vector<16xi32>
        %add3A_334 = arith.addi %broadcast_in_dim3A_332, %add3A_333 : vector<16xi32>
        tpu.vector_store_idx %arg16[%add3A_319, %add3A_334], %select_n3A_330 : memref<32x512xf32, #tpu.memory_space<vmem>>[vector<16xi32>, vector<16xi32>], vector<16xf32>,
        %add3A_335 = arith.constant 8 : i32
        %add3A_336 = arith.addi %add3A_124, %add3A_335 : i32
        %lt3A_337 = arith.constant 512 : i32
        %lt3A_338 = arith.cmpi slt, %add3A_336, %lt3A_337 : i32
        %convert_element_type3A_339 = arith.extui %lt3A_338 : i1 to i32
        %cond3A_340 = arith.constant 0 : i32
        %cond3A_341 = arith.cmpi ne, %convert_element_type3A_339, %cond3A_340 : i32
        scf.if %cond3A_341 {
          %add3A_342 = arith.constant 8 : i32
          %add3A_343 = arith.addi %add3A_124, %add3A_342 : i32
          %get3A_344 = arith.index_cast %add3A_343 : i32 to index
          %get3A_345 = tpu.vector_load %arg6[%get3A_344] {strides = array<i32>} : memref<528xi32, #tpu.memory_space<vmem>>, vector<16xi32>,
          %slice3A_346 = vector.extract_strided_slice %get3A_345 {offsets = [0], sizes = [1], strides = [1]} : vector<16xi32> to vector<1xi32>
          %squeeze3A_347 = vector.extract %slice3A_346[0] : i32 from vector<1xi32>
          %shift_right_logical3A_348 = arith.constant 7 : i32
          %shift_right_logical3A_349 = arith.shrui %squeeze3A_347, %shift_right_logical3A_348 : i32
          %min3A_350 = arith.constant 7811 : i32
          %min3A_351 = arith.minsi %shift_right_logical3A_349, %min3A_350 : i32
          %mul3A_352 = arith.constant 128 : i32
          %mul3A_353 = arith.muli %min3A_351, %mul3A_352 : i32
          %multiple_of3A_354 = tpu.assume_multiple %mul3A_353, 128 : i32
          %dma_start3A_355 = arith.constant 0 : i32
          %dma_start3A_356 = tpu.memref_slice %arg3[%dma_start3A_355, %multiple_of3A_354] : memref<32x1000000xf32, #tpu.memory_space<hbm>> -> memref<32x128xf32, #tpu.memory_space<hbm>>
          %dma_start3A_357 = arith.constant 0 : i32
          %dma_start3A_358 = tpu.memref_slice %arg3[%dma_start3A_357, %multiple_of3A_354] : memref<32x1000000xf32, #tpu.memory_space<hbm>> -> memref<32x128xf32, #tpu.memory_space<hbm>>
          tpu.enqueue_dma source(%dma_start3A_358 : memref<32x128xf32, #tpu.memory_space<hbm>>) target(%arg12 : memref<32x128xf32, #tpu.memory_space<vmem>>) target_semaphore(%arg22 : memref<!tpu.dma_semaphore, #tpu.memory_space<semaphore_mem>>)
        } else {
        }
      } else {
      }
      %jit3A_248 = arith.constant 8 : i32
      %eq3A_249 = arith.constant 0 : i32
      %eq3A_250 = arith.cmpi eq, %jit3A_248, %eq3A_249 : i32
      %jit3A_251 = arith.constant 1 : i32
      %select_n3A_252 = arith.select %eq3A_250, %jit3A_251, %jit3A_248 : i32
      %rem3A_253 = arith.remsi %add3A_124, %select_n3A_252 : i32
      %ne3A_254 = arith.constant 0 : i32
      %ne3A_255 = arith.cmpi ne, %rem3A_253, %ne3A_254 : i32
      %lt3A_256 = arith.constant 0 : i32
      %lt3A_257 = arith.cmpi slt, %rem3A_253, %lt3A_256 : i32
      %lt3A_258 = arith.constant 0 : i32
      %lt3A_259 = arith.cmpi slt, %select_n3A_252, %lt3A_258 : i32
      %ne3A_260 = arith.xori %lt3A_257, %lt3A_259 : i1
      %and3A_261 = arith.andi %ne3A_260, %ne3A_255 : i1
      %add3A_262 = arith.addi %rem3A_253, %select_n3A_252 : i32
      %select_n3A_263 = arith.select %and3A_261, %add3A_262, %rem3A_253 : i32
      %eq3A_264 = arith.constant 6 : i32
      %eq3A_265 = arith.cmpi eq, %select_n3A_263, %eq3A_264 : i32
      %convert_element_type3A_266 = arith.extui %eq3A_265 : i1 to i32
      %cond3A_267 = arith.constant 0 : i32
      %cond3A_268 = arith.cmpi ne, %convert_element_type3A_266, %cond3A_267 : i32
      scf.if %cond3A_268 {
        %dma_wait3A = arith.constant 0 : i32
        %dma_wait3A_290 = arith.constant 0 : i32
        %dma_wait3A_291 = tpu.memref_slice %arg3[%dma_wait3A, %dma_wait3A_290] : memref<32x1000000xf32, #tpu.memory_space<hbm>> -> memref<32x128xf32, #tpu.memory_space<hbm>>
        %dma_wait3A_292 = arith.constant 0 : i32
        %dma_wait3A_293 = arith.constant 0 : i32
        %dma_wait3A_294 = tpu.memref_slice %arg3[%dma_wait3A_292, %dma_wait3A_293] : memref<32x1000000xf32, #tpu.memory_space<hbm>> -> memref<32x128xf32, #tpu.memory_space<hbm>>
        tpu.wait_dma2 semaphore(%arg23 : memref<!tpu.dma_semaphore, #tpu.memory_space<semaphore_mem>>) src(%dma_wait3A_294 : memref<32x128xf32, #tpu.memory_space<hbm>>) dst(%arg13 : memref<32x128xf32, #tpu.memory_space<vmem>>)
        %sub3A = arith.constant 999936 : i32
        %sub3A_295 = arith.subi %squeeze3A_128, %sub3A : i32
        %jit3A_296 = arith.constant 0 : i32
        %jit3A_297 = arith.constant 63 : i32
        %max3A = arith.maxsi %jit3A_296, %sub3A_295 : i32
        %min3A_298 = arith.minsi %jit3A_297, %max3A : i32
        %mul3A_299 = arith.constant 32 : i32
        %mul3A_300 = arith.muli %min3A_298, %mul3A_299 : i32
        %iota3A = tpu.iota {dimensions = array<i32: 0>} : vector<16xi32>
        %add3A_301 = arith.constant 0 : i32
        %add3A_302 = vector.broadcast %add3A_301 : i32 to vector<16xi32>
        %add3A_303 = arith.addi %iota3A, %add3A_302 : vector<16xi32>
        %broadcast_in_dim3A = arith.constant 0 : i32
        %broadcast_in_dim3A_304 = vector.broadcast %broadcast_in_dim3A : i32 to vector<16xi32>
        %add3A_305 = vector.broadcast %and3A_129 : i32 to vector<16xi32>
        %add3A_306 = arith.addi %broadcast_in_dim3A_304, %add3A_305 : vector<16xi32>
        %gather3A = tpu.vector_load_idx %arg13[%add3A_303, %add3A_306] : memref<32x128xf32, #tpu.memory_space<vmem>>[vector<16xi32>, vector<16xi32>], vector<16xf32>,
        %add3A_307 = vector.broadcast %mul3A_300 : i32 to vector<16xi32>
        %add3A_308 = arith.addi %add3A_303, %add3A_307 : vector<16xi32>
        %gather3A_309 = tpu.vector_load_idx %arg15[%add3A_308] : memref<2048xf32, #tpu.memory_space<vmem>>[vector<16xi32>], vector<16xf32>,
        %ge3A = arith.constant 999936 : i32
        %ge3A_310 = arith.cmpi sge, %squeeze3A_128, %ge3A : i32
        %select_n3A_311 = arith.select %ge3A_310, %gather3A_309, %gather3A : vector<16xf32>
        %broadcast_in_dim3A_312 = arith.constant 0 : i32
        %broadcast_in_dim3A_313 = vector.broadcast %broadcast_in_dim3A_312 : i32 to vector<16xi32>
        %add3A_314 = vector.broadcast %add3A_124 : i32 to vector<16xi32>
        %add3A_315 = arith.addi %broadcast_in_dim3A_313, %add3A_314 : vector<16xi32>
        tpu.vector_store_idx %arg16[%add3A_303, %add3A_315], %select_n3A_311 : memref<32x512xf32, #tpu.memory_space<vmem>>[vector<16xi32>, vector<16xi32>], vector<16xf32>,
        %iota3A_316 = tpu.iota {dimensions = array<i32: 0>} : vector<16xi32>
        %add3A_317 = arith.constant 16 : i32
        %add3A_318 = vector.broadcast %add3A_317 : i32 to vector<16xi32>
        %add3A_319 = arith.addi %iota3A_316, %add3A_318 : vector<16xi32>
        %broadcast_in_dim3A_320 = arith.constant 0 : i32
        %broadcast_in_dim3A_321 = vector.broadcast %broadcast_in_dim3A_320 : i32 to vector<16xi32>
        %add3A_322 = vector.broadcast %and3A_129 : i32 to vector<16xi32>
        %add3A_323 = arith.addi %broadcast_in_dim3A_321, %add3A_322 : vector<16xi32>
        %gather3A_324 = tpu.vector_load_idx %arg13[%add3A_319, %add3A_323] : memref<32x128xf32, #tpu.memory_space<vmem>>[vector<16xi32>, vector<16xi32>], vector<16xf32>,
        %add3A_325 = vector.broadcast %mul3A_300 : i32 to vector<16xi32>
        %add3A_326 = arith.addi %add3A_319, %add3A_325 : vector<16xi32>
        %gather3A_327 = tpu.vector_load_idx %arg15[%add3A_326] : memref<2048xf32, #tpu.memory_space<vmem>>[vector<16xi32>], vector<16xf32>,
        %ge3A_328 = arith.constant 999936 : i32
        %ge3A_329 = arith.cmpi sge, %squeeze3A_128, %ge3A_328 : i32
        %select_n3A_330 = arith.select %ge3A_329, %gather3A_327, %gather3A_324 : vector<16xf32>
        %broadcast_in_dim3A_331 = arith.constant 0 : i32
        %broadcast_in_dim3A_332 = vector.broadcast %broadcast_in_dim3A_331 : i32 to vector<16xi32>
        %add3A_333 = vector.broadcast %add3A_124 : i32 to vector<16xi32>
        %add3A_334 = arith.addi %broadcast_in_dim3A_332, %add3A_333 : vector<16xi32>
        tpu.vector_store_idx %arg16[%add3A_319, %add3A_334], %select_n3A_330 : memref<32x512xf32, #tpu.memory_space<vmem>>[vector<16xi32>, vector<16xi32>], vector<16xf32>,
        %add3A_335 = arith.constant 8 : i32
        %add3A_336 = arith.addi %add3A_124, %add3A_335 : i32
        %lt3A_337 = arith.constant 512 : i32
        %lt3A_338 = arith.cmpi slt, %add3A_336, %lt3A_337 : i32
        %convert_element_type3A_339 = arith.extui %lt3A_338 : i1 to i32
        %cond3A_340 = arith.constant 0 : i32
        %cond3A_341 = arith.cmpi ne, %convert_element_type3A_339, %cond3A_340 : i32
        scf.if %cond3A_341 {
          %add3A_342 = arith.constant 8 : i32
          %add3A_343 = arith.addi %add3A_124, %add3A_342 : i32
          %get3A_344 = arith.index_cast %add3A_343 : i32 to index
          %get3A_345 = tpu.vector_load %arg6[%get3A_344] {strides = array<i32>} : memref<528xi32, #tpu.memory_space<vmem>>, vector<16xi32>,
          %slice3A_346 = vector.extract_strided_slice %get3A_345 {offsets = [0], sizes = [1], strides = [1]} : vector<16xi32> to vector<1xi32>
          %squeeze3A_347 = vector.extract %slice3A_346[0] : i32 from vector<1xi32>
          %shift_right_logical3A_348 = arith.constant 7 : i32
          %shift_right_logical3A_349 = arith.shrui %squeeze3A_347, %shift_right_logical3A_348 : i32
          %min3A_350 = arith.constant 7811 : i32
          %min3A_351 = arith.minsi %shift_right_logical3A_349, %min3A_350 : i32
          %mul3A_352 = arith.constant 128 : i32
          %mul3A_353 = arith.muli %min3A_351, %mul3A_352 : i32
          %multiple_of3A_354 = tpu.assume_multiple %mul3A_353, 128 : i32
          %dma_start3A_355 = arith.constant 0 : i32
          %dma_start3A_356 = tpu.memref_slice %arg3[%dma_start3A_355, %multiple_of3A_354] : memref<32x1000000xf32, #tpu.memory_space<hbm>> -> memref<32x128xf32, #tpu.memory_space<hbm>>
          %dma_start3A_357 = arith.constant 0 : i32
          %dma_start3A_358 = tpu.memref_slice %arg3[%dma_start3A_357, %multiple_of3A_354] : memref<32x1000000xf32, #tpu.memory_space<hbm>> -> memref<32x128xf32, #tpu.memory_space<hbm>>
          tpu.enqueue_dma source(%dma_start3A_358 : memref<32x128xf32, #tpu.memory_space<hbm>>) target(%arg13 : memref<32x128xf32, #tpu.memory_space<vmem>>) target_semaphore(%arg23 : memref<!tpu.dma_semaphore, #tpu.memory_space<semaphore_mem>>)
        } else {
        }
      } else {
      }
      %jit3A_269 = arith.constant 8 : i32
      %eq3A_270 = arith.constant 0 : i32
      %eq3A_271 = arith.cmpi eq, %jit3A_269, %eq3A_270 : i32
      %jit3A_272 = arith.constant 1 : i32
      %select_n3A_273 = arith.select %eq3A_271, %jit3A_272, %jit3A_269 : i32
      %rem3A_274 = arith.remsi %add3A_124, %select_n3A_273 : i32
      %ne3A_275 = arith.constant 0 : i32
      %ne3A_276 = arith.cmpi ne, %rem3A_274, %ne3A_275 : i32
      %lt3A_277 = arith.constant 0 : i32
      %lt3A_278 = arith.cmpi slt, %rem3A_274, %lt3A_277 : i32
      %lt3A_279 = arith.constant 0 : i32
      %lt3A_280 = arith.cmpi slt, %select_n3A_273, %lt3A_279 : i32
      %ne3A_281 = arith.xori %lt3A_278, %lt3A_280 : i1
      %and3A_282 = arith.andi %ne3A_281, %ne3A_276 : i1
      %add3A_283 = arith.addi %rem3A_274, %select_n3A_273 : i32
      %select_n3A_284 = arith.select %and3A_282, %add3A_283, %rem3A_274 : i32
      %eq3A_285 = arith.constant 7 : i32
      %eq3A_286 = arith.cmpi eq, %select_n3A_284, %eq3A_285 : i32
      %convert_element_type3A_287 = arith.extui %eq3A_286 : i1 to i32
      %cond3A_288 = arith.constant 0 : i32
      %cond3A_289 = arith.cmpi ne, %convert_element_type3A_287, %cond3A_288 : i32
      scf.if %cond3A_289 {
        %dma_wait3A = arith.constant 0 : i32
        %dma_wait3A_290 = arith.constant 0 : i32
        %dma_wait3A_291 = tpu.memref_slice %arg3[%dma_wait3A, %dma_wait3A_290] : memref<32x1000000xf32, #tpu.memory_space<hbm>> -> memref<32x128xf32, #tpu.memory_space<hbm>>
        %dma_wait3A_292 = arith.constant 0 : i32
        %dma_wait3A_293 = arith.constant 0 : i32
        %dma_wait3A_294 = tpu.memref_slice %arg3[%dma_wait3A_292, %dma_wait3A_293] : memref<32x1000000xf32, #tpu.memory_space<hbm>> -> memref<32x128xf32, #tpu.memory_space<hbm>>
        tpu.wait_dma2 semaphore(%arg24 : memref<!tpu.dma_semaphore, #tpu.memory_space<semaphore_mem>>) src(%dma_wait3A_294 : memref<32x128xf32, #tpu.memory_space<hbm>>) dst(%arg14 : memref<32x128xf32, #tpu.memory_space<vmem>>)
        %sub3A = arith.constant 999936 : i32
        %sub3A_295 = arith.subi %squeeze3A_128, %sub3A : i32
        %jit3A_296 = arith.constant 0 : i32
        %jit3A_297 = arith.constant 63 : i32
        %max3A = arith.maxsi %jit3A_296, %sub3A_295 : i32
        %min3A_298 = arith.minsi %jit3A_297, %max3A : i32
        %mul3A_299 = arith.constant 32 : i32
        %mul3A_300 = arith.muli %min3A_298, %mul3A_299 : i32
        %iota3A = tpu.iota {dimensions = array<i32: 0>} : vector<16xi32>
        %add3A_301 = arith.constant 0 : i32
        %add3A_302 = vector.broadcast %add3A_301 : i32 to vector<16xi32>
        %add3A_303 = arith.addi %iota3A, %add3A_302 : vector<16xi32>
        %broadcast_in_dim3A = arith.constant 0 : i32
        %broadcast_in_dim3A_304 = vector.broadcast %broadcast_in_dim3A : i32 to vector<16xi32>
        %add3A_305 = vector.broadcast %and3A_129 : i32 to vector<16xi32>
        %add3A_306 = arith.addi %broadcast_in_dim3A_304, %add3A_305 : vector<16xi32>
        %gather3A = tpu.vector_load_idx %arg14[%add3A_303, %add3A_306] : memref<32x128xf32, #tpu.memory_space<vmem>>[vector<16xi32>, vector<16xi32>], vector<16xf32>,
        %add3A_307 = vector.broadcast %mul3A_300 : i32 to vector<16xi32>
        %add3A_308 = arith.addi %add3A_303, %add3A_307 : vector<16xi32>
        %gather3A_309 = tpu.vector_load_idx %arg15[%add3A_308] : memref<2048xf32, #tpu.memory_space<vmem>>[vector<16xi32>], vector<16xf32>,
        %ge3A = arith.constant 999936 : i32
        %ge3A_310 = arith.cmpi sge, %squeeze3A_128, %ge3A : i32
        %select_n3A_311 = arith.select %ge3A_310, %gather3A_309, %gather3A : vector<16xf32>
        %broadcast_in_dim3A_312 = arith.constant 0 : i32
        %broadcast_in_dim3A_313 = vector.broadcast %broadcast_in_dim3A_312 : i32 to vector<16xi32>
        %add3A_314 = vector.broadcast %add3A_124 : i32 to vector<16xi32>
        %add3A_315 = arith.addi %broadcast_in_dim3A_313, %add3A_314 : vector<16xi32>
        tpu.vector_store_idx %arg16[%add3A_303, %add3A_315], %select_n3A_311 : memref<32x512xf32, #tpu.memory_space<vmem>>[vector<16xi32>, vector<16xi32>], vector<16xf32>,
        %iota3A_316 = tpu.iota {dimensions = array<i32: 0>} : vector<16xi32>
        %add3A_317 = arith.constant 16 : i32
        %add3A_318 = vector.broadcast %add3A_317 : i32 to vector<16xi32>
        %add3A_319 = arith.addi %iota3A_316, %add3A_318 : vector<16xi32>
        %broadcast_in_dim3A_320 = arith.constant 0 : i32
        %broadcast_in_dim3A_321 = vector.broadcast %broadcast_in_dim3A_320 : i32 to vector<16xi32>
        %add3A_322 = vector.broadcast %and3A_129 : i32 to vector<16xi32>
        %add3A_323 = arith.addi %broadcast_in_dim3A_321, %add3A_322 : vector<16xi32>
        %gather3A_324 = tpu.vector_load_idx %arg14[%add3A_319, %add3A_323] : memref<32x128xf32, #tpu.memory_space<vmem>>[vector<16xi32>, vector<16xi32>], vector<16xf32>,
        %add3A_325 = vector.broadcast %mul3A_300 : i32 to vector<16xi32>
        %add3A_326 = arith.addi %add3A_319, %add3A_325 : vector<16xi32>
        %gather3A_327 = tpu.vector_load_idx %arg15[%add3A_326] : memref<2048xf32, #tpu.memory_space<vmem>>[vector<16xi32>], vector<16xf32>,
        %ge3A_328 = arith.constant 999936 : i32
        %ge3A_329 = arith.cmpi sge, %squeeze3A_128, %ge3A_328 : i32
        %select_n3A_330 = arith.select %ge3A_329, %gather3A_327, %gather3A_324 : vector<16xf32>
        %broadcast_in_dim3A_331 = arith.constant 0 : i32
        %broadcast_in_dim3A_332 = vector.broadcast %broadcast_in_dim3A_331 : i32 to vector<16xi32>
        %add3A_333 = vector.broadcast %add3A_124 : i32 to vector<16xi32>
        %add3A_334 = arith.addi %broadcast_in_dim3A_332, %add3A_333 : vector<16xi32>
        tpu.vector_store_idx %arg16[%add3A_319, %add3A_334], %select_n3A_330 : memref<32x512xf32, #tpu.memory_space<vmem>>[vector<16xi32>, vector<16xi32>], vector<16xf32>,
        %add3A_335 = arith.constant 8 : i32
        %add3A_336 = arith.addi %add3A_124, %add3A_335 : i32
        %lt3A_337 = arith.constant 512 : i32
        %lt3A_338 = arith.cmpi slt, %add3A_336, %lt3A_337 : i32
        %convert_element_type3A_339 = arith.extui %lt3A_338 : i1 to i32
        %cond3A_340 = arith.constant 0 : i32
        %cond3A_341 = arith.cmpi ne, %convert_element_type3A_339, %cond3A_340 : i32
        scf.if %cond3A_341 {
          %add3A_342 = arith.constant 8 : i32
          %add3A_343 = arith.addi %add3A_124, %add3A_342 : i32
          %get3A_344 = arith.index_cast %add3A_343 : i32 to index
          %get3A_345 = tpu.vector_load %arg6[%get3A_344] {strides = array<i32>} : memref<528xi32, #tpu.memory_space<vmem>>, vector<16xi32>,
          %slice3A_346 = vector.extract_strided_slice %get3A_345 {offsets = [0], sizes = [1], strides = [1]} : vector<16xi32> to vector<1xi32>
          %squeeze3A_347 = vector.extract %slice3A_346[0] : i32 from vector<1xi32>
          %shift_right_logical3A_348 = arith.constant 7 : i32
          %shift_right_logical3A_349 = arith.shrui %squeeze3A_347, %shift_right_logical3A_348 : i32
          %min3A_350 = arith.constant 7811 : i32
          %min3A_351 = arith.minsi %shift_right_logical3A_349, %min3A_350 : i32
          %mul3A_352 = arith.constant 128 : i32
          %mul3A_353 = arith.muli %min3A_351, %mul3A_352 : i32
          %multiple_of3A_354 = tpu.assume_multiple %mul3A_353, 128 : i32
          %dma_start3A_355 = arith.constant 0 : i32
          %dma_start3A_356 = tpu.memref_slice %arg3[%dma_start3A_355, %multiple_of3A_354] : memref<32x1000000xf32, #tpu.memory_space<hbm>> -> memref<32x128xf32, #tpu.memory_space<hbm>>
          %dma_start3A_357 = arith.constant 0 : i32
          %dma_start3A_358 = tpu.memref_slice %arg3[%dma_start3A_357, %multiple_of3A_354] : memref<32x1000000xf32, #tpu.memory_space<hbm>> -> memref<32x128xf32, #tpu.memory_space<hbm>>
          tpu.enqueue_dma source(%dma_start3A_358 : memref<32x128xf32, #tpu.memory_space<hbm>>) target(%arg14 : memref<32x128xf32, #tpu.memory_space<vmem>>) target_semaphore(%arg24 : memref<!tpu.dma_semaphore, #tpu.memory_space<semaphore_mem>>)
        } else {
        }
      } else {
      }
    }
    %scan3A_119 = arith.constant 512 : i32
    "tpu.region"() ({
      %run_scoped3A = tpu.sem_alloc : memref<!tpu.dma_semaphore, #tpu.memory_space<semaphore_mem>>
      %dma_start3A_120 = arith.constant 0 : i32
      %dma_start3A_121 = tpu.memref_slice %arg5[%dma_start3A_120, %mul3A_2] : memref<32x16384xf32, #tpu.memory_space<hbm>> -> memref<32x512xf32, #tpu.memory_space<hbm>>
      %dma_start3A_122 = arith.constant 0 : i32
      %dma_start3A_123 = tpu.memref_slice %arg5[%dma_start3A_122, %mul3A_2] : memref<32x16384xf32, #tpu.memory_space<hbm>> -> memref<32x512xf32, #tpu.memory_space<hbm>>
      tpu.enqueue_dma source(%arg16 : memref<32x512xf32, #tpu.memory_space<vmem>>) target(%dma_start3A_123 : memref<32x512xf32, #tpu.memory_space<hbm>>) target_semaphore(%run_scoped3A : memref<!tpu.dma_semaphore, #tpu.memory_space<semaphore_mem>>)
      %dma_wait3A = arith.constant 0 : i32
      %dma_wait3A_124 = tpu.memref_slice %arg5[%dma_wait3A, %mul3A_2] : memref<32x16384xf32, #tpu.memory_space<hbm>> -> memref<32x512xf32, #tpu.memory_space<hbm>>
      %dma_wait3A_125 = arith.constant 0 : i32
      %dma_wait3A_126 = tpu.memref_slice %arg5[%dma_wait3A_125, %mul3A_2] : memref<32x16384xf32, #tpu.memory_space<hbm>> -> memref<32x512xf32, #tpu.memory_space<hbm>>
      tpu.wait_dma2 semaphore(%run_scoped3A : memref<!tpu.dma_semaphore, #tpu.memory_space<semaphore_mem>>) src(%arg16 : memref<32x512xf32, #tpu.memory_space<vmem>>) dst(%dma_wait3A_126 : memref<32x512xf32, #tpu.memory_space<hbm>>)
      tpu.yield
    }) : () -> ()
    return
  }
}

#map = affine_map<(d0, d1) -> (0)>
#map1 = affine_map<(d0, d1) -> (0, 0)>
module attributes {stable_mosaic.version = 14 : i64} {
  func.func @block_gather(%arg0: i32, %arg1: i32, %arg2: memref<16384xi32, #tpu.memory_space<hbm>>, %arg3: memref<32x1000000xf32, #tpu.memory_space<hbm>>, %arg4: memref<2048xf32, #tpu.memory_space<hbm>>, %arg5: memref<32x16384xf32, #tpu.memory_space<hbm>>, %arg6: memref<528xi32, #tpu.memory_space<vmem>>, %arg7: memref<32x128xf32, #tpu.memory_space<vmem>>, %arg8: memref<32x128xf32, #tpu.memory_space<vmem>>, %arg9: memref<32x128xf32, #tpu.memory_space<vmem>>, %arg10: memref<32x128xf32, #tpu.memory_space<vmem>>, %arg11: memref<32x128xf32, #tpu.memory_space<vmem>>, %arg12: memref<32x128xf32, #tpu.memory_space<vmem>>, %arg13: memref<32x128xf32, #tpu.memory_space<vmem>>, %arg14: memref<32x128xf32, #tpu.memory_space<vmem>>, %arg15: memref<2048xf32, #tpu.memory_space<vmem>>, %arg16: memref<32x512xf32, #tpu.memory_space<vmem>>, %arg17: memref<!tpu.dma_semaphore, #tpu.memory_space<semaphore_mem>>, %arg18: memref<!tpu.dma_semaphore, #tpu.memory_space<semaphore_mem>>, %arg19: memref<!tpu.dma_semaphore, #tpu.memory_space<semaphore_mem>>, %arg20: memref<!tpu.dma_semaphore, #tpu.memory_space<semaphore_mem>>, %arg21: memref<!tpu.dma_semaphore, #tpu.memory_space<semaphore_mem>>, %arg22: memref<!tpu.dma_semaphore, #tpu.memory_space<semaphore_mem>>, %arg23: memref<!tpu.dma_semaphore, #tpu.memory_space<semaphore_mem>>, %arg24: memref<!tpu.dma_semaphore, #tpu.memory_space<semaphore_mem>>, %arg25: memref<!tpu.dma_semaphore, #tpu.memory_space<semaphore_mem>>) attributes {dimension_semantics = [#tpu.dimension_semantics<core_parallel>, #tpu.dimension_semantics<subcore_parallel>], iteration_bounds = array<i64: 2, 16>, scalar_prefetch = 0 : i64, scratch_operands = 20 : i64, tpu.core_type = #tpu.core_type<sc_vector_subcore>, window_params = [{transform_indices = #map}, {transform_indices = #map1}, {transform_indices = #map}, {transform_indices = #map1}]} {
    %mul3A = arith.constant 2 : i32
    %mul3A_0 = arith.muli %arg1, %mul3A : i32
    %add3A = arith.addi %mul3A_0, %arg0 : i32
    %mul3A_1 = arith.constant 512 : i32
    %mul3A_2 = arith.muli %add3A, %mul3A_1 : i32
    "tpu.region"() ({
      %run_scoped3A = tpu.sem_alloc : memref<!tpu.dma_semaphore, #tpu.memory_space<semaphore_mem>>
      %dma_start3A_120 = arith.constant 0 : i32
      %dma_start3A_121 = tpu.memref_slice %arg6[%dma_start3A_120] : memref<528xi32, #tpu.memory_space<vmem>> -> memref<512xi32, #tpu.memory_space<vmem>>
      %dma_start3A_122 = tpu.memref_slice %arg2[%mul3A_2] : memref<16384xi32, #tpu.memory_space<hbm>> -> memref<512xi32, #tpu.memory_space<hbm>>
      %dma_start3A_123 = arith.constant 0 : i32
      %dma_start3A_124 = tpu.memref_slice %arg6[%dma_start3A_123] : memref<528xi32, #tpu.memory_space<vmem>> -> memref<512xi32, #tpu.memory_space<vmem>>
      %dma_start3A_125 = tpu.memref_slice %arg2[%mul3A_2] : memref<16384xi32, #tpu.memory_space<hbm>> -> memref<512xi32, #tpu.memory_space<hbm>>
      tpu.enqueue_dma source(%dma_start3A_125 : memref<512xi32, #tpu.memory_space<hbm>>) target(%dma_start3A_124 : memref<512xi32, #tpu.memory_space<vmem>>) target_semaphore(%run_scoped3A : memref<!tpu.dma_semaphore, #tpu.memory_space<semaphore_mem>>)
      %dma_wait3A = arith.constant 0 : i32
      %dma_wait3A_126 = tpu.memref_slice %arg6[%dma_wait3A] : memref<528xi32, #tpu.memory_space<vmem>> -> memref<512xi32, #tpu.memory_space<vmem>>
      %dma_wait3A_127 = tpu.memref_slice %arg2[%mul3A_2] : memref<16384xi32, #tpu.memory_space<hbm>> -> memref<512xi32, #tpu.memory_space<hbm>>
      %dma_wait3A_128 = arith.constant 0 : i32
      %dma_wait3A_129 = tpu.memref_slice %arg6[%dma_wait3A_128] : memref<528xi32, #tpu.memory_space<vmem>> -> memref<512xi32, #tpu.memory_space<vmem>>
      %dma_wait3A_130 = tpu.memref_slice %arg2[%mul3A_2] : memref<16384xi32, #tpu.memory_space<hbm>> -> memref<512xi32, #tpu.memory_space<hbm>>
      tpu.wait_dma2 semaphore(%run_scoped3A : memref<!tpu.dma_semaphore, #tpu.memory_space<semaphore_mem>>) src(%dma_wait3A_130 : memref<512xi32, #tpu.memory_space<hbm>>) dst(%dma_wait3A_129 : memref<512xi32, #tpu.memory_space<vmem>>)
      tpu.yield
    }) : () -> ()
    tpu.enqueue_dma source(%arg4 : memref<2048xf32, #tpu.memory_space<hbm>>) target(%arg15 : memref<2048xf32, #tpu.memory_space<vmem>>) target_semaphore(%arg25 : memref<!tpu.dma_semaphore, #tpu.memory_space<semaphore_mem>>)
    tpu.wait_dma2 semaphore(%arg25 : memref<!tpu.dma_semaphore, #tpu.memory_space<semaphore_mem>>) src(%arg4 : memref<2048xf32, #tpu.memory_space<hbm>>) dst(%arg15 : memref<2048xf32, #tpu.memory_space<vmem>>)
    %get3A = arith.constant 0 : index
    %get3A_3 = tpu.vector_load %arg6[%get3A] {strides = array<i32>} : memref<528xi32, #tpu.memory_space<vmem>>, vector<16xi32>,
    %slice3A = vector.extract_strided_slice %get3A_3 {offsets = [0], sizes = [1], strides = [1]} : vector<16xi32> to vector<1xi32>
    %squeeze3A = vector.extract %slice3A[0] : i32 from vector<1xi32>
    %shift_right_logical3A = arith.constant 7 : i32
    %shift_right_logical3A_4 = arith.shrui %squeeze3A, %shift_right_logical3A : i32
    %min3A = arith.constant 7811 : i32
    %min3A_5 = arith.minsi %shift_right_logical3A_4, %min3A : i32
    %mul3A_6 = arith.constant 128 : i32
    %mul3A_7 = arith.muli %min3A_5, %mul3A_6 : i32
    %multiple_of3A = tpu.assume_multiple %mul3A_7, 128 : i32
    %dma_start3A = arith.constant 0 : i32
    %dma_start3A_8 = tpu.memref_slice %arg3[%dma_start3A, %multiple_of3A] : memref<32x1000000xf32, #tpu.memory_space<hbm>> -> memref<32x128xf32, #tpu.memory_space<hbm>>
    %dma_start3A_9 = arith.constant 0 : i32
    %dma_start3A_10 = tpu.memref_slice %arg3[%dma_start3A_9, %multiple_of3A] : memref<32x1000000xf32, #tpu.memory_space<hbm>> -> memref<32x128xf32, #tpu.memory_space<hbm>>
    tpu.enqueue_dma source(%dma_start3A_10 : memref<32x128xf32, #tpu.memory_space<hbm>>) target(%arg7 : memref<32x128xf32, #tpu.memory_space<vmem>>) target_semaphore(%arg17 : memref<!tpu.dma_semaphore, #tpu.memory_space<semaphore_mem>>)
    %get3A_11 = arith.constant 1 : index
    %get3A_12 = tpu.vector_load %arg6[%get3A_11] {strides = array<i32>} : memref<528xi32, #tpu.memory_space<vmem>>, vector<16xi32>,
    %slice3A_13 = vector.extract_strided_slice %get3A_12 {offsets = [0], sizes = [1], strides = [1]} : vector<16xi32> to vector<1xi32>
    %squeeze3A_14 = vector.extract %slice3A_13[0] : i32 from vector<1xi32>
    %shift_right_logical3A_15 = arith.constant 7 : i32
    %shift_right_logical3A_16 = arith.shrui %squeeze3A_14, %shift_right_logical3A_15 : i32
    %min3A_17 = arith.constant 7811 : i32
    %min3A_18 = arith.minsi %shift_right_logical3A_16, %min3A_17 : i32
    %mul3A_19 = arith.constant 128 : i32
    %mul3A_20 = arith.muli %min3A_18, %mul3A_19 : i32
    %multiple_of3A_21 = tpu.assume_multiple %mul3A_20, 128 : i32
    %dma_start3A_22 = arith.constant 0 : i32
    %dma_start3A_23 = tpu.memref_slice %arg3[%dma_start3A_22, %multiple_of3A_21] : memref<32x1000000xf32, #tpu.memory_space<hbm>> -> memref<32x128xf32, #tpu.memory_space<hbm>>
    %dma_start3A_24 = arith.constant 0 : i32
    %dma_start3A_25 = tpu.memref_slice %arg3[%dma_start3A_24, %multiple_of3A_21] : memref<32x1000000xf32, #tpu.memory_space<hbm>> -> memref<32x128xf32, #tpu.memory_space<hbm>>
    tpu.enqueue_dma source(%dma_start3A_25 : memref<32x128xf32, #tpu.memory_space<hbm>>) target(%arg8 : memref<32x128xf32, #tpu.memory_space<vmem>>) target_semaphore(%arg18 : memref<!tpu.dma_semaphore, #tpu.memory_space<semaphore_mem>>)
    %get3A_26 = arith.constant 2 : index
    %get3A_27 = tpu.vector_load %arg6[%get3A_26] {strides = array<i32>} : memref<528xi32, #tpu.memory_space<vmem>>, vector<16xi32>,
    %slice3A_28 = vector.extract_strided_slice %get3A_27 {offsets = [0], sizes = [1], strides = [1]} : vector<16xi32> to vector<1xi32>
    %squeeze3A_29 = vector.extract %slice3A_28[0] : i32 from vector<1xi32>
    %shift_right_logical3A_30 = arith.constant 7 : i32
    %shift_right_logical3A_31 = arith.shrui %squeeze3A_29, %shift_right_logical3A_30 : i32
    %min3A_32 = arith.constant 7811 : i32
    %min3A_33 = arith.minsi %shift_right_logical3A_31, %min3A_32 : i32
    %mul3A_34 = arith.constant 128 : i32
    %mul3A_35 = arith.muli %min3A_33, %mul3A_34 : i32
    %multiple_of3A_36 = tpu.assume_multiple %mul3A_35, 128 : i32
    %dma_start3A_37 = arith.constant 0 : i32
    %dma_start3A_38 = tpu.memref_slice %arg3[%dma_start3A_37, %multiple_of3A_36] : memref<32x1000000xf32, #tpu.memory_space<hbm>> -> memref<32x128xf32, #tpu.memory_space<hbm>>
    %dma_start3A_39 = arith.constant 0 : i32
    %dma_start3A_40 = tpu.memref_slice %arg3[%dma_start3A_39, %multiple_of3A_36] : memref<32x1000000xf32, #tpu.memory_space<hbm>> -> memref<32x128xf32, #tpu.memory_space<hbm>>
    tpu.enqueue_dma source(%dma_start3A_40 : memref<32x128xf32, #tpu.memory_space<hbm>>) target(%arg9 : memref<32x128xf32, #tpu.memory_space<vmem>>) target_semaphore(%arg19 : memref<!tpu.dma_semaphore, #tpu.memory_space<semaphore_mem>>)
    %get3A_41 = arith.constant 3 : index
    %get3A_42 = tpu.vector_load %arg6[%get3A_41] {strides = array<i32>} : memref<528xi32, #tpu.memory_space<vmem>>, vector<16xi32>,
    %slice3A_43 = vector.extract_strided_slice %get3A_42 {offsets = [0], sizes = [1], strides = [1]} : vector<16xi32> to vector<1xi32>
    %squeeze3A_44 = vector.extract %slice3A_43[0] : i32 from vector<1xi32>
    %shift_right_logical3A_45 = arith.constant 7 : i32
    %shift_right_logical3A_46 = arith.shrui %squeeze3A_44, %shift_right_logical3A_45 : i32
    %min3A_47 = arith.constant 7811 : i32
    %min3A_48 = arith.minsi %shift_right_logical3A_46, %min3A_47 : i32
    %mul3A_49 = arith.constant 128 : i32
    %mul3A_50 = arith.muli %min3A_48, %mul3A_49 : i32
    %multiple_of3A_51 = tpu.assume_multiple %mul3A_50, 128 : i32
    %dma_start3A_52 = arith.constant 0 : i32
    %dma_start3A_53 = tpu.memref_slice %arg3[%dma_start3A_52, %multiple_of3A_51] : memref<32x1000000xf32, #tpu.memory_space<hbm>> -> memref<32x128xf32, #tpu.memory_space<hbm>>
    %dma_start3A_54 = arith.constant 0 : i32
    %dma_start3A_55 = tpu.memref_slice %arg3[%dma_start3A_54, %multiple_of3A_51] : memref<32x1000000xf32, #tpu.memory_space<hbm>> -> memref<32x128xf32, #tpu.memory_space<hbm>>
    tpu.enqueue_dma source(%dma_start3A_55 : memref<32x128xf32, #tpu.memory_space<hbm>>) target(%arg10 : memref<32x128xf32, #tpu.memory_space<vmem>>) target_semaphore(%arg20 : memref<!tpu.dma_semaphore, #tpu.memory_space<semaphore_mem>>)
    %get3A_56 = arith.constant 4 : index
    %get3A_57 = tpu.vector_load %arg6[%get3A_56] {strides = array<i32>} : memref<528xi32, #tpu.memory_space<vmem>>, vector<16xi32>,
    %slice3A_58 = vector.extract_strided_slice %get3A_57 {offsets = [0], sizes = [1], strides = [1]} : vector<16xi32> to vector<1xi32>
    %squeeze3A_59 = vector.extract %slice3A_58[0] : i32 from vector<1xi32>
    %shift_right_logical3A_60 = arith.constant 7 : i32
    %shift_right_logical3A_61 = arith.shrui %squeeze3A_59, %shift_right_logical3A_60 : i32
    %min3A_62 = arith.constant 7811 : i32
    %min3A_63 = arith.minsi %shift_right_logical3A_61, %min3A_62 : i32
    %mul3A_64 = arith.constant 128 : i32
    %mul3A_65 = arith.muli %min3A_63, %mul3A_64 : i32
    %multiple_of3A_66 = tpu.assume_multiple %mul3A_65, 128 : i32
    %dma_start3A_67 = arith.constant 0 : i32
    %dma_start3A_68 = tpu.memref_slice %arg3[%dma_start3A_67, %multiple_of3A_66] : memref<32x1000000xf32, #tpu.memory_space<hbm>> -> memref<32x128xf32, #tpu.memory_space<hbm>>
    %dma_start3A_69 = arith.constant 0 : i32
    %dma_start3A_70 = tpu.memref_slice %arg3[%dma_start3A_69, %multiple_of3A_66] : memref<32x1000000xf32, #tpu.memory_space<hbm>> -> memref<32x128xf32, #tpu.memory_space<hbm>>
    tpu.enqueue_dma source(%dma_start3A_70 : memref<32x128xf32, #tpu.memory_space<hbm>>) target(%arg11 : memref<32x128xf32, #tpu.memory_space<vmem>>) target_semaphore(%arg21 : memref<!tpu.dma_semaphore, #tpu.memory_space<semaphore_mem>>)
    %get3A_71 = arith.constant 5 : index
    %get3A_72 = tpu.vector_load %arg6[%get3A_71] {strides = array<i32>} : memref<528xi32, #tpu.memory_space<vmem>>, vector<16xi32>,
    %slice3A_73 = vector.extract_strided_slice %get3A_72 {offsets = [0], sizes = [1], strides = [1]} : vector<16xi32> to vector<1xi32>
    %squeeze3A_74 = vector.extract %slice3A_73[0] : i32 from vector<1xi32>
    %shift_right_logical3A_75 = arith.constant 7 : i32
    %shift_right_logical3A_76 = arith.shrui %squeeze3A_74, %shift_right_logical3A_75 : i32
    %min3A_77 = arith.constant 7811 : i32
    %min3A_78 = arith.minsi %shift_right_logical3A_76, %min3A_77 : i32
    %mul3A_79 = arith.constant 128 : i32
    %mul3A_80 = arith.muli %min3A_78, %mul3A_79 : i32
    %multiple_of3A_81 = tpu.assume_multiple %mul3A_80, 128 : i32
    %dma_start3A_82 = arith.constant 0 : i32
    %dma_start3A_83 = tpu.memref_slice %arg3[%dma_start3A_82, %multiple_of3A_81] : memref<32x1000000xf32, #tpu.memory_space<hbm>> -> memref<32x128xf32, #tpu.memory_space<hbm>>
    %dma_start3A_84 = arith.constant 0 : i32
    %dma_start3A_85 = tpu.memref_slice %arg3[%dma_start3A_84, %multiple_of3A_81] : memref<32x1000000xf32, #tpu.memory_space<hbm>> -> memref<32x128xf32, #tpu.memory_space<hbm>>
    tpu.enqueue_dma source(%dma_start3A_85 : memref<32x128xf32, #tpu.memory_space<hbm>>) target(%arg12 : memref<32x128xf32, #tpu.memory_space<vmem>>) target_semaphore(%arg22 : memref<!tpu.dma_semaphore, #tpu.memory_space<semaphore_mem>>)
    %get3A_86 = arith.constant 6 : index
    %get3A_87 = tpu.vector_load %arg6[%get3A_86] {strides = array<i32>} : memref<528xi32, #tpu.memory_space<vmem>>, vector<16xi32>,
    %slice3A_88 = vector.extract_strided_slice %get3A_87 {offsets = [0], sizes = [1], strides = [1]} : vector<16xi32> to vector<1xi32>
    %squeeze3A_89 = vector.extract %slice3A_88[0] : i32 from vector<1xi32>
    %shift_right_logical3A_90 = arith.constant 7 : i32
    %shift_right_logical3A_91 = arith.shrui %squeeze3A_89, %shift_right_logical3A_90 : i32
    %min3A_92 = arith.constant 7811 : i32
    %min3A_93 = arith.minsi %shift_right_logical3A_91, %min3A_92 : i32
    %mul3A_94 = arith.constant 128 : i32
    %mul3A_95 = arith.muli %min3A_93, %mul3A_94 : i32
    %multiple_of3A_96 = tpu.assume_multiple %mul3A_95, 128 : i32
    %dma_start3A_97 = arith.constant 0 : i32
    %dma_start3A_98 = tpu.memref_slice %arg3[%dma_start3A_97, %multiple_of3A_96] : memref<32x1000000xf32, #tpu.memory_space<hbm>> -> memref<32x128xf32, #tpu.memory_space<hbm>>
    %dma_start3A_99 = arith.constant 0 : i32
    %dma_start3A_100 = tpu.memref_slice %arg3[%dma_start3A_99, %multiple_of3A_96] : memref<32x1000000xf32, #tpu.memory_space<hbm>> -> memref<32x128xf32, #tpu.memory_space<hbm>>
    tpu.enqueue_dma source(%dma_start3A_100 : memref<32x128xf32, #tpu.memory_space<hbm>>) target(%arg13 : memref<32x128xf32, #tpu.memory_space<vmem>>) target_semaphore(%arg23 : memref<!tpu.dma_semaphore, #tpu.memory_space<semaphore_mem>>)
    %get3A_101 = arith.constant 7 : index
    %get3A_102 = tpu.vector_load %arg6[%get3A_101] {strides = array<i32>} : memref<528xi32, #tpu.memory_space<vmem>>, vector<16xi32>,
    %slice3A_103 = vector.extract_strided_slice %get3A_102 {offsets = [0], sizes = [1], strides = [1]} : vector<16xi32> to vector<1xi32>
    %squeeze3A_104 = vector.extract %slice3A_103[0] : i32 from vector<1xi32>
    %shift_right_logical3A_105 = arith.constant 7 : i32
    %shift_right_logical3A_106 = arith.shrui %squeeze3A_104, %shift_right_logical3A_105 : i32
    %min3A_107 = arith.constant 7811 : i32
    %min3A_108 = arith.minsi %shift_right_logical3A_106, %min3A_107 : i32
    %mul3A_109 = arith.constant 128 : i32
    %mul3A_110 = arith.muli %min3A_108, %mul3A_109 : i32
    %multiple_of3A_111 = tpu.assume_multiple %mul3A_110, 128 : i32
    %dma_start3A_112 = arith.constant 0 : i32
    %dma_start3A_113 = tpu.memref_slice %arg3[%dma_start3A_112, %multiple_of3A_111] : memref<32x1000000xf32, #tpu.memory_space<hbm>> -> memref<32x128xf32, #tpu.memory_space<hbm>>
    %dma_start3A_114 = arith.constant 0 : i32
    %dma_start3A_115 = tpu.memref_slice %arg3[%dma_start3A_114, %multiple_of3A_111] : memref<32x1000000xf32, #tpu.memory_space<hbm>> -> memref<32x128xf32, #tpu.memory_space<hbm>>
    tpu.enqueue_dma source(%dma_start3A_115 : memref<32x128xf32, #tpu.memory_space<hbm>>) target(%arg14 : memref<32x128xf32, #tpu.memory_space<vmem>>) target_semaphore(%arg24 : memref<!tpu.dma_semaphore, #tpu.memory_space<semaphore_mem>>)
    %scan3A = arith.constant 0 : i32
    %scan3A_116 = arith.constant 512 : i32
    %scan3A_117 = arith.addi %scan3A, %scan3A_116 : i32
    %scan3A_118 = arith.constant 1 : i32
    scf.for %scan3A_120 = %scan3A to %scan3A_117 step %scan3A_118  : i32 {
      %mul3A_121 = arith.constant 1 : i32
      %mul3A_122 = arith.muli %scan3A_120, %mul3A_121 : i32
      %add3A_123 = arith.constant 0 : i32
      %add3A_124 = arith.addi %add3A_123, %mul3A_122 : i32
      %get3A_125 = arith.index_cast %add3A_124 : i32 to index
      %get3A_126 = tpu.vector_load %arg6[%get3A_125] {strides = array<i32>} : memref<528xi32, #tpu.memory_space<vmem>>, vector<16xi32>,
      %slice3A_127 = vector.extract_strided_slice %get3A_126 {offsets = [0], sizes = [1], strides = [1]} : vector<16xi32> to vector<1xi32>
      %squeeze3A_128 = vector.extract %slice3A_127[0] : i32 from vector<1xi32>
      %and3A = arith.constant 127 : i32
      %and3A_129 = arith.andi %squeeze3A_128, %and3A : i32
      %jit3A = arith.constant 8 : i32
      %eq3A = arith.constant 0 : i32
      %eq3A_130 = arith.cmpi eq, %jit3A, %eq3A : i32
      %jit3A_131 = arith.constant 1 : i32
      %select_n3A = arith.select %eq3A_130, %jit3A_131, %jit3A : i32
      %rem3A = arith.remsi %add3A_124, %select_n3A : i32
      %ne3A = arith.constant 0 : i32
      %ne3A_132 = arith.cmpi ne, %rem3A, %ne3A : i32
      %lt3A = arith.constant 0 : i32
      %lt3A_133 = arith.cmpi slt, %rem3A, %lt3A : i32
      %lt3A_134 = arith.constant 0 : i32
      %lt3A_135 = arith.cmpi slt, %select_n3A, %lt3A_134 : i32
      %ne3A_136 = arith.xori %lt3A_133, %lt3A_135 : i1
      %and3A_137 = arith.andi %ne3A_136, %ne3A_132 : i1
      %add3A_138 = arith.addi %rem3A, %select_n3A : i32
      %select_n3A_139 = arith.select %and3A_137, %add3A_138, %rem3A : i32
      %eq3A_140 = arith.constant 0 : i32
      %eq3A_141 = arith.cmpi eq, %select_n3A_139, %eq3A_140 : i32
      %convert_element_type3A = arith.extui %eq3A_141 : i1 to i32
      %cond3A = arith.constant 0 : i32
      %cond3A_142 = arith.cmpi ne, %convert_element_type3A, %cond3A : i32
      scf.if %cond3A_142 {
        %dma_wait3A = arith.constant 0 : i32
        %dma_wait3A_290 = arith.constant 0 : i32
        %dma_wait3A_291 = tpu.memref_slice %arg3[%dma_wait3A, %dma_wait3A_290] : memref<32x1000000xf32, #tpu.memory_space<hbm>> -> memref<32x128xf32, #tpu.memory_space<hbm>>
        %dma_wait3A_292 = arith.constant 0 : i32
        %dma_wait3A_293 = arith.constant 0 : i32
        %dma_wait3A_294 = tpu.memref_slice %arg3[%dma_wait3A_292, %dma_wait3A_293] : memref<32x1000000xf32, #tpu.memory_space<hbm>> -> memref<32x128xf32, #tpu.memory_space<hbm>>
        tpu.wait_dma2 semaphore(%arg17 : memref<!tpu.dma_semaphore, #tpu.memory_space<semaphore_mem>>) src(%dma_wait3A_294 : memref<32x128xf32, #tpu.memory_space<hbm>>) dst(%arg7 : memref<32x128xf32, #tpu.memory_space<vmem>>)
        %sub3A = arith.constant 999936 : i32
        %sub3A_295 = arith.subi %squeeze3A_128, %sub3A : i32
        %jit3A_296 = arith.constant 0 : i32
        %jit3A_297 = arith.constant 63 : i32
        %max3A = arith.maxsi %jit3A_296, %sub3A_295 : i32
        %min3A_298 = arith.minsi %jit3A_297, %max3A : i32
        %mul3A_299 = arith.constant 32 : i32
        %mul3A_300 = arith.muli %min3A_298, %mul3A_299 : i32
        %iota3A = tpu.iota {dimensions = array<i32: 0>} : vector<16xi32>
        %add3A_301 = arith.constant 0 : i32
        %add3A_302 = vector.broadcast %add3A_301 : i32 to vector<16xi32>
        %add3A_303 = arith.addi %iota3A, %add3A_302 : vector<16xi32>
        %broadcast_in_dim3A = arith.constant 0 : i32
        %broadcast_in_dim3A_304 = vector.broadcast %broadcast_in_dim3A : i32 to vector<16xi32>
        %add3A_305 = vector.broadcast %and3A_129 : i32 to vector<16xi32>
        %add3A_306 = arith.addi %broadcast_in_dim3A_304, %add3A_305 : vector<16xi32>
        %gather3A = tpu.vector_load_idx %arg7[%add3A_303, %add3A_306] : memref<32x128xf32, #tpu.memory_space<vmem>>[vector<16xi32>, vector<16xi32>], vector<16xf32>,
        %add3A_307 = vector.broadcast %mul3A_300 : i32 to vector<16xi32>
        %add3A_308 = arith.addi %add3A_303, %add3A_307 : vector<16xi32>
        %gather3A_309 = tpu.vector_load_idx %arg15[%add3A_308] : memref<2048xf32, #tpu.memory_space<vmem>>[vector<16xi32>], vector<16xf32>,
        %ge3A = arith.constant 999936 : i32
        %ge3A_310 = arith.cmpi sge, %squeeze3A_128, %ge3A : i32
        %select_n3A_311 = arith.select %ge3A_310, %gather3A_309, %gather3A : vector<16xf32>
        %broadcast_in_dim3A_312 = arith.constant 0 : i32
        %broadcast_in_dim3A_313 = vector.broadcast %broadcast_in_dim3A_312 : i32 to vector<16xi32>
        %add3A_314 = vector.broadcast %add3A_124 : i32 to vector<16xi32>
        %add3A_315 = arith.addi %broadcast_in_dim3A_313, %add3A_314 : vector<16xi32>
        tpu.vector_store_idx %arg16[%add3A_303, %add3A_315], %select_n3A_311 : memref<32x512xf32, #tpu.memory_space<vmem>>[vector<16xi32>, vector<16xi32>], vector<16xf32>,
        %iota3A_316 = tpu.iota {dimensions = array<i32: 0>} : vector<16xi32>
        %add3A_317 = arith.constant 16 : i32
        %add3A_318 = vector.broadcast %add3A_317 : i32 to vector<16xi32>
        %add3A_319 = arith.addi %iota3A_316, %add3A_318 : vector<16xi32>
        %broadcast_in_dim3A_320 = arith.constant 0 : i32
        %broadcast_in_dim3A_321 = vector.broadcast %broadcast_in_dim3A_320 : i32 to vector<16xi32>
        %add3A_322 = vector.broadcast %and3A_129 : i32 to vector<16xi32>
        %add3A_323 = arith.addi %broadcast_in_dim3A_321, %add3A_322 : vector<16xi32>
        %gather3A_324 = tpu.vector_load_idx %arg7[%add3A_319, %add3A_323] : memref<32x128xf32, #tpu.memory_space<vmem>>[vector<16xi32>, vector<16xi32>], vector<16xf32>,
        %add3A_325 = vector.broadcast %mul3A_300 : i32 to vector<16xi32>
        %add3A_326 = arith.addi %add3A_319, %add3A_325 : vector<16xi32>
        %gather3A_327 = tpu.vector_load_idx %arg15[%add3A_326] : memref<2048xf32, #tpu.memory_space<vmem>>[vector<16xi32>], vector<16xf32>,
        %ge3A_328 = arith.constant 999936 : i32
        %ge3A_329 = arith.cmpi sge, %squeeze3A_128, %ge3A_328 : i32
        %select_n3A_330 = arith.select %ge3A_329, %gather3A_327, %gather3A_324 : vector<16xf32>
        %broadcast_in_dim3A_331 = arith.constant 0 : i32
        %broadcast_in_dim3A_332 = vector.broadcast %broadcast_in_dim3A_331 : i32 to vector<16xi32>
        %add3A_333 = vector.broadcast %add3A_124 : i32 to vector<16xi32>
        %add3A_334 = arith.addi %broadcast_in_dim3A_332, %add3A_333 : vector<16xi32>
        tpu.vector_store_idx %arg16[%add3A_319, %add3A_334], %select_n3A_330 : memref<32x512xf32, #tpu.memory_space<vmem>>[vector<16xi32>, vector<16xi32>], vector<16xf32>,
        %add3A_335 = arith.constant 8 : i32
        %add3A_336 = arith.addi %add3A_124, %add3A_335 : i32
        %lt3A_337 = arith.constant 512 : i32
        %lt3A_338 = arith.cmpi slt, %add3A_336, %lt3A_337 : i32
        %convert_element_type3A_339 = arith.extui %lt3A_338 : i1 to i32
        %cond3A_340 = arith.constant 0 : i32
        %cond3A_341 = arith.cmpi ne, %convert_element_type3A_339, %cond3A_340 : i32
        scf.if %cond3A_341 {
          %add3A_342 = arith.constant 8 : i32
          %add3A_343 = arith.addi %add3A_124, %add3A_342 : i32
          %get3A_344 = arith.index_cast %add3A_343 : i32 to index
          %get3A_345 = tpu.vector_load %arg6[%get3A_344] {strides = array<i32>} : memref<528xi32, #tpu.memory_space<vmem>>, vector<16xi32>,
          %slice3A_346 = vector.extract_strided_slice %get3A_345 {offsets = [0], sizes = [1], strides = [1]} : vector<16xi32> to vector<1xi32>
          %squeeze3A_347 = vector.extract %slice3A_346[0] : i32 from vector<1xi32>
          %shift_right_logical3A_348 = arith.constant 7 : i32
          %shift_right_logical3A_349 = arith.shrui %squeeze3A_347, %shift_right_logical3A_348 : i32
          %min3A_350 = arith.constant 7811 : i32
          %min3A_351 = arith.minsi %shift_right_logical3A_349, %min3A_350 : i32
          %mul3A_352 = arith.constant 128 : i32
          %mul3A_353 = arith.muli %min3A_351, %mul3A_352 : i32
          %multiple_of3A_354 = tpu.assume_multiple %mul3A_353, 128 : i32
          %dma_start3A_355 = arith.constant 0 : i32
          %dma_start3A_356 = tpu.memref_slice %arg3[%dma_start3A_355, %multiple_of3A_354] : memref<32x1000000xf32, #tpu.memory_space<hbm>> -> memref<32x128xf32, #tpu.memory_space<hbm>>
          %dma_start3A_357 = arith.constant 0 : i32
          %dma_start3A_358 = tpu.memref_slice %arg3[%dma_start3A_357, %multiple_of3A_354] : memref<32x1000000xf32, #tpu.memory_space<hbm>> -> memref<32x128xf32, #tpu.memory_space<hbm>>
          tpu.enqueue_dma source(%dma_start3A_358 : memref<32x128xf32, #tpu.memory_space<hbm>>) target(%arg7 : memref<32x128xf32, #tpu.memory_space<vmem>>) target_semaphore(%arg17 : memref<!tpu.dma_semaphore, #tpu.memory_space<semaphore_mem>>)
        } else {
        }
      } else {
      }
      %jit3A_143 = arith.constant 8 : i32
      %eq3A_144 = arith.constant 0 : i32
      %eq3A_145 = arith.cmpi eq, %jit3A_143, %eq3A_144 : i32
      %jit3A_146 = arith.constant 1 : i32
      %select_n3A_147 = arith.select %eq3A_145, %jit3A_146, %jit3A_143 : i32
      %rem3A_148 = arith.remsi %add3A_124, %select_n3A_147 : i32
      %ne3A_149 = arith.constant 0 : i32
      %ne3A_150 = arith.cmpi ne, %rem3A_148, %ne3A_149 : i32
      %lt3A_151 = arith.constant 0 : i32
      %lt3A_152 = arith.cmpi slt, %rem3A_148, %lt3A_151 : i32
      %lt3A_153 = arith.constant 0 : i32
      %lt3A_154 = arith.cmpi slt, %select_n3A_147, %lt3A_153 : i32
      %ne3A_155 = arith.xori %lt3A_152, %lt3A_154 : i1
      %and3A_156 = arith.andi %ne3A_155, %ne3A_150 : i1
      %add3A_157 = arith.addi %rem3A_148, %select_n3A_147 : i32
      %select_n3A_158 = arith.select %and3A_156, %add3A_157, %rem3A_148 : i32
      %eq3A_159 = arith.constant 1 : i32
      %eq3A_160 = arith.cmpi eq, %select_n3A_158, %eq3A_159 : i32
      %convert_element_type3A_161 = arith.extui %eq3A_160 : i1 to i32
      %cond3A_162 = arith.constant 0 : i32
      %cond3A_163 = arith.cmpi ne, %convert_element_type3A_161, %cond3A_162 : i32
      scf.if %cond3A_163 {
        %dma_wait3A = arith.constant 0 : i32
        %dma_wait3A_290 = arith.constant 0 : i32
        %dma_wait3A_291 = tpu.memref_slice %arg3[%dma_wait3A, %dma_wait3A_290] : memref<32x1000000xf32, #tpu.memory_space<hbm>> -> memref<32x128xf32, #tpu.memory_space<hbm>>
        %dma_wait3A_292 = arith.constant 0 : i32
        %dma_wait3A_293 = arith.constant 0 : i32
        %dma_wait3A_294 = tpu.memref_slice %arg3[%dma_wait3A_292, %dma_wait3A_293] : memref<32x1000000xf32, #tpu.memory_space<hbm>> -> memref<32x128xf32, #tpu.memory_space<hbm>>
        tpu.wait_dma2 semaphore(%arg18 : memref<!tpu.dma_semaphore, #tpu.memory_space<semaphore_mem>>) src(%dma_wait3A_294 : memref<32x128xf32, #tpu.memory_space<hbm>>) dst(%arg8 : memref<32x128xf32, #tpu.memory_space<vmem>>)
        %sub3A = arith.constant 999936 : i32
        %sub3A_295 = arith.subi %squeeze3A_128, %sub3A : i32
        %jit3A_296 = arith.constant 0 : i32
        %jit3A_297 = arith.constant 63 : i32
        %max3A = arith.maxsi %jit3A_296, %sub3A_295 : i32
        %min3A_298 = arith.minsi %jit3A_297, %max3A : i32
        %mul3A_299 = arith.constant 32 : i32
        %mul3A_300 = arith.muli %min3A_298, %mul3A_299 : i32
        %iota3A = tpu.iota {dimensions = array<i32: 0>} : vector<16xi32>
        %add3A_301 = arith.constant 0 : i32
        %add3A_302 = vector.broadcast %add3A_301 : i32 to vector<16xi32>
        %add3A_303 = arith.addi %iota3A, %add3A_302 : vector<16xi32>
        %broadcast_in_dim3A = arith.constant 0 : i32
        %broadcast_in_dim3A_304 = vector.broadcast %broadcast_in_dim3A : i32 to vector<16xi32>
        %add3A_305 = vector.broadcast %and3A_129 : i32 to vector<16xi32>
        %add3A_306 = arith.addi %broadcast_in_dim3A_304, %add3A_305 : vector<16xi32>
        %gather3A = tpu.vector_load_idx %arg8[%add3A_303, %add3A_306] : memref<32x128xf32, #tpu.memory_space<vmem>>[vector<16xi32>, vector<16xi32>], vector<16xf32>,
        %add3A_307 = vector.broadcast %mul3A_300 : i32 to vector<16xi32>
        %add3A_308 = arith.addi %add3A_303, %add3A_307 : vector<16xi32>
        %gather3A_309 = tpu.vector_load_idx %arg15[%add3A_308] : memref<2048xf32, #tpu.memory_space<vmem>>[vector<16xi32>], vector<16xf32>,
        %ge3A = arith.constant 999936 : i32
        %ge3A_310 = arith.cmpi sge, %squeeze3A_128, %ge3A : i32
        %select_n3A_311 = arith.select %ge3A_310, %gather3A_309, %gather3A : vector<16xf32>
        %broadcast_in_dim3A_312 = arith.constant 0 : i32
        %broadcast_in_dim3A_313 = vector.broadcast %broadcast_in_dim3A_312 : i32 to vector<16xi32>
        %add3A_314 = vector.broadcast %add3A_124 : i32 to vector<16xi32>
        %add3A_315 = arith.addi %broadcast_in_dim3A_313, %add3A_314 : vector<16xi32>
        tpu.vector_store_idx %arg16[%add3A_303, %add3A_315], %select_n3A_311 : memref<32x512xf32, #tpu.memory_space<vmem>>[vector<16xi32>, vector<16xi32>], vector<16xf32>,
        %iota3A_316 = tpu.iota {dimensions = array<i32: 0>} : vector<16xi32>
        %add3A_317 = arith.constant 16 : i32
        %add3A_318 = vector.broadcast %add3A_317 : i32 to vector<16xi32>
        %add3A_319 = arith.addi %iota3A_316, %add3A_318 : vector<16xi32>
        %broadcast_in_dim3A_320 = arith.constant 0 : i32
        %broadcast_in_dim3A_321 = vector.broadcast %broadcast_in_dim3A_320 : i32 to vector<16xi32>
        %add3A_322 = vector.broadcast %and3A_129 : i32 to vector<16xi32>
        %add3A_323 = arith.addi %broadcast_in_dim3A_321, %add3A_322 : vector<16xi32>
        %gather3A_324 = tpu.vector_load_idx %arg8[%add3A_319, %add3A_323] : memref<32x128xf32, #tpu.memory_space<vmem>>[vector<16xi32>, vector<16xi32>], vector<16xf32>,
        %add3A_325 = vector.broadcast %mul3A_300 : i32 to vector<16xi32>
        %add3A_326 = arith.addi %add3A_319, %add3A_325 : vector<16xi32>
        %gather3A_327 = tpu.vector_load_idx %arg15[%add3A_326] : memref<2048xf32, #tpu.memory_space<vmem>>[vector<16xi32>], vector<16xf32>,
        %ge3A_328 = arith.constant 999936 : i32
        %ge3A_329 = arith.cmpi sge, %squeeze3A_128, %ge3A_328 : i32
        %select_n3A_330 = arith.select %ge3A_329, %gather3A_327, %gather3A_324 : vector<16xf32>
        %broadcast_in_dim3A_331 = arith.constant 0 : i32
        %broadcast_in_dim3A_332 = vector.broadcast %broadcast_in_dim3A_331 : i32 to vector<16xi32>
        %add3A_333 = vector.broadcast %add3A_124 : i32 to vector<16xi32>
        %add3A_334 = arith.addi %broadcast_in_dim3A_332, %add3A_333 : vector<16xi32>
        tpu.vector_store_idx %arg16[%add3A_319, %add3A_334], %select_n3A_330 : memref<32x512xf32, #tpu.memory_space<vmem>>[vector<16xi32>, vector<16xi32>], vector<16xf32>,
        %add3A_335 = arith.constant 8 : i32
        %add3A_336 = arith.addi %add3A_124, %add3A_335 : i32
        %lt3A_337 = arith.constant 512 : i32
        %lt3A_338 = arith.cmpi slt, %add3A_336, %lt3A_337 : i32
        %convert_element_type3A_339 = arith.extui %lt3A_338 : i1 to i32
        %cond3A_340 = arith.constant 0 : i32
        %cond3A_341 = arith.cmpi ne, %convert_element_type3A_339, %cond3A_340 : i32
        scf.if %cond3A_341 {
          %add3A_342 = arith.constant 8 : i32
          %add3A_343 = arith.addi %add3A_124, %add3A_342 : i32
          %get3A_344 = arith.index_cast %add3A_343 : i32 to index
          %get3A_345 = tpu.vector_load %arg6[%get3A_344] {strides = array<i32>} : memref<528xi32, #tpu.memory_space<vmem>>, vector<16xi32>,
          %slice3A_346 = vector.extract_strided_slice %get3A_345 {offsets = [0], sizes = [1], strides = [1]} : vector<16xi32> to vector<1xi32>
          %squeeze3A_347 = vector.extract %slice3A_346[0] : i32 from vector<1xi32>
          %shift_right_logical3A_348 = arith.constant 7 : i32
          %shift_right_logical3A_349 = arith.shrui %squeeze3A_347, %shift_right_logical3A_348 : i32
          %min3A_350 = arith.constant 7811 : i32
          %min3A_351 = arith.minsi %shift_right_logical3A_349, %min3A_350 : i32
          %mul3A_352 = arith.constant 128 : i32
          %mul3A_353 = arith.muli %min3A_351, %mul3A_352 : i32
          %multiple_of3A_354 = tpu.assume_multiple %mul3A_353, 128 : i32
          %dma_start3A_355 = arith.constant 0 : i32
          %dma_start3A_356 = tpu.memref_slice %arg3[%dma_start3A_355, %multiple_of3A_354] : memref<32x1000000xf32, #tpu.memory_space<hbm>> -> memref<32x128xf32, #tpu.memory_space<hbm>>
          %dma_start3A_357 = arith.constant 0 : i32
          %dma_start3A_358 = tpu.memref_slice %arg3[%dma_start3A_357, %multiple_of3A_354] : memref<32x1000000xf32, #tpu.memory_space<hbm>> -> memref<32x128xf32, #tpu.memory_space<hbm>>
          tpu.enqueue_dma source(%dma_start3A_358 : memref<32x128xf32, #tpu.memory_space<hbm>>) target(%arg8 : memref<32x128xf32, #tpu.memory_space<vmem>>) target_semaphore(%arg18 : memref<!tpu.dma_semaphore, #tpu.memory_space<semaphore_mem>>)
        } else {
        }
      } else {
      }
      %jit3A_164 = arith.constant 8 : i32
      %eq3A_165 = arith.constant 0 : i32
      %eq3A_166 = arith.cmpi eq, %jit3A_164, %eq3A_165 : i32
      %jit3A_167 = arith.constant 1 : i32
      %select_n3A_168 = arith.select %eq3A_166, %jit3A_167, %jit3A_164 : i32
      %rem3A_169 = arith.remsi %add3A_124, %select_n3A_168 : i32
      %ne3A_170 = arith.constant 0 : i32
      %ne3A_171 = arith.cmpi ne, %rem3A_169, %ne3A_170 : i32
      %lt3A_172 = arith.constant 0 : i32
      %lt3A_173 = arith.cmpi slt, %rem3A_169, %lt3A_172 : i32
      %lt3A_174 = arith.constant 0 : i32
      %lt3A_175 = arith.cmpi slt, %select_n3A_168, %lt3A_174 : i32
      %ne3A_176 = arith.xori %lt3A_173, %lt3A_175 : i1
      %and3A_177 = arith.andi %ne3A_176, %ne3A_171 : i1
      %add3A_178 = arith.addi %rem3A_169, %select_n3A_168 : i32
      %select_n3A_179 = arith.select %and3A_177, %add3A_178, %rem3A_169 : i32
      %eq3A_180 = arith.constant 2 : i32
      %eq3A_181 = arith.cmpi eq, %select_n3A_179, %eq3A_180 : i32
      %convert_element_type3A_182 = arith.extui %eq3A_181 : i1 to i32
      %cond3A_183 = arith.constant 0 : i32
      %cond3A_184 = arith.cmpi ne, %convert_element_type3A_182, %cond3A_183 : i32
      scf.if %cond3A_184 {
        %dma_wait3A = arith.constant 0 : i32
        %dma_wait3A_290 = arith.constant 0 : i32
        %dma_wait3A_291 = tpu.memref_slice %arg3[%dma_wait3A, %dma_wait3A_290] : memref<32x1000000xf32, #tpu.memory_space<hbm>> -> memref<32x128xf32, #tpu.memory_space<hbm>>
        %dma_wait3A_292 = arith.constant 0 : i32
        %dma_wait3A_293 = arith.constant 0 : i32
        %dma_wait3A_294 = tpu.memref_slice %arg3[%dma_wait3A_292, %dma_wait3A_293] : memref<32x1000000xf32, #tpu.memory_space<hbm>> -> memref<32x128xf32, #tpu.memory_space<hbm>>
        tpu.wait_dma2 semaphore(%arg19 : memref<!tpu.dma_semaphore, #tpu.memory_space<semaphore_mem>>) src(%dma_wait3A_294 : memref<32x128xf32, #tpu.memory_space<hbm>>) dst(%arg9 : memref<32x128xf32, #tpu.memory_space<vmem>>)
        %sub3A = arith.constant 999936 : i32
        %sub3A_295 = arith.subi %squeeze3A_128, %sub3A : i32
        %jit3A_296 = arith.constant 0 : i32
        %jit3A_297 = arith.constant 63 : i32
        %max3A = arith.maxsi %jit3A_296, %sub3A_295 : i32
        %min3A_298 = arith.minsi %jit3A_297, %max3A : i32
        %mul3A_299 = arith.constant 32 : i32
        %mul3A_300 = arith.muli %min3A_298, %mul3A_299 : i32
        %iota3A = tpu.iota {dimensions = array<i32: 0>} : vector<16xi32>
        %add3A_301 = arith.constant 0 : i32
        %add3A_302 = vector.broadcast %add3A_301 : i32 to vector<16xi32>
        %add3A_303 = arith.addi %iota3A, %add3A_302 : vector<16xi32>
        %broadcast_in_dim3A = arith.constant 0 : i32
        %broadcast_in_dim3A_304 = vector.broadcast %broadcast_in_dim3A : i32 to vector<16xi32>
        %add3A_305 = vector.broadcast %and3A_129 : i32 to vector<16xi32>
        %add3A_306 = arith.addi %broadcast_in_dim3A_304, %add3A_305 : vector<16xi32>
        %gather3A = tpu.vector_load_idx %arg9[%add3A_303, %add3A_306] : memref<32x128xf32, #tpu.memory_space<vmem>>[vector<16xi32>, vector<16xi32>], vector<16xf32>,
        %add3A_307 = vector.broadcast %mul3A_300 : i32 to vector<16xi32>
        %add3A_308 = arith.addi %add3A_303, %add3A_307 : vector<16xi32>
        %gather3A_309 = tpu.vector_load_idx %arg15[%add3A_308] : memref<2048xf32, #tpu.memory_space<vmem>>[vector<16xi32>], vector<16xf32>,
        %ge3A = arith.constant 999936 : i32
        %ge3A_310 = arith.cmpi sge, %squeeze3A_128, %ge3A : i32
        %select_n3A_311 = arith.select %ge3A_310, %gather3A_309, %gather3A : vector<16xf32>
        %broadcast_in_dim3A_312 = arith.constant 0 : i32
        %broadcast_in_dim3A_313 = vector.broadcast %broadcast_in_dim3A_312 : i32 to vector<16xi32>
        %add3A_314 = vector.broadcast %add3A_124 : i32 to vector<16xi32>
        %add3A_315 = arith.addi %broadcast_in_dim3A_313, %add3A_314 : vector<16xi32>
        tpu.vector_store_idx %arg16[%add3A_303, %add3A_315], %select_n3A_311 : memref<32x512xf32, #tpu.memory_space<vmem>>[vector<16xi32>, vector<16xi32>], vector<16xf32>,
        %iota3A_316 = tpu.iota {dimensions = array<i32: 0>} : vector<16xi32>
        %add3A_317 = arith.constant 16 : i32
        %add3A_318 = vector.broadcast %add3A_317 : i32 to vector<16xi32>
        %add3A_319 = arith.addi %iota3A_316, %add3A_318 : vector<16xi32>
        %broadcast_in_dim3A_320 = arith.constant 0 : i32
        %broadcast_in_dim3A_321 = vector.broadcast %broadcast_in_dim3A_320 : i32 to vector<16xi32>
        %add3A_322 = vector.broadcast %and3A_129 : i32 to vector<16xi32>
        %add3A_323 = arith.addi %broadcast_in_dim3A_321, %add3A_322 : vector<16xi32>
        %gather3A_324 = tpu.vector_load_idx %arg9[%add3A_319, %add3A_323] : memref<32x128xf32, #tpu.memory_space<vmem>>[vector<16xi32>, vector<16xi32>], vector<16xf32>,
        %add3A_325 = vector.broadcast %mul3A_300 : i32 to vector<16xi32>
        %add3A_326 = arith.addi %add3A_319, %add3A_325 : vector<16xi32>
        %gather3A_327 = tpu.vector_load_idx %arg15[%add3A_326] : memref<2048xf32, #tpu.memory_space<vmem>>[vector<16xi32>], vector<16xf32>,
        %ge3A_328 = arith.constant 999936 : i32
        %ge3A_329 = arith.cmpi sge, %squeeze3A_128, %ge3A_328 : i32
        %select_n3A_330 = arith.select %ge3A_329, %gather3A_327, %gather3A_324 : vector<16xf32>
        %broadcast_in_dim3A_331 = arith.constant 0 : i32
        %broadcast_in_dim3A_332 = vector.broadcast %broadcast_in_dim3A_331 : i32 to vector<16xi32>
        %add3A_333 = vector.broadcast %add3A_124 : i32 to vector<16xi32>
        %add3A_334 = arith.addi %broadcast_in_dim3A_332, %add3A_333 : vector<16xi32>
        tpu.vector_store_idx %arg16[%add3A_319, %add3A_334], %select_n3A_330 : memref<32x512xf32, #tpu.memory_space<vmem>>[vector<16xi32>, vector<16xi32>], vector<16xf32>,
        %add3A_335 = arith.constant 8 : i32
        %add3A_336 = arith.addi %add3A_124, %add3A_335 : i32
        %lt3A_337 = arith.constant 512 : i32
        %lt3A_338 = arith.cmpi slt, %add3A_336, %lt3A_337 : i32
        %convert_element_type3A_339 = arith.extui %lt3A_338 : i1 to i32
        %cond3A_340 = arith.constant 0 : i32
        %cond3A_341 = arith.cmpi ne, %convert_element_type3A_339, %cond3A_340 : i32
        scf.if %cond3A_341 {
          %add3A_342 = arith.constant 8 : i32
          %add3A_343 = arith.addi %add3A_124, %add3A_342 : i32
          %get3A_344 = arith.index_cast %add3A_343 : i32 to index
          %get3A_345 = tpu.vector_load %arg6[%get3A_344] {strides = array<i32>} : memref<528xi32, #tpu.memory_space<vmem>>, vector<16xi32>,
          %slice3A_346 = vector.extract_strided_slice %get3A_345 {offsets = [0], sizes = [1], strides = [1]} : vector<16xi32> to vector<1xi32>
          %squeeze3A_347 = vector.extract %slice3A_346[0] : i32 from vector<1xi32>
          %shift_right_logical3A_348 = arith.constant 7 : i32
          %shift_right_logical3A_349 = arith.shrui %squeeze3A_347, %shift_right_logical3A_348 : i32
          %min3A_350 = arith.constant 7811 : i32
          %min3A_351 = arith.minsi %shift_right_logical3A_349, %min3A_350 : i32
          %mul3A_352 = arith.constant 128 : i32
          %mul3A_353 = arith.muli %min3A_351, %mul3A_352 : i32
          %multiple_of3A_354 = tpu.assume_multiple %mul3A_353, 128 : i32
          %dma_start3A_355 = arith.constant 0 : i32
          %dma_start3A_356 = tpu.memref_slice %arg3[%dma_start3A_355, %multiple_of3A_354] : memref<32x1000000xf32, #tpu.memory_space<hbm>> -> memref<32x128xf32, #tpu.memory_space<hbm>>
          %dma_start3A_357 = arith.constant 0 : i32
          %dma_start3A_358 = tpu.memref_slice %arg3[%dma_start3A_357, %multiple_of3A_354] : memref<32x1000000xf32, #tpu.memory_space<hbm>> -> memref<32x128xf32, #tpu.memory_space<hbm>>
          tpu.enqueue_dma source(%dma_start3A_358 : memref<32x128xf32, #tpu.memory_space<hbm>>) target(%arg9 : memref<32x128xf32, #tpu.memory_space<vmem>>) target_semaphore(%arg19 : memref<!tpu.dma_semaphore, #tpu.memory_space<semaphore_mem>>)
        } else {
        }
      } else {
      }
      %jit3A_185 = arith.constant 8 : i32
      %eq3A_186 = arith.constant 0 : i32
      %eq3A_187 = arith.cmpi eq, %jit3A_185, %eq3A_186 : i32
      %jit3A_188 = arith.constant 1 : i32
      %select_n3A_189 = arith.select %eq3A_187, %jit3A_188, %jit3A_185 : i32
      %rem3A_190 = arith.remsi %add3A_124, %select_n3A_189 : i32
      %ne3A_191 = arith.constant 0 : i32
      %ne3A_192 = arith.cmpi ne, %rem3A_190, %ne3A_191 : i32
      %lt3A_193 = arith.constant 0 : i32
      %lt3A_194 = arith.cmpi slt, %rem3A_190, %lt3A_193 : i32
      %lt3A_195 = arith.constant 0 : i32
      %lt3A_196 = arith.cmpi slt, %select_n3A_189, %lt3A_195 : i32
      %ne3A_197 = arith.xori %lt3A_194, %lt3A_196 : i1
      %and3A_198 = arith.andi %ne3A_197, %ne3A_192 : i1
      %add3A_199 = arith.addi %rem3A_190, %select_n3A_189 : i32
      %select_n3A_200 = arith.select %and3A_198, %add3A_199, %rem3A_190 : i32
      %eq3A_201 = arith.constant 3 : i32
      %eq3A_202 = arith.cmpi eq, %select_n3A_200, %eq3A_201 : i32
      %convert_element_type3A_203 = arith.extui %eq3A_202 : i1 to i32
      %cond3A_204 = arith.constant 0 : i32
      %cond3A_205 = arith.cmpi ne, %convert_element_type3A_203, %cond3A_204 : i32
      scf.if %cond3A_205 {
        %dma_wait3A = arith.constant 0 : i32
        %dma_wait3A_290 = arith.constant 0 : i32
        %dma_wait3A_291 = tpu.memref_slice %arg3[%dma_wait3A, %dma_wait3A_290] : memref<32x1000000xf32, #tpu.memory_space<hbm>> -> memref<32x128xf32, #tpu.memory_space<hbm>>
        %dma_wait3A_292 = arith.constant 0 : i32
        %dma_wait3A_293 = arith.constant 0 : i32
        %dma_wait3A_294 = tpu.memref_slice %arg3[%dma_wait3A_292, %dma_wait3A_293] : memref<32x1000000xf32, #tpu.memory_space<hbm>> -> memref<32x128xf32, #tpu.memory_space<hbm>>
        tpu.wait_dma2 semaphore(%arg20 : memref<!tpu.dma_semaphore, #tpu.memory_space<semaphore_mem>>) src(%dma_wait3A_294 : memref<32x128xf32, #tpu.memory_space<hbm>>) dst(%arg10 : memref<32x128xf32, #tpu.memory_space<vmem>>)
        %sub3A = arith.constant 999936 : i32
        %sub3A_295 = arith.subi %squeeze3A_128, %sub3A : i32
        %jit3A_296 = arith.constant 0 : i32
        %jit3A_297 = arith.constant 63 : i32
        %max3A = arith.maxsi %jit3A_296, %sub3A_295 : i32
        %min3A_298 = arith.minsi %jit3A_297, %max3A : i32
        %mul3A_299 = arith.constant 32 : i32
        %mul3A_300 = arith.muli %min3A_298, %mul3A_299 : i32
        %iota3A = tpu.iota {dimensions = array<i32: 0>} : vector<16xi32>
        %add3A_301 = arith.constant 0 : i32
        %add3A_302 = vector.broadcast %add3A_301 : i32 to vector<16xi32>
        %add3A_303 = arith.addi %iota3A, %add3A_302 : vector<16xi32>
        %broadcast_in_dim3A = arith.constant 0 : i32
        %broadcast_in_dim3A_304 = vector.broadcast %broadcast_in_dim3A : i32 to vector<16xi32>
        %add3A_305 = vector.broadcast %and3A_129 : i32 to vector<16xi32>
        %add3A_306 = arith.addi %broadcast_in_dim3A_304, %add3A_305 : vector<16xi32>
        %gather3A = tpu.vector_load_idx %arg10[%add3A_303, %add3A_306] : memref<32x128xf32, #tpu.memory_space<vmem>>[vector<16xi32>, vector<16xi32>], vector<16xf32>,
        %add3A_307 = vector.broadcast %mul3A_300 : i32 to vector<16xi32>
        %add3A_308 = arith.addi %add3A_303, %add3A_307 : vector<16xi32>
        %gather3A_309 = tpu.vector_load_idx %arg15[%add3A_308] : memref<2048xf32, #tpu.memory_space<vmem>>[vector<16xi32>], vector<16xf32>,
        %ge3A = arith.constant 999936 : i32
        %ge3A_310 = arith.cmpi sge, %squeeze3A_128, %ge3A : i32
        %select_n3A_311 = arith.select %ge3A_310, %gather3A_309, %gather3A : vector<16xf32>
        %broadcast_in_dim3A_312 = arith.constant 0 : i32
        %broadcast_in_dim3A_313 = vector.broadcast %broadcast_in_dim3A_312 : i32 to vector<16xi32>
        %add3A_314 = vector.broadcast %add3A_124 : i32 to vector<16xi32>
        %add3A_315 = arith.addi %broadcast_in_dim3A_313, %add3A_314 : vector<16xi32>
        tpu.vector_store_idx %arg16[%add3A_303, %add3A_315], %select_n3A_311 : memref<32x512xf32, #tpu.memory_space<vmem>>[vector<16xi32>, vector<16xi32>], vector<16xf32>,
        %iota3A_316 = tpu.iota {dimensions = array<i32: 0>} : vector<16xi32>
        %add3A_317 = arith.constant 16 : i32
        %add3A_318 = vector.broadcast %add3A_317 : i32 to vector<16xi32>
        %add3A_319 = arith.addi %iota3A_316, %add3A_318 : vector<16xi32>
        %broadcast_in_dim3A_320 = arith.constant 0 : i32
        %broadcast_in_dim3A_321 = vector.broadcast %broadcast_in_dim3A_320 : i32 to vector<16xi32>
        %add3A_322 = vector.broadcast %and3A_129 : i32 to vector<16xi32>
        %add3A_323 = arith.addi %broadcast_in_dim3A_321, %add3A_322 : vector<16xi32>
        %gather3A_324 = tpu.vector_load_idx %arg10[%add3A_319, %add3A_323] : memref<32x128xf32, #tpu.memory_space<vmem>>[vector<16xi32>, vector<16xi32>], vector<16xf32>,
        %add3A_325 = vector.broadcast %mul3A_300 : i32 to vector<16xi32>
        %add3A_326 = arith.addi %add3A_319, %add3A_325 : vector<16xi32>
        %gather3A_327 = tpu.vector_load_idx %arg15[%add3A_326] : memref<2048xf32, #tpu.memory_space<vmem>>[vector<16xi32>], vector<16xf32>,
        %ge3A_328 = arith.constant 999936 : i32
        %ge3A_329 = arith.cmpi sge, %squeeze3A_128, %ge3A_328 : i32
        %select_n3A_330 = arith.select %ge3A_329, %gather3A_327, %gather3A_324 : vector<16xf32>
        %broadcast_in_dim3A_331 = arith.constant 0 : i32
        %broadcast_in_dim3A_332 = vector.broadcast %broadcast_in_dim3A_331 : i32 to vector<16xi32>
        %add3A_333 = vector.broadcast %add3A_124 : i32 to vector<16xi32>
        %add3A_334 = arith.addi %broadcast_in_dim3A_332, %add3A_333 : vector<16xi32>
        tpu.vector_store_idx %arg16[%add3A_319, %add3A_334], %select_n3A_330 : memref<32x512xf32, #tpu.memory_space<vmem>>[vector<16xi32>, vector<16xi32>], vector<16xf32>,
        %add3A_335 = arith.constant 8 : i32
        %add3A_336 = arith.addi %add3A_124, %add3A_335 : i32
        %lt3A_337 = arith.constant 512 : i32
        %lt3A_338 = arith.cmpi slt, %add3A_336, %lt3A_337 : i32
        %convert_element_type3A_339 = arith.extui %lt3A_338 : i1 to i32
        %cond3A_340 = arith.constant 0 : i32
        %cond3A_341 = arith.cmpi ne, %convert_element_type3A_339, %cond3A_340 : i32
        scf.if %cond3A_341 {
          %add3A_342 = arith.constant 8 : i32
          %add3A_343 = arith.addi %add3A_124, %add3A_342 : i32
          %get3A_344 = arith.index_cast %add3A_343 : i32 to index
          %get3A_345 = tpu.vector_load %arg6[%get3A_344] {strides = array<i32>} : memref<528xi32, #tpu.memory_space<vmem>>, vector<16xi32>,
          %slice3A_346 = vector.extract_strided_slice %get3A_345 {offsets = [0], sizes = [1], strides = [1]} : vector<16xi32> to vector<1xi32>
          %squeeze3A_347 = vector.extract %slice3A_346[0] : i32 from vector<1xi32>
          %shift_right_logical3A_348 = arith.constant 7 : i32
          %shift_right_logical3A_349 = arith.shrui %squeeze3A_347, %shift_right_logical3A_348 : i32
          %min3A_350 = arith.constant 7811 : i32
          %min3A_351 = arith.minsi %shift_right_logical3A_349, %min3A_350 : i32
          %mul3A_352 = arith.constant 128 : i32
          %mul3A_353 = arith.muli %min3A_351, %mul3A_352 : i32
          %multiple_of3A_354 = tpu.assume_multiple %mul3A_353, 128 : i32
          %dma_start3A_355 = arith.constant 0 : i32
          %dma_start3A_356 = tpu.memref_slice %arg3[%dma_start3A_355, %multiple_of3A_354] : memref<32x1000000xf32, #tpu.memory_space<hbm>> -> memref<32x128xf32, #tpu.memory_space<hbm>>
          %dma_start3A_357 = arith.constant 0 : i32
          %dma_start3A_358 = tpu.memref_slice %arg3[%dma_start3A_357, %multiple_of3A_354] : memref<32x1000000xf32, #tpu.memory_space<hbm>> -> memref<32x128xf32, #tpu.memory_space<hbm>>
          tpu.enqueue_dma source(%dma_start3A_358 : memref<32x128xf32, #tpu.memory_space<hbm>>) target(%arg10 : memref<32x128xf32, #tpu.memory_space<vmem>>) target_semaphore(%arg20 : memref<!tpu.dma_semaphore, #tpu.memory_space<semaphore_mem>>)
        } else {
        }
      } else {
      }
      %jit3A_206 = arith.constant 8 : i32
      %eq3A_207 = arith.constant 0 : i32
      %eq3A_208 = arith.cmpi eq, %jit3A_206, %eq3A_207 : i32
      %jit3A_209 = arith.constant 1 : i32
      %select_n3A_210 = arith.select %eq3A_208, %jit3A_209, %jit3A_206 : i32
      %rem3A_211 = arith.remsi %add3A_124, %select_n3A_210 : i32
      %ne3A_212 = arith.constant 0 : i32
      %ne3A_213 = arith.cmpi ne, %rem3A_211, %ne3A_212 : i32
      %lt3A_214 = arith.constant 0 : i32
      %lt3A_215 = arith.cmpi slt, %rem3A_211, %lt3A_214 : i32
      %lt3A_216 = arith.constant 0 : i32
      %lt3A_217 = arith.cmpi slt, %select_n3A_210, %lt3A_216 : i32
      %ne3A_218 = arith.xori %lt3A_215, %lt3A_217 : i1
      %and3A_219 = arith.andi %ne3A_218, %ne3A_213 : i1
      %add3A_220 = arith.addi %rem3A_211, %select_n3A_210 : i32
      %select_n3A_221 = arith.select %and3A_219, %add3A_220, %rem3A_211 : i32
      %eq3A_222 = arith.constant 4 : i32
      %eq3A_223 = arith.cmpi eq, %select_n3A_221, %eq3A_222 : i32
      %convert_element_type3A_224 = arith.extui %eq3A_223 : i1 to i32
      %cond3A_225 = arith.constant 0 : i32
      %cond3A_226 = arith.cmpi ne, %convert_element_type3A_224, %cond3A_225 : i32
      scf.if %cond3A_226 {
        %dma_wait3A = arith.constant 0 : i32
        %dma_wait3A_290 = arith.constant 0 : i32
        %dma_wait3A_291 = tpu.memref_slice %arg3[%dma_wait3A, %dma_wait3A_290] : memref<32x1000000xf32, #tpu.memory_space<hbm>> -> memref<32x128xf32, #tpu.memory_space<hbm>>
        %dma_wait3A_292 = arith.constant 0 : i32
        %dma_wait3A_293 = arith.constant 0 : i32
        %dma_wait3A_294 = tpu.memref_slice %arg3[%dma_wait3A_292, %dma_wait3A_293] : memref<32x1000000xf32, #tpu.memory_space<hbm>> -> memref<32x128xf32, #tpu.memory_space<hbm>>
        tpu.wait_dma2 semaphore(%arg21 : memref<!tpu.dma_semaphore, #tpu.memory_space<semaphore_mem>>) src(%dma_wait3A_294 : memref<32x128xf32, #tpu.memory_space<hbm>>) dst(%arg11 : memref<32x128xf32, #tpu.memory_space<vmem>>)
        %sub3A = arith.constant 999936 : i32
        %sub3A_295 = arith.subi %squeeze3A_128, %sub3A : i32
        %jit3A_296 = arith.constant 0 : i32
        %jit3A_297 = arith.constant 63 : i32
        %max3A = arith.maxsi %jit3A_296, %sub3A_295 : i32
        %min3A_298 = arith.minsi %jit3A_297, %max3A : i32
        %mul3A_299 = arith.constant 32 : i32
        %mul3A_300 = arith.muli %min3A_298, %mul3A_299 : i32
        %iota3A = tpu.iota {dimensions = array<i32: 0>} : vector<16xi32>
        %add3A_301 = arith.constant 0 : i32
        %add3A_302 = vector.broadcast %add3A_301 : i32 to vector<16xi32>
        %add3A_303 = arith.addi %iota3A, %add3A_302 : vector<16xi32>
        %broadcast_in_dim3A = arith.constant 0 : i32
        %broadcast_in_dim3A_304 = vector.broadcast %broadcast_in_dim3A : i32 to vector<16xi32>
        %add3A_305 = vector.broadcast %and3A_129 : i32 to vector<16xi32>
        %add3A_306 = arith.addi %broadcast_in_dim3A_304, %add3A_305 : vector<16xi32>
        %gather3A = tpu.vector_load_idx %arg11[%add3A_303, %add3A_306] : memref<32x128xf32, #tpu.memory_space<vmem>>[vector<16xi32>, vector<16xi32>], vector<16xf32>,
        %add3A_307 = vector.broadcast %mul3A_300 : i32 to vector<16xi32>
        %add3A_308 = arith.addi %add3A_303, %add3A_307 : vector<16xi32>
        %gather3A_309 = tpu.vector_load_idx %arg15[%add3A_308] : memref<2048xf32, #tpu.memory_space<vmem>>[vector<16xi32>], vector<16xf32>,
        %ge3A = arith.constant 999936 : i32
        %ge3A_310 = arith.cmpi sge, %squeeze3A_128, %ge3A : i32
        %select_n3A_311 = arith.select %ge3A_310, %gather3A_309, %gather3A : vector<16xf32>
        %broadcast_in_dim3A_312 = arith.constant 0 : i32
        %broadcast_in_dim3A_313 = vector.broadcast %broadcast_in_dim3A_312 : i32 to vector<16xi32>
        %add3A_314 = vector.broadcast %add3A_124 : i32 to vector<16xi32>
        %add3A_315 = arith.addi %broadcast_in_dim3A_313, %add3A_314 : vector<16xi32>
        tpu.vector_store_idx %arg16[%add3A_303, %add3A_315], %select_n3A_311 : memref<32x512xf32, #tpu.memory_space<vmem>>[vector<16xi32>, vector<16xi32>], vector<16xf32>,
        %iota3A_316 = tpu.iota {dimensions = array<i32: 0>} : vector<16xi32>
        %add3A_317 = arith.constant 16 : i32
        %add3A_318 = vector.broadcast %add3A_317 : i32 to vector<16xi32>
        %add3A_319 = arith.addi %iota3A_316, %add3A_318 : vector<16xi32>
        %broadcast_in_dim3A_320 = arith.constant 0 : i32
        %broadcast_in_dim3A_321 = vector.broadcast %broadcast_in_dim3A_320 : i32 to vector<16xi32>
        %add3A_322 = vector.broadcast %and3A_129 : i32 to vector<16xi32>
        %add3A_323 = arith.addi %broadcast_in_dim3A_321, %add3A_322 : vector<16xi32>
        %gather3A_324 = tpu.vector_load_idx %arg11[%add3A_319, %add3A_323] : memref<32x128xf32, #tpu.memory_space<vmem>>[vector<16xi32>, vector<16xi32>], vector<16xf32>,
        %add3A_325 = vector.broadcast %mul3A_300 : i32 to vector<16xi32>
        %add3A_326 = arith.addi %add3A_319, %add3A_325 : vector<16xi32>
        %gather3A_327 = tpu.vector_load_idx %arg15[%add3A_326] : memref<2048xf32, #tpu.memory_space<vmem>>[vector<16xi32>], vector<16xf32>,
        %ge3A_328 = arith.constant 999936 : i32
        %ge3A_329 = arith.cmpi sge, %squeeze3A_128, %ge3A_328 : i32
        %select_n3A_330 = arith.select %ge3A_329, %gather3A_327, %gather3A_324 : vector<16xf32>
        %broadcast_in_dim3A_331 = arith.constant 0 : i32
        %broadcast_in_dim3A_332 = vector.broadcast %broadcast_in_dim3A_331 : i32 to vector<16xi32>
        %add3A_333 = vector.broadcast %add3A_124 : i32 to vector<16xi32>
        %add3A_334 = arith.addi %broadcast_in_dim3A_332, %add3A_333 : vector<16xi32>
        tpu.vector_store_idx %arg16[%add3A_319, %add3A_334], %select_n3A_330 : memref<32x512xf32, #tpu.memory_space<vmem>>[vector<16xi32>, vector<16xi32>], vector<16xf32>,
        %add3A_335 = arith.constant 8 : i32
        %add3A_336 = arith.addi %add3A_124, %add3A_335 : i32
        %lt3A_337 = arith.constant 512 : i32
        %lt3A_338 = arith.cmpi slt, %add3A_336, %lt3A_337 : i32
        %convert_element_type3A_339 = arith.extui %lt3A_338 : i1 to i32
        %cond3A_340 = arith.constant 0 : i32
        %cond3A_341 = arith.cmpi ne, %convert_element_type3A_339, %cond3A_340 : i32
        scf.if %cond3A_341 {
          %add3A_342 = arith.constant 8 : i32
          %add3A_343 = arith.addi %add3A_124, %add3A_342 : i32
          %get3A_344 = arith.index_cast %add3A_343 : i32 to index
          %get3A_345 = tpu.vector_load %arg6[%get3A_344] {strides = array<i32>} : memref<528xi32, #tpu.memory_space<vmem>>, vector<16xi32>,
          %slice3A_346 = vector.extract_strided_slice %get3A_345 {offsets = [0], sizes = [1], strides = [1]} : vector<16xi32> to vector<1xi32>
          %squeeze3A_347 = vector.extract %slice3A_346[0] : i32 from vector<1xi32>
          %shift_right_logical3A_348 = arith.constant 7 : i32
          %shift_right_logical3A_349 = arith.shrui %squeeze3A_347, %shift_right_logical3A_348 : i32
          %min3A_350 = arith.constant 7811 : i32
          %min3A_351 = arith.minsi %shift_right_logical3A_349, %min3A_350 : i32
          %mul3A_352 = arith.constant 128 : i32
          %mul3A_353 = arith.muli %min3A_351, %mul3A_352 : i32
          %multiple_of3A_354 = tpu.assume_multiple %mul3A_353, 128 : i32
          %dma_start3A_355 = arith.constant 0 : i32
          %dma_start3A_356 = tpu.memref_slice %arg3[%dma_start3A_355, %multiple_of3A_354] : memref<32x1000000xf32, #tpu.memory_space<hbm>> -> memref<32x128xf32, #tpu.memory_space<hbm>>
          %dma_start3A_357 = arith.constant 0 : i32
          %dma_start3A_358 = tpu.memref_slice %arg3[%dma_start3A_357, %multiple_of3A_354] : memref<32x1000000xf32, #tpu.memory_space<hbm>> -> memref<32x128xf32, #tpu.memory_space<hbm>>
          tpu.enqueue_dma source(%dma_start3A_358 : memref<32x128xf32, #tpu.memory_space<hbm>>) target(%arg11 : memref<32x128xf32, #tpu.memory_space<vmem>>) target_semaphore(%arg21 : memref<!tpu.dma_semaphore, #tpu.memory_space<semaphore_mem>>)
        } else {
        }
      } else {
      }
      %jit3A_227 = arith.constant 8 : i32
      %eq3A_228 = arith.constant 0 : i32
      %eq3A_229 = arith.cmpi eq, %jit3A_227, %eq3A_228 : i32
      %jit3A_230 = arith.constant 1 : i32
      %select_n3A_231 = arith.select %eq3A_229, %jit3A_230, %jit3A_227 : i32
      %rem3A_232 = arith.remsi %add3A_124, %select_n3A_231 : i32
      %ne3A_233 = arith.constant 0 : i32
      %ne3A_234 = arith.cmpi ne, %rem3A_232, %ne3A_233 : i32
      %lt3A_235 = arith.constant 0 : i32
      %lt3A_236 = arith.cmpi slt, %rem3A_232, %lt3A_235 : i32
      %lt3A_237 = arith.constant 0 : i32
      %lt3A_238 = arith.cmpi slt, %select_n3A_231, %lt3A_237 : i32
      %ne3A_239 = arith.xori %lt3A_236, %lt3A_238 : i1
      %and3A_240 = arith.andi %ne3A_239, %ne3A_234 : i1
      %add3A_241 = arith.addi %rem3A_232, %select_n3A_231 : i32
      %select_n3A_242 = arith.select %and3A_240, %add3A_241, %rem3A_232 : i32
      %eq3A_243 = arith.constant 5 : i32
      %eq3A_244 = arith.cmpi eq, %select_n3A_242, %eq3A_243 : i32
      %convert_element_type3A_245 = arith.extui %eq3A_244 : i1 to i32
      %cond3A_246 = arith.constant 0 : i32
      %cond3A_247 = arith.cmpi ne, %convert_element_type3A_245, %cond3A_246 : i32
      scf.if %cond3A_247 {
        %dma_wait3A = arith.constant 0 : i32
        %dma_wait3A_290 = arith.constant 0 : i32
        %dma_wait3A_291 = tpu.memref_slice %arg3[%dma_wait3A, %dma_wait3A_290] : memref<32x1000000xf32, #tpu.memory_space<hbm>> -> memref<32x128xf32, #tpu.memory_space<hbm>>
        %dma_wait3A_292 = arith.constant 0 : i32
        %dma_wait3A_293 = arith.constant 0 : i32
        %dma_wait3A_294 = tpu.memref_slice %arg3[%dma_wait3A_292, %dma_wait3A_293] : memref<32x1000000xf32, #tpu.memory_space<hbm>> -> memref<32x128xf32, #tpu.memory_space<hbm>>
        tpu.wait_dma2 semaphore(%arg22 : memref<!tpu.dma_semaphore, #tpu.memory_space<semaphore_mem>>) src(%dma_wait3A_294 : memref<32x128xf32, #tpu.memory_space<hbm>>) dst(%arg12 : memref<32x128xf32, #tpu.memory_space<vmem>>)
        %sub3A = arith.constant 999936 : i32
        %sub3A_295 = arith.subi %squeeze3A_128, %sub3A : i32
        %jit3A_296 = arith.constant 0 : i32
        %jit3A_297 = arith.constant 63 : i32
        %max3A = arith.maxsi %jit3A_296, %sub3A_295 : i32
        %min3A_298 = arith.minsi %jit3A_297, %max3A : i32
        %mul3A_299 = arith.constant 32 : i32
        %mul3A_300 = arith.muli %min3A_298, %mul3A_299 : i32
        %iota3A = tpu.iota {dimensions = array<i32: 0>} : vector<16xi32>
        %add3A_301 = arith.constant 0 : i32
        %add3A_302 = vector.broadcast %add3A_301 : i32 to vector<16xi32>
        %add3A_303 = arith.addi %iota3A, %add3A_302 : vector<16xi32>
        %broadcast_in_dim3A = arith.constant 0 : i32
        %broadcast_in_dim3A_304 = vector.broadcast %broadcast_in_dim3A : i32 to vector<16xi32>
        %add3A_305 = vector.broadcast %and3A_129 : i32 to vector<16xi32>
        %add3A_306 = arith.addi %broadcast_in_dim3A_304, %add3A_305 : vector<16xi32>
        %gather3A = tpu.vector_load_idx %arg12[%add3A_303, %add3A_306] : memref<32x128xf32, #tpu.memory_space<vmem>>[vector<16xi32>, vector<16xi32>], vector<16xf32>,
        %add3A_307 = vector.broadcast %mul3A_300 : i32 to vector<16xi32>
        %add3A_308 = arith.addi %add3A_303, %add3A_307 : vector<16xi32>
        %gather3A_309 = tpu.vector_load_idx %arg15[%add3A_308] : memref<2048xf32, #tpu.memory_space<vmem>>[vector<16xi32>], vector<16xf32>,
        %ge3A = arith.constant 999936 : i32
        %ge3A_310 = arith.cmpi sge, %squeeze3A_128, %ge3A : i32
        %select_n3A_311 = arith.select %ge3A_310, %gather3A_309, %gather3A : vector<16xf32>
        %broadcast_in_dim3A_312 = arith.constant 0 : i32
        %broadcast_in_dim3A_313 = vector.broadcast %broadcast_in_dim3A_312 : i32 to vector<16xi32>
        %add3A_314 = vector.broadcast %add3A_124 : i32 to vector<16xi32>
        %add3A_315 = arith.addi %broadcast_in_dim3A_313, %add3A_314 : vector<16xi32>
        tpu.vector_store_idx %arg16[%add3A_303, %add3A_315], %select_n3A_311 : memref<32x512xf32, #tpu.memory_space<vmem>>[vector<16xi32>, vector<16xi32>], vector<16xf32>,
        %iota3A_316 = tpu.iota {dimensions = array<i32: 0>} : vector<16xi32>
        %add3A_317 = arith.constant 16 : i32
        %add3A_318 = vector.broadcast %add3A_317 : i32 to vector<16xi32>
        %add3A_319 = arith.addi %iota3A_316, %add3A_318 : vector<16xi32>
        %broadcast_in_dim3A_320 = arith.constant 0 : i32
        %broadcast_in_dim3A_321 = vector.broadcast %broadcast_in_dim3A_320 : i32 to vector<16xi32>
        %add3A_322 = vector.broadcast %and3A_129 : i32 to vector<16xi32>
        %add3A_323 = arith.addi %broadcast_in_dim3A_321, %add3A_322 : vector<16xi32>
        %gather3A_324 = tpu.vector_load_idx %arg12[%add3A_319, %add3A_323] : memref<32x128xf32, #tpu.memory_space<vmem>>[vector<16xi32>, vector<16xi32>], vector<16xf32>,
        %add3A_325 = vector.broadcast %mul3A_300 : i32 to vector<16xi32>
        %add3A_326 = arith.addi %add3A_319, %add3A_325 : vector<16xi32>
        %gather3A_327 = tpu.vector_load_idx %arg15[%add3A_326] : memref<2048xf32, #tpu.memory_space<vmem>>[vector<16xi32>], vector<16xf32>,
        %ge3A_328 = arith.constant 999936 : i32
        %ge3A_329 = arith.cmpi sge, %squeeze3A_128, %ge3A_328 : i32
        %select_n3A_330 = arith.select %ge3A_329, %gather3A_327, %gather3A_324 : vector<16xf32>
        %broadcast_in_dim3A_331 = arith.constant 0 : i32
        %broadcast_in_dim3A_332 = vector.broadcast %broadcast_in_dim3A_331 : i32 to vector<16xi32>
        %add3A_333 = vector.broadcast %add3A_124 : i32 to vector<16xi32>
        %add3A_334 = arith.addi %broadcast_in_dim3A_332, %add3A_333 : vector<16xi32>
        tpu.vector_store_idx %arg16[%add3A_319, %add3A_334], %select_n3A_330 : memref<32x512xf32, #tpu.memory_space<vmem>>[vector<16xi32>, vector<16xi32>], vector<16xf32>,
        %add3A_335 = arith.constant 8 : i32
        %add3A_336 = arith.addi %add3A_124, %add3A_335 : i32
        %lt3A_337 = arith.constant 512 : i32
        %lt3A_338 = arith.cmpi slt, %add3A_336, %lt3A_337 : i32
        %convert_element_type3A_339 = arith.extui %lt3A_338 : i1 to i32
        %cond3A_340 = arith.constant 0 : i32
        %cond3A_341 = arith.cmpi ne, %convert_element_type3A_339, %cond3A_340 : i32
        scf.if %cond3A_341 {
          %add3A_342 = arith.constant 8 : i32
          %add3A_343 = arith.addi %add3A_124, %add3A_342 : i32
          %get3A_344 = arith.index_cast %add3A_343 : i32 to index
          %get3A_345 = tpu.vector_load %arg6[%get3A_344] {strides = array<i32>} : memref<528xi32, #tpu.memory_space<vmem>>, vector<16xi32>,
          %slice3A_346 = vector.extract_strided_slice %get3A_345 {offsets = [0], sizes = [1], strides = [1]} : vector<16xi32> to vector<1xi32>
          %squeeze3A_347 = vector.extract %slice3A_346[0] : i32 from vector<1xi32>
          %shift_right_logical3A_348 = arith.constant 7 : i32
          %shift_right_logical3A_349 = arith.shrui %squeeze3A_347, %shift_right_logical3A_348 : i32
          %min3A_350 = arith.constant 7811 : i32
          %min3A_351 = arith.minsi %shift_right_logical3A_349, %min3A_350 : i32
          %mul3A_352 = arith.constant 128 : i32
          %mul3A_353 = arith.muli %min3A_351, %mul3A_352 : i32
          %multiple_of3A_354 = tpu.assume_multiple %mul3A_353, 128 : i32
          %dma_start3A_355 = arith.constant 0 : i32
          %dma_start3A_356 = tpu.memref_slice %arg3[%dma_start3A_355, %multiple_of3A_354] : memref<32x1000000xf32, #tpu.memory_space<hbm>> -> memref<32x128xf32, #tpu.memory_space<hbm>>
          %dma_start3A_357 = arith.constant 0 : i32
          %dma_start3A_358 = tpu.memref_slice %arg3[%dma_start3A_357, %multiple_of3A_354] : memref<32x1000000xf32, #tpu.memory_space<hbm>> -> memref<32x128xf32, #tpu.memory_space<hbm>>
          tpu.enqueue_dma source(%dma_start3A_358 : memref<32x128xf32, #tpu.memory_space<hbm>>) target(%arg12 : memref<32x128xf32, #tpu.memory_space<vmem>>) target_semaphore(%arg22 : memref<!tpu.dma_semaphore, #tpu.memory_space<semaphore_mem>>)
        } else {
        }
      } else {
      }
      %jit3A_248 = arith.constant 8 : i32
      %eq3A_249 = arith.constant 0 : i32
      %eq3A_250 = arith.cmpi eq, %jit3A_248, %eq3A_249 : i32
      %jit3A_251 = arith.constant 1 : i32
      %select_n3A_252 = arith.select %eq3A_250, %jit3A_251, %jit3A_248 : i32
      %rem3A_253 = arith.remsi %add3A_124, %select_n3A_252 : i32
      %ne3A_254 = arith.constant 0 : i32
      %ne3A_255 = arith.cmpi ne, %rem3A_253, %ne3A_254 : i32
      %lt3A_256 = arith.constant 0 : i32
      %lt3A_257 = arith.cmpi slt, %rem3A_253, %lt3A_256 : i32
      %lt3A_258 = arith.constant 0 : i32
      %lt3A_259 = arith.cmpi slt, %select_n3A_252, %lt3A_258 : i32
      %ne3A_260 = arith.xori %lt3A_257, %lt3A_259 : i1
      %and3A_261 = arith.andi %ne3A_260, %ne3A_255 : i1
      %add3A_262 = arith.addi %rem3A_253, %select_n3A_252 : i32
      %select_n3A_263 = arith.select %and3A_261, %add3A_262, %rem3A_253 : i32
      %eq3A_264 = arith.constant 6 : i32
      %eq3A_265 = arith.cmpi eq, %select_n3A_263, %eq3A_264 : i32
      %convert_element_type3A_266 = arith.extui %eq3A_265 : i1 to i32
      %cond3A_267 = arith.constant 0 : i32
      %cond3A_268 = arith.cmpi ne, %convert_element_type3A_266, %cond3A_267 : i32
      scf.if %cond3A_268 {
        %dma_wait3A = arith.constant 0 : i32
        %dma_wait3A_290 = arith.constant 0 : i32
        %dma_wait3A_291 = tpu.memref_slice %arg3[%dma_wait3A, %dma_wait3A_290] : memref<32x1000000xf32, #tpu.memory_space<hbm>> -> memref<32x128xf32, #tpu.memory_space<hbm>>
        %dma_wait3A_292 = arith.constant 0 : i32
        %dma_wait3A_293 = arith.constant 0 : i32
        %dma_wait3A_294 = tpu.memref_slice %arg3[%dma_wait3A_292, %dma_wait3A_293] : memref<32x1000000xf32, #tpu.memory_space<hbm>> -> memref<32x128xf32, #tpu.memory_space<hbm>>
        tpu.wait_dma2 semaphore(%arg23 : memref<!tpu.dma_semaphore, #tpu.memory_space<semaphore_mem>>) src(%dma_wait3A_294 : memref<32x128xf32, #tpu.memory_space<hbm>>) dst(%arg13 : memref<32x128xf32, #tpu.memory_space<vmem>>)
        %sub3A = arith.constant 999936 : i32
        %sub3A_295 = arith.subi %squeeze3A_128, %sub3A : i32
        %jit3A_296 = arith.constant 0 : i32
        %jit3A_297 = arith.constant 63 : i32
        %max3A = arith.maxsi %jit3A_296, %sub3A_295 : i32
        %min3A_298 = arith.minsi %jit3A_297, %max3A : i32
        %mul3A_299 = arith.constant 32 : i32
        %mul3A_300 = arith.muli %min3A_298, %mul3A_299 : i32
        %iota3A = tpu.iota {dimensions = array<i32: 0>} : vector<16xi32>
        %add3A_301 = arith.constant 0 : i32
        %add3A_302 = vector.broadcast %add3A_301 : i32 to vector<16xi32>
        %add3A_303 = arith.addi %iota3A, %add3A_302 : vector<16xi32>
        %broadcast_in_dim3A = arith.constant 0 : i32
        %broadcast_in_dim3A_304 = vector.broadcast %broadcast_in_dim3A : i32 to vector<16xi32>
        %add3A_305 = vector.broadcast %and3A_129 : i32 to vector<16xi32>
        %add3A_306 = arith.addi %broadcast_in_dim3A_304, %add3A_305 : vector<16xi32>
        %gather3A = tpu.vector_load_idx %arg13[%add3A_303, %add3A_306] : memref<32x128xf32, #tpu.memory_space<vmem>>[vector<16xi32>, vector<16xi32>], vector<16xf32>,
        %add3A_307 = vector.broadcast %mul3A_300 : i32 to vector<16xi32>
        %add3A_308 = arith.addi %add3A_303, %add3A_307 : vector<16xi32>
        %gather3A_309 = tpu.vector_load_idx %arg15[%add3A_308] : memref<2048xf32, #tpu.memory_space<vmem>>[vector<16xi32>], vector<16xf32>,
        %ge3A = arith.constant 999936 : i32
        %ge3A_310 = arith.cmpi sge, %squeeze3A_128, %ge3A : i32
        %select_n3A_311 = arith.select %ge3A_310, %gather3A_309, %gather3A : vector<16xf32>
        %broadcast_in_dim3A_312 = arith.constant 0 : i32
        %broadcast_in_dim3A_313 = vector.broadcast %broadcast_in_dim3A_312 : i32 to vector<16xi32>
        %add3A_314 = vector.broadcast %add3A_124 : i32 to vector<16xi32>
        %add3A_315 = arith.addi %broadcast_in_dim3A_313, %add3A_314 : vector<16xi32>
        tpu.vector_store_idx %arg16[%add3A_303, %add3A_315], %select_n3A_311 : memref<32x512xf32, #tpu.memory_space<vmem>>[vector<16xi32>, vector<16xi32>], vector<16xf32>,
        %iota3A_316 = tpu.iota {dimensions = array<i32: 0>} : vector<16xi32>
        %add3A_317 = arith.constant 16 : i32
        %add3A_318 = vector.broadcast %add3A_317 : i32 to vector<16xi32>
        %add3A_319 = arith.addi %iota3A_316, %add3A_318 : vector<16xi32>
        %broadcast_in_dim3A_320 = arith.constant 0 : i32
        %broadcast_in_dim3A_321 = vector.broadcast %broadcast_in_dim3A_320 : i32 to vector<16xi32>
        %add3A_322 = vector.broadcast %and3A_129 : i32 to vector<16xi32>
        %add3A_323 = arith.addi %broadcast_in_dim3A_321, %add3A_322 : vector<16xi32>
        %gather3A_324 = tpu.vector_load_idx %arg13[%add3A_319, %add3A_323] : memref<32x128xf32, #tpu.memory_space<vmem>>[vector<16xi32>, vector<16xi32>], vector<16xf32>,
        %add3A_325 = vector.broadcast %mul3A_300 : i32 to vector<16xi32>
        %add3A_326 = arith.addi %add3A_319, %add3A_325 : vector<16xi32>
        %gather3A_327 = tpu.vector_load_idx %arg15[%add3A_326] : memref<2048xf32, #tpu.memory_space<vmem>>[vector<16xi32>], vector<16xf32>,
        %ge3A_328 = arith.constant 999936 : i32
        %ge3A_329 = arith.cmpi sge, %squeeze3A_128, %ge3A_328 : i32
        %select_n3A_330 = arith.select %ge3A_329, %gather3A_327, %gather3A_324 : vector<16xf32>
        %broadcast_in_dim3A_331 = arith.constant 0 : i32
        %broadcast_in_dim3A_332 = vector.broadcast %broadcast_in_dim3A_331 : i32 to vector<16xi32>
        %add3A_333 = vector.broadcast %add3A_124 : i32 to vector<16xi32>
        %add3A_334 = arith.addi %broadcast_in_dim3A_332, %add3A_333 : vector<16xi32>
        tpu.vector_store_idx %arg16[%add3A_319, %add3A_334], %select_n3A_330 : memref<32x512xf32, #tpu.memory_space<vmem>>[vector<16xi32>, vector<16xi32>], vector<16xf32>,
        %add3A_335 = arith.constant 8 : i32
        %add3A_336 = arith.addi %add3A_124, %add3A_335 : i32
        %lt3A_337 = arith.constant 512 : i32
        %lt3A_338 = arith.cmpi slt, %add3A_336, %lt3A_337 : i32
        %convert_element_type3A_339 = arith.extui %lt3A_338 : i1 to i32
        %cond3A_340 = arith.constant 0 : i32
        %cond3A_341 = arith.cmpi ne, %convert_element_type3A_339, %cond3A_340 : i32
        scf.if %cond3A_341 {
          %add3A_342 = arith.constant 8 : i32
          %add3A_343 = arith.addi %add3A_124, %add3A_342 : i32
          %get3A_344 = arith.index_cast %add3A_343 : i32 to index
          %get3A_345 = tpu.vector_load %arg6[%get3A_344] {strides = array<i32>} : memref<528xi32, #tpu.memory_space<vmem>>, vector<16xi32>,
          %slice3A_346 = vector.extract_strided_slice %get3A_345 {offsets = [0], sizes = [1], strides = [1]} : vector<16xi32> to vector<1xi32>
          %squeeze3A_347 = vector.extract %slice3A_346[0] : i32 from vector<1xi32>
          %shift_right_logical3A_348 = arith.constant 7 : i32
          %shift_right_logical3A_349 = arith.shrui %squeeze3A_347, %shift_right_logical3A_348 : i32
          %min3A_350 = arith.constant 7811 : i32
          %min3A_351 = arith.minsi %shift_right_logical3A_349, %min3A_350 : i32
          %mul3A_352 = arith.constant 128 : i32
          %mul3A_353 = arith.muli %min3A_351, %mul3A_352 : i32
          %multiple_of3A_354 = tpu.assume_multiple %mul3A_353, 128 : i32
          %dma_start3A_355 = arith.constant 0 : i32
          %dma_start3A_356 = tpu.memref_slice %arg3[%dma_start3A_355, %multiple_of3A_354] : memref<32x1000000xf32, #tpu.memory_space<hbm>> -> memref<32x128xf32, #tpu.memory_space<hbm>>
          %dma_start3A_357 = arith.constant 0 : i32
          %dma_start3A_358 = tpu.memref_slice %arg3[%dma_start3A_357, %multiple_of3A_354] : memref<32x1000000xf32, #tpu.memory_space<hbm>> -> memref<32x128xf32, #tpu.memory_space<hbm>>
          tpu.enqueue_dma source(%dma_start3A_358 : memref<32x128xf32, #tpu.memory_space<hbm>>) target(%arg13 : memref<32x128xf32, #tpu.memory_space<vmem>>) target_semaphore(%arg23 : memref<!tpu.dma_semaphore, #tpu.memory_space<semaphore_mem>>)
        } else {
        }
      } else {
      }
      %jit3A_269 = arith.constant 8 : i32
      %eq3A_270 = arith.constant 0 : i32
      %eq3A_271 = arith.cmpi eq, %jit3A_269, %eq3A_270 : i32
      %jit3A_272 = arith.constant 1 : i32
      %select_n3A_273 = arith.select %eq3A_271, %jit3A_272, %jit3A_269 : i32
      %rem3A_274 = arith.remsi %add3A_124, %select_n3A_273 : i32
      %ne3A_275 = arith.constant 0 : i32
      %ne3A_276 = arith.cmpi ne, %rem3A_274, %ne3A_275 : i32
      %lt3A_277 = arith.constant 0 : i32
      %lt3A_278 = arith.cmpi slt, %rem3A_274, %lt3A_277 : i32
      %lt3A_279 = arith.constant 0 : i32
      %lt3A_280 = arith.cmpi slt, %select_n3A_273, %lt3A_279 : i32
      %ne3A_281 = arith.xori %lt3A_278, %lt3A_280 : i1
      %and3A_282 = arith.andi %ne3A_281, %ne3A_276 : i1
      %add3A_283 = arith.addi %rem3A_274, %select_n3A_273 : i32
      %select_n3A_284 = arith.select %and3A_282, %add3A_283, %rem3A_274 : i32
      %eq3A_285 = arith.constant 7 : i32
      %eq3A_286 = arith.cmpi eq, %select_n3A_284, %eq3A_285 : i32
      %convert_element_type3A_287 = arith.extui %eq3A_286 : i1 to i32
      %cond3A_288 = arith.constant 0 : i32
      %cond3A_289 = arith.cmpi ne, %convert_element_type3A_287, %cond3A_288 : i32
      scf.if %cond3A_289 {
        %dma_wait3A = arith.constant 0 : i32
        %dma_wait3A_290 = arith.constant 0 : i32
        %dma_wait3A_291 = tpu.memref_slice %arg3[%dma_wait3A, %dma_wait3A_290] : memref<32x1000000xf32, #tpu.memory_space<hbm>> -> memref<32x128xf32, #tpu.memory_space<hbm>>
        %dma_wait3A_292 = arith.constant 0 : i32
        %dma_wait3A_293 = arith.constant 0 : i32
        %dma_wait3A_294 = tpu.memref_slice %arg3[%dma_wait3A_292, %dma_wait3A_293] : memref<32x1000000xf32, #tpu.memory_space<hbm>> -> memref<32x128xf32, #tpu.memory_space<hbm>>
        tpu.wait_dma2 semaphore(%arg24 : memref<!tpu.dma_semaphore, #tpu.memory_space<semaphore_mem>>) src(%dma_wait3A_294 : memref<32x128xf32, #tpu.memory_space<hbm>>) dst(%arg14 : memref<32x128xf32, #tpu.memory_space<vmem>>)
        %sub3A = arith.constant 999936 : i32
        %sub3A_295 = arith.subi %squeeze3A_128, %sub3A : i32
        %jit3A_296 = arith.constant 0 : i32
        %jit3A_297 = arith.constant 63 : i32
        %max3A = arith.maxsi %jit3A_296, %sub3A_295 : i32
        %min3A_298 = arith.minsi %jit3A_297, %max3A : i32
        %mul3A_299 = arith.constant 32 : i32
        %mul3A_300 = arith.muli %min3A_298, %mul3A_299 : i32
        %iota3A = tpu.iota {dimensions = array<i32: 0>} : vector<16xi32>
        %add3A_301 = arith.constant 0 : i32
        %add3A_302 = vector.broadcast %add3A_301 : i32 to vector<16xi32>
        %add3A_303 = arith.addi %iota3A, %add3A_302 : vector<16xi32>
        %broadcast_in_dim3A = arith.constant 0 : i32
        %broadcast_in_dim3A_304 = vector.broadcast %broadcast_in_dim3A : i32 to vector<16xi32>
        %add3A_305 = vector.broadcast %and3A_129 : i32 to vector<16xi32>
        %add3A_306 = arith.addi %broadcast_in_dim3A_304, %add3A_305 : vector<16xi32>
        %gather3A = tpu.vector_load_idx %arg14[%add3A_303, %add3A_306] : memref<32x128xf32, #tpu.memory_space<vmem>>[vector<16xi32>, vector<16xi32>], vector<16xf32>,
        %add3A_307 = vector.broadcast %mul3A_300 : i32 to vector<16xi32>
        %add3A_308 = arith.addi %add3A_303, %add3A_307 : vector<16xi32>
        %gather3A_309 = tpu.vector_load_idx %arg15[%add3A_308] : memref<2048xf32, #tpu.memory_space<vmem>>[vector<16xi32>], vector<16xf32>,
        %ge3A = arith.constant 999936 : i32
        %ge3A_310 = arith.cmpi sge, %squeeze3A_128, %ge3A : i32
        %select_n3A_311 = arith.select %ge3A_310, %gather3A_309, %gather3A : vector<16xf32>
        %broadcast_in_dim3A_312 = arith.constant 0 : i32
        %broadcast_in_dim3A_313 = vector.broadcast %broadcast_in_dim3A_312 : i32 to vector<16xi32>
        %add3A_314 = vector.broadcast %add3A_124 : i32 to vector<16xi32>
        %add3A_315 = arith.addi %broadcast_in_dim3A_313, %add3A_314 : vector<16xi32>
        tpu.vector_store_idx %arg16[%add3A_303, %add3A_315], %select_n3A_311 : memref<32x512xf32, #tpu.memory_space<vmem>>[vector<16xi32>, vector<16xi32>], vector<16xf32>,
        %iota3A_316 = tpu.iota {dimensions = array<i32: 0>} : vector<16xi32>
        %add3A_317 = arith.constant 16 : i32
        %add3A_318 = vector.broadcast %add3A_317 : i32 to vector<16xi32>
        %add3A_319 = arith.addi %iota3A_316, %add3A_318 : vector<16xi32>
        %broadcast_in_dim3A_320 = arith.constant 0 : i32
        %broadcast_in_dim3A_321 = vector.broadcast %broadcast_in_dim3A_320 : i32 to vector<16xi32>
        %add3A_322 = vector.broadcast %and3A_129 : i32 to vector<16xi32>
        %add3A_323 = arith.addi %broadcast_in_dim3A_321, %add3A_322 : vector<16xi32>
        %gather3A_324 = tpu.vector_load_idx %arg14[%add3A_319, %add3A_323] : memref<32x128xf32, #tpu.memory_space<vmem>>[vector<16xi32>, vector<16xi32>], vector<16xf32>,
        %add3A_325 = vector.broadcast %mul3A_300 : i32 to vector<16xi32>
        %add3A_326 = arith.addi %add3A_319, %add3A_325 : vector<16xi32>
        %gather3A_327 = tpu.vector_load_idx %arg15[%add3A_326] : memref<2048xf32, #tpu.memory_space<vmem>>[vector<16xi32>], vector<16xf32>,
        %ge3A_328 = arith.constant 999936 : i32
        %ge3A_329 = arith.cmpi sge, %squeeze3A_128, %ge3A_328 : i32
        %select_n3A_330 = arith.select %ge3A_329, %gather3A_327, %gather3A_324 : vector<16xf32>
        %broadcast_in_dim3A_331 = arith.constant 0 : i32
        %broadcast_in_dim3A_332 = vector.broadcast %broadcast_in_dim3A_331 : i32 to vector<16xi32>
        %add3A_333 = vector.broadcast %add3A_124 : i32 to vector<16xi32>
        %add3A_334 = arith.addi %broadcast_in_dim3A_332, %add3A_333 : vector<16xi32>
        tpu.vector_store_idx %arg16[%add3A_319, %add3A_334], %select_n3A_330 : memref<32x512xf32, #tpu.memory_space<vmem>>[vector<16xi32>, vector<16xi32>], vector<16xf32>,
        %add3A_335 = arith.constant 8 : i32
        %add3A_336 = arith.addi %add3A_124, %add3A_335 : i32
        %lt3A_337 = arith.constant 512 : i32
        %lt3A_338 = arith.cmpi slt, %add3A_336, %lt3A_337 : i32
        %convert_element_type3A_339 = arith.extui %lt3A_338 : i1 to i32
        %cond3A_340 = arith.constant 0 : i32
        %cond3A_341 = arith.cmpi ne, %convert_element_type3A_339, %cond3A_340 : i32
        scf.if %cond3A_341 {
          %add3A_342 = arith.constant 8 : i32
          %add3A_343 = arith.addi %add3A_124, %add3A_342 : i32
          %get3A_344 = arith.index_cast %add3A_343 : i32 to index
          %get3A_345 = tpu.vector_load %arg6[%get3A_344] {strides = array<i32>} : memref<528xi32, #tpu.memory_space<vmem>>, vector<16xi32>,
          %slice3A_346 = vector.extract_strided_slice %get3A_345 {offsets = [0], sizes = [1], strides = [1]} : vector<16xi32> to vector<1xi32>
          %squeeze3A_347 = vector.extract %slice3A_346[0] : i32 from vector<1xi32>
          %shift_right_logical3A_348 = arith.constant 7 : i32
          %shift_right_logical3A_349 = arith.shrui %squeeze3A_347, %shift_right_logical3A_348 : i32
          %min3A_350 = arith.constant 7811 : i32
          %min3A_351 = arith.minsi %shift_right_logical3A_349, %min3A_350 : i32
          %mul3A_352 = arith.constant 128 : i32
          %mul3A_353 = arith.muli %min3A_351, %mul3A_352 : i32
          %multiple_of3A_354 = tpu.assume_multiple %mul3A_353, 128 : i32
          %dma_start3A_355 = arith.constant 0 : i32
          %dma_start3A_356 = tpu.memref_slice %arg3[%dma_start3A_355, %multiple_of3A_354] : memref<32x1000000xf32, #tpu.memory_space<hbm>> -> memref<32x128xf32, #tpu.memory_space<hbm>>
          %dma_start3A_357 = arith.constant 0 : i32
          %dma_start3A_358 = tpu.memref_slice %arg3[%dma_start3A_357, %multiple_of3A_354] : memref<32x1000000xf32, #tpu.memory_space<hbm>> -> memref<32x128xf32, #tpu.memory_space<hbm>>
          tpu.enqueue_dma source(%dma_start3A_358 : memref<32x128xf32, #tpu.memory_space<hbm>>) target(%arg14 : memref<32x128xf32, #tpu.memory_space<vmem>>) target_semaphore(%arg24 : memref<!tpu.dma_semaphore, #tpu.memory_space<semaphore_mem>>)
        } else {
        }
      } else {
      }
    }
    %scan3A_119 = arith.constant 512 : i32
    "tpu.region"() ({
      %run_scoped3A = tpu.sem_alloc : memref<!tpu.dma_semaphore, #tpu.memory_space<semaphore_mem>>
      %dma_start3A_120 = arith.constant 0 : i32
      %dma_start3A_121 = tpu.memref_slice %arg5[%dma_start3A_120, %mul3A_2] : memref<32x16384xf32, #tpu.memory_space<hbm>> -> memref<32x512xf32, #tpu.memory_space<hbm>>
      %dma_start3A_122 = arith.constant 0 : i32
      %dma_start3A_123 = tpu.memref_slice %arg5[%dma_start3A_122, %mul3A_2] : memref<32x16384xf32, #tpu.memory_space<hbm>> -> memref<32x512xf32, #tpu.memory_space<hbm>>
      tpu.enqueue_dma source(%arg16 : memref<32x512xf32, #tpu.memory_space<vmem>>) target(%dma_start3A_123 : memref<32x512xf32, #tpu.memory_space<hbm>>) target_semaphore(%run_scoped3A : memref<!tpu.dma_semaphore, #tpu.memory_space<semaphore_mem>>)
      %dma_wait3A = arith.constant 0 : i32
      %dma_wait3A_124 = tpu.memref_slice %arg5[%dma_wait3A, %mul3A_2] : memref<32x16384xf32, #tpu.memory_space<hbm>> -> memref<32x512xf32, #tpu.memory_space<hbm>>
      %dma_wait3A_125 = arith.constant 0 : i32
      %dma_wait3A_126 = tpu.memref_slice %arg5[%dma_wait3A_125, %mul3A_2] : memref<32x16384xf32, #tpu.memory_space<hbm>> -> memref<32x512xf32, #tpu.memory_space<hbm>>
      tpu.wait_dma2 semaphore(%run_scoped3A : memref<!tpu.dma_semaphore, #tpu.memory_space<semaphore_mem>>) src(%arg16 : memref<32x512xf32, #tpu.memory_space<vmem>>) dst(%dma_wait3A_126 : memref<32x512xf32, #tpu.memory_space<hbm>>)
      tpu.yield
    }) : () -> ()
    return
  }
}

module attributes {stable_mosaic.version = 14 : i64} {
  func.func @_proj_body(%arg0: i32, %arg1: memref<32x2048xf32, #tpu.memory_space<vmem>>, %arg2: memref<32x2048xf32, #tpu.memory_space<vmem>>, %arg3: memref<32x2048xf32, #tpu.memory_space<vmem>>, %arg4: memref<32x2048xf32, #tpu.memory_space<vmem>>, %arg5: memref<64x128xf32, #tpu.memory_space<vmem>>, %arg6: memref<1x64xf32, #tpu.memory_space<vmem>>, %arg7: memref<2048x64xf32, #tpu.memory_space<vmem>>) attributes {dimension_semantics = [#tpu.dimension_semantics<arbitrary>], iteration_bounds = array<i64: 8>, scalar_prefetch = 0 : i64, scratch_operands = 0 : i64, tpu.core_type = #tpu.core_type<tc>, window_params = [{transform_indices = @transform_0, window_bounds = array<i64: 32, 2048>}, {transform_indices = @transform_1, window_bounds = array<i64: 32, 2048>}, {transform_indices = @transform_2, window_bounds = array<i64: 32, 2048>}, {transform_indices = @transform_3, window_bounds = array<i64: 32, 2048>}, {pipeline_mode = #tpu.pipeline_mode<synchronous>, transform_indices = @transform_4, window_bounds = array<i64: 64, 128>}, {pipeline_mode = #tpu.pipeline_mode<synchronous>, transform_indices = @transform_5, window_bounds = array<i64: 1, 64>}, {transform_indices = @transform_6, window_bounds = array<i64: 2048, 64>}]} {
    %get3A = arith.constant 0 : index
    %get3A_0 = arith.constant 0 : index
    %get3A_1 = vector.load %arg6[%get3A, %get3A_0] : memref<1x64xf32, #tpu.memory_space<vmem>>, vector<1x64xf32>
    %get3A_2 = arith.constant 0 : index
    %get3A_3 = arith.constant 0 : index
    %get3A_4 = vector.load %arg1[%get3A_2, %get3A_3] : memref<32x2048xf32, #tpu.memory_space<vmem>>, vector<32x2048xf32>
    %get3A_5 = arith.constant 0 : index
    %get3A_6 = arith.constant 0 : index
    %get3A_7 = vector.load %arg5[%get3A_5, %get3A_6] : memref<64x128xf32, #tpu.memory_space<vmem>>, vector<64x32xf32>
    %dot_general3A = arith.constant dense<0.000000e+00> : vector<2048x64xf32>
    %dot_general3A_8 = tpu.matmul %get3A_4, %get3A_7, %dot_general3A {dimension_numbers = #tpu.dot_dimension_numbers<[0], [1], [1], [0], [0, 1, 1, 0], [], []>, transpose_lhs_hint = false} : vector<32x2048xf32>, vector<64x32xf32>, vector<2048x64xf32> -> vector<2048x64xf32>
    %add3A = vector.broadcast %get3A_1 : vector<1x64xf32> to vector<2048x64xf32>
    %add3A_9 = arith.addf %add3A, %dot_general3A_8 : vector<2048x64xf32>
    %get3A_10 = arith.constant 0 : index
    %get3A_11 = arith.constant 0 : index
    %get3A_12 = vector.load %arg2[%get3A_10, %get3A_11] : memref<32x2048xf32, #tpu.memory_space<vmem>>, vector<32x2048xf32>
    %get3A_13 = arith.constant 0 : index
    %get3A_14 = arith.constant 32 : index
    %get3A_15 = vector.load %arg5[%get3A_13, %get3A_14] : memref<64x128xf32, #tpu.memory_space<vmem>>, vector<64x32xf32>
    %dot_general3A_16 = arith.constant dense<0.000000e+00> : vector<2048x64xf32>
    %dot_general3A_17 = tpu.matmul %get3A_12, %get3A_15, %dot_general3A_16 {dimension_numbers = #tpu.dot_dimension_numbers<[0], [1], [1], [0], [0, 1, 1, 0], [], []>, transpose_lhs_hint = false} : vector<32x2048xf32>, vector<64x32xf32>, vector<2048x64xf32> -> vector<2048x64xf32>
    %add3A_18 = arith.addf %add3A_9, %dot_general3A_17 : vector<2048x64xf32>
    %get3A_19 = arith.constant 0 : index
    %get3A_20 = arith.constant 0 : index
    %get3A_21 = vector.load %arg3[%get3A_19, %get3A_20] : memref<32x2048xf32, #tpu.memory_space<vmem>>, vector<32x2048xf32>
    %get3A_22 = arith.constant 0 : index
    %get3A_23 = arith.constant 64 : index
    %get3A_24 = vector.load %arg5[%get3A_22, %get3A_23] : memref<64x128xf32, #tpu.memory_space<vmem>>, vector<64x32xf32>
    %dot_general3A_25 = arith.constant dense<0.000000e+00> : vector<2048x64xf32>
    %dot_general3A_26 = tpu.matmul %get3A_21, %get3A_24, %dot_general3A_25 {dimension_numbers = #tpu.dot_dimension_numbers<[0], [1], [1], [0], [0, 1, 1, 0], [], []>, transpose_lhs_hint = false} : vector<32x2048xf32>, vector<64x32xf32>, vector<2048x64xf32> -> vector<2048x64xf32>
    %add3A_27 = arith.addf %add3A_18, %dot_general3A_26 : vector<2048x64xf32>
    %get3A_28 = arith.constant 0 : index
    %get3A_29 = arith.constant 0 : index
    %get3A_30 = vector.load %arg4[%get3A_28, %get3A_29] : memref<32x2048xf32, #tpu.memory_space<vmem>>, vector<32x2048xf32>
    %get3A_31 = arith.constant 0 : index
    %get3A_32 = arith.constant 96 : index
    %get3A_33 = vector.load %arg5[%get3A_31, %get3A_32] : memref<64x128xf32, #tpu.memory_space<vmem>>, vector<64x32xf32>
    %dot_general3A_34 = arith.constant dense<0.000000e+00> : vector<2048x64xf32>
    %dot_general3A_35 = tpu.matmul %get3A_30, %get3A_33, %dot_general3A_34 {dimension_numbers = #tpu.dot_dimension_numbers<[0], [1], [1], [0], [0, 1, 1, 0], [], []>, transpose_lhs_hint = false} : vector<32x2048xf32>, vector<64x32xf32>, vector<2048x64xf32> -> vector<2048x64xf32>
    %add3A_36 = arith.addf %add3A_27, %dot_general3A_35 : vector<2048x64xf32>
    %swap3A = arith.constant 0 : index
    %swap3A_37 = arith.constant 0 : index
    %swap3A_38 = vector.load %arg7[%swap3A, %swap3A_37] : memref<2048x64xf32, #tpu.memory_space<vmem>>, vector<2048x64xf32>
    tpu.vector_store %arg7[%swap3A, %swap3A_37], %add3A_36 {strides = array<i32>} : memref<2048x64xf32, #tpu.memory_space<vmem>>, vector<2048x64xf32>,
    return
  }
  func.func @transform_0(%arg0: i32) -> (i32, i32) {
    %c0_i32 = arith.constant 0 : i32
    %c0_i32_0 = arith.constant 0 : i32
    return %c0_i32, %arg0 : i32, i32
  }
  func.func @transform_1(%arg0: i32) -> (i32, i32) {
    %c0_i32 = arith.constant 0 : i32
    %c0_i32_0 = arith.constant 0 : i32
    return %c0_i32, %arg0 : i32, i32
  }
  func.func @transform_2(%arg0: i32) -> (i32, i32) {
    %c0_i32 = arith.constant 0 : i32
    %c0_i32_0 = arith.constant 0 : i32
    return %c0_i32, %arg0 : i32, i32
  }
  func.func @transform_3(%arg0: i32) -> (i32, i32) {
    %c0_i32 = arith.constant 0 : i32
    %c0_i32_0 = arith.constant 0 : i32
    return %c0_i32, %arg0 : i32, i32
  }
  func.func @transform_4(%arg0: i32) -> (i32, i32) {
    %c0_i32 = arith.constant 0 : i32
    %c0_i32_0 = arith.constant 0 : i32
    %c0_i32_1 = arith.constant 0 : i32
    return %c0_i32, %c0_i32_0 : i32, i32
  }
  func.func @transform_5(%arg0: i32) -> (i32, i32) {
    %c0_i32 = arith.constant 0 : i32
    %c0_i32_0 = arith.constant 0 : i32
    %c0_i32_1 = arith.constant 0 : i32
    return %c0_i32, %c0_i32_0 : i32, i32
  }
  func.func @transform_6(%arg0: i32) -> (i32, i32) {
    %c0_i32 = arith.constant 0 : i32
    %c0_i32_0 = arith.constant 0 : i32
    return %arg0, %c0_i32 : i32, i32
  }
}

</mosaic_0001>

<sc_bundles>
// kernel: kernel.10.cloned.1.call-start
scs
__scs_entry_jumppad:
0x0: {  	(pc) =	sbr.rel $0x88, $3  }
0x1: {  	(tag) =	ssettag $0x0;
	lr =	simm.s32 $0x1  }
0x2: {  	[smem:$0x3F97] =	sst lr;
	_ =	strace $0xD0000000  }
0x3: {  	_ = 	snop  }
0x4: {  	_ = 	snop  }
0x5: {  	_ = 	snop  }
0x6: {  	_ = 	snop  }
0x7: {  	_ = 	snop  }
__scs_overlays_trampoline_lowered:
0x8: {  	[smem:$0x3FA6] =	sst s0  }
0x9: {  	[smem:$0x3FA7] =	sst s1  }
0xa: {  	[smem:$0x3FA8] =	sst s2  }
0xb: {  	[smem:$0x3FA9] =	sst s3  }
0xc: {  	[smem:$0x3FAA] =	sst s4  }
0xd: {  	[smem:$0x3FAB] =	sst s5  }
0xe: {  	[smem:$0x3FAC] =	sst s6  }
0xf: {  	[smem:$0x3FAD] =	sst s7  }
0x10: {  	[smem:$0x3FAE] =	sst s8  }
0x11: {  	[smem:$0x3FAF] =	sst s9;
	s0 =	simm.s32 @!p0 $0x0  }
0x12: {  	s1 =	sld [smem:$0x3F95];
	s0 =	simm.s32 @p0 $0x1  }
0x13: {  	[smem:$0x3FB0] =	sst s0;
	s0 =	simm.s32 @!p1 $0x0  }
0x14: {  	s2 =	sld [smem:$0x3F94];
	s0 =	simm.s32 @p1 $0x1  }
0x15: {  	[smem:$0x3FB1] =	sst s0;
	s0 =	simm.s32 @!p2 $0x0  }
0x16: {  	s3 =	sld [smem:$0x3FDB];
	s0 =	simm.s32 @p2 $0x1  }
0x17: {  	s4 =	simm.s32 $0x1BF5;
	[smem:$0x3FB3] =	sst s0  }
0x18: {  	s0 =	sld [smem:$0x3F96];
	_ =	swait.ge [sflag:s4], $0x0  }
0x19: {  	s7 =	sld [smem:$0x3F97]  }
0x1a: {  	s8 =	sadd.s32 $0xFFFFE003, lr  }
0x1b: {  	s9 =	sadd.s32 $0xFFFFFEF7, lr;
	s5 =	simm.s32 $0xFFFFFFFF;
	p2 =	slt.u32 s8, $0xFFFFF086  }
0x1c: {  	p1 =	slt.u32 s9, $0xF7A;
	s5 =	simm.s32 @!p2 $0x0  }
0x1d: {  	s5 =	simm.s32 @p1 $0x1;
	p0 =	seq.s32 s7, s2  }
0x1e: {  	s7 =	smul.u32 @!p0 $0xF7A, s2;
	p2 =	seq.s32 @!p0 s5, $0x0  }
0x1f: {  	s9 =	smul.u32 $0xF7A, s1;
	s8 =	simm.s32 @!p0 $0x1BF5;
	p2 =	por !p2, p0  }
0x20: {  	[sflag:s8] =	ssyncset.s32 @!p0 $0xFFFFF086;
	s6 =	sadd.s32 @!p0 s3, s7;
	s7 =	simm.s32 @!p0 $0x108  }
0x21: {  	s3 =	sadd.s32 s3, s9;
	s6 =	sadd.s32 @!p0 $0x88, s6;
	s7 =	simm.s32 @p2 $0x1082  }
0x22: {  	[simem:s7], [sflag:s8] =	dma.local @!p0 [hbm:s6], $0xF7A  }
0x23: {  	s9 =	sor.u32 $0xD0000000, s2;
	s6 =	simm.s32 $0x108;
	_ =	swait.ge @!p0 [sflag:s8], $0x0  }
0x24: {  	s3 =	sadd.s32 $0x88, s3;
	s6 =	simm.s32 @!p1 $0x1082;
	[sflag:s4] =	ssyncset.s32 $0xFFFFF086  }
0x25: {  	[simem:s6], [sflag:s4] =	dma.local [hbm:s3], $0xF7A  }
0x26: {  	[smem:$0x3F97] =	sst s1;
	(tag) =	ssettag s2;
	_ =	strace s9  }
0x27: {  	s1 =	sld [smem:$0x3FA7]  }
0x28: {  	s2 =	sld [smem:$0x3FA8]  }
0x29: {  	s4 =	sld [smem:$0x3FAA]  }
0x2a: {  	p0 =	seq.s32 s5, $0x0;
	s5 =	sld [smem:$0x3FAB]  }
0x2b: {  	s6 =	sld [smem:$0x3FAC]  }
0x2c: {  	s7 =	sld [smem:$0x3FAD]  }
0x2d: {  	s3 =	simm.s32 $0x108;
	s8 =	sld [smem:$0x3FAE]  }
0x2e: {  	s3 =	simm.s32 @!p0 $0x1082;
	s9 =	sld [smem:$0x3FAF]  }
0x2f: {  	lr =	sadd.s32 s0, s3;
	s0 =	sld [smem:$0x3FA6]  }
0x30: {  	s3 =	sld [smem:$0x3FA9]  }
0x31: {  	[smem:$0x3FB2] =	sst s10  }
0x32: {  	s10 =	sld [smem:$0x3FB0];
	_ =	sdelay $0x3  }
0x33: {  	p0 =	seq.s32 s10, $0x1;
	s10 =	sld [smem:$0x3FB2];
	_ =	sdelay $0x3  }
0x34: {  	[smem:$0x3FB2] =	sst s10  }
0x35: {  	s10 =	sld [smem:$0x3FB1];
	_ =	sdelay $0x3  }
0x36: {  	p1 =	seq.s32 s10, $0x1;
	s10 =	sld [smem:$0x3FB2];
	_ =	sdelay $0x3  }
0x37: {  	[smem:$0x3FB2] =	sst s10  }
0x38: {  	s10 =	sld [smem:$0x3FB3]  }
0x39: {  	_ = 	snop;
	(pc) =	sbr.ind lr, $3  }
0x3a: {  	_ = 	snop  }
0x3b: {  	_ = 	snop  }
0x3c: {  	p2 =	seq.s32 s10, $0x1;
	s10 =	sld [smem:$0x3FB2]  }
0x3d: {  	_ =	shalt  }
0x3e: {  	_ =	shalt  }
0x3f: {  	_ =	shalt  }
0x40: {  	_ =	shalt  }
0x41: {  	_ =	shalt  }
0x42: {  	_ =	shalt  }
0x43: {  	_ =	shalt  }
0x44: {  	_ =	shalt  }
0x45: {  	_ =	shalt  }
0x46: {  	_ =	shalt  }
0x47: {  	_ =	shalt  }
0x48: {  	_ =	shalt  }
0x49: {  	_ =	shalt  }
0x4a: {  	_ =	shalt  }
0x4b: {  	_ =	shalt  }
0x4c: {  	_ =	shalt  }
0x4d: {  	_ =	shalt  }
0x4e: {  	_ =	shalt  }
0x4f: {  	_ =	shalt  }
0x50: {  	_ =	shalt  }
0x51: {  	_ =	shalt  }
0x52: {  	_ =	shalt  }
0x53: {  	_ =	shalt  }
0x54: {  	_ =	shalt  }
0x55: {  	_ =	shalt  }
0x56: {  	_ =	shalt  }
0x57: {  	_ =	shalt  }
0x58: {  	_ =	shalt  }
0x59: {  	_ =	shalt  }
0x5a: {  	_ =	shalt  }
0x5b: {  	_ =	shalt  }
0x5c: {  	_ =	shalt  }
0x5d: {  	_ =	shalt  }
0x5e: {  	_ =	shalt  }
0x5f: {  	_ =	shalt  }
0x60: {  	_ =	shalt  }
0x61: {  	_ =	shalt  }
0x62: {  	_ =	shalt  }
0x63: {  	_ =	shalt  }
0x64: {  	_ =	shalt  }
0x65: {  	_ =	shalt  }
0x66: {  	_ =	shalt  }
0x67: {  	_ =	shalt  }
0x68: {  	_ =	shalt  }
0x69: {  	_ =	shalt  }
0x6a: {  	_ =	shalt  }
0x6b: {  	_ =	shalt  }
0x6c: {  	_ =	shalt  }
0x6d: {  	_ =	shalt  }
0x6e: {  	_ =	shalt  }
0x6f: {  	_ =	shalt  }
0x70: {  	_ =	shalt  }
0x71: {  	_ =	shalt  }
0x72: {  	_ =	shalt  }
0x73: {  	_ =	shalt  }
0x74: {  	_ =	shalt  }
0x75: {  	_ =	shalt  }
0x76: {  	_ =	shalt  }
0x77: {  	_ =	shalt  }
0x78: {  	_ =	shalt  }
0x79: {  	_ =	shalt  }
0x7a: {  	_ =	shalt  }
0x7b: {  	_ =	shalt  }
0x7c: {  	_ =	shalt  }
0x7d: {  	_ =	shalt  }
0x7e: {  	_ =	shalt  }
0x7f: {  	_ =	shalt  }
0x80: {  	_ =	shalt  }
0x81: {  	_ =	shalt  }
0x82: {  	_ =	shalt  }
0x83: {  	_ =	shalt  }
0x84: {  	_ =	shalt  }
0x85: {  	_ =	shalt  }
0x86: {  	_ =	shalt  }
0x87: {  	_ =	shalt  }
.Lfunc_end0:
.L_simem_size_0:
called_computation.1_lowered:
.L_overlay_start_0:
0x88: {  	s2 =	sld [smem:$0x3FD9]  }
0x89: {  	s3 =	sld [smem:$0x3FFE];
	_ =	sdelay $0x1  }
0x8a: {  	s1 =	srdreg.scid  }
0x8b: {  	s0 =	sand.u32 $0x1, s1  }
0x8c: {  	s17 =	sshll.u32 s0, $0xA;
	s2 =	sadd.s32 s3, s2  }
0x8d: {  	s2 =	sadd.s32 s2, s17  }
0x8e: {  	[smem:$0x3FBE] =	sst s2  }
0x8f: {  	_ = 	snop  }
0x90: {  	s2 =	sld [smem:$0x3FC8];
	(tm) =	ssettm $0x1  }
0x91: {  	s18 =	sld [smem:$0x3FFB];
	_ =	sdelay $0x3  }
0x92: {  	_ =	strace s18  }
0x93: {  	s3 =	sld [smem:$0x3FFC];
	_ =	sdelay $0x3  }
0x94: {  	_ =	strace s3  }
0x95: {  	s3 =	sld [smem:$0x3FFD];
	_ =	sdelay $0x3  }
0x96: {  	_ =	strace s3  }
0x97: {  	_ =	strace $0x8FFFFFFF  }
0x98: {  	s19 =	sld [smem:$0x3FDB];
	_ =	sdelay $0x1  }
0x99: {  	s4 =	simm.s32 $_scs_section_size  }
0x9a: {  	s5 =	simm.s32 $_size__tile_overlayer_lowered;
	s6 =	simm.s32 $_tile_overlayer_lowered  }
0x9b: {  	s22 =	simm.s32 $0x1BFF;
	s21 =	sshll.u32 s6, $0x1;
	s3 =	sadd.s32 s4, s19  }
0x9c: {  	s7 =	simm.s32 $0x0;
	s20 =	sshll.u32 s5, $0x1;
	s5 =	sadd.s32 s21, s3  }
0x9d: {  	[timem:s7], [sflag:s22] =	dma.local [hbm:s5], s20  }
0x9e: {  	_ =	swait.ge [sflag:s22], s20  }
0x9f: {  	s4 =	ssub.s32 $0x0, s20;
	[sflag:s22] =	ssyncset.done $0x0  }
0xa0: {  	[sflag:s22] =	ssyncadd.s32 s4;
	_ =	sdelay $0x1  }
0xa1: {  	s23 =	simm.s32 $0x1B8B  }
0xa2: {  	_ =	swait.ge [sflag:s23], $0x1  }
0xa3: {  	[sflag:s23] =	ssyncset.done $0x0  }
0xa4: {  	s25 =	simm.s32 $0x1B8E;
	s24 =	sld [smem:$0x3FFE];
	[sflag:s23] =	ssyncadd.s32 $0xFFFFFFFF  }
0xa5: {  	s26 =	simm.s32 $execute0_lowered;
	[smem:$0x3FD2] =	sst s25  }
0xa6: {  	s5 =	sshll.u32 s26, $0x1;
	_ =	strace $0x80000046;
	[dreg:$0x1] =	wrdreg $0xFFFFFFFF  }
0xa7: {  	s28 =	simm.s32 $_size_execute0_lowered;
	s3 =	sadd.s32 s3, s5;
	[dreg:$0x0] =	wrdreg $0x0  }
0xa8: {  	s5 =	sshll.u32 s28, $0x1;
	[dreg:$0x2] =	wrdreg s3  }
0xa9: {  	[dreg:$0x3] =	wrdreg s5  }
0xaa: {  	[dreg:$0x4] =	wrdreg $0xC0  }
0xab: {  	_ =	task [dreg:s7], $0x5FFFF  }
0xac: {  	[dreg:$0x1] =	wrdreg $0xFFFFFFFF  }
0xad: {  	[dreg:$0x0] =	wrdreg $0x60  }
0xae: {  	[dreg:$0x2] =	wrdreg s2  }
0xaf: {  	[dreg:$0x3] =	wrdreg s24  }
0xb0: {  	[dreg:$0x4] =	wrdreg $0xA  }
0xb1: {  	_ =	task.clear_ibuf [dreg:s7], $0x5FFFF;
	_ =	strace $0x90000046  }
0xb2: {  	s29 =	simm.s32 $0xA;
	_ =	strace $0x80000048  }
0xb3: {  	_ =	swait.ge [sflag:s29], $0x1  }
0xb4: {  	[sflag:s29] =	ssyncadd.s32 $0xFFFFFFFF  }
0xb5: {  	_ =	strace $0x90000048  }
0xb6: {  	_ =	sfence  }
0xb7: {  	s30 =	sld [smem:$0x0];
	_ =	sdelay $0x2  }
0xb8: {  	s31 =	sshll.u32 s1, $0xD;
	s1 =	sshrl.u32 s1, $0x2  }
0xb9: {  	s3 =	sand.u32 $0x4000, s31;
	s1 =	sadd.s32 s1, s30  }
0xba: {  	s0 =	sor.u32 s3, s0;
	s1 =	sshll.u32 s1, $0x11  }
0xbb: {  	s0 =	sor.u32 s1, s0  }
0xbc: {  	s0 =	sadd.s32 $0x8F2B, s0  }
0xbd: {  	[sflag:s0] =	ssyncadd.remote.s32 $0x1  }
0xbe: {  	_ =	sfence.sel $0xFFFF  }
0xbf: {  	[dreg:$0x0] =	wrdreg $0xFFFFFFFF;
	(pc) =	sbr.abs _section_cstart, $3  }
0xc0: {  	[dreg:$0x1] =	wrdreg $0xFFFFFFFF  }
0xc1: {  	_ =	task.clear_ibuf [dreg:s7], $0x2FFFF;
	_ =	strace $0x9FFFFFFF  }
0xc2: {  	(tm) =	ssettm $0x7FFFFFFF  }
0xc3: {  	_ =	shalt  }
tec
execute0_lowered:
.L_overlay_start_1:
0x0: {  	(tag) =	ssettag $0x1  }
0x1: {  	s4 =	rddreg [dreg:$0x0]  }
0x2: {  	s5 =	rddreg [dreg:$0x1]  }
0x3: {  	s0 =	rddreg [dreg:$0x2]  }
0x4: {  	s2 =	simm.s32 $0x0;
	s3 =	srdreg.scid;
	s1 =	stileid.u32  }
0x5: {  	s9 =	simm.s32 $0x200;
	s10 =	simm.s32 $0x400;
	s11 =	simm.s32 $0x300  }
0x6: {  	v0 =	vlaneseq.u32;
	s12 =	simm.s32 $0x8400;
	s13 =	simm.s32 $0x1;
	s14 =	simm.s32 $0x2  }
0x7: {  	s15 =	simm.s32 $0x1000;
	s16 =	simm.s32 $0x20000;
	s17 =	simm.s32 $0x10400;
	v0 =	vmul.u32 $0x80, v0  }
0x8: {  	[smem:$0x7FF] =	sst s2;
	s3 =	sand.u32 $0x1, s3;
	s6 =	sshll.u32 s1, $0xA  }
0x9: {  	s18 =	simm.s32 $0x0;
	_ =	strace $0x80000047;
	s7 =	sshll.u32 s3, $0x9;
	v1 =	vor.u32 $0x800, v0;
	v2 =	vor.u32 $0x1000, v0;
	v3 =	vor.u32 $0x1800, v0  }
0xa: {  	s8 =	ssub.s32 $0x2, s3;
	s3 =	sadd.s32 $0x189000, s5;
	s6 =	sor.u32 s7, s6;
	v4 =	vor.u32 $0x2000, v0;
	v5 =	vor.u32 $0x2800, v0;
	v6 =	vor.u32 $0x3000, v0  }
0xb: {  	s31 =	sshrl.u32 s8, $0x1;
	v7 =	vor.u32 $0x3800, v0;
	v8 =	vor.u32 $0x4000, v0;
	v9 =	vor.u32 $0x4800, v0;
	s5 =	sadd.s32 s6, s5;
	s6 =	sshrl.u32 s6, $0x3  }
0xc: {  	v10 =	vor.u32 $0x5000, v0;
	v11 =	vor.u32 $0x5800, v0;
	v12 =	vor.u32 $0x6000, v0;
	s7 =	ssub.s32 s8, s31;
	s8 =	simm.s32 $0x100;
	s4 =	sadd.s32 s4, s6  }
0xd: {  	v13 =	vor.u32 $0x6800, v0;
	v14 =	vor.u32 $0x7000, v0;
	v15 =	vor.u32 $0x7800, v0;
	s5 =	sadd.s32 $0x2600, s5;
	s6 =	smax.u32 s7, $0x1;
	s7 =	simm.s32 $0x3  }
.LBB2_1:
0xe: {  	[tilespmem:s2], [sflag:$0x3] =	stream.linear.gather [hbm4b:s4+s2], $0x200, $0x38;
	[tilespmem:$0x14400] =	vst v63  }
0xf: {  	_ =	swait.ge [sflag:s7], $0x200  }
0x10: {  	[sflag:s7] =	ssyncset.done $0x0  }
0x11: {  	s19 =	simm.s32 $0x0;
	[sflag:s7] =	ssyncadd.s32 $0xFFFFFE00  }
0x12: {  	s20 =	simm.s32 $0x40;
	v16 =	vld [tilespmem:s19+$0x0]  }
.LBB2_2:
0x13: {  	p0 =	sne.s32 s20, $0x7C0  }
.Ltmp0:
0x14: {  	_ = 	snop;
	(pc) =	sbr.rel @p0 .LBB2_2-.Ltmp0, $3  }
0x15: {  	_ =	sdelay $0x1  }
0x16: {  	s21 =	sshra.s32 s20, $0x2;
	s20 =	sadd.s32 $0x40, s20;
	v17 =	vshrl.u32 v16, $0x2  }
0x17: {  	v16 =	vld [tilespmem:s21+$0x0];
	[tilespmem:s19+$0x200] =	vst v17;
	s19 =	smov.u32 s21  }
0x18: {  	_ =	sdelay $0x3  }
0x19: {  	v16 =	vshrl.u32 v16, $0x2  }
0x1a: {  	[tilespmem:s19+$0x200] =	vst v16  }
0x1b: {  	[tilespmem:s10], [sflag:$0x1] =	stream.indirect.gather [hbm4b:s3+s8], $0x80, s9, s8, $0xb8;
	[tilespmem:$0x14400] =	vst v63  }
0x1c: {  	_ = 	snop  }
0x1d: {  	[tilespmem:s12], [sflag:$0x2] =	stream.indirect.gather [hbm4b:s3+s8], $0x80, s11, s8, $0xb8;
	[tilespmem:$0x14400] =	vst v63  }
0x1e: {  	_ =	swait.ge [sflag:s13], $0x8000  }
0x1f: {  	s20 =	simm.s32 $0x0;
	[sflag:s13] =	ssyncset.done $0x0  }
0x20: {  	s21 =	simm.s32 $0x0;
	s19 =	simm.s32 $0x0;
	[sflag:s13] =	ssyncadd.s32 $0xFFFF8000  }
.LBB2_4:
0x21: {  	v16 =	vld [tilespmem:$0x0];
	_ =	sdelay $0x4  }
0x22: {  	v16 =	vshll.u32 v16, $0x5  }
0x23: {  	v16 =	vand.u32 $0x60, v16  }
0x24: {  	v16 =	vor.u32 s21, v16  }
0x25: {  	v16 =	vor.u32 v0, v16;
	_ =	sdelay $0x4  }
0x26: {  	v16 =	vld.idx.msk [tilespmem:v16+s10+$0x0], $0xffff;
	_ =	sdelay $0x2  }
0x27: {  	s22 =	sand.u32 $0x3000, s19;
	s23 =	sand.u32 $0x380, s20  }
0x28: {  	s22 =	sor.u32 s23, s22  }
0x29: {  	[tilespmem:s22+$0x10400] =	vst v16  }
0x2a: {  	v16 =	vld [tilespmem:$0x10];
	_ =	sdelay $0x4  }
0x2b: {  	v16 =	vshll.u32 v16, $0x5  }
0x2c: {  	v16 =	vand.u32 $0x60, v16  }
0x2d: {  	v16 =	vor.u32 s21, v16  }
0x2e: {  	v16 =	vor.u32 v1, v16;
	_ =	sdelay $0x4  }
0x2f: {  	v16 =	vld.idx.msk [tilespmem:v16+s10+$0x0], $0xffff;
	_ =	sdelay $0x4  }
0x30: {  	[tilespmem:s22+$0x10410] =	vst v16  }
0x31: {  	v16 =	vld [tilespmem:$0x20];
	_ =	sdelay $0x4  }
0x32: {  	v16 =	vshll.u32 v16, $0x5  }
0x33: {  	v16 =	vand.u32 $0x60, v16  }
0x34: {  	v16 =	vor.u32 s21, v16  }
0x35: {  	v16 =	vor.u32 v2, v16;
	_ =	sdelay $0x4  }
0x36: {  	v16 =	vld.idx.msk [tilespmem:v16+s10+$0x0], $0xffff;
	_ =	sdelay $0x4  }
0x37: {  	[tilespmem:s22+$0x10420] =	vst v16  }
0x38: {  	v16 =	vld [tilespmem:$0x30];
	_ =	sdelay $0x4  }
0x39: {  	v16 =	vshll.u32 v16, $0x5  }
0x3a: {  	v16 =	vand.u32 $0x60, v16  }
0x3b: {  	v16 =	vor.u32 s21, v16  }
0x3c: {  	v16 =	vor.u32 v3, v16;
	_ =	sdelay $0x4  }
0x3d: {  	v16 =	vld.idx.msk [tilespmem:v16+s10+$0x0], $0xffff;
	_ =	sdelay $0x4  }
0x3e: {  	[tilespmem:s22+$0x10430] =	vst v16  }
0x3f: {  	v16 =	vld [tilespmem:$0x40];
	_ =	sdelay $0x4  }
0x40: {  	v16 =	vshll.u32 v16, $0x5  }
0x41: {  	v16 =	vand.u32 $0x60, v16  }
0x42: {  	v16 =	vor.u32 s21, v16  }
0x43: {  	v16 =	vor.u32 v4, v16;
	_ =	sdelay $0x4  }
0x44: {  	v16 =	vld.idx.msk [tilespmem:v16+s10+$0x0], $0xffff;
	_ =	sdelay $0x4  }
0x45: {  	[tilespmem:s22+$0x10440] =	vst v16  }
0x46: {  	v16 =	vld [tilespmem:$0x50];
	_ =	sdelay $0x4  }
0x47: {  	v16 =	vshll.u32 v16, $0x5  }
0x48: {  	v16 =	vand.u32 $0x60, v16  }
0x49: {  	v16 =	vor.u32 s21, v16  }
0x4a: {  	v16 =	vor.u32 v5, v16;
	_ =	sdelay $0x4  }
0x4b: {  	v16 =	vld.idx.msk [tilespmem:v16+s10+$0x0], $0xffff;
	_ =	sdelay $0x4  }
0x4c: {  	[tilespmem:s22+$0x10450] =	vst v16  }
0x4d: {  	v16 =	vld [tilespmem:$0x60];
	_ =	sdelay $0x4  }
0x4e: {  	v16 =	vshll.u32 v16, $0x5  }
0x4f: {  	v16 =	vand.u32 $0x60, v16  }
0x50: {  	v16 =	vor.u32 s21, v16  }
0x51: {  	v16 =	vor.u32 v6, v16;
	_ =	sdelay $0x4  }
0x52: {  	v16 =	vld.idx.msk [tilespmem:v16+s10+$0x0], $0xffff;
	_ =	sdelay $0x4  }
0x53: {  	[tilespmem:s22+$0x10460] =	vst v16  }
0x54: {  	v16 =	vld [tilespmem:$0x70];
	_ =	sdelay $0x4  }
0x55: {  	v16 =	vshll.u32 v16, $0x5  }
0x56: {  	v16 =	vand.u32 $0x60, v16  }
0x57: {  	v16 =	vor.u32 s21, v16  }
0x58: {  	v16 =	vor.u32 v7, v16;
	_ =	sdelay $0x4  }
0x59: {  	v16 =	vld.idx.msk [tilespmem:v16+s10+$0x0], $0xffff;
	_ =	sdelay $0x4  }
0x5a: {  	[tilespmem:s22+$0x10470] =	vst v16  }
0x5b: {  	v16 =	vld [tilespmem:$0x80];
	_ =	sdelay $0x4  }
0x5c: {  	v16 =	vshll.u32 v16, $0x5  }
0x5d: {  	v16 =	vand.u32 $0x60, v16  }
0x5e: {  	v16 =	vor.u32 s21, v16  }
0x5f: {  	v16 =	vor.u32 v8, v16;
	_ =	sdelay $0x4  }
0x60: {  	v16 =	vld.idx.msk [tilespmem:v16+s10+$0x0], $0xffff;
	_ =	sdelay $0x4  }
0x61: {  	[tilespmem:s22+$0x10800] =	vst v16  }
0x62: {  	v16 =	vld [tilespmem:$0x90];
	_ =	sdelay $0x4  }
0x63: {  	v16 =	vshll.u32 v16, $0x5  }
0x64: {  	v16 =	vand.u32 $0x60, v16  }
0x65: {  	v16 =	vor.u32 s21, v16  }
0x66: {  	v16 =	vor.u32 v9, v16;
	_ =	sdelay $0x4  }
0x67: {  	v16 =	vld.idx.msk [tilespmem:v16+s10+$0x0], $0xffff;
	_ =	sdelay $0x4  }
0x68: {  	[tilespmem:s22+$0x10810] =	vst v16  }
0x69: {  	v16 =	vld [tilespmem:$0xA0];
	_ =	sdelay $0x4  }
0x6a: {  	v16 =	vshll.u32 v16, $0x5  }
0x6b: {  	v16 =	vand.u32 $0x60, v16  }
0x6c: {  	v16 =	vor.u32 s21, v16  }
0x6d: {  	v16 =	vor.u32 v10, v16;
	_ =	sdelay $0x4  }
0x6e: {  	v16 =	vld.idx.msk [tilespmem:v16+s10+$0x0], $0xffff;
	_ =	sdelay $0x4  }
0x6f: {  	[tilespmem:s22+$0x10820] =	vst v16  }
0x70: {  	v16 =	vld [tilespmem:$0xB0];
	_ =	sdelay $0x4  }
0x71: {  	v16 =	vshll.u32 v16, $0x5  }
0x72: {  	v16 =	vand.u32 $0x60, v16  }
0x73: {  	v16 =	vor.u32 s21, v16  }
0x74: {  	v16 =	vor.u32 v11, v16;
	_ =	sdelay $0x4  }
0x75: {  	v16 =	vld.idx.msk [tilespmem:v16+s10+$0x0], $0xffff;
	_ =	sdelay $0x4  }
0x76: {  	[tilespmem:s22+$0x10830] =	vst v16  }
0x77: {  	v16 =	vld [tilespmem:$0xC0];
	_ =	sdelay $0x4  }
0x78: {  	v16 =	vshll.u32 v16, $0x5  }
0x79: {  	v16 =	vand.u32 $0x60, v16  }
0x7a: {  	v16 =	vor.u32 s21, v16  }
0x7b: {  	v16 =	vor.u32 v12, v16;
	_ =	sdelay $0x4  }
0x7c: {  	v16 =	vld.idx.msk [tilespmem:v16+s10+$0x0], $0xffff;
	_ =	sdelay $0x4  }
0x7d: {  	[tilespmem:s22+$0x10840] =	vst v16  }
0x7e: {  	v16 =	vld [tilespmem:$0xD0];
	_ =	sdelay $0x4  }
0x7f: {  	v16 =	vshll.u32 v16, $0x5  }
0x80: {  	v16 =	vand.u32 $0x60, v16  }
0x81: {  	v16 =	vor.u32 s21, v16  }
0x82: {  	v16 =	vor.u32 v13, v16;
	_ =	sdelay $0x4  }
0x83: {  	v16 =	vld.idx.msk [tilespmem:v16+s10+$0x0], $0xffff;
	_ =	sdelay $0x4  }
0x84: {  	[tilespmem:s22+$0x10850] =	vst v16  }
0x85: {  	v16 =	vld [tilespmem:$0xE0];
	_ =	sdelay $0x4  }
0x86: {  	v16 =	vshll.u32 v16, $0x5  }
0x87: {  	v16 =	vand.u32 $0x60, v16  }
0x88: {  	v16 =	vor.u32 s21, v16  }
0x89: {  	v16 =	vor.u32 v14, v16;
	_ =	sdelay $0x4  }
0x8a: {  	v16 =	vld.idx.msk [tilespmem:v16+s10+$0x0], $0xffff;
	_ =	sdelay $0x4  }
0x8b: {  	[tilespmem:s22+$0x10860] =	vst v16  }
0x8c: {  	v16 =	vld [tilespmem:$0xF0];
	_ =	sdelay $0x4  }
0x8d: {  	v16 =	vshll.u32 v16, $0x5  }
0x8e: {  	v16 =	vand.u32 $0x60, v16  }
0x8f: {  	v16 =	vor.u32 s21, v16  }
0x90: {  	v16 =	vor.u32 v15, v16;
	_ =	sdelay $0x4  }
0x91: {  	p0 =	sne.s32 s21, $0x1F;
	v16 =	vld.idx.msk [tilespmem:v16+s10+$0x0], $0xffff  }
.Ltmp1:
0x92: {  	_ = 	snop;
	(pc) =	sbr.rel @p0 .LBB2_4-.Ltmp1, $2  }
0x93: {  	_ =	sdelay $0x2  }
0x94: {  	s20 =	sadd.s32 $0x80, s20;
	s19 =	sadd.s32 $0x200, s19;
	s21 =	sadd.s32 $0x1, s21;
	[tilespmem:s22+$0x10870] =	vst v16  }
0x95: {  	_ =	swait.ge [sflag:s14], $0x8000  }
0x96: {  	s19 =	simm.s32 $0x0;
	[sflag:s14] =	ssyncset.done $0x0  }
0x97: {  	s20 =	simm.s32 $0x0;
	s21 =	simm.s32 $0x0;
	[sflag:s14] =	ssyncadd.s32 $0xFFFF8000  }
.LBB2_6:
0x98: {  	v16 =	vld [tilespmem:$0x100];
	_ =	sdelay $0x4  }
0x99: {  	v16 =	vshll.u32 v16, $0x5  }
0x9a: {  	v16 =	vand.u32 $0x60, v16  }
0x9b: {  	v16 =	vor.u32 s21, v16  }
0x9c: {  	v16 =	vor.u32 v0, v16;
	_ =	sdelay $0x4  }
0x9d: {  	v16 =	vld.idx.msk [tilespmem:v16+s12+$0x0], $0xffff;
	_ =	sdelay $0x2  }
0x9e: {  	s22 =	sand.u32 $0x3000, s19;
	s23 =	sand.u32 $0x380, s20  }
0x9f: {  	s22 =	sor.u32 s23, s22  }
0xa0: {  	[tilespmem:s22+$0x10C00] =	vst v16  }
0xa1: {  	v16 =	vld [tilespmem:$0x110];
	_ =	sdelay $0x4  }
0xa2: {  	v16 =	vshll.u32 v16, $0x5  }
0xa3: {  	v16 =	vand.u32 $0x60, v16  }
0xa4: {  	v16 =	vor.u32 s21, v16  }
0xa5: {  	v16 =	vor.u32 v1, v16;
	_ =	sdelay $0x4  }
0xa6: {  	v16 =	vld.idx.msk [tilespmem:v16+s12+$0x0], $0xffff;
	_ =	sdelay $0x4  }
0xa7: {  	[tilespmem:s22+$0x10C10] =	vst v16  }
0xa8: {  	v16 =	vld [tilespmem:$0x120];
	_ =	sdelay $0x4  }
0xa9: {  	v16 =	vshll.u32 v16, $0x5  }
0xaa: {  	v16 =	vand.u32 $0x60, v16  }
0xab: {  	v16 =	vor.u32 s21, v16  }
0xac: {  	v16 =	vor.u32 v2, v16;
	_ =	sdelay $0x4  }
0xad: {  	v16 =	vld.idx.msk [tilespmem:v16+s12+$0x0], $0xffff;
	_ =	sdelay $0x4  }
0xae: {  	[tilespmem:s22+$0x10C20] =	vst v16  }
0xaf: {  	v16 =	vld [tilespmem:$0x130];
	_ =	sdelay $0x4  }
0xb0: {  	v16 =	vshll.u32 v16, $0x5  }
0xb1: {  	v16 =	vand.u32 $0x60, v16  }
0xb2: {  	v16 =	vor.u32 s21, v16  }
0xb3: {  	v16 =	vor.u32 v3, v16;
	_ =	sdelay $0x4  }
0xb4: {  	v16 =	vld.idx.msk [tilespmem:v16+s12+$0x0], $0xffff;
	_ =	sdelay $0x4  }
0xb5: {  	[tilespmem:s22+$0x10C30] =	vst v16  }
0xb6: {  	v16 =	vld [tilespmem:$0x140];
	_ =	sdelay $0x4  }
0xb7: {  	v16 =	vshll.u32 v16, $0x5  }
0xb8: {  	v16 =	vand.u32 $0x60, v16  }
0xb9: {  	v16 =	vor.u32 s21, v16  }
0xba: {  	v16 =	vor.u32 v4, v16;
	_ =	sdelay $0x4  }
0xbb: {  	v16 =	vld.idx.msk [tilespmem:v16+s12+$0x0], $0xffff;
	_ =	sdelay $0x4  }
0xbc: {  	[tilespmem:s22+$0x10C40] =	vst v16  }
0xbd: {  	v16 =	vld [tilespmem:$0x150];
	_ =	sdelay $0x4  }
0xbe: {  	v16 =	vshll.u32 v16, $0x5  }
0xbf: {  	v16 =	vand.u32 $0x60, v16  }
0xc0: {  	v16 =	vor.u32 s21, v16  }
0xc1: {  	v16 =	vor.u32 v5, v16;
	_ =	sdelay $0x4  }
0xc2: {  	v16 =	vld.idx.msk [tilespmem:v16+s12+$0x0], $0xffff;
	_ =	sdelay $0x4  }
0xc3: {  	[tilespmem:s22+$0x10C50] =	vst v16  }
0xc4: {  	v16 =	vld [tilespmem:$0x160];
	_ =	sdelay $0x4  }
0xc5: {  	v16 =	vshll.u32 v16, $0x5  }
0xc6: {  	v16 =	vand.u32 $0x60, v16  }
0xc7: {  	v16 =	vor.u32 s21, v16  }
0xc8: {  	v16 =	vor.u32 v6, v16;
	_ =	sdelay $0x4  }
0xc9: {  	v16 =	vld.idx.msk [tilespmem:v16+s12+$0x0], $0xffff;
	_ =	sdelay $0x4  }
0xca: {  	[tilespmem:s22+$0x10C60] =	vst v16  }
0xcb: {  	v16 =	vld [tilespmem:$0x170];
	_ =	sdelay $0x4  }
0xcc: {  	v16 =	vshll.u32 v16, $0x5  }
0xcd: {  	v16 =	vand.u32 $0x60, v16  }
0xce: {  	v16 =	vor.u32 s21, v16  }
0xcf: {  	v16 =	vor.u32 v7, v16;
	_ =	sdelay $0x4  }
0xd0: {  	v16 =	vld.idx.msk [tilespmem:v16+s12+$0x0], $0xffff;
	_ =	sdelay $0x4  }
0xd1: {  	[tilespmem:s22+$0x10C70] =	vst v16  }
0xd2: {  	v16 =	vld [tilespmem:$0x180];
	_ =	sdelay $0x4  }
0xd3: {  	v16 =	vshll.u32 v16, $0x5  }
0xd4: {  	v16 =	vand.u32 $0x60, v16  }
0xd5: {  	v16 =	vor.u32 s21, v16  }
0xd6: {  	v16 =	vor.u32 v8, v16;
	_ =	sdelay $0x4  }
0xd7: {  	v16 =	vld.idx.msk [tilespmem:v16+s12+$0x0], $0xffff;
	_ =	sdelay $0x4  }
0xd8: {  	[tilespmem:s22+$0x11000] =	vst v16  }
0xd9: {  	v16 =	vld [tilespmem:$0x190];
	_ =	sdelay $0x4  }
0xda: {  	v16 =	vshll.u32 v16, $0x5  }
0xdb: {  	v16 =	vand.u32 $0x60, v16  }
0xdc: {  	v16 =	vor.u32 s21, v16  }
0xdd: {  	v16 =	vor.u32 v9, v16;
	_ =	sdelay $0x4  }
0xde: {  	v16 =	vld.idx.msk [tilespmem:v16+s12+$0x0], $0xffff;
	_ =	sdelay $0x4  }
0xdf: {  	[tilespmem:s22+$0x11010] =	vst v16  }
0xe0: {  	v16 =	vld [tilespmem:$0x1A0];
	_ =	sdelay $0x4  }
0xe1: {  	v16 =	vshll.u32 v16, $0x5  }
0xe2: {  	v16 =	vand.u32 $0x60, v16  }
0xe3: {  	v16 =	vor.u32 s21, v16  }
0xe4: {  	v16 =	vor.u32 v10, v16;
	_ =	sdelay $0x4  }
0xe5: {  	v16 =	vld.idx.msk [tilespmem:v16+s12+$0x0], $0xffff;
	_ =	sdelay $0x4  }
0xe6: {  	[tilespmem:s22+$0x11020] =	vst v16  }
0xe7: {  	v16 =	vld [tilespmem:$0x1B0];
	_ =	sdelay $0x4  }
0xe8: {  	v16 =	vshll.u32 v16, $0x5  }
0xe9: {  	v16 =	vand.u32 $0x60, v16  }
0xea: {  	v16 =	vor.u32 s21, v16  }
0xeb: {  	v16 =	vor.u32 v11, v16;
	_ =	sdelay $0x4  }
0xec: {  	v16 =	vld.idx.msk [tilespmem:v16+s12+$0x0], $0xffff;
	_ =	sdelay $0x4  }
0xed: {  	[tilespmem:s22+$0x11030] =	vst v16  }
0xee: {  	v16 =	vld [tilespmem:$0x1C0];
	_ =	sdelay $0x4  }
0xef: {  	v16 =	vshll.u32 v16, $0x5  }
0xf0: {  	v16 =	vand.u32 $0x60, v16  }
0xf1: {  	v16 =	vor.u32 s21, v16  }
0xf2: {  	v16 =	vor.u32 v12, v16;
	_ =	sdelay $0x4  }
0xf3: {  	v16 =	vld.idx.msk [tilespmem:v16+s12+$0x0], $0xffff;
	_ =	sdelay $0x4  }
0xf4: {  	[tilespmem:s22+$0x11040] =	vst v16  }
0xf5: {  	v16 =	vld [tilespmem:$0x1D0];
	_ =	sdelay $0x4  }
0xf6: {  	v16 =	vshll.u32 v16, $0x5  }
0xf7: {  	v16 =	vand.u32 $0x60, v16  }
0xf8: {  	v16 =	vor.u32 s21, v16  }
0xf9: {  	v16 =	vor.u32 v13, v16;
	_ =	sdelay $0x4  }
0xfa: {  	v16 =	vld.idx.msk [tilespmem:v16+s12+$0x0], $0xffff;
	_ =	sdelay $0x4  }
0xfb: {  	[tilespmem:s22+$0x11050] =	vst v16  }
0xfc: {  	v16 =	vld [tilespmem:$0x1E0];
	_ =	sdelay $0x4  }
0xfd: {  	v16 =	vshll.u32 v16, $0x5  }
0xfe: {  	v16 =	vand.u32 $0x60, v16  }
0xff: {  	v16 =	vor.u32 s21, v16  }
0x100: {  	v16 =	vor.u32 v14, v16;
	_ =	sdelay $0x4  }
0x101: {  	v16 =	vld.idx.msk [tilespmem:v16+s12+$0x0], $0xffff;
	_ =	sdelay $0x4  }
0x102: {  	[tilespmem:s22+$0x11060] =	vst v16  }
0x103: {  	v16 =	vld [tilespmem:$0x1F0];
	_ =	sdelay $0x4  }
0x104: {  	v16 =	vshll.u32 v16, $0x5  }
0x105: {  	v16 =	vand.u32 $0x60, v16  }
0x106: {  	v16 =	vor.u32 s21, v16  }
0x107: {  	v16 =	vor.u32 v15, v16;
	_ =	sdelay $0x4  }
0x108: {  	p0 =	sne.s32 s21, $0x1F;
	v16 =	vld.idx.msk [tilespmem:v16+s12+$0x0], $0xffff  }
.Ltmp2:
0x109: {  	_ = 	snop;
	(pc) =	sbr.rel @p0 .LBB2_6-.Ltmp2, $2  }
0x10a: {  	_ =	sdelay $0x2  }
0x10b: {  	s20 =	sadd.s32 $0x80, s20;
	s19 =	sadd.s32 $0x200, s19;
	s21 =	sadd.s32 $0x1, s21;
	[tilespmem:s22+$0x11070] =	vst v16  }
0x10c: {  	s18 =	sadd.s32 $0x1, s18  }
0x10d: {  	p0 =	sne.s32 s18, s6  }
.Ltmp3:
0x10e: {  	_ = 	snop;
	(pc) =	sbr.rel @p0 .LBB2_1-.Ltmp3, $4  }
0x10f: {  	[hbm4b:s5+s15] =	stream.strided.scatter [tilespmem:s17], [sflag:$0x3], $0x4000, s16, s15, $0x38;
	[tilespmem:$0x14400] =	vst v63  }
0x110: {  	_ =	swait.ge [sflag:s7], $0x4000  }
0x111: {  	[sflag:s7] =	ssyncset.done $0x0  }
0x112: {  	[sflag:s7] =	ssyncadd.s32 $0xFFFFC000  }
0x113: {  	_ =	sfence.sel $0x180000  }
0x114: {  	[bflag:$0x0] =	sbarrier.arrive $0xFFFF  }
0x115: {  	p0 =	sne.s32 s1, $0x0;
	_ =	strace $0x90000047  }
0x116: {  	s0 =	sadd.s32 @!p0 $0x100000, s0;
	[bflag:$0x2] =	sbarrier.arrive $0xFFFF  }
0x117: {  	[sflag:s0] =	ssyncadd.tile.s32 @!p0 $0x1;
	_ =	shalt  }
.Lfunc_end2:
_tile_overlayer_lowered:
.L_overlay_start_2:
0x118: {  	(tag) =	ssettag $0x2  }
0x119: {  	s0 =	rddreg [dreg:$0x0];
	s2 =	stileid.u32  }
0x11a: {  	s1 =	rddreg [dreg:$0x1];
	p0 =	sne.s32 s2, $0x0  }
0x11b: {  	s3 =	rddreg [dreg:$0x2];
	[bflag:$0x3] =	sbarrier.arrive $0xFFFF;
	s2 =	simm.s32 @!p0 $0x1C03  }
0x11c: {  	[timem:s3], [sflag:s2] =	dma.local @!p0 [hbm:s0], s1  }
0x11d: {  	s0 =	simm.s32 @!p0 $0x3  }
0x11e: {  	_ =	swait.ge @!p0 [sflag:s0], s1  }
0x11f: {  	s1 =	ssub.s32 @!p0 $0x0, s1;
	[sflag:s0] =	ssyncset.done @!p0 $0x0  }
0x120: {  	[sflag:s0] =	ssyncadd.s32 @!p0 s1  }
0x121: {  	[bflag:$0x3] =	sbarrier.arrive $0xFFFF  }
0x122: {  	_ =	shalt  }

// kernel: kernel.13.cloned.1.call-start
scs
__scs_entry_jumppad:
0x0: {  	(pc) =	sbr.rel $0x88, $3  }
0x1: {  	(tag) =	ssettag $0x0;
	lr =	simm.s32 $0x1  }
0x2: {  	[smem:$0x3F97] =	sst lr;
	_ =	strace $0xD0000000  }
0x3: {  	_ = 	snop  }
0x4: {  	_ = 	snop  }
0x5: {  	_ = 	snop  }
0x6: {  	_ = 	snop  }
0x7: {  	_ = 	snop  }
__scs_overlays_trampoline_lowered:
0x8: {  	[smem:$0x3FA6] =	sst s0  }
0x9: {  	[smem:$0x3FA7] =	sst s1  }
0xa: {  	[smem:$0x3FA8] =	sst s2  }
0xb: {  	[smem:$0x3FA9] =	sst s3  }
0xc: {  	[smem:$0x3FAA] =	sst s4  }
0xd: {  	[smem:$0x3FAB] =	sst s5  }
0xe: {  	[smem:$0x3FAC] =	sst s6  }
0xf: {  	[smem:$0x3FAD] =	sst s7  }
0x10: {  	[smem:$0x3FAE] =	sst s8  }
0x11: {  	[smem:$0x3FAF] =	sst s9;
	s0 =	simm.s32 @!p0 $0x0  }
0x12: {  	s1 =	sld [smem:$0x3F95];
	s0 =	simm.s32 @p0 $0x1  }
0x13: {  	[smem:$0x3FB0] =	sst s0;
	s0 =	simm.s32 @!p1 $0x0  }
0x14: {  	s2 =	sld [smem:$0x3F94];
	s0 =	simm.s32 @p1 $0x1  }
0x15: {  	[smem:$0x3FB1] =	sst s0;
	s0 =	simm.s32 @!p2 $0x0  }
0x16: {  	s3 =	sld [smem:$0x3FDB];
	s0 =	simm.s32 @p2 $0x1  }
0x17: {  	s4 =	simm.s32 $0x1BF5;
	[smem:$0x3FB3] =	sst s0  }
0x18: {  	s0 =	sld [smem:$0x3F96];
	_ =	swait.ge [sflag:s4], $0x0  }
0x19: {  	s7 =	sld [smem:$0x3F97]  }
0x1a: {  	s8 =	sadd.s32 $0xFFFFE003, lr  }
0x1b: {  	s9 =	sadd.s32 $0xFFFFFEF7, lr;
	s5 =	simm.s32 $0xFFFFFFFF;
	p2 =	slt.u32 s8, $0xFFFFF086  }
0x1c: {  	p1 =	slt.u32 s9, $0xF7A;
	s5 =	simm.s32 @!p2 $0x0  }
0x1d: {  	s5 =	simm.s32 @p1 $0x1;
	p0 =	seq.s32 s7, s2  }
0x1e: {  	s7 =	smul.u32 @!p0 $0xF7A, s2;
	p2 =	seq.s32 @!p0 s5, $0x0  }
0x1f: {  	s9 =	smul.u32 $0xF7A, s1;
	s8 =	simm.s32 @!p0 $0x1BF5;
	p2 =	por !p2, p0  }
0x20: {  	[sflag:s8] =	ssyncset.s32 @!p0 $0xFFFFF086;
	s6 =	sadd.s32 @!p0 s3, s7;
	s7 =	simm.s32 @!p0 $0x108  }
0x21: {  	s3 =	sadd.s32 s3, s9;
	s6 =	sadd.s32 @!p0 $0x88, s6;
	s7 =	simm.s32 @p2 $0x1082  }
0x22: {  	[simem:s7], [sflag:s8] =	dma.local @!p0 [hbm:s6], $0xF7A  }
0x23: {  	s9 =	sor.u32 $0xD0000000, s2;
	s6 =	simm.s32 $0x108;
	_ =	swait.ge @!p0 [sflag:s8], $0x0  }
0x24: {  	s3 =	sadd.s32 $0x88, s3;
	s6 =	simm.s32 @!p1 $0x1082;
	[sflag:s4] =	ssyncset.s32 $0xFFFFF086  }
0x25: {  	[simem:s6], [sflag:s4] =	dma.local [hbm:s3], $0xF7A  }
0x26: {  	[smem:$0x3F97] =	sst s1;
	(tag) =	ssettag s2;
	_ =	strace s9  }
0x27: {  	s1 =	sld [smem:$0x3FA7]  }
0x28: {  	s2 =	sld [smem:$0x3FA8]  }
0x29: {  	s4 =	sld [smem:$0x3FAA]  }
0x2a: {  	p0 =	seq.s32 s5, $0x0;
	s5 =	sld [smem:$0x3FAB]  }
0x2b: {  	s6 =	sld [smem:$0x3FAC]  }
0x2c: {  	s7 =	sld [smem:$0x3FAD]  }
0x2d: {  	s3 =	simm.s32 $0x108;
	s8 =	sld [smem:$0x3FAE]  }
0x2e: {  	s3 =	simm.s32 @!p0 $0x1082;
	s9 =	sld [smem:$0x3FAF]  }
0x2f: {  	lr =	sadd.s32 s0, s3;
	s0 =	sld [smem:$0x3FA6]  }
0x30: {  	s3 =	sld [smem:$0x3FA9]  }
0x31: {  	[smem:$0x3FB2] =	sst s10  }
0x32: {  	s10 =	sld [smem:$0x3FB0];
	_ =	sdelay $0x3  }
0x33: {  	p0 =	seq.s32 s10, $0x1;
	s10 =	sld [smem:$0x3FB2];
	_ =	sdelay $0x3  }
0x34: {  	[smem:$0x3FB2] =	sst s10  }
0x35: {  	s10 =	sld [smem:$0x3FB1];
	_ =	sdelay $0x3  }
0x36: {  	p1 =	seq.s32 s10, $0x1;
	s10 =	sld [smem:$0x3FB2];
	_ =	sdelay $0x3  }
0x37: {  	[smem:$0x3FB2] =	sst s10  }
0x38: {  	s10 =	sld [smem:$0x3FB3]  }
0x39: {  	_ = 	snop;
	(pc) =	sbr.ind lr, $3  }
0x3a: {  	_ = 	snop  }
0x3b: {  	_ = 	snop  }
0x3c: {  	p2 =	seq.s32 s10, $0x1;
	s10 =	sld [smem:$0x3FB2]  }
0x3d: {  	_ =	shalt  }
0x3e: {  	_ =	shalt  }
0x3f: {  	_ =	shalt  }
0x40: {  	_ =	shalt  }
0x41: {  	_ =	shalt  }
0x42: {  	_ =	shalt  }
0x43: {  	_ =	shalt  }
0x44: {  	_ =	shalt  }
0x45: {  	_ =	shalt  }
0x46: {  	_ =	shalt  }
0x47: {  	_ =	shalt  }
0x48: {  	_ =	shalt  }
0x49: {  	_ =	shalt  }
0x4a: {  	_ =	shalt  }
0x4b: {  	_ =	shalt  }
0x4c: {  	_ =	shalt  }
0x4d: {  	_ =	shalt  }
0x4e: {  	_ =	shalt  }
0x4f: {  	_ =	shalt  }
0x50: {  	_ =	shalt  }
0x51: {  	_ =	shalt  }
0x52: {  	_ =	shalt  }
0x53: {  	_ =	shalt  }
0x54: {  	_ =	shalt  }
0x55: {  	_ =	shalt  }
0x56: {  	_ =	shalt  }
0x57: {  	_ =	shalt  }
0x58: {  	_ =	shalt  }
0x59: {  	_ =	shalt  }
0x5a: {  	_ =	shalt  }
0x5b: {  	_ =	shalt  }
0x5c: {  	_ =	shalt  }
0x5d: {  	_ =	shalt  }
0x5e: {  	_ =	shalt  }
0x5f: {  	_ =	shalt  }
0x60: {  	_ =	shalt  }
0x61: {  	_ =	shalt  }
0x62: {  	_ =	shalt  }
0x63: {  	_ =	shalt  }
0x64: {  	_ =	shalt  }
0x65: {  	_ =	shalt  }
0x66: {  	_ =	shalt  }
0x67: {  	_ =	shalt  }
0x68: {  	_ =	shalt  }
0x69: {  	_ =	shalt  }
0x6a: {  	_ =	shalt  }
0x6b: {  	_ =	shalt  }
0x6c: {  	_ =	shalt  }
0x6d: {  	_ =	shalt  }
0x6e: {  	_ =	shalt  }
0x6f: {  	_ =	shalt  }
0x70: {  	_ =	shalt  }
0x71: {  	_ =	shalt  }
0x72: {  	_ =	shalt  }
0x73: {  	_ =	shalt  }
0x74: {  	_ =	shalt  }
0x75: {  	_ =	shalt  }
0x76: {  	_ =	shalt  }
0x77: {  	_ =	shalt  }
0x78: {  	_ =	shalt  }
0x79: {  	_ =	shalt  }
0x7a: {  	_ =	shalt  }
0x7b: {  	_ =	shalt  }
0x7c: {  	_ =	shalt  }
0x7d: {  	_ =	shalt  }
0x7e: {  	_ =	shalt  }
0x7f: {  	_ =	shalt  }
0x80: {  	_ =	shalt  }
0x81: {  	_ =	shalt  }
0x82: {  	_ =	shalt  }
0x83: {  	_ =	shalt  }
0x84: {  	_ =	shalt  }
0x85: {  	_ =	shalt  }
0x86: {  	_ =	shalt  }
0x87: {  	_ =	shalt  }
.Lfunc_end0:
.L_simem_size_0:
called_computation.2_lowered:
.L_overlay_start_0:
0x88: {  	s2 =	sld [smem:$0x3FD9]  }
0x89: {  	s3 =	sld [smem:$0x3FFE];
	_ =	sdelay $0x1  }
0x8a: {  	s1 =	srdreg.scid  }
0x8b: {  	s0 =	sand.u32 $0x1, s1  }
0x8c: {  	s17 =	sshll.u32 s0, $0xA;
	s2 =	sadd.s32 s3, s2  }
0x8d: {  	s2 =	sadd.s32 s2, s17  }
0x8e: {  	[smem:$0x3FBE] =	sst s2  }
0x8f: {  	_ = 	snop  }
0x90: {  	s18 =	sld [smem:$0x3FC7];
	(tm) =	ssettm $0x1  }
0x91: {  	s19 =	sld [smem:$0x3FFB];
	_ =	sdelay $0x3  }
0x92: {  	_ =	strace s19  }
0x93: {  	s2 =	sld [smem:$0x3FFC];
	_ =	sdelay $0x3  }
0x94: {  	_ =	strace s2  }
0x95: {  	s2 =	sld [smem:$0x3FFD];
	_ =	sdelay $0x3  }
0x96: {  	_ =	strace s2  }
0x97: {  	_ =	strace $0x8FFFFFFF  }
0x98: {  	s20 =	sld [smem:$0x3FDB];
	_ =	sdelay $0x1  }
0x99: {  	s4 =	simm.s32 $_scs_section_size  }
0x9a: {  	s5 =	simm.s32 $_size__tile_overlayer_lowered;
	s6 =	simm.s32 $_tile_overlayer_lowered  }
0x9b: {  	s7 =	simm.s32 $0x1BFF;
	s21 =	sshll.u32 s6, $0x1;
	s4 =	sadd.s32 s4, s20  }
0x9c: {  	s22 =	simm.s32 $0x0;
	s5 =	sshll.u32 s5, $0x1;
	s6 =	sadd.s32 s21, s4  }
0x9d: {  	[timem:s22], [sflag:s7] =	dma.local [hbm:s6], s5  }
0x9e: {  	_ =	swait.ge [sflag:s7], s5  }
0x9f: {  	s5 =	ssub.s32 $0x0, s5;
	[sflag:s7] =	ssyncset.done $0x0  }
0xa0: {  	[sflag:s7] =	ssyncadd.s32 s5;
	_ =	sdelay $0x1  }
0xa1: {  	s23 =	simm.s32 $0x1B8B  }
0xa2: {  	_ =	swait.ge [sflag:s23], $0x1  }
0xa3: {  	[sflag:s23] =	ssyncset.done $0x0  }
0xa4: {  	[sflag:s23] =	ssyncadd.s32 $0xFFFFFFFF  }
0xa5: {  	s5 =	sld [smem:$0x0]  }
0xa6: {  	s6 =	sand.u32 $0xFFFFFFFE, s1  }
0xa7: {  	p0 =	sne.s32 s1, s6  }
0xa8: {  	s6 =	sshll.u32 @p0 s6, $0xE  }
0xa9: {  	s6 =	sadd.s32 @p0 $0x11B8D, s6;
	s7 =	sshll.u32 @p0 s5, $0x11  }
0xaa: {  	s6 =	sor.u32 @p0 s7, s6  }
0xab: {  	[sflag:s6] =	ssyncadd.remote.s32 @p0 $0x1;
	_ =	sdelay $0x1  }
0xac: {  	s6 =	simm.s32 @p0 $0x1B8D  }
0xad: {  	_ =	swait.eq @p0 [sflag:s6], $0x1  }
0xae: {  	[sflag:s6] =	ssyncadd.s32 @p0 $0xFFFFFFFF  }
0xaf: {  	s7 =	sshll.u32 @!p0 s1, $0xE  }
0xb0: {  	s7 =	sor.u32 @!p0 $0x4000, s7;
	s6 =	simm.s32 @!p0 $0x1B8D  }
0xb1: {  	s5 =	sshll.u32 @!p0 s5, $0x11;
	s7 =	sadd.s32 @!p0 $0x11B8D, s7;
	_ =	swait.eq @!p0 [sflag:s6], $0x1  }
0xb2: {  	s5 =	sor.u32 @!p0 s5, s7;
	[sflag:s6] =	ssyncadd.s32 @!p0 $0xFFFFFFFF  }
0xb3: {  	s25 =	simm.s32 $0x1B8E;
	s24 =	sld [smem:$0x3FFE];
	[sflag:s5] =	ssyncadd.remote.s32 @!p0 $0x1  }
0xb4: {  	s26 =	simm.s32 $execute0_lowered;
	[smem:$0x3FD2] =	sst s25  }
0xb5: {  	s6 =	sshll.u32 s26, $0x1;
	_ =	strace $0x80000049;
	[dreg:$0x1] =	wrdreg $0xFFFFFFFF  }
0xb6: {  	s28 =	simm.s32 $_size_execute0_lowered;
	s4 =	sadd.s32 s4, s6;
	[dreg:$0x0] =	wrdreg $0x0  }
0xb7: {  	s6 =	sshll.u32 s28, $0x1;
	[dreg:$0x2] =	wrdreg s4  }
0xb8: {  	[dreg:$0x3] =	wrdreg s6  }
0xb9: {  	[dreg:$0x4] =	wrdreg $0xC0  }
0xba: {  	_ =	task [dreg:s22], $0x5FFFF  }
0xbb: {  	[dreg:$0x1] =	wrdreg $0xFFFFFFFF  }
0xbc: {  	[dreg:$0x0] =	wrdreg $0x60  }
0xbd: {  	[dreg:$0x2] =	wrdreg s18  }
0xbe: {  	[dreg:$0x3] =	wrdreg s24  }
0xbf: {  	[dreg:$0x4] =	wrdreg $0xB  }
0xc0: {  	_ =	task.clear_ibuf [dreg:s22], $0x5FFFF;
	_ =	strace $0x90000049  }
0xc1: {  	s29 =	simm.s32 $0xB;
	_ =	strace $0x8000004B  }
0xc2: {  	_ =	swait.ge [sflag:s29], $0x1  }
0xc3: {  	[sflag:s29] =	ssyncadd.s32 $0xFFFFFFFF  }
0xc4: {  	_ =	strace $0x9000004B  }
0xc5: {  	_ =	sfence  }
0xc6: {  	s30 =	sld [smem:$0x0];
	_ =	sdelay $0x2  }
0xc7: {  	s31 =	sshll.u32 s1, $0xD;
	s1 =	sshrl.u32 s1, $0x2  }
0xc8: {  	s4 =	sand.u32 $0x4000, s31;
	s1 =	sadd.s32 s1, s30  }
0xc9: {  	s0 =	sor.u32 s4, s0;
	s1 =	sshll.u32 s1, $0x11  }
0xca: {  	s0 =	sor.u32 s1, s0  }
0xcb: {  	s0 =	sadd.s32 $0x8F2B, s0  }
0xcc: {  	[sflag:s0] =	ssyncadd.remote.s32 $0x1  }
0xcd: {  	_ =	sfence.sel $0xFFFF  }
0xce: {  	[dreg:$0x0] =	wrdreg $0xFFFFFFFF;
	(pc) =	sbr.abs _section_cstart, $3  }
0xcf: {  	[dreg:$0x1] =	wrdreg $0xFFFFFFFF  }
0xd0: {  	_ =	task.clear_ibuf [dreg:s22], $0x2FFFF;
	_ =	strace $0x9FFFFFFF  }
0xd1: {  	(tm) =	ssettm $0x7FFFFFFF  }
tec
execute0_lowered:
.L_overlay_start_1:
0x0: {  	(tag) =	ssettag $0x1  }
0x1: {  	s4 =	rddreg [dreg:$0x0]  }
0x2: {  	s5 =	rddreg [dreg:$0x1]  }
0x3: {  	s0 =	rddreg [dreg:$0x2]  }
0x4: {  	s2 =	simm.s32 $0x0;
	s3 =	srdreg.scid;
	s1 =	stileid.u32  }
0x5: {  	s9 =	simm.s32 $0x200;
	s10 =	simm.s32 $0x400;
	s11 =	simm.s32 $0x300  }
0x6: {  	v0 =	vlaneseq.u32;
	s12 =	simm.s32 $0x8400;
	s13 =	simm.s32 $0x1;
	s14 =	simm.s32 $0x2  }
0x7: {  	s15 =	simm.s32 $0x1000;
	s16 =	simm.s32 $0x20000;
	s17 =	simm.s32 $0x10400;
	v0 =	vmul.u32 $0x80, v0  }
0x8: {  	[smem:$0x7FF] =	sst s2;
	s3 =	sand.u32 $0x1, s3;
	s6 =	sshll.u32 s1, $0xA  }
0x9: {  	s18 =	simm.s32 $0x0;
	_ =	strace $0x8000004A;
	s7 =	sshll.u32 s3, $0x9;
	v1 =	vor.u32 $0x800, v0;
	v2 =	vor.u32 $0x1000, v0;
	v3 =	vor.u32 $0x1800, v0  }
0xa: {  	s8 =	ssub.s32 $0x2, s3;
	s3 =	sadd.s32 $0x12600, s5;
	s6 =	sor.u32 s7, s6;
	v4 =	vor.u32 $0x2000, v0;
	v5 =	vor.u32 $0x2800, v0;
	v6 =	vor.u32 $0x3000, v0  }
0xb: {  	s31 =	sshrl.u32 s8, $0x1;
	v7 =	vor.u32 $0x3800, v0;
	v8 =	vor.u32 $0x4000, v0;
	v9 =	vor.u32 $0x4800, v0;
	s5 =	sadd.s32 s6, s5;
	s6 =	sshrl.u32 s6, $0x3  }
0xc: {  	v10 =	vor.u32 $0x5000, v0;
	v11 =	vor.u32 $0x5800, v0;
	v12 =	vor.u32 $0x6000, v0;
	s7 =	ssub.s32 s8, s31;
	s8 =	simm.s32 $0x100;
	s4 =	sadd.s32 s4, s6  }
0xd: {  	v13 =	vor.u32 $0x6800, v0;
	v14 =	vor.u32 $0x7000, v0;
	v15 =	vor.u32 $0x7800, v0;
	s5 =	sadd.s32 $0x13600, s5;
	s6 =	smax.u32 s7, $0x1;
	s7 =	simm.s32 $0x3  }
.LBB2_1:
0xe: {  	[tilespmem:s2], [sflag:$0x3] =	stream.linear.gather [hbm4b:s4+s2], $0x200, $0x38;
	[tilespmem:$0x14400] =	vst v63  }
0xf: {  	_ =	swait.ge [sflag:s7], $0x200  }
0x10: {  	[sflag:s7] =	ssyncset.done $0x0  }
0x11: {  	s19 =	simm.s32 $0x0;
	[sflag:s7] =	ssyncadd.s32 $0xFFFFFE00  }
0x12: {  	s20 =	simm.s32 $0x40;
	v16 =	vld [tilespmem:s19+$0x0]  }
.LBB2_2:
0x13: {  	p0 =	sne.s32 s20, $0x7C0  }
.Ltmp0:
0x14: {  	_ = 	snop;
	(pc) =	sbr.rel @p0 .LBB2_2-.Ltmp0, $3  }
0x15: {  	_ =	sdelay $0x1  }
0x16: {  	s21 =	sshra.s32 s20, $0x2;
	s20 =	sadd.s32 $0x40, s20;
	v17 =	vshrl.u32 v16, $0x2  }
0x17: {  	v16 =	vld [tilespmem:s21+$0x0];
	[tilespmem:s19+$0x200] =	vst v17;
	s19 =	smov.u32 s21  }
0x18: {  	_ =	sdelay $0x3  }
0x19: {  	v16 =	vshrl.u32 v16, $0x2  }
0x1a: {  	[tilespmem:s19+$0x200] =	vst v16  }
0x1b: {  	[tilespmem:s10], [sflag:$0x1] =	stream.indirect.gather [hbm4b:s3+s8], $0x80, s9, s8, $0xb8;
	[tilespmem:$0x14400] =	vst v63  }
0x1c: {  	_ = 	snop  }
0x1d: {  	[tilespmem:s12], [sflag:$0x2] =	stream.indirect.gather [hbm4b:s3+s8], $0x80, s11, s8, $0xb8;
	[tilespmem:$0x14400] =	vst v63  }
0x1e: {  	_ =	swait.ge [sflag:s13], $0x8000  }
0x1f: {  	s20 =	simm.s32 $0x0;
	[sflag:s13] =	ssyncset.done $0x0  }
0x20: {  	s21 =	simm.s32 $0x0;
	s19 =	simm.s32 $0x0;
	[sflag:s13] =	ssyncadd.s32 $0xFFFF8000  }
.LBB2_4:
0x21: {  	v16 =	vld [tilespmem:$0x0];
	_ =	sdelay $0x4  }
0x22: {  	v16 =	vshll.u32 v16, $0x5  }
0x23: {  	v16 =	vand.u32 $0x60, v16  }
0x24: {  	v16 =	vor.u32 s21, v16  }
0x25: {  	v16 =	vor.u32 v0, v16;
	_ =	sdelay $0x4  }
0x26: {  	v16 =	vld.idx.msk [tilespmem:v16+s10+$0x0], $0xffff;
	_ =	sdelay $0x2  }
0x27: {  	s22 =	sand.u32 $0x3000, s19;
	s23 =	sand.u32 $0x380, s20  }
0x28: {  	s22 =	sor.u32 s23, s22  }
0x29: {  	[tilespmem:s22+$0x10400] =	vst v16  }
0x2a: {  	v16 =	vld [tilespmem:$0x10];
	_ =	sdelay $0x4  }
0x2b: {  	v16 =	vshll.u32 v16, $0x5  }
0x2c: {  	v16 =	vand.u32 $0x60, v16  }
0x2d: {  	v16 =	vor.u32 s21, v16  }
0x2e: {  	v16 =	vor.u32 v1, v16;
	_ =	sdelay $0x4  }
0x2f: {  	v16 =	vld.idx.msk [tilespmem:v16+s10+$0x0], $0xffff;
	_ =	sdelay $0x4  }
0x30: {  	[tilespmem:s22+$0x10410] =	vst v16  }
0x31: {  	v16 =	vld [tilespmem:$0x20];
	_ =	sdelay $0x4  }
0x32: {  	v16 =	vshll.u32 v16, $0x5  }
0x33: {  	v16 =	vand.u32 $0x60, v16  }
0x34: {  	v16 =	vor.u32 s21, v16  }
0x35: {  	v16 =	vor.u32 v2, v16;
	_ =	sdelay $0x4  }
0x36: {  	v16 =	vld.idx.msk [tilespmem:v16+s10+$0x0], $0xffff;
	_ =	sdelay $0x4  }
0x37: {  	[tilespmem:s22+$0x10420] =	vst v16  }
0x38: {  	v16 =	vld [tilespmem:$0x30];
	_ =	sdelay $0x4  }
0x39: {  	v16 =	vshll.u32 v16, $0x5  }
0x3a: {  	v16 =	vand.u32 $0x60, v16  }
0x3b: {  	v16 =	vor.u32 s21, v16  }
0x3c: {  	v16 =	vor.u32 v3, v16;
	_ =	sdelay $0x4  }
0x3d: {  	v16 =	vld.idx.msk [tilespmem:v16+s10+$0x0], $0xffff;
	_ =	sdelay $0x4  }
0x3e: {  	[tilespmem:s22+$0x10430] =	vst v16  }
0x3f: {  	v16 =	vld [tilespmem:$0x40];
	_ =	sdelay $0x4  }
0x40: {  	v16 =	vshll.u32 v16, $0x5  }
0x41: {  	v16 =	vand.u32 $0x60, v16  }
0x42: {  	v16 =	vor.u32 s21, v16  }
0x43: {  	v16 =	vor.u32 v4, v16;
	_ =	sdelay $0x4  }
0x44: {  	v16 =	vld.idx.msk [tilespmem:v16+s10+$0x0], $0xffff;
	_ =	sdelay $0x4  }
0x45: {  	[tilespmem:s22+$0x10440] =	vst v16  }
0x46: {  	v16 =	vld [tilespmem:$0x50];
	_ =	sdelay $0x4  }
0x47: {  	v16 =	vshll.u32 v16, $0x5  }
0x48: {  	v16 =	vand.u32 $0x60, v16  }
0x49: {  	v16 =	vor.u32 s21, v16  }
0x4a: {  	v16 =	vor.u32 v5, v16;
	_ =	sdelay $0x4  }
0x4b: {  	v16 =	vld.idx.msk [tilespmem:v16+s10+$0x0], $0xffff;
	_ =	sdelay $0x4  }
0x4c: {  	[tilespmem:s22+$0x10450] =	vst v16  }
0x4d: {  	v16 =	vld [tilespmem:$0x60];
	_ =	sdelay $0x4  }
0x4e: {  	v16 =	vshll.u32 v16, $0x5  }
0x4f: {  	v16 =	vand.u32 $0x60, v16  }
0x50: {  	v16 =	vor.u32 s21, v16  }
0x51: {  	v16 =	vor.u32 v6, v16;
	_ =	sdelay $0x4  }
0x52: {  	v16 =	vld.idx.msk [tilespmem:v16+s10+$0x0], $0xffff;
	_ =	sdelay $0x4  }
0x53: {  	[tilespmem:s22+$0x10460] =	vst v16  }
0x54: {  	v16 =	vld [tilespmem:$0x70];
	_ =	sdelay $0x4  }
0x55: {  	v16 =	vshll.u32 v16, $0x5  }
0x56: {  	v16 =	vand.u32 $0x60, v16  }
0x57: {  	v16 =	vor.u32 s21, v16  }
0x58: {  	v16 =	vor.u32 v7, v16;
	_ =	sdelay $0x4  }
0x59: {  	v16 =	vld.idx.msk [tilespmem:v16+s10+$0x0], $0xffff;
	_ =	sdelay $0x4  }
0x5a: {  	[tilespmem:s22+$0x10470] =	vst v16  }
0x5b: {  	v16 =	vld [tilespmem:$0x80];
	_ =	sdelay $0x4  }
0x5c: {  	v16 =	vshll.u32 v16, $0x5  }
0x5d: {  	v16 =	vand.u32 $0x60, v16  }
0x5e: {  	v16 =	vor.u32 s21, v16  }
0x5f: {  	v16 =	vor.u32 v8, v16;
	_ =	sdelay $0x4  }
0x60: {  	v16 =	vld.idx.msk [tilespmem:v16+s10+$0x0], $0xffff;
	_ =	sdelay $0x4  }
0x61: {  	[tilespmem:s22+$0x10800] =	vst v16  }
0x62: {  	v16 =	vld [tilespmem:$0x90];
	_ =	sdelay $0x4  }
0x63: {  	v16 =	vshll.u32 v16, $0x5  }
0x64: {  	v16 =	vand.u32 $0x60, v16  }
0x65: {  	v16 =	vor.u32 s21, v16  }
0x66: {  	v16 =	vor.u32 v9, v16;
	_ =	sdelay $0x4  }
0x67: {  	v16 =	vld.idx.msk [tilespmem:v16+s10+$0x0], $0xffff;
	_ =	sdelay $0x4  }
0x68: {  	[tilespmem:s22+$0x10810] =	vst v16  }
0x69: {  	v16 =	vld [tilespmem:$0xA0];
	_ =	sdelay $0x4  }
0x6a: {  	v16 =	vshll.u32 v16, $0x5  }
0x6b: {  	v16 =	vand.u32 $0x60, v16  }
0x6c: {  	v16 =	vor.u32 s21, v16  }
0x6d: {  	v16 =	vor.u32 v10, v16;
	_ =	sdelay $0x4  }
0x6e: {  	v16 =	vld.idx.msk [tilespmem:v16+s10+$0x0], $0xffff;
	_ =	sdelay $0x4  }
0x6f: {  	[tilespmem:s22+$0x10820] =	vst v16  }
0x70: {  	v16 =	vld [tilespmem:$0xB0];
	_ =	sdelay $0x4  }
0x71: {  	v16 =	vshll.u32 v16, $0x5  }
0x72: {  	v16 =	vand.u32 $0x60, v16  }
0x73: {  	v16 =	vor.u32 s21, v16  }
0x74: {  	v16 =	vor.u32 v11, v16;
	_ =	sdelay $0x4  }
0x75: {  	v16 =	vld.idx.msk [tilespmem:v16+s10+$0x0], $0xffff;
	_ =	sdelay $0x4  }
0x76: {  	[tilespmem:s22+$0x10830] =	vst v16  }
0x77: {  	v16 =	vld [tilespmem:$0xC0];
	_ =	sdelay $0x4  }
0x78: {  	v16 =	vshll.u32 v16, $0x5  }
0x79: {  	v16 =	vand.u32 $0x60, v16  }
0x7a: {  	v16 =	vor.u32 s21, v16  }
0x7b: {  	v16 =	vor.u32 v12, v16;
	_ =	sdelay $0x4  }
0x7c: {  	v16 =	vld.idx.msk [tilespmem:v16+s10+$0x0], $0xffff;
	_ =	sdelay $0x4  }
0x7d: {  	[tilespmem:s22+$0x10840] =	vst v16  }
0x7e: {  	v16 =	vld [tilespmem:$0xD0];
	_ =	sdelay $0x4  }
0x7f: {  	v16 =	vshll.u32 v16, $0x5  }
0x80: {  	v16 =	vand.u32 $0x60, v16  }
0x81: {  	v16 =	vor.u32 s21, v16  }
0x82: {  	v16 =	vor.u32 v13, v16;
	_ =	sdelay $0x4  }
0x83: {  	v16 =	vld.idx.msk [tilespmem:v16+s10+$0x0], $0xffff;
	_ =	sdelay $0x4  }
0x84: {  	[tilespmem:s22+$0x10850] =	vst v16  }
0x85: {  	v16 =	vld [tilespmem:$0xE0];
	_ =	sdelay $0x4  }
0x86: {  	v16 =	vshll.u32 v16, $0x5  }
0x87: {  	v16 =	vand.u32 $0x60, v16  }
0x88: {  	v16 =	vor.u32 s21, v16  }
0x89: {  	v16 =	vor.u32 v14, v16;
	_ =	sdelay $0x4  }
0x8a: {  	v16 =	vld.idx.msk [tilespmem:v16+s10+$0x0], $0xffff;
	_ =	sdelay $0x4  }
0x8b: {  	[tilespmem:s22+$0x10860] =	vst v16  }
0x8c: {  	v16 =	vld [tilespmem:$0xF0];
	_ =	sdelay $0x4  }
0x8d: {  	v16 =	vshll.u32 v16, $0x5  }
0x8e: {  	v16 =	vand.u32 $0x60, v16  }
0x8f: {  	v16 =	vor.u32 s21, v16  }
0x90: {  	v16 =	vor.u32 v15, v16;
	_ =	sdelay $0x4  }
0x91: {  	p0 =	sne.s32 s21, $0x1F;
	v16 =	vld.idx.msk [tilespmem:v16+s10+$0x0], $0xffff  }
.Ltmp1:
0x92: {  	_ = 	snop;
	(pc) =	sbr.rel @p0 .LBB2_4-.Ltmp1, $2  }
0x93: {  	_ =	sdelay $0x2  }
0x94: {  	s20 =	sadd.s32 $0x80, s20;
	s19 =	sadd.s32 $0x200, s19;
	s21 =	sadd.s32 $0x1, s21;
	[tilespmem:s22+$0x10870] =	vst v16  }
0x95: {  	_ =	swait.ge [sflag:s14], $0x8000  }
0x96: {  	s19 =	simm.s32 $0x0;
	[sflag:s14] =	ssyncset.done $0x0  }
0x97: {  	s20 =	simm.s32 $0x0;
	s21 =	simm.s32 $0x0;
	[sflag:s14] =	ssyncadd.s32 $0xFFFF8000  }
.LBB2_6:
0x98: {  	v16 =	vld [tilespmem:$0x100];
	_ =	sdelay $0x4  }
0x99: {  	v16 =	vshll.u32 v16, $0x5  }
0x9a: {  	v16 =	vand.u32 $0x60, v16  }
0x9b: {  	v16 =	vor.u32 s21, v16  }
0x9c: {  	v16 =	vor.u32 v0, v16;
	_ =	sdelay $0x4  }
0x9d: {  	v16 =	vld.idx.msk [tilespmem:v16+s12+$0x0], $0xffff;
	_ =	sdelay $0x2  }
0x9e: {  	s22 =	sand.u32 $0x3000, s19;
	s23 =	sand.u32 $0x380, s20  }
0x9f: {  	s22 =	sor.u32 s23, s22  }
0xa0: {  	[tilespmem:s22+$0x10C00] =	vst v16  }
0xa1: {  	v16 =	vld [tilespmem:$0x110];
	_ =	sdelay $0x4  }
0xa2: {  	v16 =	vshll.u32 v16, $0x5  }
0xa3: {  	v16 =	vand.u32 $0x60, v16  }
0xa4: {  	v16 =	vor.u32 s21, v16  }
0xa5: {  	v16 =	vor.u32 v1, v16;
	_ =	sdelay $0x4  }
0xa6: {  	v16 =	vld.idx.msk [tilespmem:v16+s12+$0x0], $0xffff;
	_ =	sdelay $0x4  }
0xa7: {  	[tilespmem:s22+$0x10C10] =	vst v16  }
0xa8: {  	v16 =	vld [tilespmem:$0x120];
	_ =	sdelay $0x4  }
0xa9: {  	v16 =	vshll.u32 v16, $0x5  }
0xaa: {  	v16 =	vand.u32 $0x60, v16  }
0xab: {  	v16 =	vor.u32 s21, v16  }
0xac: {  	v16 =	vor.u32 v2, v16;
	_ =	sdelay $0x4  }
0xad: {  	v16 =	vld.idx.msk [tilespmem:v16+s12+$0x0], $0xffff;
	_ =	sdelay $0x4  }
0xae: {  	[tilespmem:s22+$0x10C20] =	vst v16  }
0xaf: {  	v16 =	vld [tilespmem:$0x130];
	_ =	sdelay $0x4  }
0xb0: {  	v16 =	vshll.u32 v16, $0x5  }
0xb1: {  	v16 =	vand.u32 $0x60, v16  }
0xb2: {  	v16 =	vor.u32 s21, v16  }
0xb3: {  	v16 =	vor.u32 v3, v16;
	_ =	sdelay $0x4  }
0xb4: {  	v16 =	vld.idx.msk [tilespmem:v16+s12+$0x0], $0xffff;
	_ =	sdelay $0x4  }
0xb5: {  	[tilespmem:s22+$0x10C30] =	vst v16  }
0xb6: {  	v16 =	vld [tilespmem:$0x140];
	_ =	sdelay $0x4  }
0xb7: {  	v16 =	vshll.u32 v16, $0x5  }
0xb8: {  	v16 =	vand.u32 $0x60, v16  }
0xb9: {  	v16 =	vor.u32 s21, v16  }
0xba: {  	v16 =	vor.u32 v4, v16;
	_ =	sdelay $0x4  }
0xbb: {  	v16 =	vld.idx.msk [tilespmem:v16+s12+$0x0], $0xffff;
	_ =	sdelay $0x4  }
0xbc: {  	[tilespmem:s22+$0x10C40] =	vst v16  }
0xbd: {  	v16 =	vld [tilespmem:$0x150];
	_ =	sdelay $0x4  }
0xbe: {  	v16 =	vshll.u32 v16, $0x5  }
0xbf: {  	v16 =	vand.u32 $0x60, v16  }
0xc0: {  	v16 =	vor.u32 s21, v16  }
0xc1: {  	v16 =	vor.u32 v5, v16;
	_ =	sdelay $0x4  }
0xc2: {  	v16 =	vld.idx.msk [tilespmem:v16+s12+$0x0], $0xffff;
	_ =	sdelay $0x4  }
0xc3: {  	[tilespmem:s22+$0x10C50] =	vst v16  }
0xc4: {  	v16 =	vld [tilespmem:$0x160];
	_ =	sdelay $0x4  }
0xc5: {  	v16 =	vshll.u32 v16, $0x5  }
0xc6: {  	v16 =	vand.u32 $0x60, v16  }
0xc7: {  	v16 =	vor.u32 s21, v16  }
0xc8: {  	v16 =	vor.u32 v6, v16;
	_ =	sdelay $0x4  }
0xc9: {  	v16 =	vld.idx.msk [tilespmem:v16+s12+$0x0], $0xffff;
	_ =	sdelay $0x4  }
0xca: {  	[tilespmem:s22+$0x10C60] =	vst v16  }
0xcb: {  	v16 =	vld [tilespmem:$0x170];
	_ =	sdelay $0x4  }
0xcc: {  	v16 =	vshll.u32 v16, $0x5  }
0xcd: {  	v16 =	vand.u32 $0x60, v16  }
0xce: {  	v16 =	vor.u32 s21, v16  }
0xcf: {  	v16 =	vor.u32 v7, v16;
	_ =	sdelay $0x4  }
0xd0: {  	v16 =	vld.idx.msk [tilespmem:v16+s12+$0x0], $0xffff;
	_ =	sdelay $0x4  }
0xd1: {  	[tilespmem:s22+$0x10C70] =	vst v16  }
0xd2: {  	v16 =	vld [tilespmem:$0x180];
	_ =	sdelay $0x4  }
0xd3: {  	v16 =	vshll.u32 v16, $0x5  }
0xd4: {  	v16 =	vand.u32 $0x60, v16  }
0xd5: {  	v16 =	vor.u32 s21, v16  }
0xd6: {  	v16 =	vor.u32 v8, v16;
	_ =	sdelay $0x4  }
0xd7: {  	v16 =	vld.idx.msk [tilespmem:v16+s12+$0x0], $0xffff;
	_ =	sdelay $0x4  }
0xd8: {  	[tilespmem:s22+$0x11000] =	vst v16  }
0xd9: {  	v16 =	vld [tilespmem:$0x190];
	_ =	sdelay $0x4  }
0xda: {  	v16 =	vshll.u32 v16, $0x5  }
0xdb: {  	v16 =	vand.u32 $0x60, v16  }
0xdc: {  	v16 =	vor.u32 s21, v16  }
0xdd: {  	v16 =	vor.u32 v9, v16;
	_ =	sdelay $0x4  }
0xde: {  	v16 =	vld.idx.msk [tilespmem:v16+s12+$0x0], $0xffff;
	_ =	sdelay $0x4  }
0xdf: {  	[tilespmem:s22+$0x11010] =	vst v16  }
0xe0: {  	v16 =	vld [tilespmem:$0x1A0];
	_ =	sdelay $0x4  }
0xe1: {  	v16 =	vshll.u32 v16, $0x5  }
0xe2: {  	v16 =	vand.u32 $0x60, v16  }
0xe3: {  	v16 =	vor.u32 s21, v16  }
0xe4: {  	v16 =	vor.u32 v10, v16;
	_ =	sdelay $0x4  }
0xe5: {  	v16 =	vld.idx.msk [tilespmem:v16+s12+$0x0], $0xffff;
	_ =	sdelay $0x4  }
0xe6: {  	[tilespmem:s22+$0x11020] =	vst v16  }
0xe7: {  	v16 =	vld [tilespmem:$0x1B0];
	_ =	sdelay $0x4  }
0xe8: {  	v16 =	vshll.u32 v16, $0x5  }
0xe9: {  	v16 =	vand.u32 $0x60, v16  }
0xea: {  	v16 =	vor.u32 s21, v16  }
0xeb: {  	v16 =	vor.u32 v11, v16;
	_ =	sdelay $0x4  }
0xec: {  	v16 =	vld.idx.msk [tilespmem:v16+s12+$0x0], $0xffff;
	_ =	sdelay $0x4  }
0xed: {  	[tilespmem:s22+$0x11030] =	vst v16  }
0xee: {  	v16 =	vld [tilespmem:$0x1C0];
	_ =	sdelay $0x4  }
0xef: {  	v16 =	vshll.u32 v16, $0x5  }
0xf0: {  	v16 =	vand.u32 $0x60, v16  }
0xf1: {  	v16 =	vor.u32 s21, v16  }
0xf2: {  	v16 =	vor.u32 v12, v16;
	_ =	sdelay $0x4  }
0xf3: {  	v16 =	vld.idx.msk [tilespmem:v16+s12+$0x0], $0xffff;
	_ =	sdelay $0x4  }
0xf4: {  	[tilespmem:s22+$0x11040] =	vst v16  }
0xf5: {  	v16 =	vld [tilespmem:$0x1D0];
	_ =	sdelay $0x4  }
0xf6: {  	v16 =	vshll.u32 v16, $0x5  }
0xf7: {  	v16 =	vand.u32 $0x60, v16  }
0xf8: {  	v16 =	vor.u32 s21, v16  }
0xf9: {  	v16 =	vor.u32 v13, v16;
	_ =	sdelay $0x4  }
0xfa: {  	v16 =	vld.idx.msk [tilespmem:v16+s12+$0x0], $0xffff;
	_ =	sdelay $0x4  }
0xfb: {  	[tilespmem:s22+$0x11050] =	vst v16  }
0xfc: {  	v16 =	vld [tilespmem:$0x1E0];
	_ =	sdelay $0x4  }
0xfd: {  	v16 =	vshll.u32 v16, $0x5  }
0xfe: {  	v16 =	vand.u32 $0x60, v16  }
0xff: {  	v16 =	vor.u32 s21, v16  }
0x100: {  	v16 =	vor.u32 v14, v16;
	_ =	sdelay $0x4  }
0x101: {  	v16 =	vld.idx.msk [tilespmem:v16+s12+$0x0], $0xffff;
	_ =	sdelay $0x4  }
0x102: {  	[tilespmem:s22+$0x11060] =	vst v16  }
0x103: {  	v16 =	vld [tilespmem:$0x1F0];
	_ =	sdelay $0x4  }
0x104: {  	v16 =	vshll.u32 v16, $0x5  }
0x105: {  	v16 =	vand.u32 $0x60, v16  }
0x106: {  	v16 =	vor.u32 s21, v16  }
0x107: {  	v16 =	vor.u32 v15, v16;
	_ =	sdelay $0x4  }
0x108: {  	p0 =	sne.s32 s21, $0x1F;
	v16 =	vld.idx.msk [tilespmem:v16+s12+$0x0], $0xffff  }
.Ltmp2:
0x109: {  	_ = 	snop;
	(pc) =	sbr.rel @p0 .LBB2_6-.Ltmp2, $2  }
0x10a: {  	_ =	sdelay $0x2  }
0x10b: {  	s20 =	sadd.s32 $0x80, s20;
	s19 =	sadd.s32 $0x200, s19;
	s21 =	sadd.s32 $0x1, s21;
	[tilespmem:s22+$0x11070] =	vst v16  }
0x10c: {  	s18 =	sadd.s32 $0x1, s18  }
0x10d: {  	p0 =	sne.s32 s18, s6  }
.Ltmp3:
0x10e: {  	_ = 	snop;
	(pc) =	sbr.rel @p0 .LBB2_1-.Ltmp3, $4  }
0x10f: {  	[hbm4b:s5+s15] =	stream.strided.scatter [tilespmem:s17], [sflag:$0x3], $0x4000, s16, s15, $0x38;
	[tilespmem:$0x14400] =	vst v63  }
0x110: {  	_ =	swait.ge [sflag:s7], $0x4000  }
0x111: {  	[sflag:s7] =	ssyncset.done $0x0  }
0x112: {  	[sflag:s7] =	ssyncadd.s32 $0xFFFFC000  }
0x113: {  	_ =	sfence.sel $0x180000  }
0x114: {  	[bflag:$0x0] =	sbarrier.arrive $0xFFFF  }
0x115: {  	p0 =	sne.s32 s1, $0x0;
	_ =	strace $0x9000004A  }
0x116: {  	s0 =	sadd.s32 @!p0 $0x100000, s0;
	[bflag:$0x2] =	sbarrier.arrive $0xFFFF  }
0x117: {  	[sflag:s0] =	ssyncadd.tile.s32 @!p0 $0x1;
	_ =	shalt  }
.Lfunc_end2:
_tile_overlayer_lowered:
.L_overlay_start_2:
0x118: {  	(tag) =	ssettag $0x2  }
0x119: {  	s0 =	rddreg [dreg:$0x0];
	s2 =	stileid.u32  }
0x11a: {  	s1 =	rddreg [dreg:$0x1];
	p0 =	sne.s32 s2, $0x0  }
0x11b: {  	s3 =	rddreg [dreg:$0x2];
	[bflag:$0x3] =	sbarrier.arrive $0xFFFF;
	s2 =	simm.s32 @!p0 $0x1C03  }
0x11c: {  	[timem:s3], [sflag:s2] =	dma.local @!p0 [hbm:s0], s1  }
0x11d: {  	s0 =	simm.s32 @!p0 $0x3  }
0x11e: {  	_ =	swait.ge @!p0 [sflag:s0], s1  }
0x11f: {  	s1 =	ssub.s32 @!p0 $0x0, s1;
	[sflag:s0] =	ssyncset.done @!p0 $0x0  }
0x120: {  	[sflag:s0] =	ssyncadd.s32 @!p0 s1  }
0x121: {  	[bflag:$0x3] =	sbarrier.arrive $0xFFFF  }
0x122: {  	_ =	shalt  }

// kernel: kernel.16.cloned.1.call-start
scs
__scs_entry_jumppad:
0x0: {  	(pc) =	sbr.rel $0x88, $3  }
0x1: {  	(tag) =	ssettag $0x0;
	lr =	simm.s32 $0x1  }
0x2: {  	[smem:$0x3F97] =	sst lr;
	_ =	strace $0xD0000000  }
0x3: {  	_ = 	snop  }
0x4: {  	_ = 	snop  }
0x5: {  	_ = 	snop  }
0x6: {  	_ = 	snop  }
0x7: {  	_ = 	snop  }
__scs_overlays_trampoline_lowered:
0x8: {  	[smem:$0x3FA6] =	sst s0  }
0x9: {  	[smem:$0x3FA7] =	sst s1  }
0xa: {  	[smem:$0x3FA8] =	sst s2  }
0xb: {  	[smem:$0x3FA9] =	sst s3  }
0xc: {  	[smem:$0x3FAA] =	sst s4  }
0xd: {  	[smem:$0x3FAB] =	sst s5  }
0xe: {  	[smem:$0x3FAC] =	sst s6  }
0xf: {  	[smem:$0x3FAD] =	sst s7  }
0x10: {  	[smem:$0x3FAE] =	sst s8  }
0x11: {  	[smem:$0x3FAF] =	sst s9;
	s0 =	simm.s32 @!p0 $0x0  }
0x12: {  	s1 =	sld [smem:$0x3F95];
	s0 =	simm.s32 @p0 $0x1  }
0x13: {  	[smem:$0x3FB0] =	sst s0;
	s0 =	simm.s32 @!p1 $0x0  }
0x14: {  	s2 =	sld [smem:$0x3F94];
	s0 =	simm.s32 @p1 $0x1  }
0x15: {  	[smem:$0x3FB1] =	sst s0;
	s0 =	simm.s32 @!p2 $0x0  }
0x16: {  	s3 =	sld [smem:$0x3FDB];
	s0 =	simm.s32 @p2 $0x1  }
0x17: {  	s4 =	simm.s32 $0x1BF5;
	[smem:$0x3FB3] =	sst s0  }
0x18: {  	s0 =	sld [smem:$0x3F96];
	_ =	swait.ge [sflag:s4], $0x0  }
0x19: {  	s7 =	sld [smem:$0x3F97]  }
0x1a: {  	s8 =	sadd.s32 $0xFFFFE003, lr  }
0x1b: {  	s9 =	sadd.s32 $0xFFFFFEF7, lr;
	s5 =	simm.s32 $0xFFFFFFFF;
	p2 =	slt.u32 s8, $0xFFFFF086  }
0x1c: {  	p1 =	slt.u32 s9, $0xF7A;
	s5 =	simm.s32 @!p2 $0x0  }
0x1d: {  	s5 =	simm.s32 @p1 $0x1;
	p0 =	seq.s32 s7, s2  }
0x1e: {  	s7 =	smul.u32 @!p0 $0xF7A, s2;
	p2 =	seq.s32 @!p0 s5, $0x0  }
0x1f: {  	s9 =	smul.u32 $0xF7A, s1;
	s8 =	simm.s32 @!p0 $0x1BF5;
	p2 =	por !p2, p0  }
0x20: {  	[sflag:s8] =	ssyncset.s32 @!p0 $0xFFFFF086;
	s6 =	sadd.s32 @!p0 s3, s7;
	s7 =	simm.s32 @!p0 $0x108  }
0x21: {  	s3 =	sadd.s32 s3, s9;
	s6 =	sadd.s32 @!p0 $0x88, s6;
	s7 =	simm.s32 @p2 $0x1082  }
0x22: {  	[simem:s7], [sflag:s8] =	dma.local @!p0 [hbm:s6], $0xF7A  }
0x23: {  	s9 =	sor.u32 $0xD0000000, s2;
	s6 =	simm.s32 $0x108;
	_ =	swait.ge @!p0 [sflag:s8], $0x0  }
0x24: {  	s3 =	sadd.s32 $0x88, s3;
	s6 =	simm.s32 @!p1 $0x1082;
	[sflag:s4] =	ssyncset.s32 $0xFFFFF086  }
0x25: {  	[simem:s6], [sflag:s4] =	dma.local [hbm:s3], $0xF7A  }
0x26: {  	[smem:$0x3F97] =	sst s1;
	(tag) =	ssettag s2;
	_ =	strace s9  }
0x27: {  	s1 =	sld [smem:$0x3FA7]  }
0x28: {  	s2 =	sld [smem:$0x3FA8]  }
0x29: {  	s4 =	sld [smem:$0x3FAA]  }
0x2a: {  	p0 =	seq.s32 s5, $0x0;
	s5 =	sld [smem:$0x3FAB]  }
0x2b: {  	s6 =	sld [smem:$0x3FAC]  }
0x2c: {  	s7 =	sld [smem:$0x3FAD]  }
0x2d: {  	s3 =	simm.s32 $0x108;
	s8 =	sld [smem:$0x3FAE]  }
0x2e: {  	s3 =	simm.s32 @!p0 $0x1082;
	s9 =	sld [smem:$0x3FAF]  }
0x2f: {  	lr =	sadd.s32 s0, s3;
	s0 =	sld [smem:$0x3FA6]  }
0x30: {  	s3 =	sld [smem:$0x3FA9]  }
0x31: {  	[smem:$0x3FB2] =	sst s10  }
0x32: {  	s10 =	sld [smem:$0x3FB0];
	_ =	sdelay $0x3  }
0x33: {  	p0 =	seq.s32 s10, $0x1;
	s10 =	sld [smem:$0x3FB2];
	_ =	sdelay $0x3  }
0x34: {  	[smem:$0x3FB2] =	sst s10  }
0x35: {  	s10 =	sld [smem:$0x3FB1];
	_ =	sdelay $0x3  }
0x36: {  	p1 =	seq.s32 s10, $0x1;
	s10 =	sld [smem:$0x3FB2];
	_ =	sdelay $0x3  }
0x37: {  	[smem:$0x3FB2] =	sst s10  }
0x38: {  	s10 =	sld [smem:$0x3FB3]  }
0x39: {  	_ = 	snop;
	(pc) =	sbr.ind lr, $3  }
0x3a: {  	_ = 	snop  }
0x3b: {  	_ = 	snop  }
0x3c: {  	p2 =	seq.s32 s10, $0x1;
	s10 =	sld [smem:$0x3FB2]  }
0x3d: {  	_ =	shalt  }
0x3e: {  	_ =	shalt  }
0x3f: {  	_ =	shalt  }
0x40: {  	_ =	shalt  }
0x41: {  	_ =	shalt  }
0x42: {  	_ =	shalt  }
0x43: {  	_ =	shalt  }
0x44: {  	_ =	shalt  }
0x45: {  	_ =	shalt  }
0x46: {  	_ =	shalt  }
0x47: {  	_ =	shalt  }
0x48: {  	_ =	shalt  }
0x49: {  	_ =	shalt  }
0x4a: {  	_ =	shalt  }
0x4b: {  	_ =	shalt  }
0x4c: {  	_ =	shalt  }
0x4d: {  	_ =	shalt  }
0x4e: {  	_ =	shalt  }
0x4f: {  	_ =	shalt  }
0x50: {  	_ =	shalt  }
0x51: {  	_ =	shalt  }
0x52: {  	_ =	shalt  }
0x53: {  	_ =	shalt  }
0x54: {  	_ =	shalt  }
0x55: {  	_ =	shalt  }
0x56: {  	_ =	shalt  }
0x57: {  	_ =	shalt  }
0x58: {  	_ =	shalt  }
0x59: {  	_ =	shalt  }
0x5a: {  	_ =	shalt  }
0x5b: {  	_ =	shalt  }
0x5c: {  	_ =	shalt  }
0x5d: {  	_ =	shalt  }
0x5e: {  	_ =	shalt  }
0x5f: {  	_ =	shalt  }
0x60: {  	_ =	shalt  }
0x61: {  	_ =	shalt  }
0x62: {  	_ =	shalt  }
0x63: {  	_ =	shalt  }
0x64: {  	_ =	shalt  }
0x65: {  	_ =	shalt  }
0x66: {  	_ =	shalt  }
0x67: {  	_ =	shalt  }
0x68: {  	_ =	shalt  }
0x69: {  	_ =	shalt  }
0x6a: {  	_ =	shalt  }
0x6b: {  	_ =	shalt  }
0x6c: {  	_ =	shalt  }
0x6d: {  	_ =	shalt  }
0x6e: {  	_ =	shalt  }
0x6f: {  	_ =	shalt  }
0x70: {  	_ =	shalt  }
0x71: {  	_ =	shalt  }
0x72: {  	_ =	shalt  }
0x73: {  	_ =	shalt  }
0x74: {  	_ =	shalt  }
0x75: {  	_ =	shalt  }
0x76: {  	_ =	shalt  }
0x77: {  	_ =	shalt  }
0x78: {  	_ =	shalt  }
0x79: {  	_ =	shalt  }
0x7a: {  	_ =	shalt  }
0x7b: {  	_ =	shalt  }
0x7c: {  	_ =	shalt  }
0x7d: {  	_ =	shalt  }
0x7e: {  	_ =	shalt  }
0x7f: {  	_ =	shalt  }
0x80: {  	_ =	shalt  }
0x81: {  	_ =	shalt  }
0x82: {  	_ =	shalt  }
0x83: {  	_ =	shalt  }
0x84: {  	_ =	shalt  }
0x85: {  	_ =	shalt  }
0x86: {  	_ =	shalt  }
0x87: {  	_ =	shalt  }
.Lfunc_end0:
.L_simem_size_0:
called_computation.3_lowered:
.L_overlay_start_0:
0x88: {  	s2 =	sld [smem:$0x3FD9]  }
0x89: {  	s3 =	sld [smem:$0x3FFE];
	_ =	sdelay $0x1  }
0x8a: {  	s1 =	srdreg.scid  }
0x8b: {  	s0 =	sand.u32 $0x1, s1  }
0x8c: {  	s17 =	sshll.u32 s0, $0xA;
	s2 =	sadd.s32 s3, s2  }
0x8d: {  	s2 =	sadd.s32 s2, s17  }
0x8e: {  	[smem:$0x3FBE] =	sst s2  }
0x8f: {  	_ = 	snop  }
0x90: {  	s18 =	sld [smem:$0x3FC6]  }
0x91: {  	s4 =	sld [smem:$0x3FC2];
	(tm) =	ssettm $0x1  }
0x92: {  	s19 =	sld [smem:$0x3FFB];
	_ =	sdelay $0x3  }
0x93: {  	_ =	strace s19  }
0x94: {  	s2 =	sld [smem:$0x3FFC];
	_ =	sdelay $0x3  }
0x95: {  	_ =	strace s2  }
0x96: {  	s2 =	sld [smem:$0x3FFD];
	_ =	sdelay $0x3  }
0x97: {  	_ =	strace s2  }
0x98: {  	_ =	strace $0x8FFFFFFF  }
0x99: {  	s20 =	sld [smem:$0x3FDB];
	_ =	sdelay $0x1  }
0x9a: {  	s5 =	simm.s32 $_scs_section_size  }
0x9b: {  	s6 =	simm.s32 $_size__tile_overlayer_lowered;
	s7 =	simm.s32 $_tile_overlayer_lowered  }
0x9c: {  	s8 =	simm.s32 $0x1BFF;
	s21 =	sshll.u32 s7, $0x1;
	s5 =	sadd.s32 s5, s20  }
0x9d: {  	s22 =	simm.s32 $0x0;
	s6 =	sshll.u32 s6, $0x1;
	s7 =	sadd.s32 s21, s5  }
0x9e: {  	[timem:s22], [sflag:s8] =	dma.local [hbm:s7], s6  }
0x9f: {  	_ =	swait.ge [sflag:s8], s6  }
0xa0: {  	s6 =	ssub.s32 $0x0, s6;
	[sflag:s8] =	ssyncset.done $0x0  }
0xa1: {  	[sflag:s8] =	ssyncadd.s32 s6;
	_ =	sdelay $0x1  }
0xa2: {  	s23 =	simm.s32 $0x1B8B  }
0xa3: {  	_ =	swait.ge [sflag:s23], $0x1  }
0xa4: {  	[sflag:s23] =	ssyncset.done $0x0  }
0xa5: {  	[sflag:s23] =	ssyncadd.s32 $0xFFFFFFFF  }
0xa6: {  	s6 =	sld [smem:$0x0]  }
0xa7: {  	s7 =	sand.u32 $0xFFFFFFFE, s1  }
0xa8: {  	p0 =	sne.s32 s1, s7  }
0xa9: {  	s7 =	sshll.u32 @p0 s7, $0xE  }
0xaa: {  	s7 =	sadd.s32 @p0 $0x11B8D, s7;
	s8 =	sshll.u32 @p0 s6, $0x11  }
0xab: {  	s7 =	sor.u32 @p0 s8, s7  }
0xac: {  	[sflag:s7] =	ssyncadd.remote.s32 @p0 $0x1;
	_ =	sdelay $0x1  }
0xad: {  	s7 =	simm.s32 @p0 $0x1B8D  }
0xae: {  	_ =	swait.eq @p0 [sflag:s7], $0x1  }
0xaf: {  	[sflag:s7] =	ssyncadd.s32 @p0 $0xFFFFFFFF  }
0xb0: {  	s8 =	sshll.u32 @!p0 s1, $0xE  }
0xb1: {  	s8 =	sor.u32 @!p0 $0x4000, s8;
	s7 =	simm.s32 @!p0 $0x1B8D  }
0xb2: {  	s6 =	sshll.u32 @!p0 s6, $0x11;
	s8 =	sadd.s32 @!p0 $0x11B8D, s8;
	_ =	swait.eq @!p0 [sflag:s7], $0x1  }
0xb3: {  	s6 =	sor.u32 @!p0 s6, s8;
	[sflag:s7] =	ssyncadd.s32 @!p0 $0xFFFFFFFF  }
0xb4: {  	s25 =	simm.s32 $0x1B8E;
	s24 =	sld [smem:$0x3FFE];
	[sflag:s6] =	ssyncadd.remote.s32 @!p0 $0x1  }
0xb5: {  	s26 =	simm.s32 $execute0_lowered;
	[smem:$0x3FD2] =	sst s25  }
0xb6: {  	s7 =	sshll.u32 s26, $0x1;
	_ =	strace $0x8000004C;
	[dreg:$0x1] =	wrdreg $0xFFFFFFFF  }
0xb7: {  	s28 =	simm.s32 $_size_execute0_lowered;
	s5 =	sadd.s32 s5, s7;
	[dreg:$0x0] =	wrdreg $0x0  }
0xb8: {  	s7 =	sshll.u32 s28, $0x1;
	[dreg:$0x2] =	wrdreg s5  }
0xb9: {  	[dreg:$0x3] =	wrdreg s7  }
0xba: {  	[dreg:$0x4] =	wrdreg $0xC0  }
0xbb: {  	_ =	task [dreg:s22], $0x5FFFF  }
0xbc: {  	[dreg:$0x1] =	wrdreg $0xFFFFFFFF  }
0xbd: {  	[dreg:$0x0] =	wrdreg $0x60  }
0xbe: {  	[dreg:$0x2] =	wrdreg s18  }
0xbf: {  	[dreg:$0x3] =	wrdreg s4  }
0xc0: {  	[dreg:$0x4] =	wrdreg s24  }
0xc1: {  	[dreg:$0x5] =	wrdreg $0xC  }
0xc2: {  	_ =	task.clear_ibuf [dreg:s22], $0x6FFFF;
	_ =	strace $0x9000004C  }
0xc3: {  	s29 =	simm.s32 $0xC;
	_ =	strace $0x8000004E  }
0xc4: {  	_ =	swait.ge [sflag:s29], $0x1  }
0xc5: {  	[sflag:s29] =	ssyncadd.s32 $0xFFFFFFFF  }
0xc6: {  	_ =	strace $0x9000004E  }
0xc7: {  	_ =	sfence  }
0xc8: {  	s30 =	sld [smem:$0x0];
	_ =	sdelay $0x2  }
0xc9: {  	s31 =	sshll.u32 s1, $0xD;
	s1 =	sshrl.u32 s1, $0x2  }
0xca: {  	s4 =	sand.u32 $0x4000, s31;
	s1 =	sadd.s32 s1, s30  }
0xcb: {  	s0 =	sor.u32 s4, s0;
	s1 =	sshll.u32 s1, $0x11  }
0xcc: {  	s0 =	sor.u32 s1, s0  }
0xcd: {  	s0 =	sadd.s32 $0x8F2B, s0  }
0xce: {  	[sflag:s0] =	ssyncadd.remote.s32 $0x1  }
0xcf: {  	_ =	sfence.sel $0xFFFF  }
0xd0: {  	[dreg:$0x0] =	wrdreg $0xFFFFFFFF;
	(pc) =	sbr.abs _section_cstart, $3  }
0xd1: {  	[dreg:$0x1] =	wrdreg $0xFFFFFFFF  }
0xd2: {  	_ =	task.clear_ibuf [dreg:s22], $0x2FFFF;
	_ =	strace $0x9FFFFFFF  }
0xd3: {  	(tm) =	ssettm $0x7FFFFFFF  }
tec
execute0_lowered:
.L_overlay_start_1:
0x0: {  	(tag) =	ssettag $0x1  }
0x1: {  	v2 =	vimm.s32 $0x1380;
	vm0 =	vcmask $0x300;
	vm1 =	vcmask $0x704  }
0x2: {  	v3 =	vimm.s32 $0x3380;
	vm2 =	vcmask $0xB08;
	vm4 =	vcmask $0xF0C  }
0x3: {  	s5 =	rddreg [dreg:$0x0];
	vm5 =	vcmask $0x1310;
	v2 =	vsel vm0, $0x0, v2;
	v3 =	vsel vm0, $0x2000, v3  }
0x4: {  	s0 =	rddreg [dreg:$0x1];
	vm6 =	vcmask $0x1714;
	v2 =	vsel vm1, $0x80, v2;
	v3 =	vsel vm1, $0x2080, v3  }
0x5: {  	s6 =	rddreg [dreg:$0x2];
	vm7 =	vcmask $0x1B18;
	v2 =	vsel vm2, $0x100, v2;
	v3 =	vsel vm2, $0x2100, v3  }
0x6: {  	s2 =	simm.s32 $0x0;
	s4 =	srdreg.scid;
	s3 =	stileid.u32;
	vm8 =	vcmask $0x1F1C;
	v2 =	vsel vm4, $0x180, v2;
	v3 =	vsel vm4, $0x2180, v3  }
0x7: {  	v0 =	vlaneseq.u32;
	s11 =	simm.s32 $0x400;
	s12 =	simm.s32 $0x7A1400;
	s13 =	simm.s32 $0x280;
	v2 =	vsel vm5, $0x200, v2;
	v3 =	vsel vm5, $0x2200, v3  }
0x8: {  	vm9 =	vcmask $0x2320;
	s14 =	simm.s32 $0x1280;
	s15 =	simm.s32 $0x2280;
	s16 =	simm.s32 $0x3280;
	v2 =	vsel vm6, $0x280, v2;
	v3 =	vsel vm6, $0x2280, v3  }
0x9: {  	vm10 =	vcmask $0x2724;
	s17 =	simm.s32 $0x4280;
	s18 =	simm.s32 $0x5280;
	s19 =	simm.s32 $0x6280;
	v2 =	vsel vm7, $0x300, v2;
	v3 =	vsel vm7, $0x2300, v3  }
0xa: {  	vm11 =	vcmask $0x2B28;
	s20 =	simm.s32 $0x7280;
	s21 =	simm.s32 $0x1000;
	s22 =	simm.s32 $0x20000;
	v2 =	vsel vm8, $0x380, v2;
	v3 =	vsel vm8, $0x2380, v3  }
0xb: {  	vm12 =	vcmask $0x2F2C;
	s23 =	simm.s32 $0x8A80;
	s24 =	simm.s32 $0x0;
	[smem:$0x7FF] =	sst s2;
	v2 =	vsel vm9, $0x1000, v2;
	v3 =	vsel vm9, $0x3000, v3  }
0xc: {  	vm13 =	vcmask $0x3330;
	s7 =	sand.u32 $0x1, s4;
	s8 =	sshll.u32 s3, $0xA;
	s4 =	sadd.s32 $0x23600, s6;
	v2 =	vsel vm10, $0x1080, v2;
	v3 =	vsel vm10, $0x3080, v3  }
.Ltmp0:
0xd: {  	vm14 =	vcmask $0x3734;
	s9 =	sshll.u32 s7, $0x9;
	s7 =	ssub.s32 $0x2, s7;
	v2 =	vsel vm11, $0x1100, v2;
	v3 =	vsel vm11, $0x3100, v3;
	(pc) =	sbr.rel .LBB2_1-.Ltmp0, $4  }
0xe: {  	vm15 =	vcmask $0x3B38;
	_ =	strace $0x8000004D;
	s8 =	sor.u32 s9, s8;
	s31 =	sshrl.u32 s7, $0x1;
	v2 =	vsel vm12, $0x1180, v2;
	v3 =	vsel vm12, $0x3180, v3  }
0xf: {  	v1 =	vmul.u32 $0x80, v0;
	s9 =	simm.s32 $0x9;
	s6 =	sadd.s32 s8, s6;
	s8 =	sshrl.u32 s8, $0x3;
	v2 =	vsel vm13, $0x1200, v2;
	v3 =	vsel vm13, $0x3200, v3  }
0x10: {  	v4 =	vor.u32 $0x10, v0;
	s10 =	ssub.s32 s7, s31;
	s7 =	simm.s32 $0xA;
	s5 =	sadd.s32 s5, s8;
	v2 =	vsel vm14, $0x1280, v2;
	v5 =	vsel vm14, $0x3280, v3  }
0x11: {  	s6 =	sadd.s32 $0x23800, s6;
	s8 =	simm.s32 $0x8280;
	s10 =	smax.u32 s10, $0x1;
	v3 =	vor.u32 $0x800, v1;
	v2 =	vsel vm15, $0x1300, v2;
	v5 =	vsel vm15, $0x3300, v5  }
.LBB2_10:
0x12: {  	s24 =	sadd.s32 $0x1, s24  }
0x13: {  	p0 =	sne.s32 s24, s10  }
.Ltmp1:
0x14: {  	_ = 	snop;
	(pc) =	sbr.rel @!p0 .LBB2_11-.Ltmp1, $4  }
0x15: {  	[hbm4b:s6+s21] =	stream.strided.scatter [tilespmem:s23], [sflag:$0xA], $0x4000, s22, s21, $0x38;
	[tilespmem:$0xCA80] =	vst v63  }
0x16: {  	_ =	swait.ge [sflag:s7], $0x4000  }
0x17: {  	[sflag:s7] =	ssyncset.done $0x0  }
0x18: {  	[sflag:s7] =	ssyncadd.s32 $0xFFFFC000  }
.LBB2_1:
0x19: {  	[tilespmem:s2], [sflag:$0xA] =	stream.linear.gather [hbm4b:s5+s2], $0x200, $0x38;
	[tilespmem:$0xCA80] =	vst v63  }
0x1a: {  	_ =	swait.ge [sflag:s7], $0x200  }
0x1b: {  	[sflag:s7] =	ssyncset.done $0x0  }
0x1c: {  	[sflag:s7] =	ssyncadd.s32 $0xFFFFFE00  }
0x1d: {  	[tilespmem:s8], [sflag:$0x9] =	stream.linear.gather [hbm4b:s4+s2], $0x800, $0x38;
	[tilespmem:$0xCA80] =	vst v63  }
0x1e: {  	_ =	swait.ge [sflag:s9], $0x800  }
0x1f: {  	[sflag:s9] =	ssyncset.done $0x0  }
0x20: {  	[sflag:s9] =	ssyncadd.s32 $0xFFFFF800  }
0x21: {  	v6 =	vld [tilespmem:$0x0];
	_ =	sdelay $0x4  }
0x22: {  	(v2sf) =	vpush v6, $0x0;
	_ =	sdelay $0xe  }
0x23: {  	s25 =	spop (v2sf)  }
0x24: {  	s25 =	sshrl.u32 s25, $0x7  }
0x25: {  	s25 =	smin.u32 s25, $0x1E83  }
0x26: {  	s25 =	sshll.u32 s25, $0x7  }
0x27: {  	s25 =	sadd.s32 s0, s25  }
0x28: {  	[tilespmem:s13], [sflag:$0x1] =	stream.strided.gather [hbm4b:s25+s11], $0x1000, s12, s11, $0x38;
	[tilespmem:$0xCA80] =	vst v63  }
0x29: {  	v6 =	vld [tilespmem:$0x1];
	_ =	sdelay $0x4  }
0x2a: {  	(v2sf) =	vpush v6, $0x0;
	_ =	sdelay $0xe  }
0x2b: {  	s31 =	spop (v2sf)  }
0x2c: {  	s25 =	sshrl.u32 s31, $0x7  }
0x2d: {  	s25 =	smin.u32 s25, $0x1E83  }
0x2e: {  	s25 =	sshll.u32 s25, $0x7  }
0x2f: {  	s25 =	sadd.s32 s0, s25  }
0x30: {  	[tilespmem:s14], [sflag:$0x2] =	stream.strided.gather [hbm4b:s25+s11], $0x1000, s12, s11, $0x38;
	[tilespmem:$0xCA80] =	vst v63  }
0x31: {  	v6 =	vld [tilespmem:$0x2];
	_ =	sdelay $0x4  }
0x32: {  	(v2sf) =	vpush v6, $0x0;
	_ =	sdelay $0xe  }
0x33: {  	s1 =	spop (v2sf)  }
0x34: {  	s25 =	sshrl.u32 s1, $0x7  }
0x35: {  	s25 =	smin.u32 s25, $0x1E83  }
0x36: {  	s25 =	sshll.u32 s25, $0x7  }
0x37: {  	s25 =	sadd.s32 s0, s25  }
0x38: {  	[tilespmem:s15], [sflag:$0x3] =	stream.strided.gather [hbm4b:s25+s11], $0x1000, s12, s11, $0x38;
	[tilespmem:$0xCA80] =	vst v63  }
0x39: {  	v6 =	vld [tilespmem:$0x3];
	_ =	sdelay $0x4  }
0x3a: {  	(v2sf) =	vpush v6, $0x0;
	_ =	sdelay $0xe  }
0x3b: {  	s26 =	spop (v2sf)  }
0x3c: {  	s25 =	sshrl.u32 s26, $0x7  }
0x3d: {  	s25 =	smin.u32 s25, $0x1E83  }
0x3e: {  	s25 =	sshll.u32 s25, $0x7  }
0x3f: {  	s25 =	sadd.s32 s0, s25  }
0x40: {  	[tilespmem:s16], [sflag:$0x4] =	stream.strided.gather [hbm4b:s25+s11], $0x1000, s12, s11, $0x38;
	[tilespmem:$0xCA80] =	vst v63  }
0x41: {  	v6 =	vld [tilespmem:$0x4];
	_ =	sdelay $0x4  }
0x42: {  	(v2sf) =	vpush v6, $0x0;
	_ =	sdelay $0xe  }
0x43: {  	s28 =	spop (v2sf)  }
0x44: {  	s25 =	sshrl.u32 s28, $0x7  }
0x45: {  	s25 =	smin.u32 s25, $0x1E83  }
0x46: {  	s25 =	sshll.u32 s25, $0x7  }
0x47: {  	s25 =	sadd.s32 s0, s25  }
0x48: {  	[tilespmem:s17], [sflag:$0x5] =	stream.strided.gather [hbm4b:s25+s11], $0x1000, s12, s11, $0x38;
	[tilespmem:$0xCA80] =	vst v63  }
0x49: {  	v6 =	vld [tilespmem:$0x5];
	_ =	sdelay $0x4  }
0x4a: {  	(v2sf) =	vpush v6, $0x0;
	_ =	sdelay $0xe  }
0x4b: {  	s29 =	spop (v2sf)  }
0x4c: {  	s25 =	sshrl.u32 s29, $0x7  }
0x4d: {  	s25 =	smin.u32 s25, $0x1E83  }
0x4e: {  	s25 =	sshll.u32 s25, $0x7  }
0x4f: {  	s25 =	sadd.s32 s0, s25  }
0x50: {  	[tilespmem:s18], [sflag:$0x6] =	stream.strided.gather [hbm4b:s25+s11], $0x1000, s12, s11, $0x38;
	[tilespmem:$0xCA80] =	vst v63  }
0x51: {  	v6 =	vld [tilespmem:$0x6];
	_ =	sdelay $0x4  }
0x52: {  	(v2sf) =	vpush v6, $0x0;
	_ =	sdelay $0xe  }
0x53: {  	s30 =	spop (v2sf)  }
0x54: {  	s25 =	sshrl.u32 s30, $0x7  }
0x55: {  	s25 =	smin.u32 s25, $0x1E83  }
0x56: {  	s25 =	sshll.u32 s25, $0x7  }
0x57: {  	s25 =	sadd.s32 s0, s25  }
0x58: {  	[tilespmem:s19], [sflag:$0x7] =	stream.strided.gather [hbm4b:s25+s11], $0x1000, s12, s11, $0x38;
	[tilespmem:$0xCA80] =	vst v63  }
0x59: {  	v6 =	vld [tilespmem:$0x7];
	_ =	sdelay $0x4  }
0x5a: {  	(v2sf) =	vpush v6, $0x0;
	_ =	sdelay $0xe  }
0x5b: {  	s31 =	spop (v2sf)  }
0x5c: {  	s25 =	sshrl.u32 s31, $0x7  }
.Ltmp2:
0x5d: {  	s25 =	smin.u32 s25, $0x1E83;
	(pc) =	sbr.rel .LBB2_2-.Ltmp2, $4  }
0x5e: {  	s25 =	sshll.u32 s25, $0x7  }
0x5f: {  	s25 =	sadd.s32 s0, s25  }
0x60: {  	[tilespmem:s20], [sflag:$0x8] =	stream.strided.gather [hbm4b:s25+s11], $0x1000, s12, s11, $0x38;
	[tilespmem:$0xCA80] =	vst v63  }
0x61: {  	s26 =	simm.s32 $0x0;
	s25 =	simm.s32 $0x8  }
.LBB2_8:
0x62: {  	p0 =	seq.s32 s29, $0x6  }
0x63: {  	s1 =	simm.s32 @p0 $0x7  }
0x64: {  	_ =	swait.ge @p0 [sflag:s1], $0x1000  }
0x65: {  	[sflag:s1] =	ssyncset.done @p0 $0x0  }
0x66: {  	[sflag:s1] =	ssyncadd.s32 @p0 $0xFFFFF000;
	s1 =	simm.s32 @p0 $0x6280  }
0x67: {  	s29 =	simm.s32 @p0 $0x8280;
	v12 =	vld.idx.msk @p0 [tilespmem:v11+s1+$0x0], $0xffff  }
0x68: {  	v13 =	vld.idx.msk @p0 [tilespmem:v10+s29+$0x0], $0xffff;
	_ =	sdelay $0x2  }
0x69: {  	p1 =	sgt.s32 @p0 s28, $0xF41FF  }
0x6a: {  	p1 =	por !p1, !p0  }
0x6b: {  	s30 =	simm.s32 @p0 $0x8A80;
	v12 =	vpsel p1, v12, v13  }
0x6c: {  	[tilespmem:v9+s30+$0x0] =	vst.idx.msk @p0 $0xffff, v12  }
0x6d: {  	v12 =	vld.idx.msk @p0 [tilespmem:v8+s1+$0x0], $0xffff  }
0x6e: {  	v13 =	vld.idx.msk @p0 [tilespmem:v7+s29+$0x0], $0xffff;
	_ =	sdelay $0x4  }
0x6f: {  	p2 =	sgt.u32 @p0 s26, $0x1F7;
	v12 =	vpsel p1, v12, v13  }
0x70: {  	p1 =	por p2, !p0;
	[tilespmem:v6+s30+$0x0] =	vst.idx.msk @p0 $0xffff, v12  }
0x71: {  	v12 =	vld @!p1 [tilespmem:s25+$0x0];
	_ =	sdelay $0x4  }
0x72: {  	(v2sf) =	vpush @!p1 v12, $0x0;
	_ =	sdelay $0xe  }
0x73: {  	s1 =	spop @!p1 (v2sf)  }
0x74: {  	s1 =	sshrl.u32 @!p1 s1, $0x7  }
0x75: {  	s1 =	smin.u32 @!p1 s1, $0x1E83  }
0x76: {  	s29 =	simm.s32 @!p1 $0x400;
	s1 =	sshll.u32 @!p1 s1, $0x7  }
0x77: {  	s30 =	simm.s32 @!p1 $0x7A1400;
	s31 =	simm.s32 @!p1 $0x6280;
	s1 =	sadd.s32 @!p1 s0, s1  }
0x78: {  	[tilespmem:s31], [sflag:$0x7] =	stream.strided.gather @!p1 [hbm4b:s1+s29], $0x1000, s30, s29, $0x38;
	[tilespmem:$0xCA80] =	vst v63  }
0x79: {  	s1 =	simm.s32 @!p0 $0x8  }
0x7a: {  	_ =	swait.ge @!p0 [sflag:s1], $0x1000  }
0x7b: {  	[sflag:s1] =	ssyncset.done @!p0 $0x0  }
0x7c: {  	[sflag:s1] =	ssyncadd.s32 @!p0 $0xFFFFF000;
	s1 =	simm.s32 @!p0 $0x7280  }
0x7d: {  	s29 =	simm.s32 @!p0 $0x8280;
	v11 =	vld.idx.msk @!p0 [tilespmem:v11+s1+$0x0], $0xffff  }
0x7e: {  	v10 =	vld.idx.msk @!p0 [tilespmem:v10+s29+$0x0], $0xffff;
	_ =	sdelay $0x2  }
0x7f: {  	p1 =	sgt.s32 @!p0 s28, $0xF41FF  }
0x80: {  	p1 =	por !p1, p0  }
0x81: {  	s28 =	simm.s32 @!p0 $0x8A80;
	v10 =	vpsel p1, v11, v10  }
0x82: {  	[tilespmem:v9+s28+$0x0] =	vst.idx.msk @!p0 $0xffff, v10  }
0x83: {  	v8 =	vld.idx.msk @!p0 [tilespmem:v8+s1+$0x0], $0xffff  }
0x84: {  	v7 =	vld.idx.msk @!p0 [tilespmem:v7+s29+$0x0], $0xffff;
	_ =	sdelay $0x4  }
0x85: {  	p2 =	sgt.u32 @!p0 s26, $0x1F7;
	v7 =	vpsel p1, v8, v7  }
0x86: {  	[tilespmem:v6+s28+$0x0] =	vst.idx.msk @!p0 $0xffff, v7;
	p0 =	por p2, p0  }
0x87: {  	v6 =	vld @!p0 [tilespmem:s25+$0x0];
	_ =	sdelay $0x4  }
0x88: {  	(v2sf) =	vpush @!p0 v6, $0x0;
	_ =	sdelay $0xe  }
0x89: {  	s1 =	spop @!p0 (v2sf)  }
0x8a: {  	s1 =	sshrl.u32 @!p0 s1, $0x7  }
0x8b: {  	s1 =	smin.u32 @!p0 s1, $0x1E83  }
0x8c: {  	s28 =	simm.s32 @!p0 $0x400;
	s1 =	sshll.u32 @!p0 s1, $0x7  }
0x8d: {  	s29 =	simm.s32 @!p0 $0x7A1400;
	s30 =	simm.s32 @!p0 $0x7280;
	s1 =	sadd.s32 @!p0 s0, s1  }
0x8e: {  	[tilespmem:s30], [sflag:$0x8] =	stream.strided.gather @!p0 [hbm4b:s1+s28], $0x1000, s29, s28, $0x38;
	[tilespmem:$0xCA80] =	vst v63  }
.LBB2_9:
0x8f: {  	s26 =	sadd.s32 $0x1, s26  }
0x90: {  	p0 =	sne.s32 s26, $0x200  }
.Ltmp3:
0x91: {  	_ = 	snop;
	(pc) =	sbr.rel @!p0 .LBB2_10-.Ltmp3, $2  }
0x92: {  	_ =	sdelay $0x2  }
0x93: {  	s25 =	sadd.s32 $0x1, s25  }
.LBB2_2:
0x94: {  	v6 =	vld [tilespmem:s25+$0xFFFFFFF8];
	_ =	sdelay $0x4  }
0x95: {  	(v2sf) =	vpush v6, $0x0;
	_ =	sdelay $0xe  }
0x96: {  	s28 =	spop (v2sf)  }
0x97: {  	s29 =	sadd.s32 $0xFFF0BE00, s28  }
0x98: {  	p0 =	sgt.s32 s29, $0x0  }
0x99: {  	s29 =	simm.s32 @!p0 $0x0  }
0x9a: {  	s30 =	smin.u32 s29, $0x3F;
	s29 =	sand.u32 $0x7, s26  }
0x9b: {  	v6 =	vmov s26;
	p0 =	sgt.s32 s29, $0x3  }
.Ltmp4:
0x9c: {  	v7 =	vshll.u32 v6, $0x3;
	(pc) =	sbr.rel @p0 .LBB2_6-.Ltmp4, $4  }
0x9d: {  	v6 =	vand.u32 $0x7F, v6;
	v7 =	vand.u32 $0xC00, v7  }
0x9e: {  	v6 =	vor.u32 v6, v7;
	s31 =	sand.u32 $0x7F, s28  }
0x9f: {  	v9 =	vor.u32 v2, v6;
	v6 =	vor.u32 v5, v6;
	v11 =	vor.u32 s31, v1;
	s30 =	sshll.u32 s30, $0x5  }
0xa0: {  	v8 =	vor.u32 s31, v3;
	v10 =	vor.u32 s30, v0;
	v7 =	vor.u32 s30, v4  }
0xa1: {  	p0 =	sgt.s32 s29, $0x1  }
.Ltmp5:
0xa2: {  	_ = 	snop;
	(pc) =	sbr.rel @p0 .LBB2_5-.Ltmp5, $1  }
0xa3: {  	_ =	sdelay $0x3  }
0xa4: {  	p0 =	seq.s32 s29, $0x0  }
0xa5: {  	s29 =	simm.s32 @p0 $0x1  }
0xa6: {  	_ =	swait.ge @p0 [sflag:s29], $0x1000  }
0xa7: {  	[sflag:s29] =	ssyncset.done @p0 $0x0  }
0xa8: {  	[sflag:s29] =	ssyncadd.s32 @p0 $0xFFFFF000;
	s29 =	simm.s32 @p0 $0x280  }
0xa9: {  	s30 =	simm.s32 @p0 $0x8280;
	v12 =	vld.idx.msk @p0 [tilespmem:v11+s29+$0x0], $0xffff  }
0xaa: {  	v13 =	vld.idx.msk @p0 [tilespmem:v10+s30+$0x0], $0xffff;
	_ =	sdelay $0x2  }
0xab: {  	p1 =	sgt.s32 @p0 s28, $0xF41FF  }
0xac: {  	p1 =	por !p1, !p0  }
0xad: {  	s31 =	simm.s32 @p0 $0x8A80;
	v12 =	vpsel p1, v12, v13  }
0xae: {  	[tilespmem:v9+s31+$0x0] =	vst.idx.msk @p0 $0xffff, v12  }
0xaf: {  	v12 =	vld.idx.msk @p0 [tilespmem:v8+s29+$0x0], $0xffff  }
0xb0: {  	v13 =	vld.idx.msk @p0 [tilespmem:v7+s30+$0x0], $0xffff;
	_ =	sdelay $0x4  }
0xb1: {  	p2 =	sgt.u32 @p0 s26, $0x1F7;
	v12 =	vpsel p1, v12, v13  }
0xb2: {  	p1 =	por p2, !p0;
	[tilespmem:v6+s31+$0x0] =	vst.idx.msk @p0 $0xffff, v12  }
0xb3: {  	v12 =	vld @!p1 [tilespmem:s25+$0x0];
	_ =	sdelay $0x4  }
0xb4: {  	(v2sf) =	vpush @!p1 v12, $0x0;
	_ =	sdelay $0xe  }
0xb5: {  	s29 =	spop @!p1 (v2sf)  }
0xb6: {  	s29 =	sshrl.u32 @!p1 s29, $0x7  }
0xb7: {  	s29 =	smin.u32 @!p1 s29, $0x1E83  }
0xb8: {  	s30 =	simm.s32 @!p1 $0x400;
	s29 =	sshll.u32 @!p1 s29, $0x7  }
0xb9: {  	s31 =	simm.s32 @!p1 $0x7A1400;
	s1 =	simm.s32 @!p1 $0x280;
	s29 =	sadd.s32 @!p1 s0, s29  }
0xba: {  	[tilespmem:s1], [sflag:$0x1] =	stream.strided.gather @!p1 [hbm4b:s29+s30], $0x1000, s31, s30, $0x38;
	[tilespmem:$0xCA80] =	vst v63  }
0xbb: {  	s1 =	simm.s32 @!p0 $0x2  }
0xbc: {  	_ =	swait.ge @!p0 [sflag:s1], $0x1000  }
0xbd: {  	[sflag:s1] =	ssyncset.done @!p0 $0x0  }
0xbe: {  	[sflag:s1] =	ssyncadd.s32 @!p0 $0xFFFFF000;
	s1 =	simm.s32 @!p0 $0x1280  }
0xbf: {  	s29 =	simm.s32 @!p0 $0x8280;
	v11 =	vld.idx.msk @!p0 [tilespmem:v11+s1+$0x0], $0xffff  }
0xc0: {  	v10 =	vld.idx.msk @!p0 [tilespmem:v10+s29+$0x0], $0xffff;
	_ =	sdelay $0x2  }
0xc1: {  	p1 =	sgt.s32 @!p0 s28, $0xF41FF  }
0xc2: {  	p1 =	por !p1, p0  }
0xc3: {  	s28 =	simm.s32 @!p0 $0x8A80;
	v10 =	vpsel p1, v11, v10  }
0xc4: {  	[tilespmem:v9+s28+$0x0] =	vst.idx.msk @!p0 $0xffff, v10  }
0xc5: {  	v8 =	vld.idx.msk @!p0 [tilespmem:v8+s1+$0x0], $0xffff  }
0xc6: {  	v7 =	vld.idx.msk @!p0 [tilespmem:v7+s29+$0x0], $0xffff;
	_ =	sdelay $0x4  }
0xc7: {  	p2 =	sgt.u32 @!p0 s26, $0x1F7;
	v7 =	vpsel p1, v8, v7  }
0xc8: {  	[tilespmem:v6+s28+$0x0] =	vst.idx.msk @!p0 $0xffff, v7;
	p0 =	por p2, p0  }
0xc9: {  	v6 =	vld @!p0 [tilespmem:s25+$0x0];
	_ =	sdelay $0x4  }
0xca: {  	(v2sf) =	vpush @!p0 v6, $0x0;
	_ =	sdelay $0xe  }
0xcb: {  	s1 =	spop @!p0 (v2sf)  }
.Ltmp6:
0xcc: {  	s1 =	sshrl.u32 @!p0 s1, $0x7;
	(pc) =	sbr.rel .LBB2_9-.Ltmp6, $4  }
0xcd: {  	s1 =	smin.u32 @!p0 s1, $0x1E83  }
0xce: {  	s28 =	simm.s32 @!p0 $0x400;
	s1 =	sshll.u32 @!p0 s1, $0x7  }
0xcf: {  	s29 =	simm.s32 @!p0 $0x7A1400;
	s30 =	simm.s32 @!p0 $0x1280;
	s1 =	sadd.s32 @!p0 s0, s1  }
0xd0: {  	[tilespmem:s30], [sflag:$0x2] =	stream.strided.gather @!p0 [hbm4b:s1+s28], $0x1000, s29, s28, $0x38;
	[tilespmem:$0xCA80] =	vst v63  }
.LBB2_6:
0xd1: {  	p0 =	sgt.s32 s29, $0x5  }
.Ltmp7:
0xd2: {  	_ = 	snop;
	(pc) =	sbr.rel @p0 .LBB2_8-.Ltmp7, $1  }
0xd3: {  	_ =	sdelay $0x3  }
0xd4: {  	p0 =	seq.s32 s29, $0x4  }
0xd5: {  	s1 =	simm.s32 @p0 $0x5  }
0xd6: {  	_ =	swait.ge @p0 [sflag:s1], $0x1000  }
0xd7: {  	[sflag:s1] =	ssyncset.done @p0 $0x0  }
0xd8: {  	[sflag:s1] =	ssyncadd.s32 @p0 $0xFFFFF000;
	s1 =	simm.s32 @p0 $0x4280  }
0xd9: {  	s29 =	simm.s32 @p0 $0x8280;
	v12 =	vld.idx.msk @p0 [tilespmem:v11+s1+$0x0], $0xffff  }
0xda: {  	v13 =	vld.idx.msk @p0 [tilespmem:v10+s29+$0x0], $0xffff;
	_ =	sdelay $0x2  }
0xdb: {  	p1 =	sgt.s32 @p0 s28, $0xF41FF  }
0xdc: {  	p1 =	por !p1, !p0  }
0xdd: {  	s30 =	simm.s32 @p0 $0x8A80;
	v12 =	vpsel p1, v12, v13  }
0xde: {  	[tilespmem:v9+s30+$0x0] =	vst.idx.msk @p0 $0xffff, v12  }
0xdf: {  	v12 =	vld.idx.msk @p0 [tilespmem:v8+s1+$0x0], $0xffff  }
0xe0: {  	v13 =	vld.idx.msk @p0 [tilespmem:v7+s29+$0x0], $0xffff;
	_ =	sdelay $0x4  }
0xe1: {  	p2 =	sgt.u32 @p0 s26, $0x1F7;
	v12 =	vpsel p1, v12, v13  }
0xe2: {  	p1 =	por p2, !p0;
	[tilespmem:v6+s30+$0x0] =	vst.idx.msk @p0 $0xffff, v12  }
0xe3: {  	v12 =	vld @!p1 [tilespmem:s25+$0x0];
	_ =	sdelay $0x4  }
0xe4: {  	(v2sf) =	vpush @!p1 v12, $0x0;
	_ =	sdelay $0xe  }
0xe5: {  	s1 =	spop @!p1 (v2sf)  }
0xe6: {  	s1 =	sshrl.u32 @!p1 s1, $0x7  }
0xe7: {  	s1 =	smin.u32 @!p1 s1, $0x1E83  }
0xe8: {  	s29 =	simm.s32 @!p1 $0x400;
	s1 =	sshll.u32 @!p1 s1, $0x7  }
0xe9: {  	s30 =	simm.s32 @!p1 $0x7A1400;
	s31 =	simm.s32 @!p1 $0x4280;
	s1 =	sadd.s32 @!p1 s0, s1  }
0xea: {  	[tilespmem:s31], [sflag:$0x5] =	stream.strided.gather @!p1 [hbm4b:s1+s29], $0x1000, s30, s29, $0x38;
	[tilespmem:$0xCA80] =	vst v63  }
0xeb: {  	s1 =	simm.s32 @!p0 $0x6  }
0xec: {  	_ =	swait.ge @!p0 [sflag:s1], $0x1000  }
0xed: {  	[sflag:s1] =	ssyncset.done @!p0 $0x0  }
0xee: {  	[sflag:s1] =	ssyncadd.s32 @!p0 $0xFFFFF000;
	s1 =	simm.s32 @!p0 $0x5280  }
0xef: {  	s29 =	simm.s32 @!p0 $0x8280;
	v11 =	vld.idx.msk @!p0 [tilespmem:v11+s1+$0x0], $0xffff  }
0xf0: {  	v10 =	vld.idx.msk @!p0 [tilespmem:v10+s29+$0x0], $0xffff;
	_ =	sdelay $0x2  }
0xf1: {  	p1 =	sgt.s32 @!p0 s28, $0xF41FF  }
0xf2: {  	p1 =	por !p1, p0  }
0xf3: {  	s28 =	simm.s32 @!p0 $0x8A80;
	v10 =	vpsel p1, v11, v10  }
0xf4: {  	[tilespmem:v9+s28+$0x0] =	vst.idx.msk @!p0 $0xffff, v10  }
0xf5: {  	v8 =	vld.idx.msk @!p0 [tilespmem:v8+s1+$0x0], $0xffff  }
0xf6: {  	v7 =	vld.idx.msk @!p0 [tilespmem:v7+s29+$0x0], $0xffff;
	_ =	sdelay $0x4  }
0xf7: {  	p2 =	sgt.u32 @!p0 s26, $0x1F7;
	v7 =	vpsel p1, v8, v7  }
0xf8: {  	[tilespmem:v6+s28+$0x0] =	vst.idx.msk @!p0 $0xffff, v7;
	p0 =	por p2, p0  }
0xf9: {  	v6 =	vld @!p0 [tilespmem:s25+$0x0];
	_ =	sdelay $0x4  }
0xfa: {  	(v2sf) =	vpush @!p0 v6, $0x0;
	_ =	sdelay $0xe  }
0xfb: {  	s1 =	spop @!p0 (v2sf)  }
.Ltmp8:
0xfc: {  	s1 =	sshrl.u32 @!p0 s1, $0x7;
	(pc) =	sbr.rel .LBB2_9-.Ltmp8, $4  }
0xfd: {  	s1 =	smin.u32 @!p0 s1, $0x1E83  }
0xfe: {  	s28 =	simm.s32 @!p0 $0x400;
	s1 =	sshll.u32 @!p0 s1, $0x7  }
0xff: {  	s29 =	simm.s32 @!p0 $0x7A1400;
	s30 =	simm.s32 @!p0 $0x5280;
	s1 =	sadd.s32 @!p0 s0, s1  }
0x100: {  	[tilespmem:s30], [sflag:$0x6] =	stream.strided.gather @!p0 [hbm4b:s1+s28], $0x1000, s29, s28, $0x38;
	[tilespmem:$0xCA80] =	vst v63  }
.LBB2_5:
0x101: {  	p0 =	seq.s32 s29, $0x2  }
0x102: {  	s1 =	simm.s32 @p0 $0x3  }
0x103: {  	_ =	swait.ge @p0 [sflag:s1], $0x1000  }
0x104: {  	[sflag:s1] =	ssyncset.done @p0 $0x0  }
0x105: {  	[sflag:s1] =	ssyncadd.s32 @p0 $0xFFFFF000;
	s1 =	simm.s32 @p0 $0x2280  }
0x106: {  	s29 =	simm.s32 @p0 $0x8280;
	v12 =	vld.idx.msk @p0 [tilespmem:v11+s1+$0x0], $0xffff  }
0x107: {  	v13 =	vld.idx.msk @p0 [tilespmem:v10+s29+$0x0], $0xffff;
	_ =	sdelay $0x2  }
0x108: {  	p1 =	sgt.s32 @p0 s28, $0xF41FF  }
0x109: {  	p1 =	por !p1, !p0  }
0x10a: {  	s30 =	simm.s32 @p0 $0x8A80;
	v12 =	vpsel p1, v12, v13  }
0x10b: {  	[tilespmem:v9+s30+$0x0] =	vst.idx.msk @p0 $0xffff, v12  }
0x10c: {  	v12 =	vld.idx.msk @p0 [tilespmem:v8+s1+$0x0], $0xffff  }
0x10d: {  	v13 =	vld.idx.msk @p0 [tilespmem:v7+s29+$0x0], $0xffff;
	_ =	sdelay $0x4  }
0x10e: {  	p2 =	sgt.u32 @p0 s26, $0x1F7;
	v12 =	vpsel p1, v12, v13  }
0x10f: {  	p1 =	por p2, !p0;
	[tilespmem:v6+s30+$0x0] =	vst.idx.msk @p0 $0xffff, v12  }
0x110: {  	v12 =	vld @!p1 [tilespmem:s25+$0x0];
	_ =	sdelay $0x4  }
0x111: {  	(v2sf) =	vpush @!p1 v12, $0x0;
	_ =	sdelay $0xe  }
0x112: {  	s1 =	spop @!p1 (v2sf)  }
0x113: {  	s1 =	sshrl.u32 @!p1 s1, $0x7  }
0x114: {  	s1 =	smin.u32 @!p1 s1, $0x1E83  }
0x115: {  	s29 =	simm.s32 @!p1 $0x400;
	s1 =	sshll.u32 @!p1 s1, $0x7  }
0x116: {  	s30 =	simm.s32 @!p1 $0x7A1400;
	s31 =	simm.s32 @!p1 $0x2280;
	s1 =	sadd.s32 @!p1 s0, s1  }
0x117: {  	[tilespmem:s31], [sflag:$0x3] =	stream.strided.gather @!p1 [hbm4b:s1+s29], $0x1000, s30, s29, $0x38;
	[tilespmem:$0xCA80] =	vst v63  }
0x118: {  	s1 =	simm.s32 @!p0 $0x4  }
0x119: {  	_ =	swait.ge @!p0 [sflag:s1], $0x1000  }
0x11a: {  	[sflag:s1] =	ssyncset.done @!p0 $0x0  }
0x11b: {  	[sflag:s1] =	ssyncadd.s32 @!p0 $0xFFFFF000;
	s1 =	simm.s32 @!p0 $0x3280  }
0x11c: {  	s29 =	simm.s32 @!p0 $0x8280;
	v11 =	vld.idx.msk @!p0 [tilespmem:v11+s1+$0x0], $0xffff  }
0x11d: {  	v10 =	vld.idx.msk @!p0 [tilespmem:v10+s29+$0x0], $0xffff;
	_ =	sdelay $0x2  }
0x11e: {  	p1 =	sgt.s32 @!p0 s28, $0xF41FF  }
0x11f: {  	p1 =	por !p1, p0  }
0x120: {  	s28 =	simm.s32 @!p0 $0x8A80;
	v10 =	vpsel p1, v11, v10  }
0x121: {  	[tilespmem:v9+s28+$0x0] =	vst.idx.msk @!p0 $0xffff, v10  }
0x122: {  	v8 =	vld.idx.msk @!p0 [tilespmem:v8+s1+$0x0], $0xffff  }
0x123: {  	v7 =	vld.idx.msk @!p0 [tilespmem:v7+s29+$0x0], $0xffff;
	_ =	sdelay $0x4  }
0x124: {  	p2 =	sgt.u32 @!p0 s26, $0x1F7;
	v7 =	vpsel p1, v8, v7  }
0x125: {  	[tilespmem:v6+s28+$0x0] =	vst.idx.msk @!p0 $0xffff, v7;
	p0 =	por p2, p0  }
0x126: {  	v6 =	vld @!p0 [tilespmem:s25+$0x0];
	_ =	sdelay $0x4  }
0x127: {  	(v2sf) =	vpush @!p0 v6, $0x0;
	_ =	sdelay $0xe  }
0x128: {  	s1 =	spop @!p0 (v2sf)  }
.Ltmp9:
0x129: {  	s1 =	sshrl.u32 @!p0 s1, $0x7;
	(pc) =	sbr.rel .LBB2_9-.Ltmp9, $4  }
0x12a: {  	s1 =	smin.u32 @!p0 s1, $0x1E83  }
0x12b: {  	s28 =	simm.s32 @!p0 $0x400;
	s1 =	sshll.u32 @!p0 s1, $0x7  }
0x12c: {  	s29 =	simm.s32 @!p0 $0x7A1400;
	s30 =	simm.s32 @!p0 $0x3280;
	s1 =	sadd.s32 @!p0 s0, s1  }
0x12d: {  	[tilespmem:s30], [sflag:$0x4] =	stream.strided.gather @!p0 [hbm4b:s1+s28], $0x1000, s29, s28, $0x38;
	[tilespmem:$0xCA80] =	vst v63  }
.LBB2_11:
0x12e: {  	_ =	sfence.sel $0x180000  }
0x12f: {  	[bflag:$0x0] =	sbarrier.arrive $0xFFFF  }
0x130: {  	_ =	strace $0x9000004D  }
0x131: {  	[bflag:$0x2] =	sbarrier.arrive $0xFFFF  }
0x132: {  	p0 =	sne.s32 s3, $0x0;
	s0 =	rddreg [dreg:$0x3]  }
0x133: {  	s0 =	sadd.s32 @!p0 $0x100000, s0  }
0x134: {  	[sflag:s0] =	ssyncadd.tile.s32 @!p0 $0x1;
	_ =	shalt  }
.Lfunc_end2:
_tile_overlayer_lowered:
.L_overlay_start_2:
0x135: {  	(tag) =	ssettag $0x2  }
0x136: {  	s0 =	rddreg [dreg:$0x0];
	s2 =	stileid.u32  }
0x137: {  	s1 =	rddreg [dreg:$0x1];
	p0 =	sne.s32 s2, $0x0  }
0x138: {  	s3 =	rddreg [dreg:$0x2];
	[bflag:$0x3] =	sbarrier.arrive $0xFFFF;
	s2 =	simm.s32 @!p0 $0x1C0A  }
0x139: {  	[timem:s3], [sflag:s2] =	dma.local @!p0 [hbm:s0], s1  }
0x13a: {  	s0 =	simm.s32 @!p0 $0xA  }
0x13b: {  	_ =	swait.ge @!p0 [sflag:s0], s1  }
0x13c: {  	s1 =	ssub.s32 @!p0 $0x0, s1;
	[sflag:s0] =	ssyncset.done @!p0 $0x0  }
0x13d: {  	[sflag:s0] =	ssyncadd.s32 @!p0 s1  }
0x13e: {  	[bflag:$0x3] =	sbarrier.arrive $0xFFFF  }
0x13f: {  	_ =	shalt  }

// kernel: kernel.7.cloned.1.call-start
scs
__scs_entry_jumppad:
0x0: {  	(pc) =	sbr.rel $0x88, $3  }
0x1: {  	(tag) =	ssettag $0x0;
	lr =	simm.s32 $0x1  }
0x2: {  	[smem:$0x3F97] =	sst lr;
	_ =	strace $0xD0000000  }
0x3: {  	_ = 	snop  }
0x4: {  	_ = 	snop  }
0x5: {  	_ = 	snop  }
0x6: {  	_ = 	snop  }
0x7: {  	_ = 	snop  }
__scs_overlays_trampoline_lowered:
0x8: {  	[smem:$0x3FA6] =	sst s0  }
0x9: {  	[smem:$0x3FA7] =	sst s1  }
0xa: {  	[smem:$0x3FA8] =	sst s2  }
0xb: {  	[smem:$0x3FA9] =	sst s3  }
0xc: {  	[smem:$0x3FAA] =	sst s4  }
0xd: {  	[smem:$0x3FAB] =	sst s5  }
0xe: {  	[smem:$0x3FAC] =	sst s6  }
0xf: {  	[smem:$0x3FAD] =	sst s7  }
0x10: {  	[smem:$0x3FAE] =	sst s8  }
0x11: {  	[smem:$0x3FAF] =	sst s9;
	s0 =	simm.s32 @!p0 $0x0  }
0x12: {  	s1 =	sld [smem:$0x3F95];
	s0 =	simm.s32 @p0 $0x1  }
0x13: {  	[smem:$0x3FB0] =	sst s0;
	s0 =	simm.s32 @!p1 $0x0  }
0x14: {  	s2 =	sld [smem:$0x3F94];
	s0 =	simm.s32 @p1 $0x1  }
0x15: {  	[smem:$0x3FB1] =	sst s0;
	s0 =	simm.s32 @!p2 $0x0  }
0x16: {  	s3 =	sld [smem:$0x3FDB];
	s0 =	simm.s32 @p2 $0x1  }
0x17: {  	s4 =	simm.s32 $0x1BF5;
	[smem:$0x3FB3] =	sst s0  }
0x18: {  	s0 =	sld [smem:$0x3F96];
	_ =	swait.ge [sflag:s4], $0x0  }
0x19: {  	s7 =	sld [smem:$0x3F97]  }
0x1a: {  	s8 =	sadd.s32 $0xFFFFE003, lr  }
0x1b: {  	s9 =	sadd.s32 $0xFFFFFEF7, lr;
	s5 =	simm.s32 $0xFFFFFFFF;
	p2 =	slt.u32 s8, $0xFFFFF086  }
0x1c: {  	p1 =	slt.u32 s9, $0xF7A;
	s5 =	simm.s32 @!p2 $0x0  }
0x1d: {  	s5 =	simm.s32 @p1 $0x1;
	p0 =	seq.s32 s7, s2  }
0x1e: {  	s7 =	smul.u32 @!p0 $0xF7A, s2;
	p2 =	seq.s32 @!p0 s5, $0x0  }
0x1f: {  	s9 =	smul.u32 $0xF7A, s1;
	s8 =	simm.s32 @!p0 $0x1BF5;
	p2 =	por !p2, p0  }
0x20: {  	[sflag:s8] =	ssyncset.s32 @!p0 $0xFFFFF086;
	s6 =	sadd.s32 @!p0 s3, s7;
	s7 =	simm.s32 @!p0 $0x108  }
0x21: {  	s3 =	sadd.s32 s3, s9;
	s6 =	sadd.s32 @!p0 $0x88, s6;
	s7 =	simm.s32 @p2 $0x1082  }
0x22: {  	[simem:s7], [sflag:s8] =	dma.local @!p0 [hbm:s6], $0xF7A  }
0x23: {  	s9 =	sor.u32 $0xD0000000, s2;
	s6 =	simm.s32 $0x108;
	_ =	swait.ge @!p0 [sflag:s8], $0x0  }
0x24: {  	s3 =	sadd.s32 $0x88, s3;
	s6 =	simm.s32 @!p1 $0x1082;
	[sflag:s4] =	ssyncset.s32 $0xFFFFF086  }
0x25: {  	[simem:s6], [sflag:s4] =	dma.local [hbm:s3], $0xF7A  }
0x26: {  	[smem:$0x3F97] =	sst s1;
	(tag) =	ssettag s2;
	_ =	strace s9  }
0x27: {  	s1 =	sld [smem:$0x3FA7]  }
0x28: {  	s2 =	sld [smem:$0x3FA8]  }
0x29: {  	s4 =	sld [smem:$0x3FAA]  }
0x2a: {  	p0 =	seq.s32 s5, $0x0;
	s5 =	sld [smem:$0x3FAB]  }
0x2b: {  	s6 =	sld [smem:$0x3FAC]  }
0x2c: {  	s7 =	sld [smem:$0x3FAD]  }
0x2d: {  	s3 =	simm.s32 $0x108;
	s8 =	sld [smem:$0x3FAE]  }
0x2e: {  	s3 =	simm.s32 @!p0 $0x1082;
	s9 =	sld [smem:$0x3FAF]  }
0x2f: {  	lr =	sadd.s32 s0, s3;
	s0 =	sld [smem:$0x3FA6]  }
0x30: {  	s3 =	sld [smem:$0x3FA9]  }
0x31: {  	[smem:$0x3FB2] =	sst s10  }
0x32: {  	s10 =	sld [smem:$0x3FB0];
	_ =	sdelay $0x3  }
0x33: {  	p0 =	seq.s32 s10, $0x1;
	s10 =	sld [smem:$0x3FB2];
	_ =	sdelay $0x3  }
0x34: {  	[smem:$0x3FB2] =	sst s10  }
0x35: {  	s10 =	sld [smem:$0x3FB1];
	_ =	sdelay $0x3  }
0x36: {  	p1 =	seq.s32 s10, $0x1;
	s10 =	sld [smem:$0x3FB2];
	_ =	sdelay $0x3  }
0x37: {  	[smem:$0x3FB2] =	sst s10  }
0x38: {  	s10 =	sld [smem:$0x3FB3]  }
0x39: {  	_ = 	snop;
	(pc) =	sbr.ind lr, $3  }
0x3a: {  	_ = 	snop  }
0x3b: {  	_ = 	snop  }
0x3c: {  	p2 =	seq.s32 s10, $0x1;
	s10 =	sld [smem:$0x3FB2]  }
0x3d: {  	_ =	shalt  }
0x3e: {  	_ =	shalt  }
0x3f: {  	_ =	shalt  }
0x40: {  	_ =	shalt  }
0x41: {  	_ =	shalt  }
0x42: {  	_ =	shalt  }
0x43: {  	_ =	shalt  }
0x44: {  	_ =	shalt  }
0x45: {  	_ =	shalt  }
0x46: {  	_ =	shalt  }
0x47: {  	_ =	shalt  }
0x48: {  	_ =	shalt  }
0x49: {  	_ =	shalt  }
0x4a: {  	_ =	shalt  }
0x4b: {  	_ =	shalt  }
0x4c: {  	_ =	shalt  }
0x4d: {  	_ =	shalt  }
0x4e: {  	_ =	shalt  }
0x4f: {  	_ =	shalt  }
0x50: {  	_ =	shalt  }
0x51: {  	_ =	shalt  }
0x52: {  	_ =	shalt  }
0x53: {  	_ =	shalt  }
0x54: {  	_ =	shalt  }
0x55: {  	_ =	shalt  }
0x56: {  	_ =	shalt  }
0x57: {  	_ =	shalt  }
0x58: {  	_ =	shalt  }
0x59: {  	_ =	shalt  }
0x5a: {  	_ =	shalt  }
0x5b: {  	_ =	shalt  }
0x5c: {  	_ =	shalt  }
0x5d: {  	_ =	shalt  }
0x5e: {  	_ =	shalt  }
0x5f: {  	_ =	shalt  }
0x60: {  	_ =	shalt  }
0x61: {  	_ =	shalt  }
0x62: {  	_ =	shalt  }
0x63: {  	_ =	shalt  }
0x64: {  	_ =	shalt  }
0x65: {  	_ =	shalt  }
0x66: {  	_ =	shalt  }
0x67: {  	_ =	shalt  }
0x68: {  	_ =	shalt  }
0x69: {  	_ =	shalt  }
0x6a: {  	_ =	shalt  }
0x6b: {  	_ =	shalt  }
0x6c: {  	_ =	shalt  }
0x6d: {  	_ =	shalt  }
0x6e: {  	_ =	shalt  }
0x6f: {  	_ =	shalt  }
0x70: {  	_ =	shalt  }
0x71: {  	_ =	shalt  }
0x72: {  	_ =	shalt  }
0x73: {  	_ =	shalt  }
0x74: {  	_ =	shalt  }
0x75: {  	_ =	shalt  }
0x76: {  	_ =	shalt  }
0x77: {  	_ =	shalt  }
0x78: {  	_ =	shalt  }
0x79: {  	_ =	shalt  }
0x7a: {  	_ =	shalt  }
0x7b: {  	_ =	shalt  }
0x7c: {  	_ =	shalt  }
0x7d: {  	_ =	shalt  }
0x7e: {  	_ =	shalt  }
0x7f: {  	_ =	shalt  }
0x80: {  	_ =	shalt  }
0x81: {  	_ =	shalt  }
0x82: {  	_ =	shalt  }
0x83: {  	_ =	shalt  }
0x84: {  	_ =	shalt  }
0x85: {  	_ =	shalt  }
0x86: {  	_ =	shalt  }
0x87: {  	_ =	shalt  }
.Lfunc_end0:
.L_simem_size_0:
called_computation_lowered:
.L_overlay_start_0:
0x88: {  	s2 =	sld [smem:$0x3FD9]  }
0x89: {  	s3 =	sld [smem:$0x3FFE];
	_ =	sdelay $0x1  }
0x8a: {  	s1 =	srdreg.scid  }
0x8b: {  	s0 =	sand.u32 $0x1, s1  }
0x8c: {  	s17 =	sshll.u32 s0, $0xA;
	s2 =	sadd.s32 s3, s2  }
0x8d: {  	s2 =	sadd.s32 s2, s17  }
0x8e: {  	[smem:$0x3FBE] =	sst s2  }
0x8f: {  	_ = 	snop  }
0x90: {  	s4 =	sld [smem:$0x3FC9]  }
0x91: {  	s5 =	sld [smem:$0x3FC5]  }
0x92: {  	s18 =	sld [smem:$0x3FD0];
	(tm) =	ssettm $0x1  }
0x93: {  	s19 =	sld [smem:$0x3FFB];
	_ =	sdelay $0x3  }
0x94: {  	_ =	strace s19  }
0x95: {  	s2 =	sld [smem:$0x3FFC];
	_ =	sdelay $0x3  }
0x96: {  	_ =	strace s2  }
0x97: {  	s2 =	sld [smem:$0x3FFD];
	_ =	sdelay $0x3  }
0x98: {  	_ =	strace s2  }
0x99: {  	_ =	strace $0x8FFFFFFF  }
0x9a: {  	s20 =	sld [smem:$0x3FDB];
	_ =	sdelay $0x1  }
0x9b: {  	s6 =	simm.s32 $_scs_section_size  }
0x9c: {  	s7 =	simm.s32 $_size__tile_overlayer_lowered;
	s8 =	simm.s32 $_tile_overlayer_lowered  }
0x9d: {  	s9 =	simm.s32 $0x1BFF;
	s21 =	sshll.u32 s8, $0x1;
	s6 =	sadd.s32 s6, s20  }
0x9e: {  	s22 =	simm.s32 $0x0;
	s7 =	sshll.u32 s7, $0x1;
	s8 =	sadd.s32 s21, s6  }
0x9f: {  	[timem:s22], [sflag:s9] =	dma.local [hbm:s8], s7  }
0xa0: {  	_ =	swait.ge [sflag:s9], s7  }
0xa1: {  	s7 =	ssub.s32 $0x0, s7;
	[sflag:s9] =	ssyncset.done $0x0  }
0xa2: {  	[sflag:s9] =	ssyncadd.s32 s7;
	_ =	sdelay $0x1  }
0xa3: {  	s23 =	simm.s32 $0x1B8B  }
0xa4: {  	_ =	swait.ge [sflag:s23], $0x1  }
0xa5: {  	[sflag:s23] =	ssyncset.done $0x0  }
0xa6: {  	[sflag:s23] =	ssyncadd.s32 $0xFFFFFFFF  }
0xa7: {  	s7 =	sld [smem:$0x0]  }
0xa8: {  	s8 =	sand.u32 $0xFFFFFFFE, s1  }
0xa9: {  	p0 =	sne.s32 s1, s8  }
0xaa: {  	s8 =	sshll.u32 @p0 s8, $0xE  }
0xab: {  	s8 =	sadd.s32 @p0 $0x11B8D, s8;
	s9 =	sshll.u32 @p0 s7, $0x11  }
0xac: {  	s8 =	sor.u32 @p0 s9, s8  }
0xad: {  	[sflag:s8] =	ssyncadd.remote.s32 @p0 $0x1;
	_ =	sdelay $0x1  }
0xae: {  	s8 =	simm.s32 @p0 $0x1B8D  }
0xaf: {  	_ =	swait.eq @p0 [sflag:s8], $0x1  }
0xb0: {  	[sflag:s8] =	ssyncadd.s32 @p0 $0xFFFFFFFF  }
0xb1: {  	s9 =	sshll.u32 @!p0 s1, $0xE  }
0xb2: {  	s9 =	sor.u32 @!p0 $0x4000, s9;
	s8 =	simm.s32 @!p0 $0x1B8D  }
0xb3: {  	s7 =	sshll.u32 @!p0 s7, $0x11;
	s9 =	sadd.s32 @!p0 $0x11B8D, s9;
	_ =	swait.eq @!p0 [sflag:s8], $0x1  }
0xb4: {  	s7 =	sor.u32 @!p0 s7, s9;
	[sflag:s8] =	ssyncadd.s32 @!p0 $0xFFFFFFFF  }
0xb5: {  	s25 =	simm.s32 $0x1B8E;
	s24 =	sld [smem:$0x3FFE];
	[sflag:s7] =	ssyncadd.remote.s32 @!p0 $0x1  }
0xb6: {  	s26 =	simm.s32 $execute0_lowered;
	[smem:$0x3FD2] =	sst s25  }
0xb7: {  	s8 =	sshll.u32 s26, $0x1;
	_ =	strace $0x8000004F;
	[dreg:$0x1] =	wrdreg $0xFFFFFFFF  }
0xb8: {  	s28 =	simm.s32 $_size_execute0_lowered;
	s6 =	sadd.s32 s6, s8;
	[dreg:$0x0] =	wrdreg $0x0  }
0xb9: {  	s8 =	sshll.u32 s28, $0x1;
	[dreg:$0x2] =	wrdreg s6  }
0xba: {  	[dreg:$0x3] =	wrdreg s8  }
0xbb: {  	[dreg:$0x4] =	wrdreg $0xC0  }
0xbc: {  	_ =	task [dreg:s22], $0x5FFFF  }
0xbd: {  	[dreg:$0x1] =	wrdreg $0xFFFFFFFF  }
0xbe: {  	[dreg:$0x0] =	wrdreg $0x60  }
0xbf: {  	[dreg:$0x2] =	wrdreg s4  }
0xc0: {  	[dreg:$0x3] =	wrdreg s5  }
0xc1: {  	[dreg:$0x4] =	wrdreg s24  }
0xc2: {  	[dreg:$0x5] =	wrdreg s18  }
0xc3: {  	[dreg:$0x6] =	wrdreg $0x9  }
0xc4: {  	_ =	task.clear_ibuf [dreg:s22], $0x7FFFF;
	_ =	strace $0x9000004F  }
0xc5: {  	s29 =	simm.s32 $0x9;
	_ =	strace $0x80000051  }
0xc6: {  	_ =	swait.ge [sflag:s29], $0x1  }
0xc7: {  	[sflag:s29] =	ssyncadd.s32 $0xFFFFFFFF  }
0xc8: {  	_ =	strace $0x90000051  }
0xc9: {  	_ =	sfence  }
0xca: {  	s30 =	sld [smem:$0x0];
	_ =	sdelay $0x2  }
0xcb: {  	s31 =	sshll.u32 s1, $0xD;
	s1 =	sshrl.u32 s1, $0x2  }
0xcc: {  	s4 =	sand.u32 $0x4000, s31;
	s1 =	sadd.s32 s1, s30  }
0xcd: {  	s0 =	sor.u32 s4, s0;
	s1 =	sshll.u32 s1, $0x11  }
0xce: {  	s0 =	sor.u32 s1, s0  }
0xcf: {  	s0 =	sadd.s32 $0x8F2B, s0  }
0xd0: {  	[sflag:s0] =	ssyncadd.remote.s32 $0x1  }
0xd1: {  	_ =	sfence.sel $0xFFFF  }
0xd2: {  	[dreg:$0x0] =	wrdreg $0xFFFFFFFF;
	(pc) =	sbr.abs _section_cstart, $3  }
0xd3: {  	[dreg:$0x1] =	wrdreg $0xFFFFFFFF  }
0xd4: {  	_ =	task.clear_ibuf [dreg:s22], $0x2FFFF;
	_ =	strace $0x9FFFFFFF  }
0xd5: {  	(tm) =	ssettm $0x7FFFFFFF  }
tec
execute0_lowered:
.L_overlay_start_1:
0x0: {  	(tag) =	ssettag $0x1  }
0x1: {  	v0 =	vlaneseq.u32;
	v2 =	vimm.s32 $0x1380;
	vm0 =	vcmask $0x300  }
0x2: {  	vm1 =	vcmask $0x704;
	v3 =	vimm.s32 $0x3380;
	vm2 =	vcmask $0xB08  }
0x3: {  	s5 =	rddreg [dreg:$0x0];
	vm4 =	vcmask $0xF0C;
	v2 =	vsel vm0, $0x0, v2;
	v3 =	vsel vm0, $0x2000, v3  }
0x4: {  	s0 =	rddreg [dreg:$0x1];
	vm5 =	vcmask $0x1310;
	v2 =	vsel vm1, $0x80, v2;
	v3 =	vsel vm1, $0x2080, v3  }
0x5: {  	s4 =	rddreg [dreg:$0x2];
	vm6 =	vcmask $0x1714;
	v2 =	vsel vm2, $0x100, v2;
	v3 =	vsel vm2, $0x2100, v3  }
0x6: {  	s6 =	rddreg [dreg:$0x3];
	s7 =	srdreg.scid;
	s3 =	simm.s32 $0x0;
	vm7 =	vcmask $0x1B18;
	v2 =	vsel vm4, $0x180, v2;
	v3 =	vsel vm4, $0x2180, v3  }
0x7: {  	s2 =	stileid.u32;
	vm8 =	vcmask $0x1F1C;
	s12 =	simm.s32 $0x7A1400;
	s13 =	simm.s32 $0x280;
	v2 =	vsel vm5, $0x200, v2;
	v3 =	vsel vm5, $0x2200, v3  }
0x8: {  	vm9 =	vcmask $0x2320;
	s14 =	simm.s32 $0x1280;
	s15 =	simm.s32 $0x2280;
	s16 =	simm.s32 $0x3280;
	v2 =	vsel vm6, $0x280, v2;
	v3 =	vsel vm6, $0x2280, v3  }
0x9: {  	vm10 =	vcmask $0x2724;
	s17 =	simm.s32 $0x4280;
	s18 =	simm.s32 $0x5280;
	s19 =	simm.s32 $0x6280;
	v2 =	vsel vm7, $0x300, v2;
	v3 =	vsel vm7, $0x2300, v3  }
0xa: {  	vm11 =	vcmask $0x2B28;
	s20 =	simm.s32 $0x7280;
	s21 =	simm.s32 $0x1000;
	s22 =	simm.s32 $0x20000;
	v2 =	vsel vm8, $0x380, v2;
	v3 =	vsel vm8, $0x2380, v3  }
0xb: {  	vm12 =	vcmask $0x2F2C;
	s23 =	simm.s32 $0x8A80;
	s24 =	simm.s32 $0x0;
	s7 =	sand.u32 $0x1, s7;
	v2 =	vsel vm9, $0x1000, v2;
	v3 =	vsel vm9, $0x3000, v3  }
0xc: {  	vm13 =	vcmask $0x3330;
	[smem:$0x7FF] =	sst s3;
	s8 =	sshll.u32 s2, $0xA;
	s4 =	sadd.s32 $0x33800, s4;
	v2 =	vsel vm10, $0x1080, v2;
	v3 =	vsel vm10, $0x3080, v3  }
.Ltmp0:
0xd: {  	vm14 =	vcmask $0x3734;
	s9 =	sshll.u32 s7, $0x9;
	s7 =	ssub.s32 $0x2, s7;
	v2 =	vsel vm11, $0x1100, v2;
	v3 =	vsel vm11, $0x3100, v3;
	(pc) =	sbr.rel .LBB2_1-.Ltmp0, $4  }
0xe: {  	vm15 =	vcmask $0x3B38;
	_ =	strace $0x80000050;
	s8 =	sor.u32 s9, s8;
	s31 =	sshrl.u32 s7, $0x1;
	v2 =	vsel vm12, $0x1180, v2;
	v3 =	vsel vm12, $0x3180, v3  }
0xf: {  	v1 =	vmul.u32 $0x80, v0;
	s9 =	simm.s32 $0x9;
	s10 =	sshrl.u32 s8, $0x3;
	s11 =	ssub.s32 s7, s31;
	v2 =	vsel vm13, $0x1200, v2;
	v3 =	vsel vm13, $0x3200, v3  }
0x10: {  	v4 =	vor.u32 $0x10, v0;
	s6 =	sadd.s32 s6, s8;
	s7 =	simm.s32 $0xA;
	s8 =	simm.s32 $0x8280;
	v2 =	vsel vm14, $0x1280, v2;
	v5 =	vsel vm14, $0x3280, v3  }
0x11: {  	s5 =	sadd.s32 s5, s10;
	s10 =	smax.u32 s11, $0x1;
	s11 =	simm.s32 $0x400;
	v3 =	vor.u32 $0x800, v1;
	v2 =	vsel vm15, $0x1300, v2;
	v5 =	vsel vm15, $0x3300, v5  }
.LBB2_10:
0x12: {  	s24 =	sadd.s32 $0x1, s24  }
0x13: {  	p0 =	sne.s32 s24, s10  }
.Ltmp1:
0x14: {  	_ = 	snop;
	(pc) =	sbr.rel @!p0 .LBB2_11-.Ltmp1, $4  }
0x15: {  	[hbm4b:s6+s21] =	stream.strided.scatter [tilespmem:s23], [sflag:$0xA], $0x4000, s22, s21, $0x38;
	[tilespmem:$0xCA80] =	vst v63  }
0x16: {  	_ =	swait.ge [sflag:s7], $0x4000  }
0x17: {  	[sflag:s7] =	ssyncset.done $0x0  }
0x18: {  	[sflag:s7] =	ssyncadd.s32 $0xFFFFC000  }
.LBB2_1:
0x19: {  	[tilespmem:s3], [sflag:$0xA] =	stream.linear.gather [hbm4b:s5+s3], $0x200, $0x38;
	[tilespmem:$0xCA80] =	vst v63  }
0x1a: {  	_ =	swait.ge [sflag:s7], $0x200  }
0x1b: {  	[sflag:s7] =	ssyncset.done $0x0  }
0x1c: {  	[sflag:s7] =	ssyncadd.s32 $0xFFFFFE00  }
0x1d: {  	[tilespmem:s8], [sflag:$0x9] =	stream.linear.gather [hbm4b:s4+s3], $0x800, $0x38;
	[tilespmem:$0xCA80] =	vst v63  }
0x1e: {  	_ =	swait.ge [sflag:s9], $0x800  }
0x1f: {  	[sflag:s9] =	ssyncset.done $0x0  }
0x20: {  	[sflag:s9] =	ssyncadd.s32 $0xFFFFF800  }
0x21: {  	v6 =	vld [tilespmem:$0x0];
	_ =	sdelay $0x4  }
0x22: {  	(v2sf) =	vpush v6, $0x0;
	_ =	sdelay $0xe  }
0x23: {  	s25 =	spop (v2sf)  }
0x24: {  	s25 =	sshrl.u32 s25, $0x7  }
0x25: {  	s25 =	smin.u32 s25, $0x1E83  }
0x26: {  	s25 =	sshll.u32 s25, $0x7  }
0x27: {  	s25 =	sadd.s32 s0, s25  }
0x28: {  	[tilespmem:s13], [sflag:$0x1] =	stream.strided.gather [hbm4b:s25+s11], $0x1000, s12, s11, $0x38;
	[tilespmem:$0xCA80] =	vst v63  }
0x29: {  	v6 =	vld [tilespmem:$0x1];
	_ =	sdelay $0x4  }
0x2a: {  	(v2sf) =	vpush v6, $0x0;
	_ =	sdelay $0xe  }
0x2b: {  	s31 =	spop (v2sf)  }
0x2c: {  	s25 =	sshrl.u32 s31, $0x7  }
0x2d: {  	s25 =	smin.u32 s25, $0x1E83  }
0x2e: {  	s25 =	sshll.u32 s25, $0x7  }
0x2f: {  	s25 =	sadd.s32 s0, s25  }
0x30: {  	[tilespmem:s14], [sflag:$0x2] =	stream.strided.gather [hbm4b:s25+s11], $0x1000, s12, s11, $0x38;
	[tilespmem:$0xCA80] =	vst v63  }
0x31: {  	v6 =	vld [tilespmem:$0x2];
	_ =	sdelay $0x4  }
0x32: {  	(v2sf) =	vpush v6, $0x0;
	_ =	sdelay $0xe  }
0x33: {  	s1 =	spop (v2sf)  }
0x34: {  	s25 =	sshrl.u32 s1, $0x7  }
0x35: {  	s25 =	smin.u32 s25, $0x1E83  }
0x36: {  	s25 =	sshll.u32 s25, $0x7  }
0x37: {  	s25 =	sadd.s32 s0, s25  }
0x38: {  	[tilespmem:s15], [sflag:$0x3] =	stream.strided.gather [hbm4b:s25+s11], $0x1000, s12, s11, $0x38;
	[tilespmem:$0xCA80] =	vst v63  }
0x39: {  	v6 =	vld [tilespmem:$0x3];
	_ =	sdelay $0x4  }
0x3a: {  	(v2sf) =	vpush v6, $0x0;
	_ =	sdelay $0xe  }
0x3b: {  	s26 =	spop (v2sf)  }
0x3c: {  	s25 =	sshrl.u32 s26, $0x7  }
0x3d: {  	s25 =	smin.u32 s25, $0x1E83  }
0x3e: {  	s25 =	sshll.u32 s25, $0x7  }
0x3f: {  	s25 =	sadd.s32 s0, s25  }
0x40: {  	[tilespmem:s16], [sflag:$0x4] =	stream.strided.gather [hbm4b:s25+s11], $0x1000, s12, s11, $0x38;
	[tilespmem:$0xCA80] =	vst v63  }
0x41: {  	v6 =	vld [tilespmem:$0x4];
	_ =	sdelay $0x4  }
0x42: {  	(v2sf) =	vpush v6, $0x0;
	_ =	sdelay $0xe  }
0x43: {  	s28 =	spop (v2sf)  }
0x44: {  	s25 =	sshrl.u32 s28, $0x7  }
0x45: {  	s25 =	smin.u32 s25, $0x1E83  }
0x46: {  	s25 =	sshll.u32 s25, $0x7  }
0x47: {  	s25 =	sadd.s32 s0, s25  }
0x48: {  	[tilespmem:s17], [sflag:$0x5] =	stream.strided.gather [hbm4b:s25+s11], $0x1000, s12, s11, $0x38;
	[tilespmem:$0xCA80] =	vst v63  }
0x49: {  	v6 =	vld [tilespmem:$0x5];
	_ =	sdelay $0x4  }
0x4a: {  	(v2sf) =	vpush v6, $0x0;
	_ =	sdelay $0xe  }
0x4b: {  	s29 =	spop (v2sf)  }
0x4c: {  	s25 =	sshrl.u32 s29, $0x7  }
0x4d: {  	s25 =	smin.u32 s25, $0x1E83  }
0x4e: {  	s25 =	sshll.u32 s25, $0x7  }
0x4f: {  	s25 =	sadd.s32 s0, s25  }
0x50: {  	[tilespmem:s18], [sflag:$0x6] =	stream.strided.gather [hbm4b:s25+s11], $0x1000, s12, s11, $0x38;
	[tilespmem:$0xCA80] =	vst v63  }
0x51: {  	v6 =	vld [tilespmem:$0x6];
	_ =	sdelay $0x4  }
0x52: {  	(v2sf) =	vpush v6, $0x0;
	_ =	sdelay $0xe  }
0x53: {  	s30 =	spop (v2sf)  }
0x54: {  	s25 =	sshrl.u32 s30, $0x7  }
0x55: {  	s25 =	smin.u32 s25, $0x1E83  }
0x56: {  	s25 =	sshll.u32 s25, $0x7  }
0x57: {  	s25 =	sadd.s32 s0, s25  }
0x58: {  	[tilespmem:s19], [sflag:$0x7] =	stream.strided.gather [hbm4b:s25+s11], $0x1000, s12, s11, $0x38;
	[tilespmem:$0xCA80] =	vst v63  }
0x59: {  	v6 =	vld [tilespmem:$0x7];
	_ =	sdelay $0x4  }
0x5a: {  	(v2sf) =	vpush v6, $0x0;
	_ =	sdelay $0xe  }
0x5b: {  	s31 =	spop (v2sf)  }
0x5c: {  	s25 =	sshrl.u32 s31, $0x7  }
.Ltmp2:
0x5d: {  	s25 =	smin.u32 s25, $0x1E83;
	(pc) =	sbr.rel .LBB2_2-.Ltmp2, $4  }
0x5e: {  	s25 =	sshll.u32 s25, $0x7  }
0x5f: {  	s25 =	sadd.s32 s0, s25  }
0x60: {  	[tilespmem:s20], [sflag:$0x8] =	stream.strided.gather [hbm4b:s25+s11], $0x1000, s12, s11, $0x38;
	[tilespmem:$0xCA80] =	vst v63  }
0x61: {  	s26 =	simm.s32 $0x0;
	s25 =	simm.s32 $0x8  }
.LBB2_8:
0x62: {  	p0 =	seq.s32 s29, $0x6  }
0x63: {  	s1 =	simm.s32 @p0 $0x7  }
0x64: {  	_ =	swait.ge @p0 [sflag:s1], $0x1000  }
0x65: {  	[sflag:s1] =	ssyncset.done @p0 $0x0  }
0x66: {  	[sflag:s1] =	ssyncadd.s32 @p0 $0xFFFFF000;
	s1 =	simm.s32 @p0 $0x6280  }
0x67: {  	s29 =	simm.s32 @p0 $0x8280;
	v12 =	vld.idx.msk @p0 [tilespmem:v11+s1+$0x0], $0xffff  }
0x68: {  	v13 =	vld.idx.msk @p0 [tilespmem:v10+s29+$0x0], $0xffff;
	_ =	sdelay $0x2  }
0x69: {  	p1 =	sgt.s32 @p0 s28, $0xF41FF  }
0x6a: {  	p1 =	por !p1, !p0  }
0x6b: {  	s30 =	simm.s32 @p0 $0x8A80;
	v12 =	vpsel p1, v12, v13  }
0x6c: {  	[tilespmem:v9+s30+$0x0] =	vst.idx.msk @p0 $0xffff, v12  }
0x6d: {  	v12 =	vld.idx.msk @p0 [tilespmem:v8+s1+$0x0], $0xffff  }
0x6e: {  	v13 =	vld.idx.msk @p0 [tilespmem:v7+s29+$0x0], $0xffff;
	_ =	sdelay $0x4  }
0x6f: {  	p2 =	sgt.u32 @p0 s26, $0x1F7;
	v12 =	vpsel p1, v12, v13  }
0x70: {  	p1 =	por p2, !p0;
	[tilespmem:v6+s30+$0x0] =	vst.idx.msk @p0 $0xffff, v12  }
0x71: {  	v12 =	vld @!p1 [tilespmem:s25+$0x0];
	_ =	sdelay $0x4  }
0x72: {  	(v2sf) =	vpush @!p1 v12, $0x0;
	_ =	sdelay $0xe  }
0x73: {  	s1 =	spop @!p1 (v2sf)  }
0x74: {  	s1 =	sshrl.u32 @!p1 s1, $0x7  }
0x75: {  	s1 =	smin.u32 @!p1 s1, $0x1E83  }
0x76: {  	s29 =	simm.s32 @!p1 $0x400;
	s1 =	sshll.u32 @!p1 s1, $0x7  }
0x77: {  	s30 =	simm.s32 @!p1 $0x7A1400;
	s31 =	simm.s32 @!p1 $0x6280;
	s1 =	sadd.s32 @!p1 s0, s1  }
0x78: {  	[tilespmem:s31], [sflag:$0x7] =	stream.strided.gather @!p1 [hbm4b:s1+s29], $0x1000, s30, s29, $0x38;
	[tilespmem:$0xCA80] =	vst v63  }
0x79: {  	s1 =	simm.s32 @!p0 $0x8  }
0x7a: {  	_ =	swait.ge @!p0 [sflag:s1], $0x1000  }
0x7b: {  	[sflag:s1] =	ssyncset.done @!p0 $0x0  }
0x7c: {  	[sflag:s1] =	ssyncadd.s32 @!p0 $0xFFFFF000;
	s1 =	simm.s32 @!p0 $0x7280  }
0x7d: {  	s29 =	simm.s32 @!p0 $0x8280;
	v11 =	vld.idx.msk @!p0 [tilespmem:v11+s1+$0x0], $0xffff  }
0x7e: {  	v10 =	vld.idx.msk @!p0 [tilespmem:v10+s29+$0x0], $0xffff;
	_ =	sdelay $0x2  }
0x7f: {  	p1 =	sgt.s32 @!p0 s28, $0xF41FF  }
0x80: {  	p1 =	por !p1, p0  }
0x81: {  	s28 =	simm.s32 @!p0 $0x8A80;
	v10 =	vpsel p1, v11, v10  }
0x82: {  	[tilespmem:v9+s28+$0x0] =	vst.idx.msk @!p0 $0xffff, v10  }
0x83: {  	v8 =	vld.idx.msk @!p0 [tilespmem:v8+s1+$0x0], $0xffff  }
0x84: {  	v7 =	vld.idx.msk @!p0 [tilespmem:v7+s29+$0x0], $0xffff;
	_ =	sdelay $0x4  }
0x85: {  	p2 =	sgt.u32 @!p0 s26, $0x1F7;
	v7 =	vpsel p1, v8, v7  }
0x86: {  	[tilespmem:v6+s28+$0x0] =	vst.idx.msk @!p0 $0xffff, v7;
	p0 =	por p2, p0  }
0x87: {  	v6 =	vld @!p0 [tilespmem:s25+$0x0];
	_ =	sdelay $0x4  }
0x88: {  	(v2sf) =	vpush @!p0 v6, $0x0;
	_ =	sdelay $0xe  }
0x89: {  	s1 =	spop @!p0 (v2sf)  }
0x8a: {  	s1 =	sshrl.u32 @!p0 s1, $0x7  }
0x8b: {  	s1 =	smin.u32 @!p0 s1, $0x1E83  }
0x8c: {  	s28 =	simm.s32 @!p0 $0x400;
	s1 =	sshll.u32 @!p0 s1, $0x7  }
0x8d: {  	s29 =	simm.s32 @!p0 $0x7A1400;
	s30 =	simm.s32 @!p0 $0x7280;
	s1 =	sadd.s32 @!p0 s0, s1  }
0x8e: {  	[tilespmem:s30], [sflag:$0x8] =	stream.strided.gather @!p0 [hbm4b:s1+s28], $0x1000, s29, s28, $0x38;
	[tilespmem:$0xCA80] =	vst v63  }
.LBB2_9:
0x8f: {  	s26 =	sadd.s32 $0x1, s26  }
0x90: {  	p0 =	sne.s32 s26, $0x200  }
.Ltmp3:
0x91: {  	_ = 	snop;
	(pc) =	sbr.rel @!p0 .LBB2_10-.Ltmp3, $2  }
0x92: {  	_ =	sdelay $0x2  }
0x93: {  	s25 =	sadd.s32 $0x1, s25  }
.LBB2_2:
0x94: {  	v6 =	vld [tilespmem:s25+$0xFFFFFFF8];
	_ =	sdelay $0x4  }
0x95: {  	(v2sf) =	vpush v6, $0x0;
	_ =	sdelay $0xe  }
0x96: {  	s28 =	spop (v2sf)  }
0x97: {  	s29 =	sadd.s32 $0xFFF0BE00, s28  }
0x98: {  	p0 =	sgt.s32 s29, $0x0  }
0x99: {  	s29 =	simm.s32 @!p0 $0x0  }
0x9a: {  	s30 =	smin.u32 s29, $0x3F;
	s29 =	sand.u32 $0x7, s26  }
0x9b: {  	v6 =	vmov s26;
	p0 =	sgt.s32 s29, $0x3  }
.Ltmp4:
0x9c: {  	v7 =	vshll.u32 v6, $0x3;
	(pc) =	sbr.rel @p0 .LBB2_6-.Ltmp4, $4  }
0x9d: {  	v6 =	vand.u32 $0x7F, v6;
	v7 =	vand.u32 $0xC00, v7  }
0x9e: {  	v6 =	vor.u32 v6, v7;
	s31 =	sand.u32 $0x7F, s28  }
0x9f: {  	v9 =	vor.u32 v2, v6;
	v6 =	vor.u32 v5, v6;
	v11 =	vor.u32 s31, v1;
	s30 =	sshll.u32 s30, $0x5  }
0xa0: {  	v8 =	vor.u32 s31, v3;
	v10 =	vor.u32 s30, v0;
	v7 =	vor.u32 s30, v4  }
0xa1: {  	p0 =	sgt.s32 s29, $0x1  }
.Ltmp5:
0xa2: {  	_ = 	snop;
	(pc) =	sbr.rel @p0 .LBB2_5-.Ltmp5, $1  }
0xa3: {  	_ =	sdelay $0x3  }
0xa4: {  	p0 =	seq.s32 s29, $0x0  }
0xa5: {  	s29 =	simm.s32 @p0 $0x1  }
0xa6: {  	_ =	swait.ge @p0 [sflag:s29], $0x1000  }
0xa7: {  	[sflag:s29] =	ssyncset.done @p0 $0x0  }
0xa8: {  	[sflag:s29] =	ssyncadd.s32 @p0 $0xFFFFF000;
	s29 =	simm.s32 @p0 $0x280  }
0xa9: {  	s30 =	simm.s32 @p0 $0x8280;
	v12 =	vld.idx.msk @p0 [tilespmem:v11+s29+$0x0], $0xffff  }
0xaa: {  	v13 =	vld.idx.msk @p0 [tilespmem:v10+s30+$0x0], $0xffff;
	_ =	sdelay $0x2  }
0xab: {  	p1 =	sgt.s32 @p0 s28, $0xF41FF  }
0xac: {  	p1 =	por !p1, !p0  }
0xad: {  	s31 =	simm.s32 @p0 $0x8A80;
	v12 =	vpsel p1, v12, v13  }
0xae: {  	[tilespmem:v9+s31+$0x0] =	vst.idx.msk @p0 $0xffff, v12  }
0xaf: {  	v12 =	vld.idx.msk @p0 [tilespmem:v8+s29+$0x0], $0xffff  }
0xb0: {  	v13 =	vld.idx.msk @p0 [tilespmem:v7+s30+$0x0], $0xffff;
	_ =	sdelay $0x4  }
0xb1: {  	p2 =	sgt.u32 @p0 s26, $0x1F7;
	v12 =	vpsel p1, v12, v13  }
0xb2: {  	p1 =	por p2, !p0;
	[tilespmem:v6+s31+$0x0] =	vst.idx.msk @p0 $0xffff, v12  }
0xb3: {  	v12 =	vld @!p1 [tilespmem:s25+$0x0];
	_ =	sdelay $0x4  }
0xb4: {  	(v2sf) =	vpush @!p1 v12, $0x0;
	_ =	sdelay $0xe  }
0xb5: {  	s29 =	spop @!p1 (v2sf)  }
0xb6: {  	s29 =	sshrl.u32 @!p1 s29, $0x7  }
0xb7: {  	s29 =	smin.u32 @!p1 s29, $0x1E83  }
0xb8: {  	s30 =	simm.s32 @!p1 $0x400;
	s29 =	sshll.u32 @!p1 s29, $0x7  }
0xb9: {  	s31 =	simm.s32 @!p1 $0x7A1400;
	s1 =	simm.s32 @!p1 $0x280;
	s29 =	sadd.s32 @!p1 s0, s29  }
0xba: {  	[tilespmem:s1], [sflag:$0x1] =	stream.strided.gather @!p1 [hbm4b:s29+s30], $0x1000, s31, s30, $0x38;
	[tilespmem:$0xCA80] =	vst v63  }
0xbb: {  	s1 =	simm.s32 @!p0 $0x2  }
0xbc: {  	_ =	swait.ge @!p0 [sflag:s1], $0x1000  }
0xbd: {  	[sflag:s1] =	ssyncset.done @!p0 $0x0  }
0xbe: {  	[sflag:s1] =	ssyncadd.s32 @!p0 $0xFFFFF000;
	s1 =	simm.s32 @!p0 $0x1280  }
0xbf: {  	s29 =	simm.s32 @!p0 $0x8280;
	v11 =	vld.idx.msk @!p0 [tilespmem:v11+s1+$0x0], $0xffff  }
0xc0: {  	v10 =	vld.idx.msk @!p0 [tilespmem:v10+s29+$0x0], $0xffff;
	_ =	sdelay $0x2  }
0xc1: {  	p1 =	sgt.s32 @!p0 s28, $0xF41FF  }
0xc2: {  	p1 =	por !p1, p0  }
0xc3: {  	s28 =	simm.s32 @!p0 $0x8A80;
	v10 =	vpsel p1, v11, v10  }
0xc4: {  	[tilespmem:v9+s28+$0x0] =	vst.idx.msk @!p0 $0xffff, v10  }
0xc5: {  	v8 =	vld.idx.msk @!p0 [tilespmem:v8+s1+$0x0], $0xffff  }
0xc6: {  	v7 =	vld.idx.msk @!p0 [tilespmem:v7+s29+$0x0], $0xffff;
	_ =	sdelay $0x4  }
0xc7: {  	p2 =	sgt.u32 @!p0 s26, $0x1F7;
	v7 =	vpsel p1, v8, v7  }
0xc8: {  	[tilespmem:v6+s28+$0x0] =	vst.idx.msk @!p0 $0xffff, v7;
	p0 =	por p2, p0  }
0xc9: {  	v6 =	vld @!p0 [tilespmem:s25+$0x0];
	_ =	sdelay $0x4  }
0xca: {  	(v2sf) =	vpush @!p0 v6, $0x0;
	_ =	sdelay $0xe  }
0xcb: {  	s1 =	spop @!p0 (v2sf)  }
.Ltmp6:
0xcc: {  	s1 =	sshrl.u32 @!p0 s1, $0x7;
	(pc) =	sbr.rel .LBB2_9-.Ltmp6, $4  }
0xcd: {  	s1 =	smin.u32 @!p0 s1, $0x1E83  }
0xce: {  	s28 =	simm.s32 @!p0 $0x400;
	s1 =	sshll.u32 @!p0 s1, $0x7  }
0xcf: {  	s29 =	simm.s32 @!p0 $0x7A1400;
	s30 =	simm.s32 @!p0 $0x1280;
	s1 =	sadd.s32 @!p0 s0, s1  }
0xd0: {  	[tilespmem:s30], [sflag:$0x2] =	stream.strided.gather @!p0 [hbm4b:s1+s28], $0x1000, s29, s28, $0x38;
	[tilespmem:$0xCA80] =	vst v63  }
.LBB2_6:
0xd1: {  	p0 =	sgt.s32 s29, $0x5  }
.Ltmp7:
0xd2: {  	_ = 	snop;
	(pc) =	sbr.rel @p0 .LBB2_8-.Ltmp7, $1  }
0xd3: {  	_ =	sdelay $0x3  }
0xd4: {  	p0 =	seq.s32 s29, $0x4  }
0xd5: {  	s1 =	simm.s32 @p0 $0x5  }
0xd6: {  	_ =	swait.ge @p0 [sflag:s1], $0x1000  }
0xd7: {  	[sflag:s1] =	ssyncset.done @p0 $0x0  }
0xd8: {  	[sflag:s1] =	ssyncadd.s32 @p0 $0xFFFFF000;
	s1 =	simm.s32 @p0 $0x4280  }
0xd9: {  	s29 =	simm.s32 @p0 $0x8280;
	v12 =	vld.idx.msk @p0 [tilespmem:v11+s1+$0x0], $0xffff  }
0xda: {  	v13 =	vld.idx.msk @p0 [tilespmem:v10+s29+$0x0], $0xffff;
	_ =	sdelay $0x2  }
0xdb: {  	p1 =	sgt.s32 @p0 s28, $0xF41FF  }
0xdc: {  	p1 =	por !p1, !p0  }
0xdd: {  	s30 =	simm.s32 @p0 $0x8A80;
	v12 =	vpsel p1, v12, v13  }
0xde: {  	[tilespmem:v9+s30+$0x0] =	vst.idx.msk @p0 $0xffff, v12  }
0xdf: {  	v12 =	vld.idx.msk @p0 [tilespmem:v8+s1+$0x0], $0xffff  }
0xe0: {  	v13 =	vld.idx.msk @p0 [tilespmem:v7+s29+$0x0], $0xffff;
	_ =	sdelay $0x4  }
0xe1: {  	p2 =	sgt.u32 @p0 s26, $0x1F7;
	v12 =	vpsel p1, v12, v13  }
0xe2: {  	p1 =	por p2, !p0;
	[tilespmem:v6+s30+$0x0] =	vst.idx.msk @p0 $0xffff, v12  }
0xe3: {  	v12 =	vld @!p1 [tilespmem:s25+$0x0];
	_ =	sdelay $0x4  }
0xe4: {  	(v2sf) =	vpush @!p1 v12, $0x0;
	_ =	sdelay $0xe  }
0xe5: {  	s1 =	spop @!p1 (v2sf)  }
0xe6: {  	s1 =	sshrl.u32 @!p1 s1, $0x7  }
0xe7: {  	s1 =	smin.u32 @!p1 s1, $0x1E83  }
0xe8: {  	s29 =	simm.s32 @!p1 $0x400;
	s1 =	sshll.u32 @!p1 s1, $0x7  }
0xe9: {  	s30 =	simm.s32 @!p1 $0x7A1400;
	s31 =	simm.s32 @!p1 $0x4280;
	s1 =	sadd.s32 @!p1 s0, s1  }
0xea: {  	[tilespmem:s31], [sflag:$0x5] =	stream.strided.gather @!p1 [hbm4b:s1+s29], $0x1000, s30, s29, $0x38;
	[tilespmem:$0xCA80] =	vst v63  }
0xeb: {  	s1 =	simm.s32 @!p0 $0x6  }
0xec: {  	_ =	swait.ge @!p0 [sflag:s1], $0x1000  }
0xed: {  	[sflag:s1] =	ssyncset.done @!p0 $0x0  }
0xee: {  	[sflag:s1] =	ssyncadd.s32 @!p0 $0xFFFFF000;
	s1 =	simm.s32 @!p0 $0x5280  }
0xef: {  	s29 =	simm.s32 @!p0 $0x8280;
	v11 =	vld.idx.msk @!p0 [tilespmem:v11+s1+$0x0], $0xffff  }
0xf0: {  	v10 =	vld.idx.msk @!p0 [tilespmem:v10+s29+$0x0], $0xffff;
	_ =	sdelay $0x2  }
0xf1: {  	p1 =	sgt.s32 @!p0 s28, $0xF41FF  }
0xf2: {  	p1 =	por !p1, p0  }
0xf3: {  	s28 =	simm.s32 @!p0 $0x8A80;
	v10 =	vpsel p1, v11, v10  }
0xf4: {  	[tilespmem:v9+s28+$0x0] =	vst.idx.msk @!p0 $0xffff, v10  }
0xf5: {  	v8 =	vld.idx.msk @!p0 [tilespmem:v8+s1+$0x0], $0xffff  }
0xf6: {  	v7 =	vld.idx.msk @!p0 [tilespmem:v7+s29+$0x0], $0xffff;
	_ =	sdelay $0x4  }
0xf7: {  	p2 =	sgt.u32 @!p0 s26, $0x1F7;
	v7 =	vpsel p1, v8, v7  }
0xf8: {  	[tilespmem:v6+s28+$0x0] =	vst.idx.msk @!p0 $0xffff, v7;
	p0 =	por p2, p0  }
0xf9: {  	v6 =	vld @!p0 [tilespmem:s25+$0x0];
	_ =	sdelay $0x4  }
0xfa: {  	(v2sf) =	vpush @!p0 v6, $0x0;
	_ =	sdelay $0xe  }
0xfb: {  	s1 =	spop @!p0 (v2sf)  }
.Ltmp8:
0xfc: {  	s1 =	sshrl.u32 @!p0 s1, $0x7;
	(pc) =	sbr.rel .LBB2_9-.Ltmp8, $4  }
0xfd: {  	s1 =	smin.u32 @!p0 s1, $0x1E83  }
0xfe: {  	s28 =	simm.s32 @!p0 $0x400;
	s1 =	sshll.u32 @!p0 s1, $0x7  }
0xff: {  	s29 =	simm.s32 @!p0 $0x7A1400;
	s30 =	simm.s32 @!p0 $0x5280;
	s1 =	sadd.s32 @!p0 s0, s1  }
0x100: {  	[tilespmem:s30], [sflag:$0x6] =	stream.strided.gather @!p0 [hbm4b:s1+s28], $0x1000, s29, s28, $0x38;
	[tilespmem:$0xCA80] =	vst v63  }
.LBB2_5:
0x101: {  	p0 =	seq.s32 s29, $0x2  }
0x102: {  	s1 =	simm.s32 @p0 $0x3  }
0x103: {  	_ =	swait.ge @p0 [sflag:s1], $0x1000  }
0x104: {  	[sflag:s1] =	ssyncset.done @p0 $0x0  }
0x105: {  	[sflag:s1] =	ssyncadd.s32 @p0 $0xFFFFF000;
	s1 =	simm.s32 @p0 $0x2280  }
0x106: {  	s29 =	simm.s32 @p0 $0x8280;
	v12 =	vld.idx.msk @p0 [tilespmem:v11+s1+$0x0], $0xffff  }
0x107: {  	v13 =	vld.idx.msk @p0 [tilespmem:v10+s29+$0x0], $0xffff;
	_ =	sdelay $0x2  }
0x108: {  	p1 =	sgt.s32 @p0 s28, $0xF41FF  }
0x109: {  	p1 =	por !p1, !p0  }
0x10a: {  	s30 =	simm.s32 @p0 $0x8A80;
	v12 =	vpsel p1, v12, v13  }
0x10b: {  	[tilespmem:v9+s30+$0x0] =	vst.idx.msk @p0 $0xffff, v12  }
0x10c: {  	v12 =	vld.idx.msk @p0 [tilespmem:v8+s1+$0x0], $0xffff  }
0x10d: {  	v13 =	vld.idx.msk @p0 [tilespmem:v7+s29+$0x0], $0xffff;
	_ =	sdelay $0x4  }
0x10e: {  	p2 =	sgt.u32 @p0 s26, $0x1F7;
	v12 =	vpsel p1, v12, v13  }
0x10f: {  	p1 =	por p2, !p0;
	[tilespmem:v6+s30+$0x0] =	vst.idx.msk @p0 $0xffff, v12  }
0x110: {  	v12 =	vld @!p1 [tilespmem:s25+$0x0];
	_ =	sdelay $0x4  }
0x111: {  	(v2sf) =	vpush @!p1 v12, $0x0;
	_ =	sdelay $0xe  }
0x112: {  	s1 =	spop @!p1 (v2sf)  }
0x113: {  	s1 =	sshrl.u32 @!p1 s1, $0x7  }
0x114: {  	s1 =	smin.u32 @!p1 s1, $0x1E83  }
0x115: {  	s29 =	simm.s32 @!p1 $0x400;
	s1 =	sshll.u32 @!p1 s1, $0x7  }
0x116: {  	s30 =	simm.s32 @!p1 $0x7A1400;
	s31 =	simm.s32 @!p1 $0x2280;
	s1 =	sadd.s32 @!p1 s0, s1  }
0x117: {  	[tilespmem:s31], [sflag:$0x3] =	stream.strided.gather @!p1 [hbm4b:s1+s29], $0x1000, s30, s29, $0x38;
	[tilespmem:$0xCA80] =	vst v63  }
0x118: {  	s1 =	simm.s32 @!p0 $0x4  }
0x119: {  	_ =	swait.ge @!p0 [sflag:s1], $0x1000  }
0x11a: {  	[sflag:s1] =	ssyncset.done @!p0 $0x0  }
0x11b: {  	[sflag:s1] =	ssyncadd.s32 @!p0 $0xFFFFF000;
	s1 =	simm.s32 @!p0 $0x3280  }
0x11c: {  	s29 =	simm.s32 @!p0 $0x8280;
	v11 =	vld.idx.msk @!p0 [tilespmem:v11+s1+$0x0], $0xffff  }
0x11d: {  	v10 =	vld.idx.msk @!p0 [tilespmem:v10+s29+$0x0], $0xffff;
	_ =	sdelay $0x2  }
0x11e: {  	p1 =	sgt.s32 @!p0 s28, $0xF41FF  }
0x11f: {  	p1 =	por !p1, p0  }
0x120: {  	s28 =	simm.s32 @!p0 $0x8A80;
	v10 =	vpsel p1, v11, v10  }
0x121: {  	[tilespmem:v9+s28+$0x0] =	vst.idx.msk @!p0 $0xffff, v10  }
0x122: {  	v8 =	vld.idx.msk @!p0 [tilespmem:v8+s1+$0x0], $0xffff  }
0x123: {  	v7 =	vld.idx.msk @!p0 [tilespmem:v7+s29+$0x0], $0xffff;
	_ =	sdelay $0x4  }
0x124: {  	p2 =	sgt.u32 @!p0 s26, $0x1F7;
	v7 =	vpsel p1, v8, v7  }
0x125: {  	[tilespmem:v6+s28+$0x0] =	vst.idx.msk @!p0 $0xffff, v7;
	p0 =	por p2, p0  }
0x126: {  	v6 =	vld @!p0 [tilespmem:s25+$0x0];
	_ =	sdelay $0x4  }
0x127: {  	(v2sf) =	vpush @!p0 v6, $0x0;
	_ =	sdelay $0xe  }
0x128: {  	s1 =	spop @!p0 (v2sf)  }
.Ltmp9:
0x129: {  	s1 =	sshrl.u32 @!p0 s1, $0x7;
	(pc) =	sbr.rel .LBB2_9-.Ltmp9, $4  }
0x12a: {  	s1 =	smin.u32 @!p0 s1, $0x1E83  }
0x12b: {  	s28 =	simm.s32 @!p0 $0x400;
	s1 =	sshll.u32 @!p0 s1, $0x7  }
0x12c: {  	s29 =	simm.s32 @!p0 $0x7A1400;
	s30 =	simm.s32 @!p0 $0x3280;
	s1 =	sadd.s32 @!p0 s0, s1  }
0x12d: {  	[tilespmem:s30], [sflag:$0x4] =	stream.strided.gather @!p0 [hbm4b:s1+s28], $0x1000, s29, s28, $0x38;
	[tilespmem:$0xCA80] =	vst v63  }
.LBB2_11:
0x12e: {  	_ =	sfence.sel $0x180000  }
0x12f: {  	[bflag:$0x0] =	sbarrier.arrive $0xFFFF  }
0x130: {  	_ =	strace $0x90000050  }
0x131: {  	[bflag:$0x2] =	sbarrier.arrive $0xFFFF  }
0x132: {  	p0 =	sne.s32 s2, $0x0;
	s0 =	rddreg [dreg:$0x4]  }
0x133: {  	s0 =	sadd.s32 @!p0 $0x100000, s0  }
0x134: {  	[sflag:s0] =	ssyncadd.tile.s32 @!p0 $0x1;
	_ =	shalt  }
.Lfunc_end2:
_tile_overlayer_lowered:
.L_overlay_start_2:
0x135: {  	(tag) =	ssettag $0x2  }
0x136: {  	s0 =	rddreg [dreg:$0x0];
	s2 =	stileid.u32  }
0x137: {  	s1 =	rddreg [dreg:$0x1];
	p0 =	sne.s32 s2, $0x0  }
0x138: {  	s3 =	rddreg [dreg:$0x2];
	[bflag:$0x3] =	sbarrier.arrive $0xFFFF;
	s2 =	simm.s32 @!p0 $0x1C0A  }
0x139: {  	[timem:s3], [sflag:s2] =	dma.local @!p0 [hbm:s0], s1  }
0x13a: {  	s0 =	simm.s32 @!p0 $0xA  }
0x13b: {  	_ =	swait.ge @!p0 [sflag:s0], s1  }
0x13c: {  	s1 =	ssub.s32 @!p0 $0x0, s1;
	[sflag:s0] =	ssyncset.done @!p0 $0x0  }
0x13d: {  	[sflag:s0] =	ssyncadd.s32 @!p0 s1  }
0x13e: {  	[bflag:$0x3] =	sbarrier.arrive $0xFFFF  }
0x13f: {  	_ =	shalt  }

</sc_bundles>
